<compile_context>
chip_gen: v7x
topology: tpu7x:2x2x1
jax: 0.10.2.dev20260603
libtpu: 0.0.44.dev20260713+nightly
codegen_flags: <defaults>
</compile_context>

<pallas_src>
import functools

import jax
import jax.numpy as jnp
from jax import lax
from jax.experimental import pallas as pl
from jax.experimental.pallas import tpu as pltpu
from jax.experimental.pallas import tpu_sc as plsc

_VOCAB = 100000
_PAD = _VOCAB
_D = 64
_L = 16


@functools.cache
def _make_kernel(b, s, w):
    info = plsc.get_sparse_core_info()
    nc, ns = info.num_cores, info.num_subcores
    nw = nc * ns
    bpw = b // nw
    nd = _D // _L

    mesh = plsc.VectorSubcoreMesh(core_axis_name="c", subcore_axis_name="s")

    @functools.partial(
        pl.kernel,
        mesh=mesh,
        out_type=jax.ShapeDtypeStruct((nw, bpw, s, _D), jnp.float32),
        scratch_types=[
            pltpu.VMEM((s, w, bpw), jnp.int32),
            pltpu.VMEM((s, bpw, _D), jnp.float32),
            pltpu.SemaphoreType.DMA((s,)),
            pltpu.SemaphoreType.DMA,
        ],
        compiler_params=pltpu.CompilerParams(use_tc_tiling_on_sc=False),
    )
    def k(idx_hbm, table_hbm, out_hbm, idx_v, acc_v, sem, sem_out):
        wid = lax.axis_index("s") * nc + lax.axis_index("c")
        b0 = wid * bpw
        pltpu.sync_copy(idx_hbm.at[:, :, pl.ds(b0, bpw)], idx_v)

        zero = jnp.zeros((_L,), jnp.float32)

        def fire_body(si, carry):
            for bl in range(bpw):
                for d in range(nd):
                    acc_v[si, bl, pl.ds(d * _L, _L)] = zero
            for wj in range(w):
                pltpu.async_copy(
                    table_hbm.at[idx_v.at[si, wj]], acc_v.at[si],
                    sem.at[si], add=True)
            return carry

        lax.fori_loop(0, s, fire_body, 0)

        def scale_body(si, carry):
            for wj in range(w):
                pltpu.make_async_copy(
                    table_hbm.at[idx_v.at[0, 0]], acc_v.at[0],
                    sem.at[si]).wait()
            invs = []
            for bh in range(bpw // _L):
                cnt = jnp.zeros((_L,), jnp.int32)
                for wj in range(w):
                    v = idx_v[si, wj, pl.ds(bh * _L, _L)]
                    cnt = cnt + jnp.where(v != _PAD, 1, 0)
                invs.append(1.0 / jnp.maximum(cnt, 1).astype(jnp.float32))
            for bl in range(bpw):
                sc = invs[bl // _L][bl % _L]
                for d in range(nd):
                    scaled = acc_v[si, bl, pl.ds(d * _L, _L)] * sc
                    acc_v[si, bl, pl.ds(d * _L, _L)] = scaled
            pltpu.async_copy(acc_v.at[si], out_hbm.at[wid, :, si], sem_out)
            return carry

        lax.fori_loop(0, s, scale_body, 0)

        def out_drain_body(si, carry):
            pltpu.make_async_copy(
                acc_v.at[0], out_hbm.at[wid, :, 0], sem_out).wait()
            return carry

        lax.fori_loop(0, s, out_drain_body, 0)

    return k


def kernel(inpt, weights):
    b, s, w = inpt.shape
    nw = 32
    bpw = b // nw
    idx = jnp.transpose(inpt.astype(jnp.int32), (1, 2, 0))
    out = _make_kernel(b, s, w)(idx, weights)
    return out.reshape(b, s, _D)

# --- scband reference (transcript-rebuilt; emitter-appended) ---
"""Pipeline reference for scband-fast-text-lexer-59863254172433 (READ-ONLY COPY).

The authoritative reference and input builder live on the scoring server;
editing this copy changes nothing except your own understanding.
"""

import jax, jax.numpy as jnp
import numpy as np

VOCAB_SIZE = 100000
OUTPUT_DIM = 64
PAD_IDX = VOCAB_SIZE  # by convention, padding row is at index vocab_size


def setup_inputs(seed: int = 0) -> dict:
    key = jax.random.key(seed)
    k1, k2 = jax.random.split(key)
    # subword index batch: batch_size x max_sentence_len x max_num_subwords
    inpt = jax.random.randint(k1, (1024, 20, 20), 0, VOCAB_SIZE + 2, dtype=jnp.int64)
    # embedding matrix with pad row (zeros) and special/root row appended,
    # mirroring FastTextLexer.__init__ (vocab_size + 2 rows total)
    weights = jax.random.normal(k2, (VOCAB_SIZE + 2, OUTPUT_DIM), dtype=jnp.float32)
    weights = weights.at[PAD_IDX].set(0.0)  # padding_idx row is zero
    return {"inpt": inpt, "weights": weights}


def reference(inpt, weights):
    # word_lengths = inpt.ne(pad_idx).sum(dim=-1, keepdim=True).clamp(min=1)
    word_lengths = jnp.clip(
        jnp.sum(inpt != PAD_IDX, axis=-1, keepdims=True), 1, None
    ).astype(jnp.float32)
    # self.embeddings(inpt).sum(dim=-2) / word_lengths
    emb = jnp.take(weights, inpt, axis=0)  # [B, S, W, D] gather
    return jnp.sum(emb, axis=-2) / word_lengths

if __name__ == "__main__":
    import jax
    _d = setup_inputs()
    print(jax.jit(kernel)(*tuple(_d.values())))

</pallas_src>

<mosaic_0001>
#map = affine_map<(d0, d1) -> (0, 0, 0)>
#map1 = affine_map<(d0, d1) -> (0, 0)>
#map2 = affine_map<(d0, d1) -> (0, 0, 0, 0)>
module attributes {stable_mosaic.version = 14 : i64} {
  func.func @k(%arg0: i32, %arg1: i32, %arg2: memref<20x20x1024xi32, #tpu.memory_space<hbm>>, %arg3: memref<100002x64xf32, #tpu.memory_space<hbm>>, %arg4: memref<32x32x20x64xf32, #tpu.memory_space<hbm>>, %arg5: memref<20x20x32xi32, #tpu.memory_space<vmem>>, %arg6: memref<20x32x64xf32, #tpu.memory_space<vmem>>, %arg7: memref<20x!tpu.dma_semaphore, #tpu.memory_space<semaphore_mem>>, %arg8: memref<!tpu.dma_semaphore, #tpu.memory_space<semaphore_mem>>) attributes {dimension_semantics = [#tpu.dimension_semantics<core_parallel>, #tpu.dimension_semantics<subcore_parallel>], iteration_bounds = array<i64: 2, 16>, scalar_prefetch = 0 : i64, scratch_operands = 4 : i64, tpu.core_type = #tpu.core_type<sc_vector_subcore>, window_params = [{transform_indices = #map}, {transform_indices = #map1}, {transform_indices = #map2}]} {
    %mul3A = arith.constant 2 : i32
    %mul3A_0 = arith.muli %arg1, %mul3A : i32
    %add3A = arith.addi %mul3A_0, %arg0 : i32
    %mul3A_1 = arith.constant 32 : i32
    %mul3A_2 = arith.muli %add3A, %mul3A_1 : i32
    "tpu.region"() ({
      %run_scoped3A = tpu.sem_alloc : memref<!tpu.dma_semaphore, #tpu.memory_space<semaphore_mem>>
      %dma_start3A = arith.constant 0 : i32
      %dma_start3A_21 = arith.constant 0 : i32
      %dma_start3A_22 = tpu.memref_slice %arg2[%dma_start3A, %dma_start3A_21, %mul3A_2] : memref<20x20x1024xi32, #tpu.memory_space<hbm>> -> memref<20x20x32xi32, #tpu.memory_space<hbm>>
      %dma_start3A_23 = arith.constant 0 : i32
      %dma_start3A_24 = arith.constant 0 : i32
      %dma_start3A_25 = tpu.memref_slice %arg2[%dma_start3A_23, %dma_start3A_24, %mul3A_2] : memref<20x20x1024xi32, #tpu.memory_space<hbm>> -> memref<20x20x32xi32, #tpu.memory_space<hbm>>
      tpu.enqueue_dma source(%dma_start3A_25 : memref<20x20x32xi32, #tpu.memory_space<hbm>>) target(%arg5 : memref<20x20x32xi32, #tpu.memory_space<vmem>>) target_semaphore(%run_scoped3A : memref<!tpu.dma_semaphore, #tpu.memory_space<semaphore_mem>>)
      %dma_wait3A = arith.constant 0 : i32
      %dma_wait3A_26 = arith.constant 0 : i32
      %dma_wait3A_27 = tpu.memref_slice %arg2[%dma_wait3A, %dma_wait3A_26, %mul3A_2] : memref<20x20x1024xi32, #tpu.memory_space<hbm>> -> memref<20x20x32xi32, #tpu.memory_space<hbm>>
      %dma_wait3A_28 = arith.constant 0 : i32
      %dma_wait3A_29 = arith.constant 0 : i32
      %dma_wait3A_30 = tpu.memref_slice %arg2[%dma_wait3A_28, %dma_wait3A_29, %mul3A_2] : memref<20x20x1024xi32, #tpu.memory_space<hbm>> -> memref<20x20x32xi32, #tpu.memory_space<hbm>>
      tpu.wait_dma2 semaphore(%run_scoped3A : memref<!tpu.dma_semaphore, #tpu.memory_space<semaphore_mem>>) src(%dma_wait3A_30 : memref<20x20x32xi32, #tpu.memory_space<hbm>>) dst(%arg5 : memref<20x20x32xi32, #tpu.memory_space<vmem>>)
      tpu.yield
    }) : () -> ()
    %broadcast_in_dim3A = arith.constant 0.000000e+00 : f32
    %broadcast_in_dim3A_3 = vector.broadcast %broadcast_in_dim3A : f32 to vector<16xf32>
    %scan3A = arith.constant 0 : i32
    %scan3A_4 = arith.constant 0 : i32
    %scan3A_5 = arith.constant 20 : i32
    %scan3A_6 = arith.addi %scan3A_4, %scan3A_5 : i32
    %scan3A_7 = arith.constant 1 : i32
    scf.for %scan3A_21 = %scan3A_4 to %scan3A_6 step %scan3A_7  : i32 {
      %swap3A = arith.constant 0 : i32
      %swap3A_22 = arith.index_cast %scan3A_21 : i32 to index
      %swap3A_23 = arith.index_cast %swap3A : i32 to index
      %swap3A_24 = arith.constant 0 : index
      %swap3A_25 = tpu.vector_load %arg6[%swap3A_22, %swap3A_23, %swap3A_24] {strides = array<i32>} : memref<20x32x64xf32, #tpu.memory_space<vmem>>, vector<1x1x16xf32>,
      %swap3A_26 = vector.shape_cast %swap3A_25 : vector<1x1x16xf32> to vector<16xf32>
      %swap3A_27 = vector.shape_cast %broadcast_in_dim3A_3 : vector<16xf32> to vector<1x1x16xf32>
      tpu.vector_store %arg6[%swap3A_22, %swap3A_23, %swap3A_24], %swap3A_27 {strides = array<i32>} : memref<20x32x64xf32, #tpu.memory_space<vmem>>, vector<1x1x16xf32>,
      %swap3A_28 = arith.constant 0 : i32
      %swap3A_29 = arith.index_cast %scan3A_21 : i32 to index
      %swap3A_30 = arith.index_cast %swap3A_28 : i32 to index
      %swap3A_31 = arith.constant 16 : index
      %swap3A_32 = tpu.vector_load %arg6[%swap3A_29, %swap3A_30, %swap3A_31] {strides = array<i32>} : memref<20x32x64xf32, #tpu.memory_space<vmem>>, vector<1x1x16xf32>,
      %swap3A_33 = vector.shape_cast %swap3A_32 : vector<1x1x16xf32> to vector<16xf32>
      %swap3A_34 = vector.shape_cast %broadcast_in_dim3A_3 : vector<16xf32> to vector<1x1x16xf32>
      tpu.vector_store %arg6[%swap3A_29, %swap3A_30, %swap3A_31], %swap3A_34 {strides = array<i32>} : memref<20x32x64xf32, #tpu.memory_space<vmem>>, vector<1x1x16xf32>,
      %swap3A_35 = arith.constant 0 : i32
      %swap3A_36 = arith.index_cast %scan3A_21 : i32 to index
      %swap3A_37 = arith.index_cast %swap3A_35 : i32 to index
      %swap3A_38 = arith.constant 32 : index
      %swap3A_39 = tpu.vector_load %arg6[%swap3A_36, %swap3A_37, %swap3A_38] {strides = array<i32>} : memref<20x32x64xf32, #tpu.memory_space<vmem>>, vector<1x1x16xf32>,
      %swap3A_40 = vector.shape_cast %swap3A_39 : vector<1x1x16xf32> to vector<16xf32>
      %swap3A_41 = vector.shape_cast %broadcast_in_dim3A_3 : vector<16xf32> to vector<1x1x16xf32>
      tpu.vector_store %arg6[%swap3A_36, %swap3A_37, %swap3A_38], %swap3A_41 {strides = array<i32>} : memref<20x32x64xf32, #tpu.memory_space<vmem>>, vector<1x1x16xf32>,
      %swap3A_42 = arith.constant 0 : i32
      %swap3A_43 = arith.index_cast %scan3A_21 : i32 to index
      %swap3A_44 = arith.index_cast %swap3A_42 : i32 to index
      %swap3A_45 = arith.constant 48 : index
      %swap3A_46 = tpu.vector_load %arg6[%swap3A_43, %swap3A_44, %swap3A_45] {strides = array<i32>} : memref<20x32x64xf32, #tpu.memory_space<vmem>>, vector<1x1x16xf32>,
      %swap3A_47 = vector.shape_cast %swap3A_46 : vector<1x1x16xf32> to vector<16xf32>
      %swap3A_48 = vector.shape_cast %broadcast_in_dim3A_3 : vector<16xf32> to vector<1x1x16xf32>
      tpu.vector_store %arg6[%swap3A_43, %swap3A_44, %swap3A_45], %swap3A_48 {strides = array<i32>} : memref<20x32x64xf32, #tpu.memory_space<vmem>>, vector<1x1x16xf32>,
      %swap3A_49 = arith.constant 1 : i32
      %swap3A_50 = arith.index_cast %scan3A_21 : i32 to index
      %swap3A_51 = arith.index_cast %swap3A_49 : i32 to index
      %swap3A_52 = arith.constant 0 : index
      %swap3A_53 = tpu.vector_load %arg6[%swap3A_50, %swap3A_51, %swap3A_52] {strides = array<i32>} : memref<20x32x64xf32, #tpu.memory_space<vmem>>, vector<1x1x16xf32>,
      %swap3A_54 = vector.shape_cast %swap3A_53 : vector<1x1x16xf32> to vector<16xf32>
      %swap3A_55 = vector.shape_cast %broadcast_in_dim3A_3 : vector<16xf32> to vector<1x1x16xf32>
      tpu.vector_store %arg6[%swap3A_50, %swap3A_51, %swap3A_52], %swap3A_55 {strides = array<i32>} : memref<20x32x64xf32, #tpu.memory_space<vmem>>, vector<1x1x16xf32>,
      %swap3A_56 = arith.constant 1 : i32
      %swap3A_57 = arith.index_cast %scan3A_21 : i32 to index
      %swap3A_58 = arith.index_cast %swap3A_56 : i32 to index
      %swap3A_59 = arith.constant 16 : index
      %swap3A_60 = tpu.vector_load %arg6[%swap3A_57, %swap3A_58, %swap3A_59] {strides = array<i32>} : memref<20x32x64xf32, #tpu.memory_space<vmem>>, vector<1x1x16xf32>,
      %swap3A_61 = vector.shape_cast %swap3A_60 : vector<1x1x16xf32> to vector<16xf32>
      %swap3A_62 = vector.shape_cast %broadcast_in_dim3A_3 : vector<16xf32> to vector<1x1x16xf32>
      tpu.vector_store %arg6[%swap3A_57, %swap3A_58, %swap3A_59], %swap3A_62 {strides = array<i32>} : memref<20x32x64xf32, #tpu.memory_space<vmem>>, vector<1x1x16xf32>,
      %swap3A_63 = arith.constant 1 : i32
      %swap3A_64 = arith.index_cast %scan3A_21 : i32 to index
      %swap3A_65 = arith.index_cast %swap3A_63 : i32 to index
      %swap3A_66 = arith.constant 32 : index
      %swap3A_67 = tpu.vector_load %arg6[%swap3A_64, %swap3A_65, %swap3A_66] {strides = array<i32>} : memref<20x32x64xf32, #tpu.memory_space<vmem>>, vector<1x1x16xf32>,
      %swap3A_68 = vector.shape_cast %swap3A_67 : vector<1x1x16xf32> to vector<16xf32>
      %swap3A_69 = vector.shape_cast %broadcast_in_dim3A_3 : vector<16xf32> to vector<1x1x16xf32>
      tpu.vector_store %arg6[%swap3A_64, %swap3A_65, %swap3A_66], %swap3A_69 {strides = array<i32>} : memref<20x32x64xf32, #tpu.memory_space<vmem>>, vector<1x1x16xf32>,
      %swap3A_70 = arith.constant 1 : i32
      %swap3A_71 = arith.index_cast %scan3A_21 : i32 to index
      %swap3A_72 = arith.index_cast %swap3A_70 : i32 to index
      %swap3A_73 = arith.constant 48 : index
      %swap3A_74 = tpu.vector_load %arg6[%swap3A_71, %swap3A_72, %swap3A_73] {strides = array<i32>} : memref<20x32x64xf32, #tpu.memory_space<vmem>>, vector<1x1x16xf32>,
      %swap3A_75 = vector.shape_cast %swap3A_74 : vector<1x1x16xf32> to vector<16xf32>
      %swap3A_76 = vector.shape_cast %broadcast_in_dim3A_3 : vector<16xf32> to vector<1x1x16xf32>
      tpu.vector_store %arg6[%swap3A_71, %swap3A_72, %swap3A_73], %swap3A_76 {strides = array<i32>} : memref<20x32x64xf32, #tpu.memory_space<vmem>>, vector<1x1x16xf32>,
      %swap3A_77 = arith.constant 2 : i32
      %swap3A_78 = arith.index_cast %scan3A_21 : i32 to index
      %swap3A_79 = arith.index_cast %swap3A_77 : i32 to index
      %swap3A_80 = arith.constant 0 : index
      %swap3A_81 = tpu.vector_load %arg6[%swap3A_78, %swap3A_79, %swap3A_80] {strides = array<i32>} : memref<20x32x64xf32, #tpu.memory_space<vmem>>, vector<1x1x16xf32>,
      %swap3A_82 = vector.shape_cast %swap3A_81 : vector<1x1x16xf32> to vector<16xf32>
      %swap3A_83 = vector.shape_cast %broadcast_in_dim3A_3 : vector<16xf32> to vector<1x1x16xf32>
      tpu.vector_store %arg6[%swap3A_78, %swap3A_79, %swap3A_80], %swap3A_83 {strides = array<i32>} : memref<20x32x64xf32, #tpu.memory_space<vmem>>, vector<1x1x16xf32>,
      %swap3A_84 = arith.constant 2 : i32
      %swap3A_85 = arith.index_cast %scan3A_21 : i32 to index
      %swap3A_86 = arith.index_cast %swap3A_84 : i32 to index
      %swap3A_87 = arith.constant 16 : index
      %swap3A_88 = tpu.vector_load %arg6[%swap3A_85, %swap3A_86, %swap3A_87] {strides = array<i32>} : memref<20x32x64xf32, #tpu.memory_space<vmem>>, vector<1x1x16xf32>,
      %swap3A_89 = vector.shape_cast %swap3A_88 : vector<1x1x16xf32> to vector<16xf32>
      %swap3A_90 = vector.shape_cast %broadcast_in_dim3A_3 : vector<16xf32> to vector<1x1x16xf32>
      tpu.vector_store %arg6[%swap3A_85, %swap3A_86, %swap3A_87], %swap3A_90 {strides = array<i32>} : memref<20x32x64xf32, #tpu.memory_space<vmem>>, vector<1x1x16xf32>,
      %swap3A_91 = arith.constant 2 : i32
      %swap3A_92 = arith.index_cast %scan3A_21 : i32 to index
      %swap3A_93 = arith.index_cast %swap3A_91 : i32 to index
      %swap3A_94 = arith.constant 32 : index
      %swap3A_95 = tpu.vector_load %arg6[%swap3A_92, %swap3A_93, %swap3A_94] {strides = array<i32>} : memref<20x32x64xf32, #tpu.memory_space<vmem>>, vector<1x1x16xf32>,
      %swap3A_96 = vector.shape_cast %swap3A_95 : vector<1x1x16xf32> to vector<16xf32>
      %swap3A_97 = vector.shape_cast %broadcast_in_dim3A_3 : vector<16xf32> to vector<1x1x16xf32>
      tpu.vector_store %arg6[%swap3A_92, %swap3A_93, %swap3A_94], %swap3A_97 {strides = array<i32>} : memref<20x32x64xf32, #tpu.memory_space<vmem>>, vector<1x1x16xf32>,
      %swap3A_98 = arith.constant 2 : i32
      %swap3A_99 = arith.index_cast %scan3A_21 : i32 to index
      %swap3A_100 = arith.index_cast %swap3A_98 : i32 to index
      %swap3A_101 = arith.constant 48 : index
      %swap3A_102 = tpu.vector_load %arg6[%swap3A_99, %swap3A_100, %swap3A_101] {strides = array<i32>} : memref<20x32x64xf32, #tpu.memory_space<vmem>>, vector<1x1x16xf32>,
      %swap3A_103 = vector.shape_cast %swap3A_102 : vector<1x1x16xf32> to vector<16xf32>
      %swap3A_104 = vector.shape_cast %broadcast_in_dim3A_3 : vector<16xf32> to vector<1x1x16xf32>
      tpu.vector_store %arg6[%swap3A_99, %swap3A_100, %swap3A_101], %swap3A_104 {strides = array<i32>} : memref<20x32x64xf32, #tpu.memory_space<vmem>>, vector<1x1x16xf32>,
      %swap3A_105 = arith.constant 3 : i32
      %swap3A_106 = arith.index_cast %scan3A_21 : i32 to index
      %swap3A_107 = arith.index_cast %swap3A_105 : i32 to index
      %swap3A_108 = arith.constant 0 : index
      %swap3A_109 = tpu.vector_load %arg6[%swap3A_106, %swap3A_107, %swap3A_108] {strides = array<i32>} : memref<20x32x64xf32, #tpu.memory_space<vmem>>, vector<1x1x16xf32>,
      %swap3A_110 = vector.shape_cast %swap3A_109 : vector<1x1x16xf32> to vector<16xf32>
      %swap3A_111 = vector.shape_cast %broadcast_in_dim3A_3 : vector<16xf32> to vector<1x1x16xf32>
      tpu.vector_store %arg6[%swap3A_106, %swap3A_107, %swap3A_108], %swap3A_111 {strides = array<i32>} : memref<20x32x64xf32, #tpu.memory_space<vmem>>, vector<1x1x16xf32>,
      %swap3A_112 = arith.constant 3 : i32
      %swap3A_113 = arith.index_cast %scan3A_21 : i32 to index
      %swap3A_114 = arith.index_cast %swap3A_112 : i32 to index
      %swap3A_115 = arith.constant 16 : index
      %swap3A_116 = tpu.vector_load %arg6[%swap3A_113, %swap3A_114, %swap3A_115] {strides = array<i32>} : memref<20x32x64xf32, #tpu.memory_space<vmem>>, vector<1x1x16xf32>,
      %swap3A_117 = vector.shape_cast %swap3A_116 : vector<1x1x16xf32> to vector<16xf32>
      %swap3A_118 = vector.shape_cast %broadcast_in_dim3A_3 : vector<16xf32> to vector<1x1x16xf32>
      tpu.vector_store %arg6[%swap3A_113, %swap3A_114, %swap3A_115], %swap3A_118 {strides = array<i32>} : memref<20x32x64xf32, #tpu.memory_space<vmem>>, vector<1x1x16xf32>,
      %swap3A_119 = arith.constant 3 : i32
      %swap3A_120 = arith.index_cast %scan3A_21 : i32 to index
      %swap3A_121 = arith.index_cast %swap3A_119 : i32 to index
      %swap3A_122 = arith.constant 32 : index
      %swap3A_123 = tpu.vector_load %arg6[%swap3A_120, %swap3A_121, %swap3A_122] {strides = array<i32>} : memref<20x32x64xf32, #tpu.memory_space<vmem>>, vector<1x1x16xf32>,
      %swap3A_124 = vector.shape_cast %swap3A_123 : vector<1x1x16xf32> to vector<16xf32>
      %swap3A_125 = vector.shape_cast %broadcast_in_dim3A_3 : vector<16xf32> to vector<1x1x16xf32>
      tpu.vector_store %arg6[%swap3A_120, %swap3A_121, %swap3A_122], %swap3A_125 {strides = array<i32>} : memref<20x32x64xf32, #tpu.memory_space<vmem>>, vector<1x1x16xf32>,
      %swap3A_126 = arith.constant 3 : i32
      %swap3A_127 = arith.index_cast %scan3A_21 : i32 to index
      %swap3A_128 = arith.index_cast %swap3A_126 : i32 to index
      %swap3A_129 = arith.constant 48 : index
      %swap3A_130 = tpu.vector_load %arg6[%swap3A_127, %swap3A_128, %swap3A_129] {strides = array<i32>} : memref<20x32x64xf32, #tpu.memory_space<vmem>>, vector<1x1x16xf32>,
      %swap3A_131 = vector.shape_cast %swap3A_130 : vector<1x1x16xf32> to vector<16xf32>
      %swap3A_132 = vector.shape_cast %broadcast_in_dim3A_3 : vector<16xf32> to vector<1x1x16xf32>
      tpu.vector_store %arg6[%swap3A_127, %swap3A_128, %swap3A_129], %swap3A_132 {strides = array<i32>} : memref<20x32x64xf32, #tpu.memory_space<vmem>>, vector<1x1x16xf32>,
      %swap3A_133 = arith.constant 4 : i32
      %swap3A_134 = arith.index_cast %scan3A_21 : i32 to index
      %swap3A_135 = arith.index_cast %swap3A_133 : i32 to index
      %swap3A_136 = arith.constant 0 : index
      %swap3A_137 = tpu.vector_load %arg6[%swap3A_134, %swap3A_135, %swap3A_136] {strides = array<i32>} : memref<20x32x64xf32, #tpu.memory_space<vmem>>, vector<1x1x16xf32>,
      %swap3A_138 = vector.shape_cast %swap3A_137 : vector<1x1x16xf32> to vector<16xf32>
      %swap3A_139 = vector.shape_cast %broadcast_in_dim3A_3 : vector<16xf32> to vector<1x1x16xf32>
      tpu.vector_store %arg6[%swap3A_134, %swap3A_135, %swap3A_136], %swap3A_139 {strides = array<i32>} : memref<20x32x64xf32, #tpu.memory_space<vmem>>, vector<1x1x16xf32>,
      %swap3A_140 = arith.constant 4 : i32
      %swap3A_141 = arith.index_cast %scan3A_21 : i32 to index
      %swap3A_142 = arith.index_cast %swap3A_140 : i32 to index
      %swap3A_143 = arith.constant 16 : index
      %swap3A_144 = tpu.vector_load %arg6[%swap3A_141, %swap3A_142, %swap3A_143] {strides = array<i32>} : memref<20x32x64xf32, #tpu.memory_space<vmem>>, vector<1x1x16xf32>,
      %swap3A_145 = vector.shape_cast %swap3A_144 : vector<1x1x16xf32> to vector<16xf32>
      %swap3A_146 = vector.shape_cast %broadcast_in_dim3A_3 : vector<16xf32> to vector<1x1x16xf32>
      tpu.vector_store %arg6[%swap3A_141, %swap3A_142, %swap3A_143], %swap3A_146 {strides = array<i32>} : memref<20x32x64xf32, #tpu.memory_space<vmem>>, vector<1x1x16xf32>,
      %swap3A_147 = arith.constant 4 : i32
      %swap3A_148 = arith.index_cast %scan3A_21 : i32 to index
      %swap3A_149 = arith.index_cast %swap3A_147 : i32 to index
      %swap3A_150 = arith.constant 32 : index
      %swap3A_151 = tpu.vector_load %arg6[%swap3A_148, %swap3A_149, %swap3A_150] {strides = array<i32>} : memref<20x32x64xf32, #tpu.memory_space<vmem>>, vector<1x1x16xf32>,
      %swap3A_152 = vector.shape_cast %swap3A_151 : vector<1x1x16xf32> to vector<16xf32>
      %swap3A_153 = vector.shape_cast %broadcast_in_dim3A_3 : vector<16xf32> to vector<1x1x16xf32>
      tpu.vector_store %arg6[%swap3A_148, %swap3A_149, %swap3A_150], %swap3A_153 {strides = array<i32>} : memref<20x32x64xf32, #tpu.memory_space<vmem>>, vector<1x1x16xf32>,
      %swap3A_154 = arith.constant 4 : i32
      %swap3A_155 = arith.index_cast %scan3A_21 : i32 to index
      %swap3A_156 = arith.index_cast %swap3A_154 : i32 to index
      %swap3A_157 = arith.constant 48 : index
      %swap3A_158 = tpu.vector_load %arg6[%swap3A_155, %swap3A_156, %swap3A_157] {strides = array<i32>} : memref<20x32x64xf32, #tpu.memory_space<vmem>>, vector<1x1x16xf32>,
      %swap3A_159 = vector.shape_cast %swap3A_158 : vector<1x1x16xf32> to vector<16xf32>
      %swap3A_160 = vector.shape_cast %broadcast_in_dim3A_3 : vector<16xf32> to vector<1x1x16xf32>
      tpu.vector_store %arg6[%swap3A_155, %swap3A_156, %swap3A_157], %swap3A_160 {strides = array<i32>} : memref<20x32x64xf32, #tpu.memory_space<vmem>>, vector<1x1x16xf32>,
      %swap3A_161 = arith.constant 5 : i32
      %swap3A_162 = arith.index_cast %scan3A_21 : i32 to index
      %swap3A_163 = arith.index_cast %swap3A_161 : i32 to index
      %swap3A_164 = arith.constant 0 : index
      %swap3A_165 = tpu.vector_load %arg6[%swap3A_162, %swap3A_163, %swap3A_164] {strides = array<i32>} : memref<20x32x64xf32, #tpu.memory_space<vmem>>, vector<1x1x16xf32>,
      %swap3A_166 = vector.shape_cast %swap3A_165 : vector<1x1x16xf32> to vector<16xf32>
      %swap3A_167 = vector.shape_cast %broadcast_in_dim3A_3 : vector<16xf32> to vector<1x1x16xf32>
      tpu.vector_store %arg6[%swap3A_162, %swap3A_163, %swap3A_164], %swap3A_167 {strides = array<i32>} : memref<20x32x64xf32, #tpu.memory_space<vmem>>, vector<1x1x16xf32>,
      %swap3A_168 = arith.constant 5 : i32
      %swap3A_169 = arith.index_cast %scan3A_21 : i32 to index
      %swap3A_170 = arith.index_cast %swap3A_168 : i32 to index
      %swap3A_171 = arith.constant 16 : index
      %swap3A_172 = tpu.vector_load %arg6[%swap3A_169, %swap3A_170, %swap3A_171] {strides = array<i32>} : memref<20x32x64xf32, #tpu.memory_space<vmem>>, vector<1x1x16xf32>,
      %swap3A_173 = vector.shape_cast %swap3A_172 : vector<1x1x16xf32> to vector<16xf32>
      %swap3A_174 = vector.shape_cast %broadcast_in_dim3A_3 : vector<16xf32> to vector<1x1x16xf32>
      tpu.vector_store %arg6[%swap3A_169, %swap3A_170, %swap3A_171], %swap3A_174 {strides = array<i32>} : memref<20x32x64xf32, #tpu.memory_space<vmem>>, vector<1x1x16xf32>,
      %swap3A_175 = arith.constant 5 : i32
      %swap3A_176 = arith.index_cast %scan3A_21 : i32 to index
      %swap3A_177 = arith.index_cast %swap3A_175 : i32 to index
      %swap3A_178 = arith.constant 32 : index
      %swap3A_179 = tpu.vector_load %arg6[%swap3A_176, %swap3A_177, %swap3A_178] {strides = array<i32>} : memref<20x32x64xf32, #tpu.memory_space<vmem>>, vector<1x1x16xf32>,
      %swap3A_180 = vector.shape_cast %swap3A_179 : vector<1x1x16xf32> to vector<16xf32>
      %swap3A_181 = vector.shape_cast %broadcast_in_dim3A_3 : vector<16xf32> to vector<1x1x16xf32>
      tpu.vector_store %arg6[%swap3A_176, %swap3A_177, %swap3A_178], %swap3A_181 {strides = array<i32>} : memref<20x32x64xf32, #tpu.memory_space<vmem>>, vector<1x1x16xf32>,
      %swap3A_182 = arith.constant 5 : i32
      %swap3A_183 = arith.index_cast %scan3A_21 : i32 to index
      %swap3A_184 = arith.index_cast %swap3A_182 : i32 to index
      %swap3A_185 = arith.constant 48 : index
      %swap3A_186 = tpu.vector_load %arg6[%swap3A_183, %swap3A_184, %swap3A_185] {strides = array<i32>} : memref<20x32x64xf32, #tpu.memory_space<vmem>>, vector<1x1x16xf32>,
      %swap3A_187 = vector.shape_cast %swap3A_186 : vector<1x1x16xf32> to vector<16xf32>
      %swap3A_188 = vector.shape_cast %broadcast_in_dim3A_3 : vector<16xf32> to vector<1x1x16xf32>
      tpu.vector_store %arg6[%swap3A_183, %swap3A_184, %swap3A_185], %swap3A_188 {strides = array<i32>} : memref<20x32x64xf32, #tpu.memory_space<vmem>>, vector<1x1x16xf32>,
      %swap3A_189 = arith.constant 6 : i32
      %swap3A_190 = arith.index_cast %scan3A_21 : i32 to index
      %swap3A_191 = arith.index_cast %swap3A_189 : i32 to index
      %swap3A_192 = arith.constant 0 : index
      %swap3A_193 = tpu.vector_load %arg6[%swap3A_190, %swap3A_191, %swap3A_192] {strides = array<i32>} : memref<20x32x64xf32, #tpu.memory_space<vmem>>, vector<1x1x16xf32>,
      %swap3A_194 = vector.shape_cast %swap3A_193 : vector<1x1x16xf32> to vector<16xf32>
      %swap3A_195 = vector.shape_cast %broadcast_in_dim3A_3 : vector<16xf32> to vector<1x1x16xf32>
      tpu.vector_store %arg6[%swap3A_190, %swap3A_191, %swap3A_192], %swap3A_195 {strides = array<i32>} : memref<20x32x64xf32, #tpu.memory_space<vmem>>, vector<1x1x16xf32>,
      %swap3A_196 = arith.constant 6 : i32
      %swap3A_197 = arith.index_cast %scan3A_21 : i32 to index
      %swap3A_198 = arith.index_cast %swap3A_196 : i32 to index
      %swap3A_199 = arith.constant 16 : index
      %swap3A_200 = tpu.vector_load %arg6[%swap3A_197, %swap3A_198, %swap3A_199] {strides = array<i32>} : memref<20x32x64xf32, #tpu.memory_space<vmem>>, vector<1x1x16xf32>,
      %swap3A_201 = vector.shape_cast %swap3A_200 : vector<1x1x16xf32> to vector<16xf32>
      %swap3A_202 = vector.shape_cast %broadcast_in_dim3A_3 : vector<16xf32> to vector<1x1x16xf32>
      tpu.vector_store %arg6[%swap3A_197, %swap3A_198, %swap3A_199], %swap3A_202 {strides = array<i32>} : memref<20x32x64xf32, #tpu.memory_space<vmem>>, vector<1x1x16xf32>,
      %swap3A_203 = arith.constant 6 : i32
      %swap3A_204 = arith.index_cast %scan3A_21 : i32 to index
      %swap3A_205 = arith.index_cast %swap3A_203 : i32 to index
      %swap3A_206 = arith.constant 32 : index
      %swap3A_207 = tpu.vector_load %arg6[%swap3A_204, %swap3A_205, %swap3A_206] {strides = array<i32>} : memref<20x32x64xf32, #tpu.memory_space<vmem>>, vector<1x1x16xf32>,
      %swap3A_208 = vector.shape_cast %swap3A_207 : vector<1x1x16xf32> to vector<16xf32>
      %swap3A_209 = vector.shape_cast %broadcast_in_dim3A_3 : vector<16xf32> to vector<1x1x16xf32>
      tpu.vector_store %arg6[%swap3A_204, %swap3A_205, %swap3A_206], %swap3A_209 {strides = array<i32>} : memref<20x32x64xf32, #tpu.memory_space<vmem>>, vector<1x1x16xf32>,
      %swap3A_210 = arith.constant 6 : i32
      %swap3A_211 = arith.index_cast %scan3A_21 : i32 to index
      %swap3A_212 = arith.index_cast %swap3A_210 : i32 to index
      %swap3A_213 = arith.constant 48 : index
      %swap3A_214 = tpu.vector_load %arg6[%swap3A_211, %swap3A_212, %swap3A_213] {strides = array<i32>} : memref<20x32x64xf32, #tpu.memory_space<vmem>>, vector<1x1x16xf32>,
      %swap3A_215 = vector.shape_cast %swap3A_214 : vector<1x1x16xf32> to vector<16xf32>
      %swap3A_216 = vector.shape_cast %broadcast_in_dim3A_3 : vector<16xf32> to vector<1x1x16xf32>
      tpu.vector_store %arg6[%swap3A_211, %swap3A_212, %swap3A_213], %swap3A_216 {strides = array<i32>} : memref<20x32x64xf32, #tpu.memory_space<vmem>>, vector<1x1x16xf32>,
      %swap3A_217 = arith.constant 7 : i32
      %swap3A_218 = arith.index_cast %scan3A_21 : i32 to index
      %swap3A_219 = arith.index_cast %swap3A_217 : i32 to index
      %swap3A_220 = arith.constant 0 : index
      %swap3A_221 = tpu.vector_load %arg6[%swap3A_218, %swap3A_219, %swap3A_220] {strides = array<i32>} : memref<20x32x64xf32, #tpu.memory_space<vmem>>, vector<1x1x16xf32>,
      %swap3A_222 = vector.shape_cast %swap3A_221 : vector<1x1x16xf32> to vector<16xf32>
      %swap3A_223 = vector.shape_cast %broadcast_in_dim3A_3 : vector<16xf32> to vector<1x1x16xf32>
      tpu.vector_store %arg6[%swap3A_218, %swap3A_219, %swap3A_220], %swap3A_223 {strides = array<i32>} : memref<20x32x64xf32, #tpu.memory_space<vmem>>, vector<1x1x16xf32>,
      %swap3A_224 = arith.constant 7 : i32
      %swap3A_225 = arith.index_cast %scan3A_21 : i32 to index
      %swap3A_226 = arith.index_cast %swap3A_224 : i32 to index
      %swap3A_227 = arith.constant 16 : index
      %swap3A_228 = tpu.vector_load %arg6[%swap3A_225, %swap3A_226, %swap3A_227] {strides = array<i32>} : memref<20x32x64xf32, #tpu.memory_space<vmem>>, vector<1x1x16xf32>,
      %swap3A_229 = vector.shape_cast %swap3A_228 : vector<1x1x16xf32> to vector<16xf32>
      %swap3A_230 = vector.shape_cast %broadcast_in_dim3A_3 : vector<16xf32> to vector<1x1x16xf32>
      tpu.vector_store %arg6[%swap3A_225, %swap3A_226, %swap3A_227], %swap3A_230 {strides = array<i32>} : memref<20x32x64xf32, #tpu.memory_space<vmem>>, vector<1x1x16xf32>,
      %swap3A_231 = arith.constant 7 : i32
      %swap3A_232 = arith.index_cast %scan3A_21 : i32 to index
      %swap3A_233 = arith.index_cast %swap3A_231 : i32 to index
      %swap3A_234 = arith.constant 32 : index
      %swap3A_235 = tpu.vector_load %arg6[%swap3A_232, %swap3A_233, %swap3A_234] {strides = array<i32>} : memref<20x32x64xf32, #tpu.memory_space<vmem>>, vector<1x1x16xf32>,
      %swap3A_236 = vector.shape_cast %swap3A_235 : vector<1x1x16xf32> to vector<16xf32>
      %swap3A_237 = vector.shape_cast %broadcast_in_dim3A_3 : vector<16xf32> to vector<1x1x16xf32>
      tpu.vector_store %arg6[%swap3A_232, %swap3A_233, %swap3A_234], %swap3A_237 {strides = array<i32>} : memref<20x32x64xf32, #tpu.memory_space<vmem>>, vector<1x1x16xf32>,
      %swap3A_238 = arith.constant 7 : i32
      %swap3A_239 = arith.index_cast %scan3A_21 : i32 to index
      %swap3A_240 = arith.index_cast %swap3A_238 : i32 to index
      %swap3A_241 = arith.constant 48 : index
      %swap3A_242 = tpu.vector_load %arg6[%swap3A_239, %swap3A_240, %swap3A_241] {strides = array<i32>} : memref<20x32x64xf32, #tpu.memory_space<vmem>>, vector<1x1x16xf32>,
      %swap3A_243 = vector.shape_cast %swap3A_242 : vector<1x1x16xf32> to vector<16xf32>
      %swap3A_244 = vector.shape_cast %broadcast_in_dim3A_3 : vector<16xf32> to vector<1x1x16xf32>
      tpu.vector_store %arg6[%swap3A_239, %swap3A_240, %swap3A_241], %swap3A_244 {strides = array<i32>} : memref<20x32x64xf32, #tpu.memory_space<vmem>>, vector<1x1x16xf32>,
      %swap3A_245 = arith.constant 8 : i32
      %swap3A_246 = arith.index_cast %scan3A_21 : i32 to index
      %swap3A_247 = arith.index_cast %swap3A_245 : i32 to index
      %swap3A_248 = arith.constant 0 : index
      %swap3A_249 = tpu.vector_load %arg6[%swap3A_246, %swap3A_247, %swap3A_248] {strides = array<i32>} : memref<20x32x64xf32, #tpu.memory_space<vmem>>, vector<1x1x16xf32>,
      %swap3A_250 = vector.shape_cast %swap3A_249 : vector<1x1x16xf32> to vector<16xf32>
      %swap3A_251 = vector.shape_cast %broadcast_in_dim3A_3 : vector<16xf32> to vector<1x1x16xf32>
      tpu.vector_store %arg6[%swap3A_246, %swap3A_247, %swap3A_248], %swap3A_251 {strides = array<i32>} : memref<20x32x64xf32, #tpu.memory_space<vmem>>, vector<1x1x16xf32>,
      %swap3A_252 = arith.constant 8 : i32
      %swap3A_253 = arith.index_cast %scan3A_21 : i32 to index
      %swap3A_254 = arith.index_cast %swap3A_252 : i32 to index
      %swap3A_255 = arith.constant 16 : index
      %swap3A_256 = tpu.vector_load %arg6[%swap3A_253, %swap3A_254, %swap3A_255] {strides = array<i32>} : memref<20x32x64xf32, #tpu.memory_space<vmem>>, vector<1x1x16xf32>,
      %swap3A_257 = vector.shape_cast %swap3A_256 : vector<1x1x16xf32> to vector<16xf32>
      %swap3A_258 = vector.shape_cast %broadcast_in_dim3A_3 : vector<16xf32> to vector<1x1x16xf32>
      tpu.vector_store %arg6[%swap3A_253, %swap3A_254, %swap3A_255], %swap3A_258 {strides = array<i32>} : memref<20x32x64xf32, #tpu.memory_space<vmem>>, vector<1x1x16xf32>,
      %swap3A_259 = arith.constant 8 : i32
      %swap3A_260 = arith.index_cast %scan3A_21 : i32 to index
      %swap3A_261 = arith.index_cast %swap3A_259 : i32 to index
      %swap3A_262 = arith.constant 32 : index
      %swap3A_263 = tpu.vector_load %arg6[%swap3A_260, %swap3A_261, %swap3A_262] {strides = array<i32>} : memref<20x32x64xf32, #tpu.memory_space<vmem>>, vector<1x1x16xf32>,
      %swap3A_264 = vector.shape_cast %swap3A_263 : vector<1x1x16xf32> to vector<16xf32>
      %swap3A_265 = vector.shape_cast %broadcast_in_dim3A_3 : vector<16xf32> to vector<1x1x16xf32>
      tpu.vector_store %arg6[%swap3A_260, %swap3A_261, %swap3A_262], %swap3A_265 {strides = array<i32>} : memref<20x32x64xf32, #tpu.memory_space<vmem>>, vector<1x1x16xf32>,
      %swap3A_266 = arith.constant 8 : i32
      %swap3A_267 = arith.index_cast %scan3A_21 : i32 to index
      %swap3A_268 = arith.index_cast %swap3A_266 : i32 to index
      %swap3A_269 = arith.constant 48 : index
      %swap3A_270 = tpu.vector_load %arg6[%swap3A_267, %swap3A_268, %swap3A_269] {strides = array<i32>} : memref<20x32x64xf32, #tpu.memory_space<vmem>>, vector<1x1x16xf32>,
      %swap3A_271 = vector.shape_cast %swap3A_270 : vector<1x1x16xf32> to vector<16xf32>
      %swap3A_272 = vector.shape_cast %broadcast_in_dim3A_3 : vector<16xf32> to vector<1x1x16xf32>
      tpu.vector_store %arg6[%swap3A_267, %swap3A_268, %swap3A_269], %swap3A_272 {strides = array<i32>} : memref<20x32x64xf32, #tpu.memory_space<vmem>>, vector<1x1x16xf32>,
      %swap3A_273 = arith.constant 9 : i32
      %swap3A_274 = arith.index_cast %scan3A_21 : i32 to index
      %swap3A_275 = arith.index_cast %swap3A_273 : i32 to index
      %swap3A_276 = arith.constant 0 : index
      %swap3A_277 = tpu.vector_load %arg6[%swap3A_274, %swap3A_275, %swap3A_276] {strides = array<i32>} : memref<20x32x64xf32, #tpu.memory_space<vmem>>, vector<1x1x16xf32>,
      %swap3A_278 = vector.shape_cast %swap3A_277 : vector<1x1x16xf32> to vector<16xf32>
      %swap3A_279 = vector.shape_cast %broadcast_in_dim3A_3 : vector<16xf32> to vector<1x1x16xf32>
      tpu.vector_store %arg6[%swap3A_274, %swap3A_275, %swap3A_276], %swap3A_279 {strides = array<i32>} : memref<20x32x64xf32, #tpu.memory_space<vmem>>, vector<1x1x16xf32>,
      %swap3A_280 = arith.constant 9 : i32
      %swap3A_281 = arith.index_cast %scan3A_21 : i32 to index
      %swap3A_282 = arith.index_cast %swap3A_280 : i32 to index
      %swap3A_283 = arith.constant 16 : index
      %swap3A_284 = tpu.vector_load %arg6[%swap3A_281, %swap3A_282, %swap3A_283] {strides = array<i32>} : memref<20x32x64xf32, #tpu.memory_space<vmem>>, vector<1x1x16xf32>,
      %swap3A_285 = vector.shape_cast %swap3A_284 : vector<1x1x16xf32> to vector<16xf32>
      %swap3A_286 = vector.shape_cast %broadcast_in_dim3A_3 : vector<16xf32> to vector<1x1x16xf32>
      tpu.vector_store %arg6[%swap3A_281, %swap3A_282, %swap3A_283], %swap3A_286 {strides = array<i32>} : memref<20x32x64xf32, #tpu.memory_space<vmem>>, vector<1x1x16xf32>,
      %swap3A_287 = arith.constant 9 : i32
      %swap3A_288 = arith.index_cast %scan3A_21 : i32 to index
      %swap3A_289 = arith.index_cast %swap3A_287 : i32 to index
      %swap3A_290 = arith.constant 32 : index
      %swap3A_291 = tpu.vector_load %arg6[%swap3A_288, %swap3A_289, %swap3A_290] {strides = array<i32>} : memref<20x32x64xf32, #tpu.memory_space<vmem>>, vector<1x1x16xf32>,
      %swap3A_292 = vector.shape_cast %swap3A_291 : vector<1x1x16xf32> to vector<16xf32>
      %swap3A_293 = vector.shape_cast %broadcast_in_dim3A_3 : vector<16xf32> to vector<1x1x16xf32>
      tpu.vector_store %arg6[%swap3A_288, %swap3A_289, %swap3A_290], %swap3A_293 {strides = array<i32>} : memref<20x32x64xf32, #tpu.memory_space<vmem>>, vector<1x1x16xf32>,
      %swap3A_294 = arith.constant 9 : i32
      %swap3A_295 = arith.index_cast %scan3A_21 : i32 to index
      %swap3A_296 = arith.index_cast %swap3A_294 : i32 to index
      %swap3A_297 = arith.constant 48 : index
      %swap3A_298 = tpu.vector_load %arg6[%swap3A_295, %swap3A_296, %swap3A_297] {strides = array<i32>} : memref<20x32x64xf32, #tpu.memory_space<vmem>>, vector<1x1x16xf32>,
      %swap3A_299 = vector.shape_cast %swap3A_298 : vector<1x1x16xf32> to vector<16xf32>
      %swap3A_300 = vector.shape_cast %broadcast_in_dim3A_3 : vector<16xf32> to vector<1x1x16xf32>
      tpu.vector_store %arg6[%swap3A_295, %swap3A_296, %swap3A_297], %swap3A_300 {strides = array<i32>} : memref<20x32x64xf32, #tpu.memory_space<vmem>>, vector<1x1x16xf32>,
      %swap3A_301 = arith.constant 10 : i32
      %swap3A_302 = arith.index_cast %scan3A_21 : i32 to index
      %swap3A_303 = arith.index_cast %swap3A_301 : i32 to index
      %swap3A_304 = arith.constant 0 : index
      %swap3A_305 = tpu.vector_load %arg6[%swap3A_302, %swap3A_303, %swap3A_304] {strides = array<i32>} : memref<20x32x64xf32, #tpu.memory_space<vmem>>, vector<1x1x16xf32>,
      %swap3A_306 = vector.shape_cast %swap3A_305 : vector<1x1x16xf32> to vector<16xf32>
      %swap3A_307 = vector.shape_cast %broadcast_in_dim3A_3 : vector<16xf32> to vector<1x1x16xf32>
      tpu.vector_store %arg6[%swap3A_302, %swap3A_303, %swap3A_304], %swap3A_307 {strides = array<i32>} : memref<20x32x64xf32, #tpu.memory_space<vmem>>, vector<1x1x16xf32>,
      %swap3A_308 = arith.constant 10 : i32
      %swap3A_309 = arith.index_cast %scan3A_21 : i32 to index
      %swap3A_310 = arith.index_cast %swap3A_308 : i32 to index
      %swap3A_311 = arith.constant 16 : index
      %swap3A_312 = tpu.vector_load %arg6[%swap3A_309, %swap3A_310, %swap3A_311] {strides = array<i32>} : memref<20x32x64xf32, #tpu.memory_space<vmem>>, vector<1x1x16xf32>,
      %swap3A_313 = vector.shape_cast %swap3A_312 : vector<1x1x16xf32> to vector<16xf32>
      %swap3A_314 = vector.shape_cast %broadcast_in_dim3A_3 : vector<16xf32> to vector<1x1x16xf32>
      tpu.vector_store %arg6[%swap3A_309, %swap3A_310, %swap3A_311], %swap3A_314 {strides = array<i32>} : memref<20x32x64xf32, #tpu.memory_space<vmem>>, vector<1x1x16xf32>,
      %swap3A_315 = arith.constant 10 : i32
      %swap3A_316 = arith.index_cast %scan3A_21 : i32 to index
      %swap3A_317 = arith.index_cast %swap3A_315 : i32 to index
      %swap3A_318 = arith.constant 32 : index
      %swap3A_319 = tpu.vector_load %arg6[%swap3A_316, %swap3A_317, %swap3A_318] {strides = array<i32>} : memref<20x32x64xf32, #tpu.memory_space<vmem>>, vector<1x1x16xf32>,
      %swap3A_320 = vector.shape_cast %swap3A_319 : vector<1x1x16xf32> to vector<16xf32>
      %swap3A_321 = vector.shape_cast %broadcast_in_dim3A_3 : vector<16xf32> to vector<1x1x16xf32>
      tpu.vector_store %arg6[%swap3A_316, %swap3A_317, %swap3A_318], %swap3A_321 {strides = array<i32>} : memref<20x32x64xf32, #tpu.memory_space<vmem>>, vector<1x1x16xf32>,
      %swap3A_322 = arith.constant 10 : i32
      %swap3A_323 = arith.index_cast %scan3A_21 : i32 to index
      %swap3A_324 = arith.index_cast %swap3A_322 : i32 to index
      %swap3A_325 = arith.constant 48 : index
      %swap3A_326 = tpu.vector_load %arg6[%swap3A_323, %swap3A_324, %swap3A_325] {strides = array<i32>} : memref<20x32x64xf32, #tpu.memory_space<vmem>>, vector<1x1x16xf32>,
      %swap3A_327 = vector.shape_cast %swap3A_326 : vector<1x1x16xf32> to vector<16xf32>
      %swap3A_328 = vector.shape_cast %broadcast_in_dim3A_3 : vector<16xf32> to vector<1x1x16xf32>
      tpu.vector_store %arg6[%swap3A_323, %swap3A_324, %swap3A_325], %swap3A_328 {strides = array<i32>} : memref<20x32x64xf32, #tpu.memory_space<vmem>>, vector<1x1x16xf32>,
      %swap3A_329 = arith.constant 11 : i32
      %swap3A_330 = arith.index_cast %scan3A_21 : i32 to index
      %swap3A_331 = arith.index_cast %swap3A_329 : i32 to index
      %swap3A_332 = arith.constant 0 : index
      %swap3A_333 = tpu.vector_load %arg6[%swap3A_330, %swap3A_331, %swap3A_332] {strides = array<i32>} : memref<20x32x64xf32, #tpu.memory_space<vmem>>, vector<1x1x16xf32>,
      %swap3A_334 = vector.shape_cast %swap3A_333 : vector<1x1x16xf32> to vector<16xf32>
      %swap3A_335 = vector.shape_cast %broadcast_in_dim3A_3 : vector<16xf32> to vector<1x1x16xf32>
      tpu.vector_store %arg6[%swap3A_330, %swap3A_331, %swap3A_332], %swap3A_335 {strides = array<i32>} : memref<20x32x64xf32, #tpu.memory_space<vmem>>, vector<1x1x16xf32>,
      %swap3A_336 = arith.constant 11 : i32
      %swap3A_337 = arith.index_cast %scan3A_21 : i32 to index
      %swap3A_338 = arith.index_cast %swap3A_336 : i32 to index
      %swap3A_339 = arith.constant 16 : index
      %swap3A_340 = tpu.vector_load %arg6[%swap3A_337, %swap3A_338, %swap3A_339] {strides = array<i32>} : memref<20x32x64xf32, #tpu.memory_space<vmem>>, vector<1x1x16xf32>,
      %swap3A_341 = vector.shape_cast %swap3A_340 : vector<1x1x16xf32> to vector<16xf32>
      %swap3A_342 = vector.shape_cast %broadcast_in_dim3A_3 : vector<16xf32> to vector<1x1x16xf32>
      tpu.vector_store %arg6[%swap3A_337, %swap3A_338, %swap3A_339], %swap3A_342 {strides = array<i32>} : memref<20x32x64xf32, #tpu.memory_space<vmem>>, vector<1x1x16xf32>,
      %swap3A_343 = arith.constant 11 : i32
      %swap3A_344 = arith.index_cast %scan3A_21 : i32 to index
      %swap3A_345 = arith.index_cast %swap3A_343 : i32 to index
      %swap3A_346 = arith.constant 32 : index
      %swap3A_347 = tpu.vector_load %arg6[%swap3A_344, %swap3A_345, %swap3A_346] {strides = array<i32>} : memref<20x32x64xf32, #tpu.memory_space<vmem>>, vector<1x1x16xf32>,
      %swap3A_348 = vector.shape_cast %swap3A_347 : vector<1x1x16xf32> to vector<16xf32>
      %swap3A_349 = vector.shape_cast %broadcast_in_dim3A_3 : vector<16xf32> to vector<1x1x16xf32>
      tpu.vector_store %arg6[%swap3A_344, %swap3A_345, %swap3A_346], %swap3A_349 {strides = array<i32>} : memref<20x32x64xf32, #tpu.memory_space<vmem>>, vector<1x1x16xf32>,
      %swap3A_350 = arith.constant 11 : i32
      %swap3A_351 = arith.index_cast %scan3A_21 : i32 to index
      %swap3A_352 = arith.index_cast %swap3A_350 : i32 to index
      %swap3A_353 = arith.constant 48 : index
      %swap3A_354 = tpu.vector_load %arg6[%swap3A_351, %swap3A_352, %swap3A_353] {strides = array<i32>} : memref<20x32x64xf32, #tpu.memory_space<vmem>>, vector<1x1x16xf32>,
      %swap3A_355 = vector.shape_cast %swap3A_354 : vector<1x1x16xf32> to vector<16xf32>
      %swap3A_356 = vector.shape_cast %broadcast_in_dim3A_3 : vector<16xf32> to vector<1x1x16xf32>
      tpu.vector_store %arg6[%swap3A_351, %swap3A_352, %swap3A_353], %swap3A_356 {strides = array<i32>} : memref<20x32x64xf32, #tpu.memory_space<vmem>>, vector<1x1x16xf32>,
      %swap3A_357 = arith.constant 12 : i32
      %swap3A_358 = arith.index_cast %scan3A_21 : i32 to index
      %swap3A_359 = arith.index_cast %swap3A_357 : i32 to index
      %swap3A_360 = arith.constant 0 : index
      %swap3A_361 = tpu.vector_load %arg6[%swap3A_358, %swap3A_359, %swap3A_360] {strides = array<i32>} : memref<20x32x64xf32, #tpu.memory_space<vmem>>, vector<1x1x16xf32>,
      %swap3A_362 = vector.shape_cast %swap3A_361 : vector<1x1x16xf32> to vector<16xf32>
      %swap3A_363 = vector.shape_cast %broadcast_in_dim3A_3 : vector<16xf32> to vector<1x1x16xf32>
      tpu.vector_store %arg6[%swap3A_358, %swap3A_359, %swap3A_360], %swap3A_363 {strides = array<i32>} : memref<20x32x64xf32, #tpu.memory_space<vmem>>, vector<1x1x16xf32>,
      %swap3A_364 = arith.constant 12 : i32
      %swap3A_365 = arith.index_cast %scan3A_21 : i32 to index
      %swap3A_366 = arith.index_cast %swap3A_364 : i32 to index
      %swap3A_367 = arith.constant 16 : index
      %swap3A_368 = tpu.vector_load %arg6[%swap3A_365, %swap3A_366, %swap3A_367] {strides = array<i32>} : memref<20x32x64xf32, #tpu.memory_space<vmem>>, vector<1x1x16xf32>,
      %swap3A_369 = vector.shape_cast %swap3A_368 : vector<1x1x16xf32> to vector<16xf32>
      %swap3A_370 = vector.shape_cast %broadcast_in_dim3A_3 : vector<16xf32> to vector<1x1x16xf32>
      tpu.vector_store %arg6[%swap3A_365, %swap3A_366, %swap3A_367], %swap3A_370 {strides = array<i32>} : memref<20x32x64xf32, #tpu.memory_space<vmem>>, vector<1x1x16xf32>,
      %swap3A_371 = arith.constant 12 : i32
      %swap3A_372 = arith.index_cast %scan3A_21 : i32 to index
      %swap3A_373 = arith.index_cast %swap3A_371 : i32 to index
      %swap3A_374 = arith.constant 32 : index
      %swap3A_375 = tpu.vector_load %arg6[%swap3A_372, %swap3A_373, %swap3A_374] {strides = array<i32>} : memref<20x32x64xf32, #tpu.memory_space<vmem>>, vector<1x1x16xf32>,
      %swap3A_376 = vector.shape_cast %swap3A_375 : vector<1x1x16xf32> to vector<16xf32>
      %swap3A_377 = vector.shape_cast %broadcast_in_dim3A_3 : vector<16xf32> to vector<1x1x16xf32>
      tpu.vector_store %arg6[%swap3A_372, %swap3A_373, %swap3A_374], %swap3A_377 {strides = array<i32>} : memref<20x32x64xf32, #tpu.memory_space<vmem>>, vector<1x1x16xf32>,
      %swap3A_378 = arith.constant 12 : i32
      %swap3A_379 = arith.index_cast %scan3A_21 : i32 to index
      %swap3A_380 = arith.index_cast %swap3A_378 : i32 to index
      %swap3A_381 = arith.constant 48 : index
      %swap3A_382 = tpu.vector_load %arg6[%swap3A_379, %swap3A_380, %swap3A_381] {strides = array<i32>} : memref<20x32x64xf32, #tpu.memory_space<vmem>>, vector<1x1x16xf32>,
      %swap3A_383 = vector.shape_cast %swap3A_382 : vector<1x1x16xf32> to vector<16xf32>
      %swap3A_384 = vector.shape_cast %broadcast_in_dim3A_3 : vector<16xf32> to vector<1x1x16xf32>
      tpu.vector_store %arg6[%swap3A_379, %swap3A_380, %swap3A_381], %swap3A_384 {strides = array<i32>} : memref<20x32x64xf32, #tpu.memory_space<vmem>>, vector<1x1x16xf32>,
      %swap3A_385 = arith.constant 13 : i32
      %swap3A_386 = arith.index_cast %scan3A_21 : i32 to index
      %swap3A_387 = arith.index_cast %swap3A_385 : i32 to index
      %swap3A_388 = arith.constant 0 : index
      %swap3A_389 = tpu.vector_load %arg6[%swap3A_386, %swap3A_387, %swap3A_388] {strides = array<i32>} : memref<20x32x64xf32, #tpu.memory_space<vmem>>, vector<1x1x16xf32>,
      %swap3A_390 = vector.shape_cast %swap3A_389 : vector<1x1x16xf32> to vector<16xf32>
      %swap3A_391 = vector.shape_cast %broadcast_in_dim3A_3 : vector<16xf32> to vector<1x1x16xf32>
      tpu.vector_store %arg6[%swap3A_386, %swap3A_387, %swap3A_388], %swap3A_391 {strides = array<i32>} : memref<20x32x64xf32, #tpu.memory_space<vmem>>, vector<1x1x16xf32>,
      %swap3A_392 = arith.constant 13 : i32
      %swap3A_393 = arith.index_cast %scan3A_21 : i32 to index
      %swap3A_394 = arith.index_cast %swap3A_392 : i32 to index
      %swap3A_395 = arith.constant 16 : index
      %swap3A_396 = tpu.vector_load %arg6[%swap3A_393, %swap3A_394, %swap3A_395] {strides = array<i32>} : memref<20x32x64xf32, #tpu.memory_space<vmem>>, vector<1x1x16xf32>,
      %swap3A_397 = vector.shape_cast %swap3A_396 : vector<1x1x16xf32> to vector<16xf32>
      %swap3A_398 = vector.shape_cast %broadcast_in_dim3A_3 : vector<16xf32> to vector<1x1x16xf32>
      tpu.vector_store %arg6[%swap3A_393, %swap3A_394, %swap3A_395], %swap3A_398 {strides = array<i32>} : memref<20x32x64xf32, #tpu.memory_space<vmem>>, vector<1x1x16xf32>,
      %swap3A_399 = arith.constant 13 : i32
      %swap3A_400 = arith.index_cast %scan3A_21 : i32 to index
      %swap3A_401 = arith.index_cast %swap3A_399 : i32 to index
      %swap3A_402 = arith.constant 32 : index
      %swap3A_403 = tpu.vector_load %arg6[%swap3A_400, %swap3A_401, %swap3A_402] {strides = array<i32>} : memref<20x32x64xf32, #tpu.memory_space<vmem>>, vector<1x1x16xf32>,
      %swap3A_404 = vector.shape_cast %swap3A_403 : vector<1x1x16xf32> to vector<16xf32>
      %swap3A_405 = vector.shape_cast %broadcast_in_dim3A_3 : vector<16xf32> to vector<1x1x16xf32>
      tpu.vector_store %arg6[%swap3A_400, %swap3A_401, %swap3A_402], %swap3A_405 {strides = array<i32>} : memref<20x32x64xf32, #tpu.memory_space<vmem>>, vector<1x1x16xf32>,
      %swap3A_406 = arith.constant 13 : i32
      %swap3A_407 = arith.index_cast %scan3A_21 : i32 to index
      %swap3A_408 = arith.index_cast %swap3A_406 : i32 to index
      %swap3A_409 = arith.constant 48 : index
      %swap3A_410 = tpu.vector_load %arg6[%swap3A_407, %swap3A_408, %swap3A_409] {strides = array<i32>} : memref<20x32x64xf32, #tpu.memory_space<vmem>>, vector<1x1x16xf32>,
      %swap3A_411 = vector.shape_cast %swap3A_410 : vector<1x1x16xf32> to vector<16xf32>
      %swap3A_412 = vector.shape_cast %broadcast_in_dim3A_3 : vector<16xf32> to vector<1x1x16xf32>
      tpu.vector_store %arg6[%swap3A_407, %swap3A_408, %swap3A_409], %swap3A_412 {strides = array<i32>} : memref<20x32x64xf32, #tpu.memory_space<vmem>>, vector<1x1x16xf32>,
      %swap3A_413 = arith.constant 14 : i32
      %swap3A_414 = arith.index_cast %scan3A_21 : i32 to index
      %swap3A_415 = arith.index_cast %swap3A_413 : i32 to index
      %swap3A_416 = arith.constant 0 : index
      %swap3A_417 = tpu.vector_load %arg6[%swap3A_414, %swap3A_415, %swap3A_416] {strides = array<i32>} : memref<20x32x64xf32, #tpu.memory_space<vmem>>, vector<1x1x16xf32>,
      %swap3A_418 = vector.shape_cast %swap3A_417 : vector<1x1x16xf32> to vector<16xf32>
      %swap3A_419 = vector.shape_cast %broadcast_in_dim3A_3 : vector<16xf32> to vector<1x1x16xf32>
      tpu.vector_store %arg6[%swap3A_414, %swap3A_415, %swap3A_416], %swap3A_419 {strides = array<i32>} : memref<20x32x64xf32, #tpu.memory_space<vmem>>, vector<1x1x16xf32>,
      %swap3A_420 = arith.constant 14 : i32
      %swap3A_421 = arith.index_cast %scan3A_21 : i32 to index
      %swap3A_422 = arith.index_cast %swap3A_420 : i32 to index
      %swap3A_423 = arith.constant 16 : index
      %swap3A_424 = tpu.vector_load %arg6[%swap3A_421, %swap3A_422, %swap3A_423] {strides = array<i32>} : memref<20x32x64xf32, #tpu.memory_space<vmem>>, vector<1x1x16xf32>,
      %swap3A_425 = vector.shape_cast %swap3A_424 : vector<1x1x16xf32> to vector<16xf32>
      %swap3A_426 = vector.shape_cast %broadcast_in_dim3A_3 : vector<16xf32> to vector<1x1x16xf32>
      tpu.vector_store %arg6[%swap3A_421, %swap3A_422, %swap3A_423], %swap3A_426 {strides = array<i32>} : memref<20x32x64xf32, #tpu.memory_space<vmem>>, vector<1x1x16xf32>,
      %swap3A_427 = arith.constant 14 : i32
      %swap3A_428 = arith.index_cast %scan3A_21 : i32 to index
      %swap3A_429 = arith.index_cast %swap3A_427 : i32 to index
      %swap3A_430 = arith.constant 32 : index
      %swap3A_431 = tpu.vector_load %arg6[%swap3A_428, %swap3A_429, %swap3A_430] {strides = array<i32>} : memref<20x32x64xf32, #tpu.memory_space<vmem>>, vector<1x1x16xf32>,
      %swap3A_432 = vector.shape_cast %swap3A_431 : vector<1x1x16xf32> to vector<16xf32>
      %swap3A_433 = vector.shape_cast %broadcast_in_dim3A_3 : vector<16xf32> to vector<1x1x16xf32>
      tpu.vector_store %arg6[%swap3A_428, %swap3A_429, %swap3A_430], %swap3A_433 {strides = array<i32>} : memref<20x32x64xf32, #tpu.memory_space<vmem>>, vector<1x1x16xf32>,
      %swap3A_434 = arith.constant 14 : i32
      %swap3A_435 = arith.index_cast %scan3A_21 : i32 to index
      %swap3A_436 = arith.index_cast %swap3A_434 : i32 to index
      %swap3A_437 = arith.constant 48 : index
      %swap3A_438 = tpu.vector_load %arg6[%swap3A_435, %swap3A_436, %swap3A_437] {strides = array<i32>} : memref<20x32x64xf32, #tpu.memory_space<vmem>>, vector<1x1x16xf32>,
      %swap3A_439 = vector.shape_cast %swap3A_438 : vector<1x1x16xf32> to vector<16xf32>
      %swap3A_440 = vector.shape_cast %broadcast_in_dim3A_3 : vector<16xf32> to vector<1x1x16xf32>
      tpu.vector_store %arg6[%swap3A_435, %swap3A_436, %swap3A_437], %swap3A_440 {strides = array<i32>} : memref<20x32x64xf32, #tpu.memory_space<vmem>>, vector<1x1x16xf32>,
      %swap3A_441 = arith.constant 15 : i32
      %swap3A_442 = arith.index_cast %scan3A_21 : i32 to index
      %swap3A_443 = arith.index_cast %swap3A_441 : i32 to index
      %swap3A_444 = arith.constant 0 : index
      %swap3A_445 = tpu.vector_load %arg6[%swap3A_442, %swap3A_443, %swap3A_444] {strides = array<i32>} : memref<20x32x64xf32, #tpu.memory_space<vmem>>, vector<1x1x16xf32>,
      %swap3A_446 = vector.shape_cast %swap3A_445 : vector<1x1x16xf32> to vector<16xf32>
      %swap3A_447 = vector.shape_cast %broadcast_in_dim3A_3 : vector<16xf32> to vector<1x1x16xf32>
      tpu.vector_store %arg6[%swap3A_442, %swap3A_443, %swap3A_444], %swap3A_447 {strides = array<i32>} : memref<20x32x64xf32, #tpu.memory_space<vmem>>, vector<1x1x16xf32>,
      %swap3A_448 = arith.constant 15 : i32
      %swap3A_449 = arith.index_cast %scan3A_21 : i32 to index
      %swap3A_450 = arith.index_cast %swap3A_448 : i32 to index
      %swap3A_451 = arith.constant 16 : index
      %swap3A_452 = tpu.vector_load %arg6[%swap3A_449, %swap3A_450, %swap3A_451] {strides = array<i32>} : memref<20x32x64xf32, #tpu.memory_space<vmem>>, vector<1x1x16xf32>,
      %swap3A_453 = vector.shape_cast %swap3A_452 : vector<1x1x16xf32> to vector<16xf32>
      %swap3A_454 = vector.shape_cast %broadcast_in_dim3A_3 : vector<16xf32> to vector<1x1x16xf32>
      tpu.vector_store %arg6[%swap3A_449, %swap3A_450, %swap3A_451], %swap3A_454 {strides = array<i32>} : memref<20x32x64xf32, #tpu.memory_space<vmem>>, vector<1x1x16xf32>,
      %swap3A_455 = arith.constant 15 : i32
      %swap3A_456 = arith.index_cast %scan3A_21 : i32 to index
      %swap3A_457 = arith.index_cast %swap3A_455 : i32 to index
      %swap3A_458 = arith.constant 32 : index
      %swap3A_459 = tpu.vector_load %arg6[%swap3A_456, %swap3A_457, %swap3A_458] {strides = array<i32>} : memref<20x32x64xf32, #tpu.memory_space<vmem>>, vector<1x1x16xf32>,
      %swap3A_460 = vector.shape_cast %swap3A_459 : vector<1x1x16xf32> to vector<16xf32>
      %swap3A_461 = vector.shape_cast %broadcast_in_dim3A_3 : vector<16xf32> to vector<1x1x16xf32>
      tpu.vector_store %arg6[%swap3A_456, %swap3A_457, %swap3A_458], %swap3A_461 {strides = array<i32>} : memref<20x32x64xf32, #tpu.memory_space<vmem>>, vector<1x1x16xf32>,
      %swap3A_462 = arith.constant 15 : i32
      %swap3A_463 = arith.index_cast %scan3A_21 : i32 to index
      %swap3A_464 = arith.index_cast %swap3A_462 : i32 to index
      %swap3A_465 = arith.constant 48 : index
      %swap3A_466 = tpu.vector_load %arg6[%swap3A_463, %swap3A_464, %swap3A_465] {strides = array<i32>} : memref<20x32x64xf32, #tpu.memory_space<vmem>>, vector<1x1x16xf32>,
      %swap3A_467 = vector.shape_cast %swap3A_466 : vector<1x1x16xf32> to vector<16xf32>
      %swap3A_468 = vector.shape_cast %broadcast_in_dim3A_3 : vector<16xf32> to vector<1x1x16xf32>
      tpu.vector_store %arg6[%swap3A_463, %swap3A_464, %swap3A_465], %swap3A_468 {strides = array<i32>} : memref<20x32x64xf32, #tpu.memory_space<vmem>>, vector<1x1x16xf32>,
      %swap3A_469 = arith.constant 16 : i32
      %swap3A_470 = arith.index_cast %scan3A_21 : i32 to index
      %swap3A_471 = arith.index_cast %swap3A_469 : i32 to index
      %swap3A_472 = arith.constant 0 : index
      %swap3A_473 = tpu.vector_load %arg6[%swap3A_470, %swap3A_471, %swap3A_472] {strides = array<i32>} : memref<20x32x64xf32, #tpu.memory_space<vmem>>, vector<1x1x16xf32>,
      %swap3A_474 = vector.shape_cast %swap3A_473 : vector<1x1x16xf32> to vector<16xf32>
      %swap3A_475 = vector.shape_cast %broadcast_in_dim3A_3 : vector<16xf32> to vector<1x1x16xf32>
      tpu.vector_store %arg6[%swap3A_470, %swap3A_471, %swap3A_472], %swap3A_475 {strides = array<i32>} : memref<20x32x64xf32, #tpu.memory_space<vmem>>, vector<1x1x16xf32>,
      %swap3A_476 = arith.constant 16 : i32
      %swap3A_477 = arith.index_cast %scan3A_21 : i32 to index
      %swap3A_478 = arith.index_cast %swap3A_476 : i32 to index
      %swap3A_479 = arith.constant 16 : index
      %swap3A_480 = tpu.vector_load %arg6[%swap3A_477, %swap3A_478, %swap3A_479] {strides = array<i32>} : memref<20x32x64xf32, #tpu.memory_space<vmem>>, vector<1x1x16xf32>,
      %swap3A_481 = vector.shape_cast %swap3A_480 : vector<1x1x16xf32> to vector<16xf32>
      %swap3A_482 = vector.shape_cast %broadcast_in_dim3A_3 : vector<16xf32> to vector<1x1x16xf32>
      tpu.vector_store %arg6[%swap3A_477, %swap3A_478, %swap3A_479], %swap3A_482 {strides = array<i32>} : memref<20x32x64xf32, #tpu.memory_space<vmem>>, vector<1x1x16xf32>,
      %swap3A_483 = arith.constant 16 : i32
      %swap3A_484 = arith.index_cast %scan3A_21 : i32 to index
      %swap3A_485 = arith.index_cast %swap3A_483 : i32 to index
      %swap3A_486 = arith.constant 32 : index
      %swap3A_487 = tpu.vector_load %arg6[%swap3A_484, %swap3A_485, %swap3A_486] {strides = array<i32>} : memref<20x32x64xf32, #tpu.memory_space<vmem>>, vector<1x1x16xf32>,
      %swap3A_488 = vector.shape_cast %swap3A_487 : vector<1x1x16xf32> to vector<16xf32>
      %swap3A_489 = vector.shape_cast %broadcast_in_dim3A_3 : vector<16xf32> to vector<1x1x16xf32>
      tpu.vector_store %arg6[%swap3A_484, %swap3A_485, %swap3A_486], %swap3A_489 {strides = array<i32>} : memref<20x32x64xf32, #tpu.memory_space<vmem>>, vector<1x1x16xf32>,
      %swap3A_490 = arith.constant 16 : i32
      %swap3A_491 = arith.index_cast %scan3A_21 : i32 to index
      %swap3A_492 = arith.index_cast %swap3A_490 : i32 to index
      %swap3A_493 = arith.constant 48 : index
      %swap3A_494 = tpu.vector_load %arg6[%swap3A_491, %swap3A_492, %swap3A_493] {strides = array<i32>} : memref<20x32x64xf32, #tpu.memory_space<vmem>>, vector<1x1x16xf32>,
      %swap3A_495 = vector.shape_cast %swap3A_494 : vector<1x1x16xf32> to vector<16xf32>
      %swap3A_496 = vector.shape_cast %broadcast_in_dim3A_3 : vector<16xf32> to vector<1x1x16xf32>
      tpu.vector_store %arg6[%swap3A_491, %swap3A_492, %swap3A_493], %swap3A_496 {strides = array<i32>} : memref<20x32x64xf32, #tpu.memory_space<vmem>>, vector<1x1x16xf32>,
      %swap3A_497 = arith.constant 17 : i32
      %swap3A_498 = arith.index_cast %scan3A_21 : i32 to index
      %swap3A_499 = arith.index_cast %swap3A_497 : i32 to index
      %swap3A_500 = arith.constant 0 : index
      %swap3A_501 = tpu.vector_load %arg6[%swap3A_498, %swap3A_499, %swap3A_500] {strides = array<i32>} : memref<20x32x64xf32, #tpu.memory_space<vmem>>, vector<1x1x16xf32>,
      %swap3A_502 = vector.shape_cast %swap3A_501 : vector<1x1x16xf32> to vector<16xf32>
      %swap3A_503 = vector.shape_cast %broadcast_in_dim3A_3 : vector<16xf32> to vector<1x1x16xf32>
      tpu.vector_store %arg6[%swap3A_498, %swap3A_499, %swap3A_500], %swap3A_503 {strides = array<i32>} : memref<20x32x64xf32, #tpu.memory_space<vmem>>, vector<1x1x16xf32>,
      %swap3A_504 = arith.constant 17 : i32
      %swap3A_505 = arith.index_cast %scan3A_21 : i32 to index
      %swap3A_506 = arith.index_cast %swap3A_504 : i32 to index
      %swap3A_507 = arith.constant 16 : index
      %swap3A_508 = tpu.vector_load %arg6[%swap3A_505, %swap3A_506, %swap3A_507] {strides = array<i32>} : memref<20x32x64xf32, #tpu.memory_space<vmem>>, vector<1x1x16xf32>,
      %swap3A_509 = vector.shape_cast %swap3A_508 : vector<1x1x16xf32> to vector<16xf32>
      %swap3A_510 = vector.shape_cast %broadcast_in_dim3A_3 : vector<16xf32> to vector<1x1x16xf32>
      tpu.vector_store %arg6[%swap3A_505, %swap3A_506, %swap3A_507], %swap3A_510 {strides = array<i32>} : memref<20x32x64xf32, #tpu.memory_space<vmem>>, vector<1x1x16xf32>,
      %swap3A_511 = arith.constant 17 : i32
      %swap3A_512 = arith.index_cast %scan3A_21 : i32 to index
      %swap3A_513 = arith.index_cast %swap3A_511 : i32 to index
      %swap3A_514 = arith.constant 32 : index
      %swap3A_515 = tpu.vector_load %arg6[%swap3A_512, %swap3A_513, %swap3A_514] {strides = array<i32>} : memref<20x32x64xf32, #tpu.memory_space<vmem>>, vector<1x1x16xf32>,
      %swap3A_516 = vector.shape_cast %swap3A_515 : vector<1x1x16xf32> to vector<16xf32>
      %swap3A_517 = vector.shape_cast %broadcast_in_dim3A_3 : vector<16xf32> to vector<1x1x16xf32>
      tpu.vector_store %arg6[%swap3A_512, %swap3A_513, %swap3A_514], %swap3A_517 {strides = array<i32>} : memref<20x32x64xf32, #tpu.memory_space<vmem>>, vector<1x1x16xf32>,
      %swap3A_518 = arith.constant 17 : i32
      %swap3A_519 = arith.index_cast %scan3A_21 : i32 to index
      %swap3A_520 = arith.index_cast %swap3A_518 : i32 to index
      %swap3A_521 = arith.constant 48 : index
      %swap3A_522 = tpu.vector_load %arg6[%swap3A_519, %swap3A_520, %swap3A_521] {strides = array<i32>} : memref<20x32x64xf32, #tpu.memory_space<vmem>>, vector<1x1x16xf32>,
      %swap3A_523 = vector.shape_cast %swap3A_522 : vector<1x1x16xf32> to vector<16xf32>
      %swap3A_524 = vector.shape_cast %broadcast_in_dim3A_3 : vector<16xf32> to vector<1x1x16xf32>
      tpu.vector_store %arg6[%swap3A_519, %swap3A_520, %swap3A_521], %swap3A_524 {strides = array<i32>} : memref<20x32x64xf32, #tpu.memory_space<vmem>>, vector<1x1x16xf32>,
      %swap3A_525 = arith.constant 18 : i32
      %swap3A_526 = arith.index_cast %scan3A_21 : i32 to index
      %swap3A_527 = arith.index_cast %swap3A_525 : i32 to index
      %swap3A_528 = arith.constant 0 : index
      %swap3A_529 = tpu.vector_load %arg6[%swap3A_526, %swap3A_527, %swap3A_528] {strides = array<i32>} : memref<20x32x64xf32, #tpu.memory_space<vmem>>, vector<1x1x16xf32>,
      %swap3A_530 = vector.shape_cast %swap3A_529 : vector<1x1x16xf32> to vector<16xf32>
      %swap3A_531 = vector.shape_cast %broadcast_in_dim3A_3 : vector<16xf32> to vector<1x1x16xf32>
      tpu.vector_store %arg6[%swap3A_526, %swap3A_527, %swap3A_528], %swap3A_531 {strides = array<i32>} : memref<20x32x64xf32, #tpu.memory_space<vmem>>, vector<1x1x16xf32>,
      %swap3A_532 = arith.constant 18 : i32
      %swap3A_533 = arith.index_cast %scan3A_21 : i32 to index
      %swap3A_534 = arith.index_cast %swap3A_532 : i32 to index
      %swap3A_535 = arith.constant 16 : index
      %swap3A_536 = tpu.vector_load %arg6[%swap3A_533, %swap3A_534, %swap3A_535] {strides = array<i32>} : memref<20x32x64xf32, #tpu.memory_space<vmem>>, vector<1x1x16xf32>,
      %swap3A_537 = vector.shape_cast %swap3A_536 : vector<1x1x16xf32> to vector<16xf32>
      %swap3A_538 = vector.shape_cast %broadcast_in_dim3A_3 : vector<16xf32> to vector<1x1x16xf32>
      tpu.vector_store %arg6[%swap3A_533, %swap3A_534, %swap3A_535], %swap3A_538 {strides = array<i32>} : memref<20x32x64xf32, #tpu.memory_space<vmem>>, vector<1x1x16xf32>,
      %swap3A_539 = arith.constant 18 : i32
      %swap3A_540 = arith.index_cast %scan3A_21 : i32 to index
      %swap3A_541 = arith.index_cast %swap3A_539 : i32 to index
      %swap3A_542 = arith.constant 32 : index
      %swap3A_543 = tpu.vector_load %arg6[%swap3A_540, %swap3A_541, %swap3A_542] {strides = array<i32>} : memref<20x32x64xf32, #tpu.memory_space<vmem>>, vector<1x1x16xf32>,
      %swap3A_544 = vector.shape_cast %swap3A_543 : vector<1x1x16xf32> to vector<16xf32>
      %swap3A_545 = vector.shape_cast %broadcast_in_dim3A_3 : vector<16xf32> to vector<1x1x16xf32>
      tpu.vector_store %arg6[%swap3A_540, %swap3A_541, %swap3A_542], %swap3A_545 {strides = array<i32>} : memref<20x32x64xf32, #tpu.memory_space<vmem>>, vector<1x1x16xf32>,
      %swap3A_546 = arith.constant 18 : i32
      %swap3A_547 = arith.index_cast %scan3A_21 : i32 to index
      %swap3A_548 = arith.index_cast %swap3A_546 : i32 to index
      %swap3A_549 = arith.constant 48 : index
      %swap3A_550 = tpu.vector_load %arg6[%swap3A_547, %swap3A_548, %swap3A_549] {strides = array<i32>} : memref<20x32x64xf32, #tpu.memory_space<vmem>>, vector<1x1x16xf32>,
      %swap3A_551 = vector.shape_cast %swap3A_550 : vector<1x1x16xf32> to vector<16xf32>
      %swap3A_552 = vector.shape_cast %broadcast_in_dim3A_3 : vector<16xf32> to vector<1x1x16xf32>
      tpu.vector_store %arg6[%swap3A_547, %swap3A_548, %swap3A_549], %swap3A_552 {strides = array<i32>} : memref<20x32x64xf32, #tpu.memory_space<vmem>>, vector<1x1x16xf32>,
      %swap3A_553 = arith.constant 19 : i32
      %swap3A_554 = arith.index_cast %scan3A_21 : i32 to index
      %swap3A_555 = arith.index_cast %swap3A_553 : i32 to index
      %swap3A_556 = arith.constant 0 : index
      %swap3A_557 = tpu.vector_load %arg6[%swap3A_554, %swap3A_555, %swap3A_556] {strides = array<i32>} : memref<20x32x64xf32, #tpu.memory_space<vmem>>, vector<1x1x16xf32>,
      %swap3A_558 = vector.shape_cast %swap3A_557 : vector<1x1x16xf32> to vector<16xf32>
      %swap3A_559 = vector.shape_cast %broadcast_in_dim3A_3 : vector<16xf32> to vector<1x1x16xf32>
      tpu.vector_store %arg6[%swap3A_554, %swap3A_555, %swap3A_556], %swap3A_559 {strides = array<i32>} : memref<20x32x64xf32, #tpu.memory_space<vmem>>, vector<1x1x16xf32>,
      %swap3A_560 = arith.constant 19 : i32
      %swap3A_561 = arith.index_cast %scan3A_21 : i32 to index
      %swap3A_562 = arith.index_cast %swap3A_560 : i32 to index
      %swap3A_563 = arith.constant 16 : index
      %swap3A_564 = tpu.vector_load %arg6[%swap3A_561, %swap3A_562, %swap3A_563] {strides = array<i32>} : memref<20x32x64xf32, #tpu.memory_space<vmem>>, vector<1x1x16xf32>,
      %swap3A_565 = vector.shape_cast %swap3A_564 : vector<1x1x16xf32> to vector<16xf32>
      %swap3A_566 = vector.shape_cast %broadcast_in_dim3A_3 : vector<16xf32> to vector<1x1x16xf32>
      tpu.vector_store %arg6[%swap3A_561, %swap3A_562, %swap3A_563], %swap3A_566 {strides = array<i32>} : memref<20x32x64xf32, #tpu.memory_space<vmem>>, vector<1x1x16xf32>,
      %swap3A_567 = arith.constant 19 : i32
      %swap3A_568 = arith.index_cast %scan3A_21 : i32 to index
      %swap3A_569 = arith.index_cast %swap3A_567 : i32 to index
      %swap3A_570 = arith.constant 32 : index
      %swap3A_571 = tpu.vector_load %arg6[%swap3A_568, %swap3A_569, %swap3A_570] {strides = array<i32>} : memref<20x32x64xf32, #tpu.memory_space<vmem>>, vector<1x1x16xf32>,
      %swap3A_572 = vector.shape_cast %swap3A_571 : vector<1x1x16xf32> to vector<16xf32>
      %swap3A_573 = vector.shape_cast %broadcast_in_dim3A_3 : vector<16xf32> to vector<1x1x16xf32>
      tpu.vector_store %arg6[%swap3A_568, %swap3A_569, %swap3A_570], %swap3A_573 {strides = array<i32>} : memref<20x32x64xf32, #tpu.memory_space<vmem>>, vector<1x1x16xf32>,
      %swap3A_574 = arith.constant 19 : i32
      %swap3A_575 = arith.index_cast %scan3A_21 : i32 to index
      %swap3A_576 = arith.index_cast %swap3A_574 : i32 to index
      %swap3A_577 = arith.constant 48 : index
      %swap3A_578 = tpu.vector_load %arg6[%swap3A_575, %swap3A_576, %swap3A_577] {strides = array<i32>} : memref<20x32x64xf32, #tpu.memory_space<vmem>>, vector<1x1x16xf32>,
      %swap3A_579 = vector.shape_cast %swap3A_578 : vector<1x1x16xf32> to vector<16xf32>
      %swap3A_580 = vector.shape_cast %broadcast_in_dim3A_3 : vector<16xf32> to vector<1x1x16xf32>
      tpu.vector_store %arg6[%swap3A_575, %swap3A_576, %swap3A_577], %swap3A_580 {strides = array<i32>} : memref<20x32x64xf32, #tpu.memory_space<vmem>>, vector<1x1x16xf32>,
      %swap3A_581 = arith.constant 20 : i32
      %swap3A_582 = arith.index_cast %scan3A_21 : i32 to index
      %swap3A_583 = arith.index_cast %swap3A_581 : i32 to index
      %swap3A_584 = arith.constant 0 : index
      %swap3A_585 = tpu.vector_load %arg6[%swap3A_582, %swap3A_583, %swap3A_584] {strides = array<i32>} : memref<20x32x64xf32, #tpu.memory_space<vmem>>, vector<1x1x16xf32>,
      %swap3A_586 = vector.shape_cast %swap3A_585 : vector<1x1x16xf32> to vector<16xf32>
      %swap3A_587 = vector.shape_cast %broadcast_in_dim3A_3 : vector<16xf32> to vector<1x1x16xf32>
      tpu.vector_store %arg6[%swap3A_582, %swap3A_583, %swap3A_584], %swap3A_587 {strides = array<i32>} : memref<20x32x64xf32, #tpu.memory_space<vmem>>, vector<1x1x16xf32>,
      %swap3A_588 = arith.constant 20 : i32
      %swap3A_589 = arith.index_cast %scan3A_21 : i32 to index
      %swap3A_590 = arith.index_cast %swap3A_588 : i32 to index
      %swap3A_591 = arith.constant 16 : index
      %swap3A_592 = tpu.vector_load %arg6[%swap3A_589, %swap3A_590, %swap3A_591] {strides = array<i32>} : memref<20x32x64xf32, #tpu.memory_space<vmem>>, vector<1x1x16xf32>,
      %swap3A_593 = vector.shape_cast %swap3A_592 : vector<1x1x16xf32> to vector<16xf32>
      %swap3A_594 = vector.shape_cast %broadcast_in_dim3A_3 : vector<16xf32> to vector<1x1x16xf32>
      tpu.vector_store %arg6[%swap3A_589, %swap3A_590, %swap3A_591], %swap3A_594 {strides = array<i32>} : memref<20x32x64xf32, #tpu.memory_space<vmem>>, vector<1x1x16xf32>,
      %swap3A_595 = arith.constant 20 : i32
      %swap3A_596 = arith.index_cast %scan3A_21 : i32 to index
      %swap3A_597 = arith.index_cast %swap3A_595 : i32 to index
      %swap3A_598 = arith.constant 32 : index
      %swap3A_599 = tpu.vector_load %arg6[%swap3A_596, %swap3A_597, %swap3A_598] {strides = array<i32>} : memref<20x32x64xf32, #tpu.memory_space<vmem>>, vector<1x1x16xf32>,
      %swap3A_600 = vector.shape_cast %swap3A_599 : vector<1x1x16xf32> to vector<16xf32>
      %swap3A_601 = vector.shape_cast %broadcast_in_dim3A_3 : vector<16xf32> to vector<1x1x16xf32>
      tpu.vector_store %arg6[%swap3A_596, %swap3A_597, %swap3A_598], %swap3A_601 {strides = array<i32>} : memref<20x32x64xf32, #tpu.memory_space<vmem>>, vector<1x1x16xf32>,
      %swap3A_602 = arith.constant 20 : i32
      %swap3A_603 = arith.index_cast %scan3A_21 : i32 to index
      %swap3A_604 = arith.index_cast %swap3A_602 : i32 to index
      %swap3A_605 = arith.constant 48 : index
      %swap3A_606 = tpu.vector_load %arg6[%swap3A_603, %swap3A_604, %swap3A_605] {strides = array<i32>} : memref<20x32x64xf32, #tpu.memory_space<vmem>>, vector<1x1x16xf32>,
      %swap3A_607 = vector.shape_cast %swap3A_606 : vector<1x1x16xf32> to vector<16xf32>
      %swap3A_608 = vector.shape_cast %broadcast_in_dim3A_3 : vector<16xf32> to vector<1x1x16xf32>
      tpu.vector_store %arg6[%swap3A_603, %swap3A_604, %swap3A_605], %swap3A_608 {strides = array<i32>} : memref<20x32x64xf32, #tpu.memory_space<vmem>>, vector<1x1x16xf32>,
      %swap3A_609 = arith.constant 21 : i32
      %swap3A_610 = arith.index_cast %scan3A_21 : i32 to index
      %swap3A_611 = arith.index_cast %swap3A_609 : i32 to index
      %swap3A_612 = arith.constant 0 : index
      %swap3A_613 = tpu.vector_load %arg6[%swap3A_610, %swap3A_611, %swap3A_612] {strides = array<i32>} : memref<20x32x64xf32, #tpu.memory_space<vmem>>, vector<1x1x16xf32>,
      %swap3A_614 = vector.shape_cast %swap3A_613 : vector<1x1x16xf32> to vector<16xf32>
      %swap3A_615 = vector.shape_cast %broadcast_in_dim3A_3 : vector<16xf32> to vector<1x1x16xf32>
      tpu.vector_store %arg6[%swap3A_610, %swap3A_611, %swap3A_612], %swap3A_615 {strides = array<i32>} : memref<20x32x64xf32, #tpu.memory_space<vmem>>, vector<1x1x16xf32>,
      %swap3A_616 = arith.constant 21 : i32
      %swap3A_617 = arith.index_cast %scan3A_21 : i32 to index
      %swap3A_618 = arith.index_cast %swap3A_616 : i32 to index
      %swap3A_619 = arith.constant 16 : index
      %swap3A_620 = tpu.vector_load %arg6[%swap3A_617, %swap3A_618, %swap3A_619] {strides = array<i32>} : memref<20x32x64xf32, #tpu.memory_space<vmem>>, vector<1x1x16xf32>,
      %swap3A_621 = vector.shape_cast %swap3A_620 : vector<1x1x16xf32> to vector<16xf32>
      %swap3A_622 = vector.shape_cast %broadcast_in_dim3A_3 : vector<16xf32> to vector<1x1x16xf32>
      tpu.vector_store %arg6[%swap3A_617, %swap3A_618, %swap3A_619], %swap3A_622 {strides = array<i32>} : memref<20x32x64xf32, #tpu.memory_space<vmem>>, vector<1x1x16xf32>,
      %swap3A_623 = arith.constant 21 : i32
      %swap3A_624 = arith.index_cast %scan3A_21 : i32 to index
      %swap3A_625 = arith.index_cast %swap3A_623 : i32 to index
      %swap3A_626 = arith.constant 32 : index
      %swap3A_627 = tpu.vector_load %arg6[%swap3A_624, %swap3A_625, %swap3A_626] {strides = array<i32>} : memref<20x32x64xf32, #tpu.memory_space<vmem>>, vector<1x1x16xf32>,
      %swap3A_628 = vector.shape_cast %swap3A_627 : vector<1x1x16xf32> to vector<16xf32>
      %swap3A_629 = vector.shape_cast %broadcast_in_dim3A_3 : vector<16xf32> to vector<1x1x16xf32>
      tpu.vector_store %arg6[%swap3A_624, %swap3A_625, %swap3A_626], %swap3A_629 {strides = array<i32>} : memref<20x32x64xf32, #tpu.memory_space<vmem>>, vector<1x1x16xf32>,
      %swap3A_630 = arith.constant 21 : i32
      %swap3A_631 = arith.index_cast %scan3A_21 : i32 to index
      %swap3A_632 = arith.index_cast %swap3A_630 : i32 to index
      %swap3A_633 = arith.constant 48 : index
      %swap3A_634 = tpu.vector_load %arg6[%swap3A_631, %swap3A_632, %swap3A_633] {strides = array<i32>} : memref<20x32x64xf32, #tpu.memory_space<vmem>>, vector<1x1x16xf32>,
      %swap3A_635 = vector.shape_cast %swap3A_634 : vector<1x1x16xf32> to vector<16xf32>
      %swap3A_636 = vector.shape_cast %broadcast_in_dim3A_3 : vector<16xf32> to vector<1x1x16xf32>
      tpu.vector_store %arg6[%swap3A_631, %swap3A_632, %swap3A_633], %swap3A_636 {strides = array<i32>} : memref<20x32x64xf32, #tpu.memory_space<vmem>>, vector<1x1x16xf32>,
      %swap3A_637 = arith.constant 22 : i32
      %swap3A_638 = arith.index_cast %scan3A_21 : i32 to index
      %swap3A_639 = arith.index_cast %swap3A_637 : i32 to index
      %swap3A_640 = arith.constant 0 : index
      %swap3A_641 = tpu.vector_load %arg6[%swap3A_638, %swap3A_639, %swap3A_640] {strides = array<i32>} : memref<20x32x64xf32, #tpu.memory_space<vmem>>, vector<1x1x16xf32>,
      %swap3A_642 = vector.shape_cast %swap3A_641 : vector<1x1x16xf32> to vector<16xf32>
      %swap3A_643 = vector.shape_cast %broadcast_in_dim3A_3 : vector<16xf32> to vector<1x1x16xf32>
      tpu.vector_store %arg6[%swap3A_638, %swap3A_639, %swap3A_640], %swap3A_643 {strides = array<i32>} : memref<20x32x64xf32, #tpu.memory_space<vmem>>, vector<1x1x16xf32>,
      %swap3A_644 = arith.constant 22 : i32
      %swap3A_645 = arith.index_cast %scan3A_21 : i32 to index
      %swap3A_646 = arith.index_cast %swap3A_644 : i32 to index
      %swap3A_647 = arith.constant 16 : index
      %swap3A_648 = tpu.vector_load %arg6[%swap3A_645, %swap3A_646, %swap3A_647] {strides = array<i32>} : memref<20x32x64xf32, #tpu.memory_space<vmem>>, vector<1x1x16xf32>,
      %swap3A_649 = vector.shape_cast %swap3A_648 : vector<1x1x16xf32> to vector<16xf32>
      %swap3A_650 = vector.shape_cast %broadcast_in_dim3A_3 : vector<16xf32> to vector<1x1x16xf32>
      tpu.vector_store %arg6[%swap3A_645, %swap3A_646, %swap3A_647], %swap3A_650 {strides = array<i32>} : memref<20x32x64xf32, #tpu.memory_space<vmem>>, vector<1x1x16xf32>,
      %swap3A_651 = arith.constant 22 : i32
      %swap3A_652 = arith.index_cast %scan3A_21 : i32 to index
      %swap3A_653 = arith.index_cast %swap3A_651 : i32 to index
      %swap3A_654 = arith.constant 32 : index
      %swap3A_655 = tpu.vector_load %arg6[%swap3A_652, %swap3A_653, %swap3A_654] {strides = array<i32>} : memref<20x32x64xf32, #tpu.memory_space<vmem>>, vector<1x1x16xf32>,
      %swap3A_656 = vector.shape_cast %swap3A_655 : vector<1x1x16xf32> to vector<16xf32>
      %swap3A_657 = vector.shape_cast %broadcast_in_dim3A_3 : vector<16xf32> to vector<1x1x16xf32>
      tpu.vector_store %arg6[%swap3A_652, %swap3A_653, %swap3A_654], %swap3A_657 {strides = array<i32>} : memref<20x32x64xf32, #tpu.memory_space<vmem>>, vector<1x1x16xf32>,
      %swap3A_658 = arith.constant 22 : i32
      %swap3A_659 = arith.index_cast %scan3A_21 : i32 to index
      %swap3A_660 = arith.index_cast %swap3A_658 : i32 to index
      %swap3A_661 = arith.constant 48 : index
      %swap3A_662 = tpu.vector_load %arg6[%swap3A_659, %swap3A_660, %swap3A_661] {strides = array<i32>} : memref<20x32x64xf32, #tpu.memory_space<vmem>>, vector<1x1x16xf32>,
      %swap3A_663 = vector.shape_cast %swap3A_662 : vector<1x1x16xf32> to vector<16xf32>
      %swap3A_664 = vector.shape_cast %broadcast_in_dim3A_3 : vector<16xf32> to vector<1x1x16xf32>
      tpu.vector_store %arg6[%swap3A_659, %swap3A_660, %swap3A_661], %swap3A_664 {strides = array<i32>} : memref<20x32x64xf32, #tpu.memory_space<vmem>>, vector<1x1x16xf32>,
      %swap3A_665 = arith.constant 23 : i32
      %swap3A_666 = arith.index_cast %scan3A_21 : i32 to index
      %swap3A_667 = arith.index_cast %swap3A_665 : i32 to index
      %swap3A_668 = arith.constant 0 : index
      %swap3A_669 = tpu.vector_load %arg6[%swap3A_666, %swap3A_667, %swap3A_668] {strides = array<i32>} : memref<20x32x64xf32, #tpu.memory_space<vmem>>, vector<1x1x16xf32>,
      %swap3A_670 = vector.shape_cast %swap3A_669 : vector<1x1x16xf32> to vector<16xf32>
      %swap3A_671 = vector.shape_cast %broadcast_in_dim3A_3 : vector<16xf32> to vector<1x1x16xf32>
      tpu.vector_store %arg6[%swap3A_666, %swap3A_667, %swap3A_668], %swap3A_671 {strides = array<i32>} : memref<20x32x64xf32, #tpu.memory_space<vmem>>, vector<1x1x16xf32>,
      %swap3A_672 = arith.constant 23 : i32
      %swap3A_673 = arith.index_cast %scan3A_21 : i32 to index
      %swap3A_674 = arith.index_cast %swap3A_672 : i32 to index
      %swap3A_675 = arith.constant 16 : index
      %swap3A_676 = tpu.vector_load %arg6[%swap3A_673, %swap3A_674, %swap3A_675] {strides = array<i32>} : memref<20x32x64xf32, #tpu.memory_space<vmem>>, vector<1x1x16xf32>,
      %swap3A_677 = vector.shape_cast %swap3A_676 : vector<1x1x16xf32> to vector<16xf32>
      %swap3A_678 = vector.shape_cast %broadcast_in_dim3A_3 : vector<16xf32> to vector<1x1x16xf32>
      tpu.vector_store %arg6[%swap3A_673, %swap3A_674, %swap3A_675], %swap3A_678 {strides = array<i32>} : memref<20x32x64xf32, #tpu.memory_space<vmem>>, vector<1x1x16xf32>,
      %swap3A_679 = arith.constant 23 : i32
      %swap3A_680 = arith.index_cast %scan3A_21 : i32 to index
      %swap3A_681 = arith.index_cast %swap3A_679 : i32 to index
      %swap3A_682 = arith.constant 32 : index
      %swap3A_683 = tpu.vector_load %arg6[%swap3A_680, %swap3A_681, %swap3A_682] {strides = array<i32>} : memref<20x32x64xf32, #tpu.memory_space<vmem>>, vector<1x1x16xf32>,
      %swap3A_684 = vector.shape_cast %swap3A_683 : vector<1x1x16xf32> to vector<16xf32>
      %swap3A_685 = vector.shape_cast %broadcast_in_dim3A_3 : vector<16xf32> to vector<1x1x16xf32>
      tpu.vector_store %arg6[%swap3A_680, %swap3A_681, %swap3A_682], %swap3A_685 {strides = array<i32>} : memref<20x32x64xf32, #tpu.memory_space<vmem>>, vector<1x1x16xf32>,
      %swap3A_686 = arith.constant 23 : i32
      %swap3A_687 = arith.index_cast %scan3A_21 : i32 to index
      %swap3A_688 = arith.index_cast %swap3A_686 : i32 to index
      %swap3A_689 = arith.constant 48 : index
      %swap3A_690 = tpu.vector_load %arg6[%swap3A_687, %swap3A_688, %swap3A_689] {strides = array<i32>} : memref<20x32x64xf32, #tpu.memory_space<vmem>>, vector<1x1x16xf32>,
      %swap3A_691 = vector.shape_cast %swap3A_690 : vector<1x1x16xf32> to vector<16xf32>
      %swap3A_692 = vector.shape_cast %broadcast_in_dim3A_3 : vector<16xf32> to vector<1x1x16xf32>
      tpu.vector_store %arg6[%swap3A_687, %swap3A_688, %swap3A_689], %swap3A_692 {strides = array<i32>} : memref<20x32x64xf32, #tpu.memory_space<vmem>>, vector<1x1x16xf32>,
      %swap3A_693 = arith.constant 24 : i32
      %swap3A_694 = arith.index_cast %scan3A_21 : i32 to index
      %swap3A_695 = arith.index_cast %swap3A_693 : i32 to index
      %swap3A_696 = arith.constant 0 : index
      %swap3A_697 = tpu.vector_load %arg6[%swap3A_694, %swap3A_695, %swap3A_696] {strides = array<i32>} : memref<20x32x64xf32, #tpu.memory_space<vmem>>, vector<1x1x16xf32>,
      %swap3A_698 = vector.shape_cast %swap3A_697 : vector<1x1x16xf32> to vector<16xf32>
      %swap3A_699 = vector.shape_cast %broadcast_in_dim3A_3 : vector<16xf32> to vector<1x1x16xf32>
      tpu.vector_store %arg6[%swap3A_694, %swap3A_695, %swap3A_696], %swap3A_699 {strides = array<i32>} : memref<20x32x64xf32, #tpu.memory_space<vmem>>, vector<1x1x16xf32>,
      %swap3A_700 = arith.constant 24 : i32
      %swap3A_701 = arith.index_cast %scan3A_21 : i32 to index
      %swap3A_702 = arith.index_cast %swap3A_700 : i32 to index
      %swap3A_703 = arith.constant 16 : index
      %swap3A_704 = tpu.vector_load %arg6[%swap3A_701, %swap3A_702, %swap3A_703] {strides = array<i32>} : memref<20x32x64xf32, #tpu.memory_space<vmem>>, vector<1x1x16xf32>,
      %swap3A_705 = vector.shape_cast %swap3A_704 : vector<1x1x16xf32> to vector<16xf32>
      %swap3A_706 = vector.shape_cast %broadcast_in_dim3A_3 : vector<16xf32> to vector<1x1x16xf32>
      tpu.vector_store %arg6[%swap3A_701, %swap3A_702, %swap3A_703], %swap3A_706 {strides = array<i32>} : memref<20x32x64xf32, #tpu.memory_space<vmem>>, vector<1x1x16xf32>,
      %swap3A_707 = arith.constant 24 : i32
      %swap3A_708 = arith.index_cast %scan3A_21 : i32 to index
      %swap3A_709 = arith.index_cast %swap3A_707 : i32 to index
      %swap3A_710 = arith.constant 32 : index
      %swap3A_711 = tpu.vector_load %arg6[%swap3A_708, %swap3A_709, %swap3A_710] {strides = array<i32>} : memref<20x32x64xf32, #tpu.memory_space<vmem>>, vector<1x1x16xf32>,
      %swap3A_712 = vector.shape_cast %swap3A_711 : vector<1x1x16xf32> to vector<16xf32>
      %swap3A_713 = vector.shape_cast %broadcast_in_dim3A_3 : vector<16xf32> to vector<1x1x16xf32>
      tpu.vector_store %arg6[%swap3A_708, %swap3A_709, %swap3A_710], %swap3A_713 {strides = array<i32>} : memref<20x32x64xf32, #tpu.memory_space<vmem>>, vector<1x1x16xf32>,
      %swap3A_714 = arith.constant 24 : i32
      %swap3A_715 = arith.index_cast %scan3A_21 : i32 to index
      %swap3A_716 = arith.index_cast %swap3A_714 : i32 to index
      %swap3A_717 = arith.constant 48 : index
      %swap3A_718 = tpu.vector_load %arg6[%swap3A_715, %swap3A_716, %swap3A_717] {strides = array<i32>} : memref<20x32x64xf32, #tpu.memory_space<vmem>>, vector<1x1x16xf32>,
      %swap3A_719 = vector.shape_cast %swap3A_718 : vector<1x1x16xf32> to vector<16xf32>
      %swap3A_720 = vector.shape_cast %broadcast_in_dim3A_3 : vector<16xf32> to vector<1x1x16xf32>
      tpu.vector_store %arg6[%swap3A_715, %swap3A_716, %swap3A_717], %swap3A_720 {strides = array<i32>} : memref<20x32x64xf32, #tpu.memory_space<vmem>>, vector<1x1x16xf32>,
      %swap3A_721 = arith.constant 25 : i32
      %swap3A_722 = arith.index_cast %scan3A_21 : i32 to index
      %swap3A_723 = arith.index_cast %swap3A_721 : i32 to index
      %swap3A_724 = arith.constant 0 : index
      %swap3A_725 = tpu.vector_load %arg6[%swap3A_722, %swap3A_723, %swap3A_724] {strides = array<i32>} : memref<20x32x64xf32, #tpu.memory_space<vmem>>, vector<1x1x16xf32>,
      %swap3A_726 = vector.shape_cast %swap3A_725 : vector<1x1x16xf32> to vector<16xf32>
      %swap3A_727 = vector.shape_cast %broadcast_in_dim3A_3 : vector<16xf32> to vector<1x1x16xf32>
      tpu.vector_store %arg6[%swap3A_722, %swap3A_723, %swap3A_724], %swap3A_727 {strides = array<i32>} : memref<20x32x64xf32, #tpu.memory_space<vmem>>, vector<1x1x16xf32>,
      %swap3A_728 = arith.constant 25 : i32
      %swap3A_729 = arith.index_cast %scan3A_21 : i32 to index
      %swap3A_730 = arith.index_cast %swap3A_728 : i32 to index
      %swap3A_731 = arith.constant 16 : index
      %swap3A_732 = tpu.vector_load %arg6[%swap3A_729, %swap3A_730, %swap3A_731] {strides = array<i32>} : memref<20x32x64xf32, #tpu.memory_space<vmem>>, vector<1x1x16xf32>,
      %swap3A_733 = vector.shape_cast %swap3A_732 : vector<1x1x16xf32> to vector<16xf32>
      %swap3A_734 = vector.shape_cast %broadcast_in_dim3A_3 : vector<16xf32> to vector<1x1x16xf32>
      tpu.vector_store %arg6[%swap3A_729, %swap3A_730, %swap3A_731], %swap3A_734 {strides = array<i32>} : memref<20x32x64xf32, #tpu.memory_space<vmem>>, vector<1x1x16xf32>,
      %swap3A_735 = arith.constant 25 : i32
      %swap3A_736 = arith.index_cast %scan3A_21 : i32 to index
      %swap3A_737 = arith.index_cast %swap3A_735 : i32 to index
      %swap3A_738 = arith.constant 32 : index
      %swap3A_739 = tpu.vector_load %arg6[%swap3A_736, %swap3A_737, %swap3A_738] {strides = array<i32>} : memref<20x32x64xf32, #tpu.memory_space<vmem>>, vector<1x1x16xf32>,
      %swap3A_740 = vector.shape_cast %swap3A_739 : vector<1x1x16xf32> to vector<16xf32>
      %swap3A_741 = vector.shape_cast %broadcast_in_dim3A_3 : vector<16xf32> to vector<1x1x16xf32>
      tpu.vector_store %arg6[%swap3A_736, %swap3A_737, %swap3A_738], %swap3A_741 {strides = array<i32>} : memref<20x32x64xf32, #tpu.memory_space<vmem>>, vector<1x1x16xf32>,
      %swap3A_742 = arith.constant 25 : i32
      %swap3A_743 = arith.index_cast %scan3A_21 : i32 to index
      %swap3A_744 = arith.index_cast %swap3A_742 : i32 to index
      %swap3A_745 = arith.constant 48 : index
      %swap3A_746 = tpu.vector_load %arg6[%swap3A_743, %swap3A_744, %swap3A_745] {strides = array<i32>} : memref<20x32x64xf32, #tpu.memory_space<vmem>>, vector<1x1x16xf32>,
      %swap3A_747 = vector.shape_cast %swap3A_746 : vector<1x1x16xf32> to vector<16xf32>
      %swap3A_748 = vector.shape_cast %broadcast_in_dim3A_3 : vector<16xf32> to vector<1x1x16xf32>
      tpu.vector_store %arg6[%swap3A_743, %swap3A_744, %swap3A_745], %swap3A_748 {strides = array<i32>} : memref<20x32x64xf32, #tpu.memory_space<vmem>>, vector<1x1x16xf32>,
      %swap3A_749 = arith.constant 26 : i32
      %swap3A_750 = arith.index_cast %scan3A_21 : i32 to index
      %swap3A_751 = arith.index_cast %swap3A_749 : i32 to index
      %swap3A_752 = arith.constant 0 : index
      %swap3A_753 = tpu.vector_load %arg6[%swap3A_750, %swap3A_751, %swap3A_752] {strides = array<i32>} : memref<20x32x64xf32, #tpu.memory_space<vmem>>, vector<1x1x16xf32>,
      %swap3A_754 = vector.shape_cast %swap3A_753 : vector<1x1x16xf32> to vector<16xf32>
      %swap3A_755 = vector.shape_cast %broadcast_in_dim3A_3 : vector<16xf32> to vector<1x1x16xf32>
      tpu.vector_store %arg6[%swap3A_750, %swap3A_751, %swap3A_752], %swap3A_755 {strides = array<i32>} : memref<20x32x64xf32, #tpu.memory_space<vmem>>, vector<1x1x16xf32>,
      %swap3A_756 = arith.constant 26 : i32
      %swap3A_757 = arith.index_cast %scan3A_21 : i32 to index
      %swap3A_758 = arith.index_cast %swap3A_756 : i32 to index
      %swap3A_759 = arith.constant 16 : index
      %swap3A_760 = tpu.vector_load %arg6[%swap3A_757, %swap3A_758, %swap3A_759] {strides = array<i32>} : memref<20x32x64xf32, #tpu.memory_space<vmem>>, vector<1x1x16xf32>,
      %swap3A_761 = vector.shape_cast %swap3A_760 : vector<1x1x16xf32> to vector<16xf32>
      %swap3A_762 = vector.shape_cast %broadcast_in_dim3A_3 : vector<16xf32> to vector<1x1x16xf32>
      tpu.vector_store %arg6[%swap3A_757, %swap3A_758, %swap3A_759], %swap3A_762 {strides = array<i32>} : memref<20x32x64xf32, #tpu.memory_space<vmem>>, vector<1x1x16xf32>,
      %swap3A_763 = arith.constant 26 : i32
      %swap3A_764 = arith.index_cast %scan3A_21 : i32 to index
      %swap3A_765 = arith.index_cast %swap3A_763 : i32 to index
      %swap3A_766 = arith.constant 32 : index
      %swap3A_767 = tpu.vector_load %arg6[%swap3A_764, %swap3A_765, %swap3A_766] {strides = array<i32>} : memref<20x32x64xf32, #tpu.memory_space<vmem>>, vector<1x1x16xf32>,
      %swap3A_768 = vector.shape_cast %swap3A_767 : vector<1x1x16xf32> to vector<16xf32>
      %swap3A_769 = vector.shape_cast %broadcast_in_dim3A_3 : vector<16xf32> to vector<1x1x16xf32>
      tpu.vector_store %arg6[%swap3A_764, %swap3A_765, %swap3A_766], %swap3A_769 {strides = array<i32>} : memref<20x32x64xf32, #tpu.memory_space<vmem>>, vector<1x1x16xf32>,
      %swap3A_770 = arith.constant 26 : i32
      %swap3A_771 = arith.index_cast %scan3A_21 : i32 to index
      %swap3A_772 = arith.index_cast %swap3A_770 : i32 to index
      %swap3A_773 = arith.constant 48 : index
      %swap3A_774 = tpu.vector_load %arg6[%swap3A_771, %swap3A_772, %swap3A_773] {strides = array<i32>} : memref<20x32x64xf32, #tpu.memory_space<vmem>>, vector<1x1x16xf32>,
      %swap3A_775 = vector.shape_cast %swap3A_774 : vector<1x1x16xf32> to vector<16xf32>
      %swap3A_776 = vector.shape_cast %broadcast_in_dim3A_3 : vector<16xf32> to vector<1x1x16xf32>
      tpu.vector_store %arg6[%swap3A_771, %swap3A_772, %swap3A_773], %swap3A_776 {strides = array<i32>} : memref<20x32x64xf32, #tpu.memory_space<vmem>>, vector<1x1x16xf32>,
      %swap3A_777 = arith.constant 27 : i32
      %swap3A_778 = arith.index_cast %scan3A_21 : i32 to index
      %swap3A_779 = arith.index_cast %swap3A_777 : i32 to index
      %swap3A_780 = arith.constant 0 : index
      %swap3A_781 = tpu.vector_load %arg6[%swap3A_778, %swap3A_779, %swap3A_780] {strides = array<i32>} : memref<20x32x64xf32, #tpu.memory_space<vmem>>, vector<1x1x16xf32>,
      %swap3A_782 = vector.shape_cast %swap3A_781 : vector<1x1x16xf32> to vector<16xf32>
      %swap3A_783 = vector.shape_cast %broadcast_in_dim3A_3 : vector<16xf32> to vector<1x1x16xf32>
      tpu.vector_store %arg6[%swap3A_778, %swap3A_779, %swap3A_780], %swap3A_783 {strides = array<i32>} : memref<20x32x64xf32, #tpu.memory_space<vmem>>, vector<1x1x16xf32>,
      %swap3A_784 = arith.constant 27 : i32
      %swap3A_785 = arith.index_cast %scan3A_21 : i32 to index
      %swap3A_786 = arith.index_cast %swap3A_784 : i32 to index
      %swap3A_787 = arith.constant 16 : index
      %swap3A_788 = tpu.vector_load %arg6[%swap3A_785, %swap3A_786, %swap3A_787] {strides = array<i32>} : memref<20x32x64xf32, #tpu.memory_space<vmem>>, vector<1x1x16xf32>,
      %swap3A_789 = vector.shape_cast %swap3A_788 : vector<1x1x16xf32> to vector<16xf32>
      %swap3A_790 = vector.shape_cast %broadcast_in_dim3A_3 : vector<16xf32> to vector<1x1x16xf32>
      tpu.vector_store %arg6[%swap3A_785, %swap3A_786, %swap3A_787], %swap3A_790 {strides = array<i32>} : memref<20x32x64xf32, #tpu.memory_space<vmem>>, vector<1x1x16xf32>,
      %swap3A_791 = arith.constant 27 : i32
      %swap3A_792 = arith.index_cast %scan3A_21 : i32 to index
      %swap3A_793 = arith.index_cast %swap3A_791 : i32 to index
      %swap3A_794 = arith.constant 32 : index
      %swap3A_795 = tpu.vector_load %arg6[%swap3A_792, %swap3A_793, %swap3A_794] {strides = array<i32>} : memref<20x32x64xf32, #tpu.memory_space<vmem>>, vector<1x1x16xf32>,
      %swap3A_796 = vector.shape_cast %swap3A_795 : vector<1x1x16xf32> to vector<16xf32>
      %swap3A_797 = vector.shape_cast %broadcast_in_dim3A_3 : vector<16xf32> to vector<1x1x16xf32>
      tpu.vector_store %arg6[%swap3A_792, %swap3A_793, %swap3A_794], %swap3A_797 {strides = array<i32>} : memref<20x32x64xf32, #tpu.memory_space<vmem>>, vector<1x1x16xf32>,
      %swap3A_798 = arith.constant 27 : i32
      %swap3A_799 = arith.index_cast %scan3A_21 : i32 to index
      %swap3A_800 = arith.index_cast %swap3A_798 : i32 to index
      %swap3A_801 = arith.constant 48 : index
      %swap3A_802 = tpu.vector_load %arg6[%swap3A_799, %swap3A_800, %swap3A_801] {strides = array<i32>} : memref<20x32x64xf32, #tpu.memory_space<vmem>>, vector<1x1x16xf32>,
      %swap3A_803 = vector.shape_cast %swap3A_802 : vector<1x1x16xf32> to vector<16xf32>
      %swap3A_804 = vector.shape_cast %broadcast_in_dim3A_3 : vector<16xf32> to vector<1x1x16xf32>
      tpu.vector_store %arg6[%swap3A_799, %swap3A_800, %swap3A_801], %swap3A_804 {strides = array<i32>} : memref<20x32x64xf32, #tpu.memory_space<vmem>>, vector<1x1x16xf32>,
      %swap3A_805 = arith.constant 28 : i32
      %swap3A_806 = arith.index_cast %scan3A_21 : i32 to index
      %swap3A_807 = arith.index_cast %swap3A_805 : i32 to index
      %swap3A_808 = arith.constant 0 : index
      %swap3A_809 = tpu.vector_load %arg6[%swap3A_806, %swap3A_807, %swap3A_808] {strides = array<i32>} : memref<20x32x64xf32, #tpu.memory_space<vmem>>, vector<1x1x16xf32>,
      %swap3A_810 = vector.shape_cast %swap3A_809 : vector<1x1x16xf32> to vector<16xf32>
      %swap3A_811 = vector.shape_cast %broadcast_in_dim3A_3 : vector<16xf32> to vector<1x1x16xf32>
      tpu.vector_store %arg6[%swap3A_806, %swap3A_807, %swap3A_808], %swap3A_811 {strides = array<i32>} : memref<20x32x64xf32, #tpu.memory_space<vmem>>, vector<1x1x16xf32>,
      %swap3A_812 = arith.constant 28 : i32
      %swap3A_813 = arith.index_cast %scan3A_21 : i32 to index
      %swap3A_814 = arith.index_cast %swap3A_812 : i32 to index
      %swap3A_815 = arith.constant 16 : index
      %swap3A_816 = tpu.vector_load %arg6[%swap3A_813, %swap3A_814, %swap3A_815] {strides = array<i32>} : memref<20x32x64xf32, #tpu.memory_space<vmem>>, vector<1x1x16xf32>,
      %swap3A_817 = vector.shape_cast %swap3A_816 : vector<1x1x16xf32> to vector<16xf32>
      %swap3A_818 = vector.shape_cast %broadcast_in_dim3A_3 : vector<16xf32> to vector<1x1x16xf32>
      tpu.vector_store %arg6[%swap3A_813, %swap3A_814, %swap3A_815], %swap3A_818 {strides = array<i32>} : memref<20x32x64xf32, #tpu.memory_space<vmem>>, vector<1x1x16xf32>,
      %swap3A_819 = arith.constant 28 : i32
      %swap3A_820 = arith.index_cast %scan3A_21 : i32 to index
      %swap3A_821 = arith.index_cast %swap3A_819 : i32 to index
      %swap3A_822 = arith.constant 32 : index
      %swap3A_823 = tpu.vector_load %arg6[%swap3A_820, %swap3A_821, %swap3A_822] {strides = array<i32>} : memref<20x32x64xf32, #tpu.memory_space<vmem>>, vector<1x1x16xf32>,
      %swap3A_824 = vector.shape_cast %swap3A_823 : vector<1x1x16xf32> to vector<16xf32>
      %swap3A_825 = vector.shape_cast %broadcast_in_dim3A_3 : vector<16xf32> to vector<1x1x16xf32>
      tpu.vector_store %arg6[%swap3A_820, %swap3A_821, %swap3A_822], %swap3A_825 {strides = array<i32>} : memref<20x32x64xf32, #tpu.memory_space<vmem>>, vector<1x1x16xf32>,
      %swap3A_826 = arith.constant 28 : i32
      %swap3A_827 = arith.index_cast %scan3A_21 : i32 to index
      %swap3A_828 = arith.index_cast %swap3A_826 : i32 to index
      %swap3A_829 = arith.constant 48 : index
      %swap3A_830 = tpu.vector_load %arg6[%swap3A_827, %swap3A_828, %swap3A_829] {strides = array<i32>} : memref<20x32x64xf32, #tpu.memory_space<vmem>>, vector<1x1x16xf32>,
      %swap3A_831 = vector.shape_cast %swap3A_830 : vector<1x1x16xf32> to vector<16xf32>
      %swap3A_832 = vector.shape_cast %broadcast_in_dim3A_3 : vector<16xf32> to vector<1x1x16xf32>
      tpu.vector_store %arg6[%swap3A_827, %swap3A_828, %swap3A_829], %swap3A_832 {strides = array<i32>} : memref<20x32x64xf32, #tpu.memory_space<vmem>>, vector<1x1x16xf32>,
      %swap3A_833 = arith.constant 29 : i32
      %swap3A_834 = arith.index_cast %scan3A_21 : i32 to index
      %swap3A_835 = arith.index_cast %swap3A_833 : i32 to index
      %swap3A_836 = arith.constant 0 : index
      %swap3A_837 = tpu.vector_load %arg6[%swap3A_834, %swap3A_835, %swap3A_836] {strides = array<i32>} : memref<20x32x64xf32, #tpu.memory_space<vmem>>, vector<1x1x16xf32>,
      %swap3A_838 = vector.shape_cast %swap3A_837 : vector<1x1x16xf32> to vector<16xf32>
      %swap3A_839 = vector.shape_cast %broadcast_in_dim3A_3 : vector<16xf32> to vector<1x1x16xf32>
      tpu.vector_store %arg6[%swap3A_834, %swap3A_835, %swap3A_836], %swap3A_839 {strides = array<i32>} : memref<20x32x64xf32, #tpu.memory_space<vmem>>, vector<1x1x16xf32>,
      %swap3A_840 = arith.constant 29 : i32
      %swap3A_841 = arith.index_cast %scan3A_21 : i32 to index
      %swap3A_842 = arith.index_cast %swap3A_840 : i32 to index
      %swap3A_843 = arith.constant 16 : index
      %swap3A_844 = tpu.vector_load %arg6[%swap3A_841, %swap3A_842, %swap3A_843] {strides = array<i32>} : memref<20x32x64xf32, #tpu.memory_space<vmem>>, vector<1x1x16xf32>,
      %swap3A_845 = vector.shape_cast %swap3A_844 : vector<1x1x16xf32> to vector<16xf32>
      %swap3A_846 = vector.shape_cast %broadcast_in_dim3A_3 : vector<16xf32> to vector<1x1x16xf32>
      tpu.vector_store %arg6[%swap3A_841, %swap3A_842, %swap3A_843], %swap3A_846 {strides = array<i32>} : memref<20x32x64xf32, #tpu.memory_space<vmem>>, vector<1x1x16xf32>,
      %swap3A_847 = arith.constant 29 : i32
      %swap3A_848 = arith.index_cast %scan3A_21 : i32 to index
      %swap3A_849 = arith.index_cast %swap3A_847 : i32 to index
      %swap3A_850 = arith.constant 32 : index
      %swap3A_851 = tpu.vector_load %arg6[%swap3A_848, %swap3A_849, %swap3A_850] {strides = array<i32>} : memref<20x32x64xf32, #tpu.memory_space<vmem>>, vector<1x1x16xf32>,
      %swap3A_852 = vector.shape_cast %swap3A_851 : vector<1x1x16xf32> to vector<16xf32>
      %swap3A_853 = vector.shape_cast %broadcast_in_dim3A_3 : vector<16xf32> to vector<1x1x16xf32>
      tpu.vector_store %arg6[%swap3A_848, %swap3A_849, %swap3A_850], %swap3A_853 {strides = array<i32>} : memref<20x32x64xf32, #tpu.memory_space<vmem>>, vector<1x1x16xf32>,
      %swap3A_854 = arith.constant 29 : i32
      %swap3A_855 = arith.index_cast %scan3A_21 : i32 to index
      %swap3A_856 = arith.index_cast %swap3A_854 : i32 to index
      %swap3A_857 = arith.constant 48 : index
      %swap3A_858 = tpu.vector_load %arg6[%swap3A_855, %swap3A_856, %swap3A_857] {strides = array<i32>} : memref<20x32x64xf32, #tpu.memory_space<vmem>>, vector<1x1x16xf32>,
      %swap3A_859 = vector.shape_cast %swap3A_858 : vector<1x1x16xf32> to vector<16xf32>
      %swap3A_860 = vector.shape_cast %broadcast_in_dim3A_3 : vector<16xf32> to vector<1x1x16xf32>
      tpu.vector_store %arg6[%swap3A_855, %swap3A_856, %swap3A_857], %swap3A_860 {strides = array<i32>} : memref<20x32x64xf32, #tpu.memory_space<vmem>>, vector<1x1x16xf32>,
      %swap3A_861 = arith.constant 30 : i32
      %swap3A_862 = arith.index_cast %scan3A_21 : i32 to index
      %swap3A_863 = arith.index_cast %swap3A_861 : i32 to index
      %swap3A_864 = arith.constant 0 : index
      %swap3A_865 = tpu.vector_load %arg6[%swap3A_862, %swap3A_863, %swap3A_864] {strides = array<i32>} : memref<20x32x64xf32, #tpu.memory_space<vmem>>, vector<1x1x16xf32>,
      %swap3A_866 = vector.shape_cast %swap3A_865 : vector<1x1x16xf32> to vector<16xf32>
      %swap3A_867 = vector.shape_cast %broadcast_in_dim3A_3 : vector<16xf32> to vector<1x1x16xf32>
      tpu.vector_store %arg6[%swap3A_862, %swap3A_863, %swap3A_864], %swap3A_867 {strides = array<i32>} : memref<20x32x64xf32, #tpu.memory_space<vmem>>, vector<1x1x16xf32>,
      %swap3A_868 = arith.constant 30 : i32
      %swap3A_869 = arith.index_cast %scan3A_21 : i32 to index
      %swap3A_870 = arith.index_cast %swap3A_868 : i32 to index
      %swap3A_871 = arith.constant 16 : index
      %swap3A_872 = tpu.vector_load %arg6[%swap3A_869, %swap3A_870, %swap3A_871] {strides = array<i32>} : memref<20x32x64xf32, #tpu.memory_space<vmem>>, vector<1x1x16xf32>,
      %swap3A_873 = vector.shape_cast %swap3A_872 : vector<1x1x16xf32> to vector<16xf32>
      %swap3A_874 = vector.shape_cast %broadcast_in_dim3A_3 : vector<16xf32> to vector<1x1x16xf32>
      tpu.vector_store %arg6[%swap3A_869, %swap3A_870, %swap3A_871], %swap3A_874 {strides = array<i32>} : memref<20x32x64xf32, #tpu.memory_space<vmem>>, vector<1x1x16xf32>,
      %swap3A_875 = arith.constant 30 : i32
      %swap3A_876 = arith.index_cast %scan3A_21 : i32 to index
      %swap3A_877 = arith.index_cast %swap3A_875 : i32 to index
      %swap3A_878 = arith.constant 32 : index
      %swap3A_879 = tpu.vector_load %arg6[%swap3A_876, %swap3A_877, %swap3A_878] {strides = array<i32>} : memref<20x32x64xf32, #tpu.memory_space<vmem>>, vector<1x1x16xf32>,
      %swap3A_880 = vector.shape_cast %swap3A_879 : vector<1x1x16xf32> to vector<16xf32>
      %swap3A_881 = vector.shape_cast %broadcast_in_dim3A_3 : vector<16xf32> to vector<1x1x16xf32>
      tpu.vector_store %arg6[%swap3A_876, %swap3A_877, %swap3A_878], %swap3A_881 {strides = array<i32>} : memref<20x32x64xf32, #tpu.memory_space<vmem>>, vector<1x1x16xf32>,
      %swap3A_882 = arith.constant 30 : i32
      %swap3A_883 = arith.index_cast %scan3A_21 : i32 to index
      %swap3A_884 = arith.index_cast %swap3A_882 : i32 to index
      %swap3A_885 = arith.constant 48 : index
      %swap3A_886 = tpu.vector_load %arg6[%swap3A_883, %swap3A_884, %swap3A_885] {strides = array<i32>} : memref<20x32x64xf32, #tpu.memory_space<vmem>>, vector<1x1x16xf32>,
      %swap3A_887 = vector.shape_cast %swap3A_886 : vector<1x1x16xf32> to vector<16xf32>
      %swap3A_888 = vector.shape_cast %broadcast_in_dim3A_3 : vector<16xf32> to vector<1x1x16xf32>
      tpu.vector_store %arg6[%swap3A_883, %swap3A_884, %swap3A_885], %swap3A_888 {strides = array<i32>} : memref<20x32x64xf32, #tpu.memory_space<vmem>>, vector<1x1x16xf32>,
      %swap3A_889 = arith.constant 31 : i32
      %swap3A_890 = arith.index_cast %scan3A_21 : i32 to index
      %swap3A_891 = arith.index_cast %swap3A_889 : i32 to index
      %swap3A_892 = arith.constant 0 : index
      %swap3A_893 = tpu.vector_load %arg6[%swap3A_890, %swap3A_891, %swap3A_892] {strides = array<i32>} : memref<20x32x64xf32, #tpu.memory_space<vmem>>, vector<1x1x16xf32>,
      %swap3A_894 = vector.shape_cast %swap3A_893 : vector<1x1x16xf32> to vector<16xf32>
      %swap3A_895 = vector.shape_cast %broadcast_in_dim3A_3 : vector<16xf32> to vector<1x1x16xf32>
      tpu.vector_store %arg6[%swap3A_890, %swap3A_891, %swap3A_892], %swap3A_895 {strides = array<i32>} : memref<20x32x64xf32, #tpu.memory_space<vmem>>, vector<1x1x16xf32>,
      %swap3A_896 = arith.constant 31 : i32
      %swap3A_897 = arith.index_cast %scan3A_21 : i32 to index
      %swap3A_898 = arith.index_cast %swap3A_896 : i32 to index
      %swap3A_899 = arith.constant 16 : index
      %swap3A_900 = tpu.vector_load %arg6[%swap3A_897, %swap3A_898, %swap3A_899] {strides = array<i32>} : memref<20x32x64xf32, #tpu.memory_space<vmem>>, vector<1x1x16xf32>,
      %swap3A_901 = vector.shape_cast %swap3A_900 : vector<1x1x16xf32> to vector<16xf32>
      %swap3A_902 = vector.shape_cast %broadcast_in_dim3A_3 : vector<16xf32> to vector<1x1x16xf32>
      tpu.vector_store %arg6[%swap3A_897, %swap3A_898, %swap3A_899], %swap3A_902 {strides = array<i32>} : memref<20x32x64xf32, #tpu.memory_space<vmem>>, vector<1x1x16xf32>,
      %swap3A_903 = arith.constant 31 : i32
      %swap3A_904 = arith.index_cast %scan3A_21 : i32 to index
      %swap3A_905 = arith.index_cast %swap3A_903 : i32 to index
      %swap3A_906 = arith.constant 32 : index
      %swap3A_907 = tpu.vector_load %arg6[%swap3A_904, %swap3A_905, %swap3A_906] {strides = array<i32>} : memref<20x32x64xf32, #tpu.memory_space<vmem>>, vector<1x1x16xf32>,
      %swap3A_908 = vector.shape_cast %swap3A_907 : vector<1x1x16xf32> to vector<16xf32>
      %swap3A_909 = vector.shape_cast %broadcast_in_dim3A_3 : vector<16xf32> to vector<1x1x16xf32>
      tpu.vector_store %arg6[%swap3A_904, %swap3A_905, %swap3A_906], %swap3A_909 {strides = array<i32>} : memref<20x32x64xf32, #tpu.memory_space<vmem>>, vector<1x1x16xf32>,
      %swap3A_910 = arith.constant 31 : i32
      %swap3A_911 = arith.index_cast %scan3A_21 : i32 to index
      %swap3A_912 = arith.index_cast %swap3A_910 : i32 to index
      %swap3A_913 = arith.constant 48 : index
      %swap3A_914 = tpu.vector_load %arg6[%swap3A_911, %swap3A_912, %swap3A_913] {strides = array<i32>} : memref<20x32x64xf32, #tpu.memory_space<vmem>>, vector<1x1x16xf32>,
      %swap3A_915 = vector.shape_cast %swap3A_914 : vector<1x1x16xf32> to vector<16xf32>
      %swap3A_916 = vector.shape_cast %broadcast_in_dim3A_3 : vector<16xf32> to vector<1x1x16xf32>
      tpu.vector_store %arg6[%swap3A_911, %swap3A_912, %swap3A_913], %swap3A_916 {strides = array<i32>} : memref<20x32x64xf32, #tpu.memory_space<vmem>>, vector<1x1x16xf32>,
      %dma_start3A = arith.constant 0 : i32
      %dma_start3A_917 = arith.constant 0 : i32
      %dma_start3A_918 = arith.constant 0 : i32
      %dma_start3A_919 = tpu.memref_slice %arg6[%scan3A_21, %dma_start3A_917, %dma_start3A_918] : memref<20x32x64xf32, #tpu.memory_space<vmem>> -> memref<1x32x64xf32, #tpu.memory_space<vmem>>
      %dma_start3A_920 = tpu.memref_squeeze %dma_start3A_919 : memref<1x32x64xf32, #tpu.memory_space<vmem>> -> memref<32x64xf32, #tpu.memory_space<vmem>>
      %dma_start3A_921 = arith.constant 0 : i32
      %dma_start3A_922 = tpu.memref_slice %arg5[%scan3A_21, %dma_start3A, %dma_start3A_921] : memref<20x20x32xi32, #tpu.memory_space<vmem>> -> memref<1x1x32xi32, #tpu.memory_space<vmem>>
      %dma_start3A_923 = tpu.memref_squeeze %dma_start3A_922 : memref<1x1x32xi32, #tpu.memory_space<vmem>> -> memref<32xi32, #tpu.memory_space<vmem>>
      %dma_start3A_924 = arith.constant 0 : i32
      %dma_start3A_925 = arith.constant 0 : i32
      %dma_start3A_926 = tpu.memref_slice %arg3[%dma_start3A_924, %dma_start3A_925] : memref<100002x64xf32, #tpu.memory_space<hbm>> -> memref<100002x64xf32, #tpu.memory_space<hbm>>
      %dma_start3A_927 = tpu.memref_slice %arg7[%scan3A_21] : memref<20x!tpu.dma_semaphore, #tpu.memory_space<semaphore_mem>> -> memref<1x!tpu.dma_semaphore, #tpu.memory_space<semaphore_mem>>
      %dma_start3A_928 = tpu.memref_squeeze %dma_start3A_927 : memref<1x!tpu.dma_semaphore, #tpu.memory_space<semaphore_mem>> -> memref<!tpu.dma_semaphore, #tpu.memory_space<semaphore_mem>>
      tpu.enqueue_indirect_dma source(%dma_start3A_926 : memref<100002x64xf32, #tpu.memory_space<hbm>>) target(%dma_start3A_920 : memref<32x64xf32, #tpu.memory_space<vmem>>) offsets(%dma_start3A_923 : memref<32xi32, #tpu.memory_space<vmem>>) semaphore(%dma_start3A_928 : memref<!tpu.dma_semaphore, #tpu.memory_space<semaphore_mem>>) {add = true}
      %dma_start3A_929 = arith.constant 1 : i32
      %dma_start3A_930 = arith.constant 0 : i32
      %dma_start3A_931 = arith.constant 0 : i32
      %dma_start3A_932 = tpu.memref_slice %arg6[%scan3A_21, %dma_start3A_930, %dma_start3A_931] : memref<20x32x64xf32, #tpu.memory_space<vmem>> -> memref<1x32x64xf32, #tpu.memory_space<vmem>>
      %dma_start3A_933 = tpu.memref_squeeze %dma_start3A_932 : memref<1x32x64xf32, #tpu.memory_space<vmem>> -> memref<32x64xf32, #tpu.memory_space<vmem>>
      %dma_start3A_934 = arith.constant 0 : i32
      %dma_start3A_935 = tpu.memref_slice %arg5[%scan3A_21, %dma_start3A_929, %dma_start3A_934] : memref<20x20x32xi32, #tpu.memory_space<vmem>> -> memref<1x1x32xi32, #tpu.memory_space<vmem>>
      %dma_start3A_936 = tpu.memref_squeeze %dma_start3A_935 : memref<1x1x32xi32, #tpu.memory_space<vmem>> -> memref<32xi32, #tpu.memory_space<vmem>>
      %dma_start3A_937 = arith.constant 0 : i32
      %dma_start3A_938 = arith.constant 0 : i32
      %dma_start3A_939 = tpu.memref_slice %arg3[%dma_start3A_937, %dma_start3A_938] : memref<100002x64xf32, #tpu.memory_space<hbm>> -> memref<100002x64xf32, #tpu.memory_space<hbm>>
      %dma_start3A_940 = tpu.memref_slice %arg7[%scan3A_21] : memref<20x!tpu.dma_semaphore, #tpu.memory_space<semaphore_mem>> -> memref<1x!tpu.dma_semaphore, #tpu.memory_space<semaphore_mem>>
      %dma_start3A_941 = tpu.memref_squeeze %dma_start3A_940 : memref<1x!tpu.dma_semaphore, #tpu.memory_space<semaphore_mem>> -> memref<!tpu.dma_semaphore, #tpu.memory_space<semaphore_mem>>
      tpu.enqueue_indirect_dma source(%dma_start3A_939 : memref<100002x64xf32, #tpu.memory_space<hbm>>) target(%dma_start3A_933 : memref<32x64xf32, #tpu.memory_space<vmem>>) offsets(%dma_start3A_936 : memref<32xi32, #tpu.memory_space<vmem>>) semaphore(%dma_start3A_941 : memref<!tpu.dma_semaphore, #tpu.memory_space<semaphore_mem>>) {add = true}
      %dma_start3A_942 = arith.constant 2 : i32
      %dma_start3A_943 = arith.constant 0 : i32
      %dma_start3A_944 = arith.constant 0 : i32
      %dma_start3A_945 = tpu.memref_slice %arg6[%scan3A_21, %dma_start3A_943, %dma_start3A_944] : memref<20x32x64xf32, #tpu.memory_space<vmem>> -> memref<1x32x64xf32, #tpu.memory_space<vmem>>
      %dma_start3A_946 = tpu.memref_squeeze %dma_start3A_945 : memref<1x32x64xf32, #tpu.memory_space<vmem>> -> memref<32x64xf32, #tpu.memory_space<vmem>>
      %dma_start3A_947 = arith.constant 0 : i32
      %dma_start3A_948 = tpu.memref_slice %arg5[%scan3A_21, %dma_start3A_942, %dma_start3A_947] : memref<20x20x32xi32, #tpu.memory_space<vmem>> -> memref<1x1x32xi32, #tpu.memory_space<vmem>>
      %dma_start3A_949 = tpu.memref_squeeze %dma_start3A_948 : memref<1x1x32xi32, #tpu.memory_space<vmem>> -> memref<32xi32, #tpu.memory_space<vmem>>
      %dma_start3A_950 = arith.constant 0 : i32
      %dma_start3A_951 = arith.constant 0 : i32
      %dma_start3A_952 = tpu.memref_slice %arg3[%dma_start3A_950, %dma_start3A_951] : memref<100002x64xf32, #tpu.memory_space<hbm>> -> memref<100002x64xf32, #tpu.memory_space<hbm>>
      %dma_start3A_953 = tpu.memref_slice %arg7[%scan3A_21] : memref<20x!tpu.dma_semaphore, #tpu.memory_space<semaphore_mem>> -> memref<1x!tpu.dma_semaphore, #tpu.memory_space<semaphore_mem>>
      %dma_start3A_954 = tpu.memref_squeeze %dma_start3A_953 : memref<1x!tpu.dma_semaphore, #tpu.memory_space<semaphore_mem>> -> memref<!tpu.dma_semaphore, #tpu.memory_space<semaphore_mem>>
      tpu.enqueue_indirect_dma source(%dma_start3A_952 : memref<100002x64xf32, #tpu.memory_space<hbm>>) target(%dma_start3A_946 : memref<32x64xf32, #tpu.memory_space<vmem>>) offsets(%dma_start3A_949 : memref<32xi32, #tpu.memory_space<vmem>>) semaphore(%dma_start3A_954 : memref<!tpu.dma_semaphore, #tpu.memory_space<semaphore_mem>>) {add = true}
      %dma_start3A_955 = arith.constant 3 : i32
      %dma_start3A_956 = arith.constant 0 : i32
      %dma_start3A_957 = arith.constant 0 : i32
      %dma_start3A_958 = tpu.memref_slice %arg6[%scan3A_21, %dma_start3A_956, %dma_start3A_957] : memref<20x32x64xf32, #tpu.memory_space<vmem>> -> memref<1x32x64xf32, #tpu.memory_space<vmem>>
      %dma_start3A_959 = tpu.memref_squeeze %dma_start3A_958 : memref<1x32x64xf32, #tpu.memory_space<vmem>> -> memref<32x64xf32, #tpu.memory_space<vmem>>
      %dma_start3A_960 = arith.constant 0 : i32
      %dma_start3A_961 = tpu.memref_slice %arg5[%scan3A_21, %dma_start3A_955, %dma_start3A_960] : memref<20x20x32xi32, #tpu.memory_space<vmem>> -> memref<1x1x32xi32, #tpu.memory_space<vmem>>
      %dma_start3A_962 = tpu.memref_squeeze %dma_start3A_961 : memref<1x1x32xi32, #tpu.memory_space<vmem>> -> memref<32xi32, #tpu.memory_space<vmem>>
      %dma_start3A_963 = arith.constant 0 : i32
      %dma_start3A_964 = arith.constant 0 : i32
      %dma_start3A_965 = tpu.memref_slice %arg3[%dma_start3A_963, %dma_start3A_964] : memref<100002x64xf32, #tpu.memory_space<hbm>> -> memref<100002x64xf32, #tpu.memory_space<hbm>>
      %dma_start3A_966 = tpu.memref_slice %arg7[%scan3A_21] : memref<20x!tpu.dma_semaphore, #tpu.memory_space<semaphore_mem>> -> memref<1x!tpu.dma_semaphore, #tpu.memory_space<semaphore_mem>>
      %dma_start3A_967 = tpu.memref_squeeze %dma_start3A_966 : memref<1x!tpu.dma_semaphore, #tpu.memory_space<semaphore_mem>> -> memref<!tpu.dma_semaphore, #tpu.memory_space<semaphore_mem>>
      tpu.enqueue_indirect_dma source(%dma_start3A_965 : memref<100002x64xf32, #tpu.memory_space<hbm>>) target(%dma_start3A_959 : memref<32x64xf32, #tpu.memory_space<vmem>>) offsets(%dma_start3A_962 : memref<32xi32, #tpu.memory_space<vmem>>) semaphore(%dma_start3A_967 : memref<!tpu.dma_semaphore, #tpu.memory_space<semaphore_mem>>) {add = true}
      %dma_start3A_968 = arith.constant 4 : i32
      %dma_start3A_969 = arith.constant 0 : i32
      %dma_start3A_970 = arith.constant 0 : i32
      %dma_start3A_971 = tpu.memref_slice %arg6[%scan3A_21, %dma_start3A_969, %dma_start3A_970] : memref<20x32x64xf32, #tpu.memory_space<vmem>> -> memref<1x32x64xf32, #tpu.memory_space<vmem>>
      %dma_start3A_972 = tpu.memref_squeeze %dma_start3A_971 : memref<1x32x64xf32, #tpu.memory_space<vmem>> -> memref<32x64xf32, #tpu.memory_space<vmem>>
      %dma_start3A_973 = arith.constant 0 : i32
      %dma_start3A_974 = tpu.memref_slice %arg5[%scan3A_21, %dma_start3A_968, %dma_start3A_973] : memref<20x20x32xi32, #tpu.memory_space<vmem>> -> memref<1x1x32xi32, #tpu.memory_space<vmem>>
      %dma_start3A_975 = tpu.memref_squeeze %dma_start3A_974 : memref<1x1x32xi32, #tpu.memory_space<vmem>> -> memref<32xi32, #tpu.memory_space<vmem>>
      %dma_start3A_976 = arith.constant 0 : i32
      %dma_start3A_977 = arith.constant 0 : i32
      %dma_start3A_978 = tpu.memref_slice %arg3[%dma_start3A_976, %dma_start3A_977] : memref<100002x64xf32, #tpu.memory_space<hbm>> -> memref<100002x64xf32, #tpu.memory_space<hbm>>
      %dma_start3A_979 = tpu.memref_slice %arg7[%scan3A_21] : memref<20x!tpu.dma_semaphore, #tpu.memory_space<semaphore_mem>> -> memref<1x!tpu.dma_semaphore, #tpu.memory_space<semaphore_mem>>
      %dma_start3A_980 = tpu.memref_squeeze %dma_start3A_979 : memref<1x!tpu.dma_semaphore, #tpu.memory_space<semaphore_mem>> -> memref<!tpu.dma_semaphore, #tpu.memory_space<semaphore_mem>>
      tpu.enqueue_indirect_dma source(%dma_start3A_978 : memref<100002x64xf32, #tpu.memory_space<hbm>>) target(%dma_start3A_972 : memref<32x64xf32, #tpu.memory_space<vmem>>) offsets(%dma_start3A_975 : memref<32xi32, #tpu.memory_space<vmem>>) semaphore(%dma_start3A_980 : memref<!tpu.dma_semaphore, #tpu.memory_space<semaphore_mem>>) {add = true}
      %dma_start3A_981 = arith.constant 5 : i32
      %dma_start3A_982 = arith.constant 0 : i32
      %dma_start3A_983 = arith.constant 0 : i32
      %dma_start3A_984 = tpu.memref_slice %arg6[%scan3A_21, %dma_start3A_982, %dma_start3A_983] : memref<20x32x64xf32, #tpu.memory_space<vmem>> -> memref<1x32x64xf32, #tpu.memory_space<vmem>>
      %dma_start3A_985 = tpu.memref_squeeze %dma_start3A_984 : memref<1x32x64xf32, #tpu.memory_space<vmem>> -> memref<32x64xf32, #tpu.memory_space<vmem>>
      %dma_start3A_986 = arith.constant 0 : i32
      %dma_start3A_987 = tpu.memref_slice %arg5[%scan3A_21, %dma_start3A_981, %dma_start3A_986] : memref<20x20x32xi32, #tpu.memory_space<vmem>> -> memref<1x1x32xi32, #tpu.memory_space<vmem>>
      %dma_start3A_988 = tpu.memref_squeeze %dma_start3A_987 : memref<1x1x32xi32, #tpu.memory_space<vmem>> -> memref<32xi32, #tpu.memory_space<vmem>>
      %dma_start3A_989 = arith.constant 0 : i32
      %dma_start3A_990 = arith.constant 0 : i32
      %dma_start3A_991 = tpu.memref_slice %arg3[%dma_start3A_989, %dma_start3A_990] : memref<100002x64xf32, #tpu.memory_space<hbm>> -> memref<100002x64xf32, #tpu.memory_space<hbm>>
      %dma_start3A_992 = tpu.memref_slice %arg7[%scan3A_21] : memref<20x!tpu.dma_semaphore, #tpu.memory_space<semaphore_mem>> -> memref<1x!tpu.dma_semaphore, #tpu.memory_space<semaphore_mem>>
      %dma_start3A_993 = tpu.memref_squeeze %dma_start3A_992 : memref<1x!tpu.dma_semaphore, #tpu.memory_space<semaphore_mem>> -> memref<!tpu.dma_semaphore, #tpu.memory_space<semaphore_mem>>
      tpu.enqueue_indirect_dma source(%dma_start3A_991 : memref<100002x64xf32, #tpu.memory_space<hbm>>) target(%dma_start3A_985 : memref<32x64xf32, #tpu.memory_space<vmem>>) offsets(%dma_start3A_988 : memref<32xi32, #tpu.memory_space<vmem>>) semaphore(%dma_start3A_993 : memref<!tpu.dma_semaphore, #tpu.memory_space<semaphore_mem>>) {add = true}
      %dma_start3A_994 = arith.constant 6 : i32
      %dma_start3A_995 = arith.constant 0 : i32
      %dma_start3A_996 = arith.constant 0 : i32
      %dma_start3A_997 = tpu.memref_slice %arg6[%scan3A_21, %dma_start3A_995, %dma_start3A_996] : memref<20x32x64xf32, #tpu.memory_space<vmem>> -> memref<1x32x64xf32, #tpu.memory_space<vmem>>
      %dma_start3A_998 = tpu.memref_squeeze %dma_start3A_997 : memref<1x32x64xf32, #tpu.memory_space<vmem>> -> memref<32x64xf32, #tpu.memory_space<vmem>>
      %dma_start3A_999 = arith.constant 0 : i32
      %dma_start3A_1000 = tpu.memref_slice %arg5[%scan3A_21, %dma_start3A_994, %dma_start3A_999] : memref<20x20x32xi32, #tpu.memory_space<vmem>> -> memref<1x1x32xi32, #tpu.memory_space<vmem>>
      %dma_start3A_1001 = tpu.memref_squeeze %dma_start3A_1000 : memref<1x1x32xi32, #tpu.memory_space<vmem>> -> memref<32xi32, #tpu.memory_space<vmem>>
      %dma_start3A_1002 = arith.constant 0 : i32
      %dma_start3A_1003 = arith.constant 0 : i32
      %dma_start3A_1004 = tpu.memref_slice %arg3[%dma_start3A_1002, %dma_start3A_1003] : memref<100002x64xf32, #tpu.memory_space<hbm>> -> memref<100002x64xf32, #tpu.memory_space<hbm>>
      %dma_start3A_1005 = tpu.memref_slice %arg7[%scan3A_21] : memref<20x!tpu.dma_semaphore, #tpu.memory_space<semaphore_mem>> -> memref<1x!tpu.dma_semaphore, #tpu.memory_space<semaphore_mem>>
      %dma_start3A_1006 = tpu.memref_squeeze %dma_start3A_1005 : memref<1x!tpu.dma_semaphore, #tpu.memory_space<semaphore_mem>> -> memref<!tpu.dma_semaphore, #tpu.memory_space<semaphore_mem>>
      tpu.enqueue_indirect_dma source(%dma_start3A_1004 : memref<100002x64xf32, #tpu.memory_space<hbm>>) target(%dma_start3A_998 : memref<32x64xf32, #tpu.memory_space<vmem>>) offsets(%dma_start3A_1001 : memref<32xi32, #tpu.memory_space<vmem>>) semaphore(%dma_start3A_1006 : memref<!tpu.dma_semaphore, #tpu.memory_space<semaphore_mem>>) {add = true}
      %dma_start3A_1007 = arith.constant 7 : i32
      %dma_start3A_1008 = arith.constant 0 : i32
      %dma_start3A_1009 = arith.constant 0 : i32
      %dma_start3A_1010 = tpu.memref_slice %arg6[%scan3A_21, %dma_start3A_1008, %dma_start3A_1009] : memref<20x32x64xf32, #tpu.memory_space<vmem>> -> memref<1x32x64xf32, #tpu.memory_space<vmem>>
      %dma_start3A_1011 = tpu.memref_squeeze %dma_start3A_1010 : memref<1x32x64xf32, #tpu.memory_space<vmem>> -> memref<32x64xf32, #tpu.memory_space<vmem>>
      %dma_start3A_1012 = arith.constant 0 : i32
      %dma_start3A_1013 = tpu.memref_slice %arg5[%scan3A_21, %dma_start3A_1007, %dma_start3A_1012] : memref<20x20x32xi32, #tpu.memory_space<vmem>> -> memref<1x1x32xi32, #tpu.memory_space<vmem>>
      %dma_start3A_1014 = tpu.memref_squeeze %dma_start3A_1013 : memref<1x1x32xi32, #tpu.memory_space<vmem>> -> memref<32xi32, #tpu.memory_space<vmem>>
      %dma_start3A_1015 = arith.constant 0 : i32
      %dma_start3A_1016 = arith.constant 0 : i32
      %dma_start3A_1017 = tpu.memref_slice %arg3[%dma_start3A_1015, %dma_start3A_1016] : memref<100002x64xf32, #tpu.memory_space<hbm>> -> memref<100002x64xf32, #tpu.memory_space<hbm>>
      %dma_start3A_1018 = tpu.memref_slice %arg7[%scan3A_21] : memref<20x!tpu.dma_semaphore, #tpu.memory_space<semaphore_mem>> -> memref<1x!tpu.dma_semaphore, #tpu.memory_space<semaphore_mem>>
      %dma_start3A_1019 = tpu.memref_squeeze %dma_start3A_1018 : memref<1x!tpu.dma_semaphore, #tpu.memory_space<semaphore_mem>> -> memref<!tpu.dma_semaphore, #tpu.memory_space<semaphore_mem>>
      tpu.enqueue_indirect_dma source(%dma_start3A_1017 : memref<100002x64xf32, #tpu.memory_space<hbm>>) target(%dma_start3A_1011 : memref<32x64xf32, #tpu.memory_space<vmem>>) offsets(%dma_start3A_1014 : memref<32xi32, #tpu.memory_space<vmem>>) semaphore(%dma_start3A_1019 : memref<!tpu.dma_semaphore, #tpu.memory_space<semaphore_mem>>) {add = true}
      %dma_start3A_1020 = arith.constant 8 : i32
      %dma_start3A_1021 = arith.constant 0 : i32
      %dma_start3A_1022 = arith.constant 0 : i32
      %dma_start3A_1023 = tpu.memref_slice %arg6[%scan3A_21, %dma_start3A_1021, %dma_start3A_1022] : memref<20x32x64xf32, #tpu.memory_space<vmem>> -> memref<1x32x64xf32, #tpu.memory_space<vmem>>
      %dma_start3A_1024 = tpu.memref_squeeze %dma_start3A_1023 : memref<1x32x64xf32, #tpu.memory_space<vmem>> -> memref<32x64xf32, #tpu.memory_space<vmem>>
      %dma_start3A_1025 = arith.constant 0 : i32
      %dma_start3A_1026 = tpu.memref_slice %arg5[%scan3A_21, %dma_start3A_1020, %dma_start3A_1025] : memref<20x20x32xi32, #tpu.memory_space<vmem>> -> memref<1x1x32xi32, #tpu.memory_space<vmem>>
      %dma_start3A_1027 = tpu.memref_squeeze %dma_start3A_1026 : memref<1x1x32xi32, #tpu.memory_space<vmem>> -> memref<32xi32, #tpu.memory_space<vmem>>
      %dma_start3A_1028 = arith.constant 0 : i32
      %dma_start3A_1029 = arith.constant 0 : i32
      %dma_start3A_1030 = tpu.memref_slice %arg3[%dma_start3A_1028, %dma_start3A_1029] : memref<100002x64xf32, #tpu.memory_space<hbm>> -> memref<100002x64xf32, #tpu.memory_space<hbm>>
      %dma_start3A_1031 = tpu.memref_slice %arg7[%scan3A_21] : memref<20x!tpu.dma_semaphore, #tpu.memory_space<semaphore_mem>> -> memref<1x!tpu.dma_semaphore, #tpu.memory_space<semaphore_mem>>
      %dma_start3A_1032 = tpu.memref_squeeze %dma_start3A_1031 : memref<1x!tpu.dma_semaphore, #tpu.memory_space<semaphore_mem>> -> memref<!tpu.dma_semaphore, #tpu.memory_space<semaphore_mem>>
      tpu.enqueue_indirect_dma source(%dma_start3A_1030 : memref<100002x64xf32, #tpu.memory_space<hbm>>) target(%dma_start3A_1024 : memref<32x64xf32, #tpu.memory_space<vmem>>) offsets(%dma_start3A_1027 : memref<32xi32, #tpu.memory_space<vmem>>) semaphore(%dma_start3A_1032 : memref<!tpu.dma_semaphore, #tpu.memory_space<semaphore_mem>>) {add = true}
      %dma_start3A_1033 = arith.constant 9 : i32
      %dma_start3A_1034 = arith.constant 0 : i32
      %dma_start3A_1035 = arith.constant 0 : i32
      %dma_start3A_1036 = tpu.memref_slice %arg6[%scan3A_21, %dma_start3A_1034, %dma_start3A_1035] : memref<20x32x64xf32, #tpu.memory_space<vmem>> -> memref<1x32x64xf32, #tpu.memory_space<vmem>>
      %dma_start3A_1037 = tpu.memref_squeeze %dma_start3A_1036 : memref<1x32x64xf32, #tpu.memory_space<vmem>> -> memref<32x64xf32, #tpu.memory_space<vmem>>
      %dma_start3A_1038 = arith.constant 0 : i32
      %dma_start3A_1039 = tpu.memref_slice %arg5[%scan3A_21, %dma_start3A_1033, %dma_start3A_1038] : memref<20x20x32xi32, #tpu.memory_space<vmem>> -> memref<1x1x32xi32, #tpu.memory_space<vmem>>
      %dma_start3A_1040 = tpu.memref_squeeze %dma_start3A_1039 : memref<1x1x32xi32, #tpu.memory_space<vmem>> -> memref<32xi32, #tpu.memory_space<vmem>>
      %dma_start3A_1041 = arith.constant 0 : i32
      %dma_start3A_1042 = arith.constant 0 : i32
      %dma_start3A_1043 = tpu.memref_slice %arg3[%dma_start3A_1041, %dma_start3A_1042] : memref<100002x64xf32, #tpu.memory_space<hbm>> -> memref<100002x64xf32, #tpu.memory_space<hbm>>
      %dma_start3A_1044 = tpu.memref_slice %arg7[%scan3A_21] : memref<20x!tpu.dma_semaphore, #tpu.memory_space<semaphore_mem>> -> memref<1x!tpu.dma_semaphore, #tpu.memory_space<semaphore_mem>>
      %dma_start3A_1045 = tpu.memref_squeeze %dma_start3A_1044 : memref<1x!tpu.dma_semaphore, #tpu.memory_space<semaphore_mem>> -> memref<!tpu.dma_semaphore, #tpu.memory_space<semaphore_mem>>
      tpu.enqueue_indirect_dma source(%dma_start3A_1043 : memref<100002x64xf32, #tpu.memory_space<hbm>>) target(%dma_start3A_1037 : memref<32x64xf32, #tpu.memory_space<vmem>>) offsets(%dma_start3A_1040 : memref<32xi32, #tpu.memory_space<vmem>>) semaphore(%dma_start3A_1045 : memref<!tpu.dma_semaphore, #tpu.memory_space<semaphore_mem>>) {add = true}
      %dma_start3A_1046 = arith.constant 10 : i32
      %dma_start3A_1047 = arith.constant 0 : i32
      %dma_start3A_1048 = arith.constant 0 : i32
      %dma_start3A_1049 = tpu.memref_slice %arg6[%scan3A_21, %dma_start3A_1047, %dma_start3A_1048] : memref<20x32x64xf32, #tpu.memory_space<vmem>> -> memref<1x32x64xf32, #tpu.memory_space<vmem>>
      %dma_start3A_1050 = tpu.memref_squeeze %dma_start3A_1049 : memref<1x32x64xf32, #tpu.memory_space<vmem>> -> memref<32x64xf32, #tpu.memory_space<vmem>>
      %dma_start3A_1051 = arith.constant 0 : i32
      %dma_start3A_1052 = tpu.memref_slice %arg5[%scan3A_21, %dma_start3A_1046, %dma_start3A_1051] : memref<20x20x32xi32, #tpu.memory_space<vmem>> -> memref<1x1x32xi32, #tpu.memory_space<vmem>>
      %dma_start3A_1053 = tpu.memref_squeeze %dma_start3A_1052 : memref<1x1x32xi32, #tpu.memory_space<vmem>> -> memref<32xi32, #tpu.memory_space<vmem>>
      %dma_start3A_1054 = arith.constant 0 : i32
      %dma_start3A_1055 = arith.constant 0 : i32
      %dma_start3A_1056 = tpu.memref_slice %arg3[%dma_start3A_1054, %dma_start3A_1055] : memref<100002x64xf32, #tpu.memory_space<hbm>> -> memref<100002x64xf32, #tpu.memory_space<hbm>>
      %dma_start3A_1057 = tpu.memref_slice %arg7[%scan3A_21] : memref<20x!tpu.dma_semaphore, #tpu.memory_space<semaphore_mem>> -> memref<1x!tpu.dma_semaphore, #tpu.memory_space<semaphore_mem>>
      %dma_start3A_1058 = tpu.memref_squeeze %dma_start3A_1057 : memref<1x!tpu.dma_semaphore, #tpu.memory_space<semaphore_mem>> -> memref<!tpu.dma_semaphore, #tpu.memory_space<semaphore_mem>>
      tpu.enqueue_indirect_dma source(%dma_start3A_1056 : memref<100002x64xf32, #tpu.memory_space<hbm>>) target(%dma_start3A_1050 : memref<32x64xf32, #tpu.memory_space<vmem>>) offsets(%dma_start3A_1053 : memref<32xi32, #tpu.memory_space<vmem>>) semaphore(%dma_start3A_1058 : memref<!tpu.dma_semaphore, #tpu.memory_space<semaphore_mem>>) {add = true}
      %dma_start3A_1059 = arith.constant 11 : i32
      %dma_start3A_1060 = arith.constant 0 : i32
      %dma_start3A_1061 = arith.constant 0 : i32
      %dma_start3A_1062 = tpu.memref_slice %arg6[%scan3A_21, %dma_start3A_1060, %dma_start3A_1061] : memref<20x32x64xf32, #tpu.memory_space<vmem>> -> memref<1x32x64xf32, #tpu.memory_space<vmem>>
      %dma_start3A_1063 = tpu.memref_squeeze %dma_start3A_1062 : memref<1x32x64xf32, #tpu.memory_space<vmem>> -> memref<32x64xf32, #tpu.memory_space<vmem>>
      %dma_start3A_1064 = arith.constant 0 : i32
      %dma_start3A_1065 = tpu.memref_slice %arg5[%scan3A_21, %dma_start3A_1059, %dma_start3A_1064] : memref<20x20x32xi32, #tpu.memory_space<vmem>> -> memref<1x1x32xi32, #tpu.memory_space<vmem>>
      %dma_start3A_1066 = tpu.memref_squeeze %dma_start3A_1065 : memref<1x1x32xi32, #tpu.memory_space<vmem>> -> memref<32xi32, #tpu.memory_space<vmem>>
      %dma_start3A_1067 = arith.constant 0 : i32
      %dma_start3A_1068 = arith.constant 0 : i32
      %dma_start3A_1069 = tpu.memref_slice %arg3[%dma_start3A_1067, %dma_start3A_1068] : memref<100002x64xf32, #tpu.memory_space<hbm>> -> memref<100002x64xf32, #tpu.memory_space<hbm>>
      %dma_start3A_1070 = tpu.memref_slice %arg7[%scan3A_21] : memref<20x!tpu.dma_semaphore, #tpu.memory_space<semaphore_mem>> -> memref<1x!tpu.dma_semaphore, #tpu.memory_space<semaphore_mem>>
      %dma_start3A_1071 = tpu.memref_squeeze %dma_start3A_1070 : memref<1x!tpu.dma_semaphore, #tpu.memory_space<semaphore_mem>> -> memref<!tpu.dma_semaphore, #tpu.memory_space<semaphore_mem>>
      tpu.enqueue_indirect_dma source(%dma_start3A_1069 : memref<100002x64xf32, #tpu.memory_space<hbm>>) target(%dma_start3A_1063 : memref<32x64xf32, #tpu.memory_space<vmem>>) offsets(%dma_start3A_1066 : memref<32xi32, #tpu.memory_space<vmem>>) semaphore(%dma_start3A_1071 : memref<!tpu.dma_semaphore, #tpu.memory_space<semaphore_mem>>) {add = true}
      %dma_start3A_1072 = arith.constant 12 : i32
      %dma_start3A_1073 = arith.constant 0 : i32
      %dma_start3A_1074 = arith.constant 0 : i32
      %dma_start3A_1075 = tpu.memref_slice %arg6[%scan3A_21, %dma_start3A_1073, %dma_start3A_1074] : memref<20x32x64xf32, #tpu.memory_space<vmem>> -> memref<1x32x64xf32, #tpu.memory_space<vmem>>
      %dma_start3A_1076 = tpu.memref_squeeze %dma_start3A_1075 : memref<1x32x64xf32, #tpu.memory_space<vmem>> -> memref<32x64xf32, #tpu.memory_space<vmem>>
      %dma_start3A_1077 = arith.constant 0 : i32
      %dma_start3A_1078 = tpu.memref_slice %arg5[%scan3A_21, %dma_start3A_1072, %dma_start3A_1077] : memref<20x20x32xi32, #tpu.memory_space<vmem>> -> memref<1x1x32xi32, #tpu.memory_space<vmem>>
      %dma_start3A_1079 = tpu.memref_squeeze %dma_start3A_1078 : memref<1x1x32xi32, #tpu.memory_space<vmem>> -> memref<32xi32, #tpu.memory_space<vmem>>
      %dma_start3A_1080 = arith.constant 0 : i32
      %dma_start3A_1081 = arith.constant 0 : i32
      %dma_start3A_1082 = tpu.memref_slice %arg3[%dma_start3A_1080, %dma_start3A_1081] : memref<100002x64xf32, #tpu.memory_space<hbm>> -> memref<100002x64xf32, #tpu.memory_space<hbm>>
      %dma_start3A_1083 = tpu.memref_slice %arg7[%scan3A_21] : memref<20x!tpu.dma_semaphore, #tpu.memory_space<semaphore_mem>> -> memref<1x!tpu.dma_semaphore, #tpu.memory_space<semaphore_mem>>
      %dma_start3A_1084 = tpu.memref_squeeze %dma_start3A_1083 : memref<1x!tpu.dma_semaphore, #tpu.memory_space<semaphore_mem>> -> memref<!tpu.dma_semaphore, #tpu.memory_space<semaphore_mem>>
      tpu.enqueue_indirect_dma source(%dma_start3A_1082 : memref<100002x64xf32, #tpu.memory_space<hbm>>) target(%dma_start3A_1076 : memref<32x64xf32, #tpu.memory_space<vmem>>) offsets(%dma_start3A_1079 : memref<32xi32, #tpu.memory_space<vmem>>) semaphore(%dma_start3A_1084 : memref<!tpu.dma_semaphore, #tpu.memory_space<semaphore_mem>>) {add = true}
      %dma_start3A_1085 = arith.constant 13 : i32
      %dma_start3A_1086 = arith.constant 0 : i32
      %dma_start3A_1087 = arith.constant 0 : i32
      %dma_start3A_1088 = tpu.memref_slice %arg6[%scan3A_21, %dma_start3A_1086, %dma_start3A_1087] : memref<20x32x64xf32, #tpu.memory_space<vmem>> -> memref<1x32x64xf32, #tpu.memory_space<vmem>>
      %dma_start3A_1089 = tpu.memref_squeeze %dma_start3A_1088 : memref<1x32x64xf32, #tpu.memory_space<vmem>> -> memref<32x64xf32, #tpu.memory_space<vmem>>
      %dma_start3A_1090 = arith.constant 0 : i32
      %dma_start3A_1091 = tpu.memref_slice %arg5[%scan3A_21, %dma_start3A_1085, %dma_start3A_1090] : memref<20x20x32xi32, #tpu.memory_space<vmem>> -> memref<1x1x32xi32, #tpu.memory_space<vmem>>
      %dma_start3A_1092 = tpu.memref_squeeze %dma_start3A_1091 : memref<1x1x32xi32, #tpu.memory_space<vmem>> -> memref<32xi32, #tpu.memory_space<vmem>>
      %dma_start3A_1093 = arith.constant 0 : i32
      %dma_start3A_1094 = arith.constant 0 : i32
      %dma_start3A_1095 = tpu.memref_slice %arg3[%dma_start3A_1093, %dma_start3A_1094] : memref<100002x64xf32, #tpu.memory_space<hbm>> -> memref<100002x64xf32, #tpu.memory_space<hbm>>
      %dma_start3A_1096 = tpu.memref_slice %arg7[%scan3A_21] : memref<20x!tpu.dma_semaphore, #tpu.memory_space<semaphore_mem>> -> memref<1x!tpu.dma_semaphore, #tpu.memory_space<semaphore_mem>>
      %dma_start3A_1097 = tpu.memref_squeeze %dma_start3A_1096 : memref<1x!tpu.dma_semaphore, #tpu.memory_space<semaphore_mem>> -> memref<!tpu.dma_semaphore, #tpu.memory_space<semaphore_mem>>
      tpu.enqueue_indirect_dma source(%dma_start3A_1095 : memref<100002x64xf32, #tpu.memory_space<hbm>>) target(%dma_start3A_1089 : memref<32x64xf32, #tpu.memory_space<vmem>>) offsets(%dma_start3A_1092 : memref<32xi32, #tpu.memory_space<vmem>>) semaphore(%dma_start3A_1097 : memref<!tpu.dma_semaphore, #tpu.memory_space<semaphore_mem>>) {add = true}
      %dma_start3A_1098 = arith.constant 14 : i32
      %dma_start3A_1099 = arith.constant 0 : i32
      %dma_start3A_1100 = arith.constant 0 : i32
      %dma_start3A_1101 = tpu.memref_slice %arg6[%scan3A_21, %dma_start3A_1099, %dma_start3A_1100] : memref<20x32x64xf32, #tpu.memory_space<vmem>> -> memref<1x32x64xf32, #tpu.memory_space<vmem>>
      %dma_start3A_1102 = tpu.memref_squeeze %dma_start3A_1101 : memref<1x32x64xf32, #tpu.memory_space<vmem>> -> memref<32x64xf32, #tpu.memory_space<vmem>>
      %dma_start3A_1103 = arith.constant 0 : i32
      %dma_start3A_1104 = tpu.memref_slice %arg5[%scan3A_21, %dma_start3A_1098, %dma_start3A_1103] : memref<20x20x32xi32, #tpu.memory_space<vmem>> -> memref<1x1x32xi32, #tpu.memory_space<vmem>>
      %dma_start3A_1105 = tpu.memref_squeeze %dma_start3A_1104 : memref<1x1x32xi32, #tpu.memory_space<vmem>> -> memref<32xi32, #tpu.memory_space<vmem>>
      %dma_start3A_1106 = arith.constant 0 : i32
      %dma_start3A_1107 = arith.constant 0 : i32
      %dma_start3A_1108 = tpu.memref_slice %arg3[%dma_start3A_1106, %dma_start3A_1107] : memref<100002x64xf32, #tpu.memory_space<hbm>> -> memref<100002x64xf32, #tpu.memory_space<hbm>>
      %dma_start3A_1109 = tpu.memref_slice %arg7[%scan3A_21] : memref<20x!tpu.dma_semaphore, #tpu.memory_space<semaphore_mem>> -> memref<1x!tpu.dma_semaphore, #tpu.memory_space<semaphore_mem>>
      %dma_start3A_1110 = tpu.memref_squeeze %dma_start3A_1109 : memref<1x!tpu.dma_semaphore, #tpu.memory_space<semaphore_mem>> -> memref<!tpu.dma_semaphore, #tpu.memory_space<semaphore_mem>>
      tpu.enqueue_indirect_dma source(%dma_start3A_1108 : memref<100002x64xf32, #tpu.memory_space<hbm>>) target(%dma_start3A_1102 : memref<32x64xf32, #tpu.memory_space<vmem>>) offsets(%dma_start3A_1105 : memref<32xi32, #tpu.memory_space<vmem>>) semaphore(%dma_start3A_1110 : memref<!tpu.dma_semaphore, #tpu.memory_space<semaphore_mem>>) {add = true}
      %dma_start3A_1111 = arith.constant 15 : i32
      %dma_start3A_1112 = arith.constant 0 : i32
      %dma_start3A_1113 = arith.constant 0 : i32
      %dma_start3A_1114 = tpu.memref_slice %arg6[%scan3A_21, %dma_start3A_1112, %dma_start3A_1113] : memref<20x32x64xf32, #tpu.memory_space<vmem>> -> memref<1x32x64xf32, #tpu.memory_space<vmem>>
      %dma_start3A_1115 = tpu.memref_squeeze %dma_start3A_1114 : memref<1x32x64xf32, #tpu.memory_space<vmem>> -> memref<32x64xf32, #tpu.memory_space<vmem>>
      %dma_start3A_1116 = arith.constant 0 : i32
      %dma_start3A_1117 = tpu.memref_slice %arg5[%scan3A_21, %dma_start3A_1111, %dma_start3A_1116] : memref<20x20x32xi32, #tpu.memory_space<vmem>> -> memref<1x1x32xi32, #tpu.memory_space<vmem>>
      %dma_start3A_1118 = tpu.memref_squeeze %dma_start3A_1117 : memref<1x1x32xi32, #tpu.memory_space<vmem>> -> memref<32xi32, #tpu.memory_space<vmem>>
      %dma_start3A_1119 = arith.constant 0 : i32
      %dma_start3A_1120 = arith.constant 0 : i32
      %dma_start3A_1121 = tpu.memref_slice %arg3[%dma_start3A_1119, %dma_start3A_1120] : memref<100002x64xf32, #tpu.memory_space<hbm>> -> memref<100002x64xf32, #tpu.memory_space<hbm>>
      %dma_start3A_1122 = tpu.memref_slice %arg7[%scan3A_21] : memref<20x!tpu.dma_semaphore, #tpu.memory_space<semaphore_mem>> -> memref<1x!tpu.dma_semaphore, #tpu.memory_space<semaphore_mem>>
      %dma_start3A_1123 = tpu.memref_squeeze %dma_start3A_1122 : memref<1x!tpu.dma_semaphore, #tpu.memory_space<semaphore_mem>> -> memref<!tpu.dma_semaphore, #tpu.memory_space<semaphore_mem>>
      tpu.enqueue_indirect_dma source(%dma_start3A_1121 : memref<100002x64xf32, #tpu.memory_space<hbm>>) target(%dma_start3A_1115 : memref<32x64xf32, #tpu.memory_space<vmem>>) offsets(%dma_start3A_1118 : memref<32xi32, #tpu.memory_space<vmem>>) semaphore(%dma_start3A_1123 : memref<!tpu.dma_semaphore, #tpu.memory_space<semaphore_mem>>) {add = true}
      %dma_start3A_1124 = arith.constant 16 : i32
      %dma_start3A_1125 = arith.constant 0 : i32
      %dma_start3A_1126 = arith.constant 0 : i32
      %dma_start3A_1127 = tpu.memref_slice %arg6[%scan3A_21, %dma_start3A_1125, %dma_start3A_1126] : memref<20x32x64xf32, #tpu.memory_space<vmem>> -> memref<1x32x64xf32, #tpu.memory_space<vmem>>
      %dma_start3A_1128 = tpu.memref_squeeze %dma_start3A_1127 : memref<1x32x64xf32, #tpu.memory_space<vmem>> -> memref<32x64xf32, #tpu.memory_space<vmem>>
      %dma_start3A_1129 = arith.constant 0 : i32
      %dma_start3A_1130 = tpu.memref_slice %arg5[%scan3A_21, %dma_start3A_1124, %dma_start3A_1129] : memref<20x20x32xi32, #tpu.memory_space<vmem>> -> memref<1x1x32xi32, #tpu.memory_space<vmem>>
      %dma_start3A_1131 = tpu.memref_squeeze %dma_start3A_1130 : memref<1x1x32xi32, #tpu.memory_space<vmem>> -> memref<32xi32, #tpu.memory_space<vmem>>
      %dma_start3A_1132 = arith.constant 0 : i32
      %dma_start3A_1133 = arith.constant 0 : i32
      %dma_start3A_1134 = tpu.memref_slice %arg3[%dma_start3A_1132, %dma_start3A_1133] : memref<100002x64xf32, #tpu.memory_space<hbm>> -> memref<100002x64xf32, #tpu.memory_space<hbm>>
      %dma_start3A_1135 = tpu.memref_slice %arg7[%scan3A_21] : memref<20x!tpu.dma_semaphore, #tpu.memory_space<semaphore_mem>> -> memref<1x!tpu.dma_semaphore, #tpu.memory_space<semaphore_mem>>
      %dma_start3A_1136 = tpu.memref_squeeze %dma_start3A_1135 : memref<1x!tpu.dma_semaphore, #tpu.memory_space<semaphore_mem>> -> memref<!tpu.dma_semaphore, #tpu.memory_space<semaphore_mem>>
      tpu.enqueue_indirect_dma source(%dma_start3A_1134 : memref<100002x64xf32, #tpu.memory_space<hbm>>) target(%dma_start3A_1128 : memref<32x64xf32, #tpu.memory_space<vmem>>) offsets(%dma_start3A_1131 : memref<32xi32, #tpu.memory_space<vmem>>) semaphore(%dma_start3A_1136 : memref<!tpu.dma_semaphore, #tpu.memory_space<semaphore_mem>>) {add = true}
      %dma_start3A_1137 = arith.constant 17 : i32
      %dma_start3A_1138 = arith.constant 0 : i32
      %dma_start3A_1139 = arith.constant 0 : i32
      %dma_start3A_1140 = tpu.memref_slice %arg6[%scan3A_21, %dma_start3A_1138, %dma_start3A_1139] : memref<20x32x64xf32, #tpu.memory_space<vmem>> -> memref<1x32x64xf32, #tpu.memory_space<vmem>>
      %dma_start3A_1141 = tpu.memref_squeeze %dma_start3A_1140 : memref<1x32x64xf32, #tpu.memory_space<vmem>> -> memref<32x64xf32, #tpu.memory_space<vmem>>
      %dma_start3A_1142 = arith.constant 0 : i32
      %dma_start3A_1143 = tpu.memref_slice %arg5[%scan3A_21, %dma_start3A_1137, %dma_start3A_1142] : memref<20x20x32xi32, #tpu.memory_space<vmem>> -> memref<1x1x32xi32, #tpu.memory_space<vmem>>
      %dma_start3A_1144 = tpu.memref_squeeze %dma_start3A_1143 : memref<1x1x32xi32, #tpu.memory_space<vmem>> -> memref<32xi32, #tpu.memory_space<vmem>>
      %dma_start3A_1145 = arith.constant 0 : i32
      %dma_start3A_1146 = arith.constant 0 : i32
      %dma_start3A_1147 = tpu.memref_slice %arg3[%dma_start3A_1145, %dma_start3A_1146] : memref<100002x64xf32, #tpu.memory_space<hbm>> -> memref<100002x64xf32, #tpu.memory_space<hbm>>
      %dma_start3A_1148 = tpu.memref_slice %arg7[%scan3A_21] : memref<20x!tpu.dma_semaphore, #tpu.memory_space<semaphore_mem>> -> memref<1x!tpu.dma_semaphore, #tpu.memory_space<semaphore_mem>>
      %dma_start3A_1149 = tpu.memref_squeeze %dma_start3A_1148 : memref<1x!tpu.dma_semaphore, #tpu.memory_space<semaphore_mem>> -> memref<!tpu.dma_semaphore, #tpu.memory_space<semaphore_mem>>
      tpu.enqueue_indirect_dma source(%dma_start3A_1147 : memref<100002x64xf32, #tpu.memory_space<hbm>>) target(%dma_start3A_1141 : memref<32x64xf32, #tpu.memory_space<vmem>>) offsets(%dma_start3A_1144 : memref<32xi32, #tpu.memory_space<vmem>>) semaphore(%dma_start3A_1149 : memref<!tpu.dma_semaphore, #tpu.memory_space<semaphore_mem>>) {add = true}
      %dma_start3A_1150 = arith.constant 18 : i32
      %dma_start3A_1151 = arith.constant 0 : i32
      %dma_start3A_1152 = arith.constant 0 : i32
      %dma_start3A_1153 = tpu.memref_slice %arg6[%scan3A_21, %dma_start3A_1151, %dma_start3A_1152] : memref<20x32x64xf32, #tpu.memory_space<vmem>> -> memref<1x32x64xf32, #tpu.memory_space<vmem>>
      %dma_start3A_1154 = tpu.memref_squeeze %dma_start3A_1153 : memref<1x32x64xf32, #tpu.memory_space<vmem>> -> memref<32x64xf32, #tpu.memory_space<vmem>>
      %dma_start3A_1155 = arith.constant 0 : i32
      %dma_start3A_1156 = tpu.memref_slice %arg5[%scan3A_21, %dma_start3A_1150, %dma_start3A_1155] : memref<20x20x32xi32, #tpu.memory_space<vmem>> -> memref<1x1x32xi32, #tpu.memory_space<vmem>>
      %dma_start3A_1157 = tpu.memref_squeeze %dma_start3A_1156 : memref<1x1x32xi32, #tpu.memory_space<vmem>> -> memref<32xi32, #tpu.memory_space<vmem>>
      %dma_start3A_1158 = arith.constant 0 : i32
      %dma_start3A_1159 = arith.constant 0 : i32
      %dma_start3A_1160 = tpu.memref_slice %arg3[%dma_start3A_1158, %dma_start3A_1159] : memref<100002x64xf32, #tpu.memory_space<hbm>> -> memref<100002x64xf32, #tpu.memory_space<hbm>>
      %dma_start3A_1161 = tpu.memref_slice %arg7[%scan3A_21] : memref<20x!tpu.dma_semaphore, #tpu.memory_space<semaphore_mem>> -> memref<1x!tpu.dma_semaphore, #tpu.memory_space<semaphore_mem>>
      %dma_start3A_1162 = tpu.memref_squeeze %dma_start3A_1161 : memref<1x!tpu.dma_semaphore, #tpu.memory_space<semaphore_mem>> -> memref<!tpu.dma_semaphore, #tpu.memory_space<semaphore_mem>>
      tpu.enqueue_indirect_dma source(%dma_start3A_1160 : memref<100002x64xf32, #tpu.memory_space<hbm>>) target(%dma_start3A_1154 : memref<32x64xf32, #tpu.memory_space<vmem>>) offsets(%dma_start3A_1157 : memref<32xi32, #tpu.memory_space<vmem>>) semaphore(%dma_start3A_1162 : memref<!tpu.dma_semaphore, #tpu.memory_space<semaphore_mem>>) {add = true}
      %dma_start3A_1163 = arith.constant 19 : i32
      %dma_start3A_1164 = arith.constant 0 : i32
      %dma_start3A_1165 = arith.constant 0 : i32
      %dma_start3A_1166 = tpu.memref_slice %arg6[%scan3A_21, %dma_start3A_1164, %dma_start3A_1165] : memref<20x32x64xf32, #tpu.memory_space<vmem>> -> memref<1x32x64xf32, #tpu.memory_space<vmem>>
      %dma_start3A_1167 = tpu.memref_squeeze %dma_start3A_1166 : memref<1x32x64xf32, #tpu.memory_space<vmem>> -> memref<32x64xf32, #tpu.memory_space<vmem>>
      %dma_start3A_1168 = arith.constant 0 : i32
      %dma_start3A_1169 = tpu.memref_slice %arg5[%scan3A_21, %dma_start3A_1163, %dma_start3A_1168] : memref<20x20x32xi32, #tpu.memory_space<vmem>> -> memref<1x1x32xi32, #tpu.memory_space<vmem>>
      %dma_start3A_1170 = tpu.memref_squeeze %dma_start3A_1169 : memref<1x1x32xi32, #tpu.memory_space<vmem>> -> memref<32xi32, #tpu.memory_space<vmem>>
      %dma_start3A_1171 = arith.constant 0 : i32
      %dma_start3A_1172 = arith.constant 0 : i32
      %dma_start3A_1173 = tpu.memref_slice %arg3[%dma_start3A_1171, %dma_start3A_1172] : memref<100002x64xf32, #tpu.memory_space<hbm>> -> memref<100002x64xf32, #tpu.memory_space<hbm>>
      %dma_start3A_1174 = tpu.memref_slice %arg7[%scan3A_21] : memref<20x!tpu.dma_semaphore, #tpu.memory_space<semaphore_mem>> -> memref<1x!tpu.dma_semaphore, #tpu.memory_space<semaphore_mem>>
      %dma_start3A_1175 = tpu.memref_squeeze %dma_start3A_1174 : memref<1x!tpu.dma_semaphore, #tpu.memory_space<semaphore_mem>> -> memref<!tpu.dma_semaphore, #tpu.memory_space<semaphore_mem>>
      tpu.enqueue_indirect_dma source(%dma_start3A_1173 : memref<100002x64xf32, #tpu.memory_space<hbm>>) target(%dma_start3A_1167 : memref<32x64xf32, #tpu.memory_space<vmem>>) offsets(%dma_start3A_1170 : memref<32xi32, #tpu.memory_space<vmem>>) semaphore(%dma_start3A_1175 : memref<!tpu.dma_semaphore, #tpu.memory_space<semaphore_mem>>) {add = true}
    }
    %scan3A_8 = arith.constant 20 : i32
    %scan3A_9 = arith.constant 0 : i32
    %scan3A_10 = arith.constant 0 : i32
    %scan3A_11 = arith.constant 20 : i32
    %scan3A_12 = arith.addi %scan3A_10, %scan3A_11 : i32
    %scan3A_13 = arith.constant 1 : i32
    scf.for %scan3A_21 = %scan3A_10 to %scan3A_12 step %scan3A_13  : i32 {
      %dma_wait3A = arith.constant 0 : i32
      %dma_wait3A_22 = arith.constant 0 : i32
      %dma_wait3A_23 = arith.constant 0 : i32
      %dma_wait3A_24 = arith.constant 0 : i32
      %dma_wait3A_25 = arith.constant 0 : i32
      %dma_wait3A_26 = tpu.memref_slice %arg6[%dma_wait3A_23, %dma_wait3A_24, %dma_wait3A_25] : memref<20x32x64xf32, #tpu.memory_space<vmem>> -> memref<1x32x64xf32, #tpu.memory_space<vmem>>
      %dma_wait3A_27 = tpu.memref_squeeze %dma_wait3A_26 : memref<1x32x64xf32, #tpu.memory_space<vmem>> -> memref<32x64xf32, #tpu.memory_space<vmem>>
      %dma_wait3A_28 = arith.constant 0 : i32
      %dma_wait3A_29 = tpu.memref_slice %arg5[%dma_wait3A, %dma_wait3A_22, %dma_wait3A_28] : memref<20x20x32xi32, #tpu.memory_space<vmem>> -> memref<1x1x32xi32, #tpu.memory_space<vmem>>
      %dma_wait3A_30 = tpu.memref_squeeze %dma_wait3A_29 : memref<1x1x32xi32, #tpu.memory_space<vmem>> -> memref<32xi32, #tpu.memory_space<vmem>>
      %dma_wait3A_31 = arith.constant 0 : i32
      %dma_wait3A_32 = arith.constant 0 : i32
      %dma_wait3A_33 = tpu.memref_slice %arg3[%dma_wait3A_31, %dma_wait3A_32] : memref<100002x64xf32, #tpu.memory_space<hbm>> -> memref<100002x64xf32, #tpu.memory_space<hbm>>
      %dma_wait3A_34 = tpu.memref_slice %arg7[%scan3A_21] : memref<20x!tpu.dma_semaphore, #tpu.memory_space<semaphore_mem>> -> memref<1x!tpu.dma_semaphore, #tpu.memory_space<semaphore_mem>>
      %dma_wait3A_35 = tpu.memref_squeeze %dma_wait3A_34 : memref<1x!tpu.dma_semaphore, #tpu.memory_space<semaphore_mem>> -> memref<!tpu.dma_semaphore, #tpu.memory_space<semaphore_mem>>
      tpu.wait_indirect_dma semaphore(%dma_wait3A_35 : memref<!tpu.dma_semaphore, #tpu.memory_space<semaphore_mem>>) src(%dma_wait3A_33 : memref<100002x64xf32, #tpu.memory_space<hbm>>) dst(%dma_wait3A_27 : memref<32x64xf32, #tpu.memory_space<vmem>>)
      %dma_wait3A_36 = arith.constant 0 : i32
      %dma_wait3A_37 = arith.constant 0 : i32
      %dma_wait3A_38 = arith.constant 0 : i32
      %dma_wait3A_39 = arith.constant 0 : i32
      %dma_wait3A_40 = arith.constant 0 : i32
      %dma_wait3A_41 = tpu.memref_slice %arg6[%dma_wait3A_38, %dma_wait3A_39, %dma_wait3A_40] : memref<20x32x64xf32, #tpu.memory_space<vmem>> -> memref<1x32x64xf32, #tpu.memory_space<vmem>>
      %dma_wait3A_42 = tpu.memref_squeeze %dma_wait3A_41 : memref<1x32x64xf32, #tpu.memory_space<vmem>> -> memref<32x64xf32, #tpu.memory_space<vmem>>
      %dma_wait3A_43 = arith.constant 0 : i32
      %dma_wait3A_44 = tpu.memref_slice %arg5[%dma_wait3A_36, %dma_wait3A_37, %dma_wait3A_43] : memref<20x20x32xi32, #tpu.memory_space<vmem>> -> memref<1x1x32xi32, #tpu.memory_space<vmem>>
      %dma_wait3A_45 = tpu.memref_squeeze %dma_wait3A_44 : memref<1x1x32xi32, #tpu.memory_space<vmem>> -> memref<32xi32, #tpu.memory_space<vmem>>
      %dma_wait3A_46 = arith.constant 0 : i32
      %dma_wait3A_47 = arith.constant 0 : i32
      %dma_wait3A_48 = tpu.memref_slice %arg3[%dma_wait3A_46, %dma_wait3A_47] : memref<100002x64xf32, #tpu.memory_space<hbm>> -> memref<100002x64xf32, #tpu.memory_space<hbm>>
      %dma_wait3A_49 = tpu.memref_slice %arg7[%scan3A_21] : memref<20x!tpu.dma_semaphore, #tpu.memory_space<semaphore_mem>> -> memref<1x!tpu.dma_semaphore, #tpu.memory_space<semaphore_mem>>
      %dma_wait3A_50 = tpu.memref_squeeze %dma_wait3A_49 : memref<1x!tpu.dma_semaphore, #tpu.memory_space<semaphore_mem>> -> memref<!tpu.dma_semaphore, #tpu.memory_space<semaphore_mem>>
      tpu.wait_indirect_dma semaphore(%dma_wait3A_50 : memref<!tpu.dma_semaphore, #tpu.memory_space<semaphore_mem>>) src(%dma_wait3A_48 : memref<100002x64xf32, #tpu.memory_space<hbm>>) dst(%dma_wait3A_42 : memref<32x64xf32, #tpu.memory_space<vmem>>)
      %dma_wait3A_51 = arith.constant 0 : i32
      %dma_wait3A_52 = arith.constant 0 : i32
      %dma_wait3A_53 = arith.constant 0 : i32
      %dma_wait3A_54 = arith.constant 0 : i32
      %dma_wait3A_55 = arith.constant 0 : i32
      %dma_wait3A_56 = tpu.memref_slice %arg6[%dma_wait3A_53, %dma_wait3A_54, %dma_wait3A_55] : memref<20x32x64xf32, #tpu.memory_space<vmem>> -> memref<1x32x64xf32, #tpu.memory_space<vmem>>
      %dma_wait3A_57 = tpu.memref_squeeze %dma_wait3A_56 : memref<1x32x64xf32, #tpu.memory_space<vmem>> -> memref<32x64xf32, #tpu.memory_space<vmem>>
      %dma_wait3A_58 = arith.constant 0 : i32
      %dma_wait3A_59 = tpu.memref_slice %arg5[%dma_wait3A_51, %dma_wait3A_52, %dma_wait3A_58] : memref<20x20x32xi32, #tpu.memory_space<vmem>> -> memref<1x1x32xi32, #tpu.memory_space<vmem>>
      %dma_wait3A_60 = tpu.memref_squeeze %dma_wait3A_59 : memref<1x1x32xi32, #tpu.memory_space<vmem>> -> memref<32xi32, #tpu.memory_space<vmem>>
      %dma_wait3A_61 = arith.constant 0 : i32
      %dma_wait3A_62 = arith.constant 0 : i32
      %dma_wait3A_63 = tpu.memref_slice %arg3[%dma_wait3A_61, %dma_wait3A_62] : memref<100002x64xf32, #tpu.memory_space<hbm>> -> memref<100002x64xf32, #tpu.memory_space<hbm>>
      %dma_wait3A_64 = tpu.memref_slice %arg7[%scan3A_21] : memref<20x!tpu.dma_semaphore, #tpu.memory_space<semaphore_mem>> -> memref<1x!tpu.dma_semaphore, #tpu.memory_space<semaphore_mem>>
      %dma_wait3A_65 = tpu.memref_squeeze %dma_wait3A_64 : memref<1x!tpu.dma_semaphore, #tpu.memory_space<semaphore_mem>> -> memref<!tpu.dma_semaphore, #tpu.memory_space<semaphore_mem>>
      tpu.wait_indirect_dma semaphore(%dma_wait3A_65 : memref<!tpu.dma_semaphore, #tpu.memory_space<semaphore_mem>>) src(%dma_wait3A_63 : memref<100002x64xf32, #tpu.memory_space<hbm>>) dst(%dma_wait3A_57 : memref<32x64xf32, #tpu.memory_space<vmem>>)
      %dma_wait3A_66 = arith.constant 0 : i32
      %dma_wait3A_67 = arith.constant 0 : i32
      %dma_wait3A_68 = arith.constant 0 : i32
      %dma_wait3A_69 = arith.constant 0 : i32
      %dma_wait3A_70 = arith.constant 0 : i32
      %dma_wait3A_71 = tpu.memref_slice %arg6[%dma_wait3A_68, %dma_wait3A_69, %dma_wait3A_70] : memref<20x32x64xf32, #tpu.memory_space<vmem>> -> memref<1x32x64xf32, #tpu.memory_space<vmem>>
      %dma_wait3A_72 = tpu.memref_squeeze %dma_wait3A_71 : memref<1x32x64xf32, #tpu.memory_space<vmem>> -> memref<32x64xf32, #tpu.memory_space<vmem>>
      %dma_wait3A_73 = arith.constant 0 : i32
      %dma_wait3A_74 = tpu.memref_slice %arg5[%dma_wait3A_66, %dma_wait3A_67, %dma_wait3A_73] : memref<20x20x32xi32, #tpu.memory_space<vmem>> -> memref<1x1x32xi32, #tpu.memory_space<vmem>>
      %dma_wait3A_75 = tpu.memref_squeeze %dma_wait3A_74 : memref<1x1x32xi32, #tpu.memory_space<vmem>> -> memref<32xi32, #tpu.memory_space<vmem>>
      %dma_wait3A_76 = arith.constant 0 : i32
      %dma_wait3A_77 = arith.constant 0 : i32
      %dma_wait3A_78 = tpu.memref_slice %arg3[%dma_wait3A_76, %dma_wait3A_77] : memref<100002x64xf32, #tpu.memory_space<hbm>> -> memref<100002x64xf32, #tpu.memory_space<hbm>>
      %dma_wait3A_79 = tpu.memref_slice %arg7[%scan3A_21] : memref<20x!tpu.dma_semaphore, #tpu.memory_space<semaphore_mem>> -> memref<1x!tpu.dma_semaphore, #tpu.memory_space<semaphore_mem>>
      %dma_wait3A_80 = tpu.memref_squeeze %dma_wait3A_79 : memref<1x!tpu.dma_semaphore, #tpu.memory_space<semaphore_mem>> -> memref<!tpu.dma_semaphore, #tpu.memory_space<semaphore_mem>>
      tpu.wait_indirect_dma semaphore(%dma_wait3A_80 : memref<!tpu.dma_semaphore, #tpu.memory_space<semaphore_mem>>) src(%dma_wait3A_78 : memref<100002x64xf32, #tpu.memory_space<hbm>>) dst(%dma_wait3A_72 : memref<32x64xf32, #tpu.memory_space<vmem>>)
      %dma_wait3A_81 = arith.constant 0 : i32
      %dma_wait3A_82 = arith.constant 0 : i32
      %dma_wait3A_83 = arith.constant 0 : i32
      %dma_wait3A_84 = arith.constant 0 : i32
      %dma_wait3A_85 = arith.constant 0 : i32
      %dma_wait3A_86 = tpu.memref_slice %arg6[%dma_wait3A_83, %dma_wait3A_84, %dma_wait3A_85] : memref<20x32x64xf32, #tpu.memory_space<vmem>> -> memref<1x32x64xf32, #tpu.memory_space<vmem>>
      %dma_wait3A_87 = tpu.memref_squeeze %dma_wait3A_86 : memref<1x32x64xf32, #tpu.memory_space<vmem>> -> memref<32x64xf32, #tpu.memory_space<vmem>>
      %dma_wait3A_88 = arith.constant 0 : i32
      %dma_wait3A_89 = tpu.memref_slice %arg5[%dma_wait3A_81, %dma_wait3A_82, %dma_wait3A_88] : memref<20x20x32xi32, #tpu.memory_space<vmem>> -> memref<1x1x32xi32, #tpu.memory_space<vmem>>
      %dma_wait3A_90 = tpu.memref_squeeze %dma_wait3A_89 : memref<1x1x32xi32, #tpu.memory_space<vmem>> -> memref<32xi32, #tpu.memory_space<vmem>>
      %dma_wait3A_91 = arith.constant 0 : i32
      %dma_wait3A_92 = arith.constant 0 : i32
      %dma_wait3A_93 = tpu.memref_slice %arg3[%dma_wait3A_91, %dma_wait3A_92] : memref<100002x64xf32, #tpu.memory_space<hbm>> -> memref<100002x64xf32, #tpu.memory_space<hbm>>
      %dma_wait3A_94 = tpu.memref_slice %arg7[%scan3A_21] : memref<20x!tpu.dma_semaphore, #tpu.memory_space<semaphore_mem>> -> memref<1x!tpu.dma_semaphore, #tpu.memory_space<semaphore_mem>>
      %dma_wait3A_95 = tpu.memref_squeeze %dma_wait3A_94 : memref<1x!tpu.dma_semaphore, #tpu.memory_space<semaphore_mem>> -> memref<!tpu.dma_semaphore, #tpu.memory_space<semaphore_mem>>
      tpu.wait_indirect_dma semaphore(%dma_wait3A_95 : memref<!tpu.dma_semaphore, #tpu.memory_space<semaphore_mem>>) src(%dma_wait3A_93 : memref<100002x64xf32, #tpu.memory_space<hbm>>) dst(%dma_wait3A_87 : memref<32x64xf32, #tpu.memory_space<vmem>>)
      %dma_wait3A_96 = arith.constant 0 : i32
      %dma_wait3A_97 = arith.constant 0 : i32
      %dma_wait3A_98 = arith.constant 0 : i32
      %dma_wait3A_99 = arith.constant 0 : i32
      %dma_wait3A_100 = arith.constant 0 : i32
      %dma_wait3A_101 = tpu.memref_slice %arg6[%dma_wait3A_98, %dma_wait3A_99, %dma_wait3A_100] : memref<20x32x64xf32, #tpu.memory_space<vmem>> -> memref<1x32x64xf32, #tpu.memory_space<vmem>>
      %dma_wait3A_102 = tpu.memref_squeeze %dma_wait3A_101 : memref<1x32x64xf32, #tpu.memory_space<vmem>> -> memref<32x64xf32, #tpu.memory_space<vmem>>
      %dma_wait3A_103 = arith.constant 0 : i32
      %dma_wait3A_104 = tpu.memref_slice %arg5[%dma_wait3A_96, %dma_wait3A_97, %dma_wait3A_103] : memref<20x20x32xi32, #tpu.memory_space<vmem>> -> memref<1x1x32xi32, #tpu.memory_space<vmem>>
      %dma_wait3A_105 = tpu.memref_squeeze %dma_wait3A_104 : memref<1x1x32xi32, #tpu.memory_space<vmem>> -> memref<32xi32, #tpu.memory_space<vmem>>
      %dma_wait3A_106 = arith.constant 0 : i32
      %dma_wait3A_107 = arith.constant 0 : i32
      %dma_wait3A_108 = tpu.memref_slice %arg3[%dma_wait3A_106, %dma_wait3A_107] : memref<100002x64xf32, #tpu.memory_space<hbm>> -> memref<100002x64xf32, #tpu.memory_space<hbm>>
      %dma_wait3A_109 = tpu.memref_slice %arg7[%scan3A_21] : memref<20x!tpu.dma_semaphore, #tpu.memory_space<semaphore_mem>> -> memref<1x!tpu.dma_semaphore, #tpu.memory_space<semaphore_mem>>
      %dma_wait3A_110 = tpu.memref_squeeze %dma_wait3A_109 : memref<1x!tpu.dma_semaphore, #tpu.memory_space<semaphore_mem>> -> memref<!tpu.dma_semaphore, #tpu.memory_space<semaphore_mem>>
      tpu.wait_indirect_dma semaphore(%dma_wait3A_110 : memref<!tpu.dma_semaphore, #tpu.memory_space<semaphore_mem>>) src(%dma_wait3A_108 : memref<100002x64xf32, #tpu.memory_space<hbm>>) dst(%dma_wait3A_102 : memref<32x64xf32, #tpu.memory_space<vmem>>)
      %dma_wait3A_111 = arith.constant 0 : i32
      %dma_wait3A_112 = arith.constant 0 : i32
      %dma_wait3A_113 = arith.constant 0 : i32
      %dma_wait3A_114 = arith.constant 0 : i32
      %dma_wait3A_115 = arith.constant 0 : i32
      %dma_wait3A_116 = tpu.memref_slice %arg6[%dma_wait3A_113, %dma_wait3A_114, %dma_wait3A_115] : memref<20x32x64xf32, #tpu.memory_space<vmem>> -> memref<1x32x64xf32, #tpu.memory_space<vmem>>
      %dma_wait3A_117 = tpu.memref_squeeze %dma_wait3A_116 : memref<1x32x64xf32, #tpu.memory_space<vmem>> -> memref<32x64xf32, #tpu.memory_space<vmem>>
      %dma_wait3A_118 = arith.constant 0 : i32
      %dma_wait3A_119 = tpu.memref_slice %arg5[%dma_wait3A_111, %dma_wait3A_112, %dma_wait3A_118] : memref<20x20x32xi32, #tpu.memory_space<vmem>> -> memref<1x1x32xi32, #tpu.memory_space<vmem>>
      %dma_wait3A_120 = tpu.memref_squeeze %dma_wait3A_119 : memref<1x1x32xi32, #tpu.memory_space<vmem>> -> memref<32xi32, #tpu.memory_space<vmem>>
      %dma_wait3A_121 = arith.constant 0 : i32
      %dma_wait3A_122 = arith.constant 0 : i32
      %dma_wait3A_123 = tpu.memref_slice %arg3[%dma_wait3A_121, %dma_wait3A_122] : memref<100002x64xf32, #tpu.memory_space<hbm>> -> memref<100002x64xf32, #tpu.memory_space<hbm>>
      %dma_wait3A_124 = tpu.memref_slice %arg7[%scan3A_21] : memref<20x!tpu.dma_semaphore, #tpu.memory_space<semaphore_mem>> -> memref<1x!tpu.dma_semaphore, #tpu.memory_space<semaphore_mem>>
      %dma_wait3A_125 = tpu.memref_squeeze %dma_wait3A_124 : memref<1x!tpu.dma_semaphore, #tpu.memory_space<semaphore_mem>> -> memref<!tpu.dma_semaphore, #tpu.memory_space<semaphore_mem>>
      tpu.wait_indirect_dma semaphore(%dma_wait3A_125 : memref<!tpu.dma_semaphore, #tpu.memory_space<semaphore_mem>>) src(%dma_wait3A_123 : memref<100002x64xf32, #tpu.memory_space<hbm>>) dst(%dma_wait3A_117 : memref<32x64xf32, #tpu.memory_space<vmem>>)
      %dma_wait3A_126 = arith.constant 0 : i32
      %dma_wait3A_127 = arith.constant 0 : i32
      %dma_wait3A_128 = arith.constant 0 : i32
      %dma_wait3A_129 = arith.constant 0 : i32
      %dma_wait3A_130 = arith.constant 0 : i32
      %dma_wait3A_131 = tpu.memref_slice %arg6[%dma_wait3A_128, %dma_wait3A_129, %dma_wait3A_130] : memref<20x32x64xf32, #tpu.memory_space<vmem>> -> memref<1x32x64xf32, #tpu.memory_space<vmem>>
      %dma_wait3A_132 = tpu.memref_squeeze %dma_wait3A_131 : memref<1x32x64xf32, #tpu.memory_space<vmem>> -> memref<32x64xf32, #tpu.memory_space<vmem>>
      %dma_wait3A_133 = arith.constant 0 : i32
      %dma_wait3A_134 = tpu.memref_slice %arg5[%dma_wait3A_126, %dma_wait3A_127, %dma_wait3A_133] : memref<20x20x32xi32, #tpu.memory_space<vmem>> -> memref<1x1x32xi32, #tpu.memory_space<vmem>>
      %dma_wait3A_135 = tpu.memref_squeeze %dma_wait3A_134 : memref<1x1x32xi32, #tpu.memory_space<vmem>> -> memref<32xi32, #tpu.memory_space<vmem>>
      %dma_wait3A_136 = arith.constant 0 : i32
      %dma_wait3A_137 = arith.constant 0 : i32
      %dma_wait3A_138 = tpu.memref_slice %arg3[%dma_wait3A_136, %dma_wait3A_137] : memref<100002x64xf32, #tpu.memory_space<hbm>> -> memref<100002x64xf32, #tpu.memory_space<hbm>>
      %dma_wait3A_139 = tpu.memref_slice %arg7[%scan3A_21] : memref<20x!tpu.dma_semaphore, #tpu.memory_space<semaphore_mem>> -> memref<1x!tpu.dma_semaphore, #tpu.memory_space<semaphore_mem>>
      %dma_wait3A_140 = tpu.memref_squeeze %dma_wait3A_139 : memref<1x!tpu.dma_semaphore, #tpu.memory_space<semaphore_mem>> -> memref<!tpu.dma_semaphore, #tpu.memory_space<semaphore_mem>>
      tpu.wait_indirect_dma semaphore(%dma_wait3A_140 : memref<!tpu.dma_semaphore, #tpu.memory_space<semaphore_mem>>) src(%dma_wait3A_138 : memref<100002x64xf32, #tpu.memory_space<hbm>>) dst(%dma_wait3A_132 : memref<32x64xf32, #tpu.memory_space<vmem>>)
      %dma_wait3A_141 = arith.constant 0 : i32
      %dma_wait3A_142 = arith.constant 0 : i32
      %dma_wait3A_143 = arith.constant 0 : i32
      %dma_wait3A_144 = arith.constant 0 : i32
      %dma_wait3A_145 = arith.constant 0 : i32
      %dma_wait3A_146 = tpu.memref_slice %arg6[%dma_wait3A_143, %dma_wait3A_144, %dma_wait3A_145] : memref<20x32x64xf32, #tpu.memory_space<vmem>> -> memref<1x32x64xf32, #tpu.memory_space<vmem>>
      %dma_wait3A_147 = tpu.memref_squeeze %dma_wait3A_146 : memref<1x32x64xf32, #tpu.memory_space<vmem>> -> memref<32x64xf32, #tpu.memory_space<vmem>>
      %dma_wait3A_148 = arith.constant 0 : i32
      %dma_wait3A_149 = tpu.memref_slice %arg5[%dma_wait3A_141, %dma_wait3A_142, %dma_wait3A_148] : memref<20x20x32xi32, #tpu.memory_space<vmem>> -> memref<1x1x32xi32, #tpu.memory_space<vmem>>
      %dma_wait3A_150 = tpu.memref_squeeze %dma_wait3A_149 : memref<1x1x32xi32, #tpu.memory_space<vmem>> -> memref<32xi32, #tpu.memory_space<vmem>>
      %dma_wait3A_151 = arith.constant 0 : i32
      %dma_wait3A_152 = arith.constant 0 : i32
      %dma_wait3A_153 = tpu.memref_slice %arg3[%dma_wait3A_151, %dma_wait3A_152] : memref<100002x64xf32, #tpu.memory_space<hbm>> -> memref<100002x64xf32, #tpu.memory_space<hbm>>
      %dma_wait3A_154 = tpu.memref_slice %arg7[%scan3A_21] : memref<20x!tpu.dma_semaphore, #tpu.memory_space<semaphore_mem>> -> memref<1x!tpu.dma_semaphore, #tpu.memory_space<semaphore_mem>>
      %dma_wait3A_155 = tpu.memref_squeeze %dma_wait3A_154 : memref<1x!tpu.dma_semaphore, #tpu.memory_space<semaphore_mem>> -> memref<!tpu.dma_semaphore, #tpu.memory_space<semaphore_mem>>
      tpu.wait_indirect_dma semaphore(%dma_wait3A_155 : memref<!tpu.dma_semaphore, #tpu.memory_space<semaphore_mem>>) src(%dma_wait3A_153 : memref<100002x64xf32, #tpu.memory_space<hbm>>) dst(%dma_wait3A_147 : memref<32x64xf32, #tpu.memory_space<vmem>>)
      %dma_wait3A_156 = arith.constant 0 : i32
      %dma_wait3A_157 = arith.constant 0 : i32
      %dma_wait3A_158 = arith.constant 0 : i32
      %dma_wait3A_159 = arith.constant 0 : i32
      %dma_wait3A_160 = arith.constant 0 : i32
      %dma_wait3A_161 = tpu.memref_slice %arg6[%dma_wait3A_158, %dma_wait3A_159, %dma_wait3A_160] : memref<20x32x64xf32, #tpu.memory_space<vmem>> -> memref<1x32x64xf32, #tpu.memory_space<vmem>>
      %dma_wait3A_162 = tpu.memref_squeeze %dma_wait3A_161 : memref<1x32x64xf32, #tpu.memory_space<vmem>> -> memref<32x64xf32, #tpu.memory_space<vmem>>
      %dma_wait3A_163 = arith.constant 0 : i32
      %dma_wait3A_164 = tpu.memref_slice %arg5[%dma_wait3A_156, %dma_wait3A_157, %dma_wait3A_163] : memref<20x20x32xi32, #tpu.memory_space<vmem>> -> memref<1x1x32xi32, #tpu.memory_space<vmem>>
      %dma_wait3A_165 = tpu.memref_squeeze %dma_wait3A_164 : memref<1x1x32xi32, #tpu.memory_space<vmem>> -> memref<32xi32, #tpu.memory_space<vmem>>
      %dma_wait3A_166 = arith.constant 0 : i32
      %dma_wait3A_167 = arith.constant 0 : i32
      %dma_wait3A_168 = tpu.memref_slice %arg3[%dma_wait3A_166, %dma_wait3A_167] : memref<100002x64xf32, #tpu.memory_space<hbm>> -> memref<100002x64xf32, #tpu.memory_space<hbm>>
      %dma_wait3A_169 = tpu.memref_slice %arg7[%scan3A_21] : memref<20x!tpu.dma_semaphore, #tpu.memory_space<semaphore_mem>> -> memref<1x!tpu.dma_semaphore, #tpu.memory_space<semaphore_mem>>
      %dma_wait3A_170 = tpu.memref_squeeze %dma_wait3A_169 : memref<1x!tpu.dma_semaphore, #tpu.memory_space<semaphore_mem>> -> memref<!tpu.dma_semaphore, #tpu.memory_space<semaphore_mem>>
      tpu.wait_indirect_dma semaphore(%dma_wait3A_170 : memref<!tpu.dma_semaphore, #tpu.memory_space<semaphore_mem>>) src(%dma_wait3A_168 : memref<100002x64xf32, #tpu.memory_space<hbm>>) dst(%dma_wait3A_162 : memref<32x64xf32, #tpu.memory_space<vmem>>)
      %dma_wait3A_171 = arith.constant 0 : i32
      %dma_wait3A_172 = arith.constant 0 : i32
      %dma_wait3A_173 = arith.constant 0 : i32
      %dma_wait3A_174 = arith.constant 0 : i32
      %dma_wait3A_175 = arith.constant 0 : i32
      %dma_wait3A_176 = tpu.memref_slice %arg6[%dma_wait3A_173, %dma_wait3A_174, %dma_wait3A_175] : memref<20x32x64xf32, #tpu.memory_space<vmem>> -> memref<1x32x64xf32, #tpu.memory_space<vmem>>
      %dma_wait3A_177 = tpu.memref_squeeze %dma_wait3A_176 : memref<1x32x64xf32, #tpu.memory_space<vmem>> -> memref<32x64xf32, #tpu.memory_space<vmem>>
      %dma_wait3A_178 = arith.constant 0 : i32
      %dma_wait3A_179 = tpu.memref_slice %arg5[%dma_wait3A_171, %dma_wait3A_172, %dma_wait3A_178] : memref<20x20x32xi32, #tpu.memory_space<vmem>> -> memref<1x1x32xi32, #tpu.memory_space<vmem>>
      %dma_wait3A_180 = tpu.memref_squeeze %dma_wait3A_179 : memref<1x1x32xi32, #tpu.memory_space<vmem>> -> memref<32xi32, #tpu.memory_space<vmem>>
      %dma_wait3A_181 = arith.constant 0 : i32
      %dma_wait3A_182 = arith.constant 0 : i32
      %dma_wait3A_183 = tpu.memref_slice %arg3[%dma_wait3A_181, %dma_wait3A_182] : memref<100002x64xf32, #tpu.memory_space<hbm>> -> memref<100002x64xf32, #tpu.memory_space<hbm>>
      %dma_wait3A_184 = tpu.memref_slice %arg7[%scan3A_21] : memref<20x!tpu.dma_semaphore, #tpu.memory_space<semaphore_mem>> -> memref<1x!tpu.dma_semaphore, #tpu.memory_space<semaphore_mem>>
      %dma_wait3A_185 = tpu.memref_squeeze %dma_wait3A_184 : memref<1x!tpu.dma_semaphore, #tpu.memory_space<semaphore_mem>> -> memref<!tpu.dma_semaphore, #tpu.memory_space<semaphore_mem>>
      tpu.wait_indirect_dma semaphore(%dma_wait3A_185 : memref<!tpu.dma_semaphore, #tpu.memory_space<semaphore_mem>>) src(%dma_wait3A_183 : memref<100002x64xf32, #tpu.memory_space<hbm>>) dst(%dma_wait3A_177 : memref<32x64xf32, #tpu.memory_space<vmem>>)
      %dma_wait3A_186 = arith.constant 0 : i32
      %dma_wait3A_187 = arith.constant 0 : i32
      %dma_wait3A_188 = arith.constant 0 : i32
      %dma_wait3A_189 = arith.constant 0 : i32
      %dma_wait3A_190 = arith.constant 0 : i32
      %dma_wait3A_191 = tpu.memref_slice %arg6[%dma_wait3A_188, %dma_wait3A_189, %dma_wait3A_190] : memref<20x32x64xf32, #tpu.memory_space<vmem>> -> memref<1x32x64xf32, #tpu.memory_space<vmem>>
      %dma_wait3A_192 = tpu.memref_squeeze %dma_wait3A_191 : memref<1x32x64xf32, #tpu.memory_space<vmem>> -> memref<32x64xf32, #tpu.memory_space<vmem>>
      %dma_wait3A_193 = arith.constant 0 : i32
      %dma_wait3A_194 = tpu.memref_slice %arg5[%dma_wait3A_186, %dma_wait3A_187, %dma_wait3A_193] : memref<20x20x32xi32, #tpu.memory_space<vmem>> -> memref<1x1x32xi32, #tpu.memory_space<vmem>>
      %dma_wait3A_195 = tpu.memref_squeeze %dma_wait3A_194 : memref<1x1x32xi32, #tpu.memory_space<vmem>> -> memref<32xi32, #tpu.memory_space<vmem>>
      %dma_wait3A_196 = arith.constant 0 : i32
      %dma_wait3A_197 = arith.constant 0 : i32
      %dma_wait3A_198 = tpu.memref_slice %arg3[%dma_wait3A_196, %dma_wait3A_197] : memref<100002x64xf32, #tpu.memory_space<hbm>> -> memref<100002x64xf32, #tpu.memory_space<hbm>>
      %dma_wait3A_199 = tpu.memref_slice %arg7[%scan3A_21] : memref<20x!tpu.dma_semaphore, #tpu.memory_space<semaphore_mem>> -> memref<1x!tpu.dma_semaphore, #tpu.memory_space<semaphore_mem>>
      %dma_wait3A_200 = tpu.memref_squeeze %dma_wait3A_199 : memref<1x!tpu.dma_semaphore, #tpu.memory_space<semaphore_mem>> -> memref<!tpu.dma_semaphore, #tpu.memory_space<semaphore_mem>>
      tpu.wait_indirect_dma semaphore(%dma_wait3A_200 : memref<!tpu.dma_semaphore, #tpu.memory_space<semaphore_mem>>) src(%dma_wait3A_198 : memref<100002x64xf32, #tpu.memory_space<hbm>>) dst(%dma_wait3A_192 : memref<32x64xf32, #tpu.memory_space<vmem>>)
      %dma_wait3A_201 = arith.constant 0 : i32
      %dma_wait3A_202 = arith.constant 0 : i32
      %dma_wait3A_203 = arith.constant 0 : i32
      %dma_wait3A_204 = arith.constant 0 : i32
      %dma_wait3A_205 = arith.constant 0 : i32
      %dma_wait3A_206 = tpu.memref_slice %arg6[%dma_wait3A_203, %dma_wait3A_204, %dma_wait3A_205] : memref<20x32x64xf32, #tpu.memory_space<vmem>> -> memref<1x32x64xf32, #tpu.memory_space<vmem>>
      %dma_wait3A_207 = tpu.memref_squeeze %dma_wait3A_206 : memref<1x32x64xf32, #tpu.memory_space<vmem>> -> memref<32x64xf32, #tpu.memory_space<vmem>>
      %dma_wait3A_208 = arith.constant 0 : i32
      %dma_wait3A_209 = tpu.memref_slice %arg5[%dma_wait3A_201, %dma_wait3A_202, %dma_wait3A_208] : memref<20x20x32xi32, #tpu.memory_space<vmem>> -> memref<1x1x32xi32, #tpu.memory_space<vmem>>
      %dma_wait3A_210 = tpu.memref_squeeze %dma_wait3A_209 : memref<1x1x32xi32, #tpu.memory_space<vmem>> -> memref<32xi32, #tpu.memory_space<vmem>>
      %dma_wait3A_211 = arith.constant 0 : i32
      %dma_wait3A_212 = arith.constant 0 : i32
      %dma_wait3A_213 = tpu.memref_slice %arg3[%dma_wait3A_211, %dma_wait3A_212] : memref<100002x64xf32, #tpu.memory_space<hbm>> -> memref<100002x64xf32, #tpu.memory_space<hbm>>
      %dma_wait3A_214 = tpu.memref_slice %arg7[%scan3A_21] : memref<20x!tpu.dma_semaphore, #tpu.memory_space<semaphore_mem>> -> memref<1x!tpu.dma_semaphore, #tpu.memory_space<semaphore_mem>>
      %dma_wait3A_215 = tpu.memref_squeeze %dma_wait3A_214 : memref<1x!tpu.dma_semaphore, #tpu.memory_space<semaphore_mem>> -> memref<!tpu.dma_semaphore, #tpu.memory_space<semaphore_mem>>
      tpu.wait_indirect_dma semaphore(%dma_wait3A_215 : memref<!tpu.dma_semaphore, #tpu.memory_space<semaphore_mem>>) src(%dma_wait3A_213 : memref<100002x64xf32, #tpu.memory_space<hbm>>) dst(%dma_wait3A_207 : memref<32x64xf32, #tpu.memory_space<vmem>>)
      %dma_wait3A_216 = arith.constant 0 : i32
      %dma_wait3A_217 = arith.constant 0 : i32
      %dma_wait3A_218 = arith.constant 0 : i32
      %dma_wait3A_219 = arith.constant 0 : i32
      %dma_wait3A_220 = arith.constant 0 : i32
      %dma_wait3A_221 = tpu.memref_slice %arg6[%dma_wait3A_218, %dma_wait3A_219, %dma_wait3A_220] : memref<20x32x64xf32, #tpu.memory_space<vmem>> -> memref<1x32x64xf32, #tpu.memory_space<vmem>>
      %dma_wait3A_222 = tpu.memref_squeeze %dma_wait3A_221 : memref<1x32x64xf32, #tpu.memory_space<vmem>> -> memref<32x64xf32, #tpu.memory_space<vmem>>
      %dma_wait3A_223 = arith.constant 0 : i32
      %dma_wait3A_224 = tpu.memref_slice %arg5[%dma_wait3A_216, %dma_wait3A_217, %dma_wait3A_223] : memref<20x20x32xi32, #tpu.memory_space<vmem>> -> memref<1x1x32xi32, #tpu.memory_space<vmem>>
      %dma_wait3A_225 = tpu.memref_squeeze %dma_wait3A_224 : memref<1x1x32xi32, #tpu.memory_space<vmem>> -> memref<32xi32, #tpu.memory_space<vmem>>
      %dma_wait3A_226 = arith.constant 0 : i32
      %dma_wait3A_227 = arith.constant 0 : i32
      %dma_wait3A_228 = tpu.memref_slice %arg3[%dma_wait3A_226, %dma_wait3A_227] : memref<100002x64xf32, #tpu.memory_space<hbm>> -> memref<100002x64xf32, #tpu.memory_space<hbm>>
      %dma_wait3A_229 = tpu.memref_slice %arg7[%scan3A_21] : memref<20x!tpu.dma_semaphore, #tpu.memory_space<semaphore_mem>> -> memref<1x!tpu.dma_semaphore, #tpu.memory_space<semaphore_mem>>
      %dma_wait3A_230 = tpu.memref_squeeze %dma_wait3A_229 : memref<1x!tpu.dma_semaphore, #tpu.memory_space<semaphore_mem>> -> memref<!tpu.dma_semaphore, #tpu.memory_space<semaphore_mem>>
      tpu.wait_indirect_dma semaphore(%dma_wait3A_230 : memref<!tpu.dma_semaphore, #tpu.memory_space<semaphore_mem>>) src(%dma_wait3A_228 : memref<100002x64xf32, #tpu.memory_space<hbm>>) dst(%dma_wait3A_222 : memref<32x64xf32, #tpu.memory_space<vmem>>)
      %dma_wait3A_231 = arith.constant 0 : i32
      %dma_wait3A_232 = arith.constant 0 : i32
      %dma_wait3A_233 = arith.constant 0 : i32
      %dma_wait3A_234 = arith.constant 0 : i32
      %dma_wait3A_235 = arith.constant 0 : i32
      %dma_wait3A_236 = tpu.memref_slice %arg6[%dma_wait3A_233, %dma_wait3A_234, %dma_wait3A_235] : memref<20x32x64xf32, #tpu.memory_space<vmem>> -> memref<1x32x64xf32, #tpu.memory_space<vmem>>
      %dma_wait3A_237 = tpu.memref_squeeze %dma_wait3A_236 : memref<1x32x64xf32, #tpu.memory_space<vmem>> -> memref<32x64xf32, #tpu.memory_space<vmem>>
      %dma_wait3A_238 = arith.constant 0 : i32
      %dma_wait3A_239 = tpu.memref_slice %arg5[%dma_wait3A_231, %dma_wait3A_232, %dma_wait3A_238] : memref<20x20x32xi32, #tpu.memory_space<vmem>> -> memref<1x1x32xi32, #tpu.memory_space<vmem>>
      %dma_wait3A_240 = tpu.memref_squeeze %dma_wait3A_239 : memref<1x1x32xi32, #tpu.memory_space<vmem>> -> memref<32xi32, #tpu.memory_space<vmem>>
      %dma_wait3A_241 = arith.constant 0 : i32
      %dma_wait3A_242 = arith.constant 0 : i32
      %dma_wait3A_243 = tpu.memref_slice %arg3[%dma_wait3A_241, %dma_wait3A_242] : memref<100002x64xf32, #tpu.memory_space<hbm>> -> memref<100002x64xf32, #tpu.memory_space<hbm>>
      %dma_wait3A_244 = tpu.memref_slice %arg7[%scan3A_21] : memref<20x!tpu.dma_semaphore, #tpu.memory_space<semaphore_mem>> -> memref<1x!tpu.dma_semaphore, #tpu.memory_space<semaphore_mem>>
      %dma_wait3A_245 = tpu.memref_squeeze %dma_wait3A_244 : memref<1x!tpu.dma_semaphore, #tpu.memory_space<semaphore_mem>> -> memref<!tpu.dma_semaphore, #tpu.memory_space<semaphore_mem>>
      tpu.wait_indirect_dma semaphore(%dma_wait3A_245 : memref<!tpu.dma_semaphore, #tpu.memory_space<semaphore_mem>>) src(%dma_wait3A_243 : memref<100002x64xf32, #tpu.memory_space<hbm>>) dst(%dma_wait3A_237 : memref<32x64xf32, #tpu.memory_space<vmem>>)
      %dma_wait3A_246 = arith.constant 0 : i32
      %dma_wait3A_247 = arith.constant 0 : i32
      %dma_wait3A_248 = arith.constant 0 : i32
      %dma_wait3A_249 = arith.constant 0 : i32
      %dma_wait3A_250 = arith.constant 0 : i32
      %dma_wait3A_251 = tpu.memref_slice %arg6[%dma_wait3A_248, %dma_wait3A_249, %dma_wait3A_250] : memref<20x32x64xf32, #tpu.memory_space<vmem>> -> memref<1x32x64xf32, #tpu.memory_space<vmem>>
      %dma_wait3A_252 = tpu.memref_squeeze %dma_wait3A_251 : memref<1x32x64xf32, #tpu.memory_space<vmem>> -> memref<32x64xf32, #tpu.memory_space<vmem>>
      %dma_wait3A_253 = arith.constant 0 : i32
      %dma_wait3A_254 = tpu.memref_slice %arg5[%dma_wait3A_246, %dma_wait3A_247, %dma_wait3A_253] : memref<20x20x32xi32, #tpu.memory_space<vmem>> -> memref<1x1x32xi32, #tpu.memory_space<vmem>>
      %dma_wait3A_255 = tpu.memref_squeeze %dma_wait3A_254 : memref<1x1x32xi32, #tpu.memory_space<vmem>> -> memref<32xi32, #tpu.memory_space<vmem>>
      %dma_wait3A_256 = arith.constant 0 : i32
      %dma_wait3A_257 = arith.constant 0 : i32
      %dma_wait3A_258 = tpu.memref_slice %arg3[%dma_wait3A_256, %dma_wait3A_257] : memref<100002x64xf32, #tpu.memory_space<hbm>> -> memref<100002x64xf32, #tpu.memory_space<hbm>>
      %dma_wait3A_259 = tpu.memref_slice %arg7[%scan3A_21] : memref<20x!tpu.dma_semaphore, #tpu.memory_space<semaphore_mem>> -> memref<1x!tpu.dma_semaphore, #tpu.memory_space<semaphore_mem>>
      %dma_wait3A_260 = tpu.memref_squeeze %dma_wait3A_259 : memref<1x!tpu.dma_semaphore, #tpu.memory_space<semaphore_mem>> -> memref<!tpu.dma_semaphore, #tpu.memory_space<semaphore_mem>>
      tpu.wait_indirect_dma semaphore(%dma_wait3A_260 : memref<!tpu.dma_semaphore, #tpu.memory_space<semaphore_mem>>) src(%dma_wait3A_258 : memref<100002x64xf32, #tpu.memory_space<hbm>>) dst(%dma_wait3A_252 : memref<32x64xf32, #tpu.memory_space<vmem>>)
      %dma_wait3A_261 = arith.constant 0 : i32
      %dma_wait3A_262 = arith.constant 0 : i32
      %dma_wait3A_263 = arith.constant 0 : i32
      %dma_wait3A_264 = arith.constant 0 : i32
      %dma_wait3A_265 = arith.constant 0 : i32
      %dma_wait3A_266 = tpu.memref_slice %arg6[%dma_wait3A_263, %dma_wait3A_264, %dma_wait3A_265] : memref<20x32x64xf32, #tpu.memory_space<vmem>> -> memref<1x32x64xf32, #tpu.memory_space<vmem>>
      %dma_wait3A_267 = tpu.memref_squeeze %dma_wait3A_266 : memref<1x32x64xf32, #tpu.memory_space<vmem>> -> memref<32x64xf32, #tpu.memory_space<vmem>>
      %dma_wait3A_268 = arith.constant 0 : i32
      %dma_wait3A_269 = tpu.memref_slice %arg5[%dma_wait3A_261, %dma_wait3A_262, %dma_wait3A_268] : memref<20x20x32xi32, #tpu.memory_space<vmem>> -> memref<1x1x32xi32, #tpu.memory_space<vmem>>
      %dma_wait3A_270 = tpu.memref_squeeze %dma_wait3A_269 : memref<1x1x32xi32, #tpu.memory_space<vmem>> -> memref<32xi32, #tpu.memory_space<vmem>>
      %dma_wait3A_271 = arith.constant 0 : i32
      %dma_wait3A_272 = arith.constant 0 : i32
      %dma_wait3A_273 = tpu.memref_slice %arg3[%dma_wait3A_271, %dma_wait3A_272] : memref<100002x64xf32, #tpu.memory_space<hbm>> -> memref<100002x64xf32, #tpu.memory_space<hbm>>
      %dma_wait3A_274 = tpu.memref_slice %arg7[%scan3A_21] : memref<20x!tpu.dma_semaphore, #tpu.memory_space<semaphore_mem>> -> memref<1x!tpu.dma_semaphore, #tpu.memory_space<semaphore_mem>>
      %dma_wait3A_275 = tpu.memref_squeeze %dma_wait3A_274 : memref<1x!tpu.dma_semaphore, #tpu.memory_space<semaphore_mem>> -> memref<!tpu.dma_semaphore, #tpu.memory_space<semaphore_mem>>
      tpu.wait_indirect_dma semaphore(%dma_wait3A_275 : memref<!tpu.dma_semaphore, #tpu.memory_space<semaphore_mem>>) src(%dma_wait3A_273 : memref<100002x64xf32, #tpu.memory_space<hbm>>) dst(%dma_wait3A_267 : memref<32x64xf32, #tpu.memory_space<vmem>>)
      %dma_wait3A_276 = arith.constant 0 : i32
      %dma_wait3A_277 = arith.constant 0 : i32
      %dma_wait3A_278 = arith.constant 0 : i32
      %dma_wait3A_279 = arith.constant 0 : i32
      %dma_wait3A_280 = arith.constant 0 : i32
      %dma_wait3A_281 = tpu.memref_slice %arg6[%dma_wait3A_278, %dma_wait3A_279, %dma_wait3A_280] : memref<20x32x64xf32, #tpu.memory_space<vmem>> -> memref<1x32x64xf32, #tpu.memory_space<vmem>>
      %dma_wait3A_282 = tpu.memref_squeeze %dma_wait3A_281 : memref<1x32x64xf32, #tpu.memory_space<vmem>> -> memref<32x64xf32, #tpu.memory_space<vmem>>
      %dma_wait3A_283 = arith.constant 0 : i32
      %dma_wait3A_284 = tpu.memref_slice %arg5[%dma_wait3A_276, %dma_wait3A_277, %dma_wait3A_283] : memref<20x20x32xi32, #tpu.memory_space<vmem>> -> memref<1x1x32xi32, #tpu.memory_space<vmem>>
      %dma_wait3A_285 = tpu.memref_squeeze %dma_wait3A_284 : memref<1x1x32xi32, #tpu.memory_space<vmem>> -> memref<32xi32, #tpu.memory_space<vmem>>
      %dma_wait3A_286 = arith.constant 0 : i32
      %dma_wait3A_287 = arith.constant 0 : i32
      %dma_wait3A_288 = tpu.memref_slice %arg3[%dma_wait3A_286, %dma_wait3A_287] : memref<100002x64xf32, #tpu.memory_space<hbm>> -> memref<100002x64xf32, #tpu.memory_space<hbm>>
      %dma_wait3A_289 = tpu.memref_slice %arg7[%scan3A_21] : memref<20x!tpu.dma_semaphore, #tpu.memory_space<semaphore_mem>> -> memref<1x!tpu.dma_semaphore, #tpu.memory_space<semaphore_mem>>
      %dma_wait3A_290 = tpu.memref_squeeze %dma_wait3A_289 : memref<1x!tpu.dma_semaphore, #tpu.memory_space<semaphore_mem>> -> memref<!tpu.dma_semaphore, #tpu.memory_space<semaphore_mem>>
      tpu.wait_indirect_dma semaphore(%dma_wait3A_290 : memref<!tpu.dma_semaphore, #tpu.memory_space<semaphore_mem>>) src(%dma_wait3A_288 : memref<100002x64xf32, #tpu.memory_space<hbm>>) dst(%dma_wait3A_282 : memref<32x64xf32, #tpu.memory_space<vmem>>)
      %dma_wait3A_291 = arith.constant 0 : i32
      %dma_wait3A_292 = arith.constant 0 : i32
      %dma_wait3A_293 = arith.constant 0 : i32
      %dma_wait3A_294 = arith.constant 0 : i32
      %dma_wait3A_295 = arith.constant 0 : i32
      %dma_wait3A_296 = tpu.memref_slice %arg6[%dma_wait3A_293, %dma_wait3A_294, %dma_wait3A_295] : memref<20x32x64xf32, #tpu.memory_space<vmem>> -> memref<1x32x64xf32, #tpu.memory_space<vmem>>
      %dma_wait3A_297 = tpu.memref_squeeze %dma_wait3A_296 : memref<1x32x64xf32, #tpu.memory_space<vmem>> -> memref<32x64xf32, #tpu.memory_space<vmem>>
      %dma_wait3A_298 = arith.constant 0 : i32
      %dma_wait3A_299 = tpu.memref_slice %arg5[%dma_wait3A_291, %dma_wait3A_292, %dma_wait3A_298] : memref<20x20x32xi32, #tpu.memory_space<vmem>> -> memref<1x1x32xi32, #tpu.memory_space<vmem>>
      %dma_wait3A_300 = tpu.memref_squeeze %dma_wait3A_299 : memref<1x1x32xi32, #tpu.memory_space<vmem>> -> memref<32xi32, #tpu.memory_space<vmem>>
      %dma_wait3A_301 = arith.constant 0 : i32
      %dma_wait3A_302 = arith.constant 0 : i32
      %dma_wait3A_303 = tpu.memref_slice %arg3[%dma_wait3A_301, %dma_wait3A_302] : memref<100002x64xf32, #tpu.memory_space<hbm>> -> memref<100002x64xf32, #tpu.memory_space<hbm>>
      %dma_wait3A_304 = tpu.memref_slice %arg7[%scan3A_21] : memref<20x!tpu.dma_semaphore, #tpu.memory_space<semaphore_mem>> -> memref<1x!tpu.dma_semaphore, #tpu.memory_space<semaphore_mem>>
      %dma_wait3A_305 = tpu.memref_squeeze %dma_wait3A_304 : memref<1x!tpu.dma_semaphore, #tpu.memory_space<semaphore_mem>> -> memref<!tpu.dma_semaphore, #tpu.memory_space<semaphore_mem>>
      tpu.wait_indirect_dma semaphore(%dma_wait3A_305 : memref<!tpu.dma_semaphore, #tpu.memory_space<semaphore_mem>>) src(%dma_wait3A_303 : memref<100002x64xf32, #tpu.memory_space<hbm>>) dst(%dma_wait3A_297 : memref<32x64xf32, #tpu.memory_space<vmem>>)
      %dma_wait3A_306 = arith.constant 0 : i32
      %dma_wait3A_307 = arith.constant 0 : i32
      %dma_wait3A_308 = arith.constant 0 : i32
      %dma_wait3A_309 = arith.constant 0 : i32
      %dma_wait3A_310 = arith.constant 0 : i32
      %dma_wait3A_311 = tpu.memref_slice %arg6[%dma_wait3A_308, %dma_wait3A_309, %dma_wait3A_310] : memref<20x32x64xf32, #tpu.memory_space<vmem>> -> memref<1x32x64xf32, #tpu.memory_space<vmem>>
      %dma_wait3A_312 = tpu.memref_squeeze %dma_wait3A_311 : memref<1x32x64xf32, #tpu.memory_space<vmem>> -> memref<32x64xf32, #tpu.memory_space<vmem>>
      %dma_wait3A_313 = arith.constant 0 : i32
      %dma_wait3A_314 = tpu.memref_slice %arg5[%dma_wait3A_306, %dma_wait3A_307, %dma_wait3A_313] : memref<20x20x32xi32, #tpu.memory_space<vmem>> -> memref<1x1x32xi32, #tpu.memory_space<vmem>>
      %dma_wait3A_315 = tpu.memref_squeeze %dma_wait3A_314 : memref<1x1x32xi32, #tpu.memory_space<vmem>> -> memref<32xi32, #tpu.memory_space<vmem>>
      %dma_wait3A_316 = arith.constant 0 : i32
      %dma_wait3A_317 = arith.constant 0 : i32
      %dma_wait3A_318 = tpu.memref_slice %arg3[%dma_wait3A_316, %dma_wait3A_317] : memref<100002x64xf32, #tpu.memory_space<hbm>> -> memref<100002x64xf32, #tpu.memory_space<hbm>>
      %dma_wait3A_319 = tpu.memref_slice %arg7[%scan3A_21] : memref<20x!tpu.dma_semaphore, #tpu.memory_space<semaphore_mem>> -> memref<1x!tpu.dma_semaphore, #tpu.memory_space<semaphore_mem>>
      %dma_wait3A_320 = tpu.memref_squeeze %dma_wait3A_319 : memref<1x!tpu.dma_semaphore, #tpu.memory_space<semaphore_mem>> -> memref<!tpu.dma_semaphore, #tpu.memory_space<semaphore_mem>>
      tpu.wait_indirect_dma semaphore(%dma_wait3A_320 : memref<!tpu.dma_semaphore, #tpu.memory_space<semaphore_mem>>) src(%dma_wait3A_318 : memref<100002x64xf32, #tpu.memory_space<hbm>>) dst(%dma_wait3A_312 : memref<32x64xf32, #tpu.memory_space<vmem>>)
      %broadcast_in_dim3A_321 = arith.constant 0 : i32
      %broadcast_in_dim3A_322 = vector.broadcast %broadcast_in_dim3A_321 : i32 to vector<16xi32>
      %get3A = arith.constant 0 : i32
      %get3A_323 = arith.index_cast %scan3A_21 : i32 to index
      %get3A_324 = arith.index_cast %get3A : i32 to index
      %get3A_325 = arith.constant 0 : index
      %get3A_326 = tpu.vector_load %arg5[%get3A_323, %get3A_324, %get3A_325] {strides = array<i32>} : memref<20x20x32xi32, #tpu.memory_space<vmem>>, vector<1x1x16xi32>,
      %get3A_327 = vector.shape_cast %get3A_326 : vector<1x1x16xi32> to vector<16xi32>
      %ne3A = arith.constant 100000 : i32
      %ne3A_328 = vector.broadcast %ne3A : i32 to vector<16xi32>
      %ne3A_329 = arith.cmpi ne, %get3A_327, %ne3A_328 : vector<16xi32>
      %jit3A = arith.constant 1 : i32
      %jit3A_330 = arith.constant 0 : i32
      %broadcast_in_dim3A_331 = vector.broadcast %jit3A : i32 to vector<16xi32>
      %broadcast_in_dim3A_332 = vector.broadcast %jit3A_330 : i32 to vector<16xi32>
      %select_n3A = arith.select %ne3A_329, %broadcast_in_dim3A_331, %broadcast_in_dim3A_332 : vector<16xi1>, vector<16xi32>
      %add3A_333 = arith.addi %broadcast_in_dim3A_322, %select_n3A : vector<16xi32>
      %get3A_334 = arith.constant 1 : i32
      %get3A_335 = arith.index_cast %scan3A_21 : i32 to index
      %get3A_336 = arith.index_cast %get3A_334 : i32 to index
      %get3A_337 = arith.constant 0 : index
      %get3A_338 = tpu.vector_load %arg5[%get3A_335, %get3A_336, %get3A_337] {strides = array<i32>} : memref<20x20x32xi32, #tpu.memory_space<vmem>>, vector<1x1x16xi32>,
      %get3A_339 = vector.shape_cast %get3A_338 : vector<1x1x16xi32> to vector<16xi32>
      %ne3A_340 = arith.constant 100000 : i32
      %ne3A_341 = vector.broadcast %ne3A_340 : i32 to vector<16xi32>
      %ne3A_342 = arith.cmpi ne, %get3A_339, %ne3A_341 : vector<16xi32>
      %jit3A_343 = arith.constant 1 : i32
      %jit3A_344 = arith.constant 0 : i32
      %broadcast_in_dim3A_345 = vector.broadcast %jit3A_343 : i32 to vector<16xi32>
      %broadcast_in_dim3A_346 = vector.broadcast %jit3A_344 : i32 to vector<16xi32>
      %select_n3A_347 = arith.select %ne3A_342, %broadcast_in_dim3A_345, %broadcast_in_dim3A_346 : vector<16xi1>, vector<16xi32>
      %add3A_348 = arith.addi %add3A_333, %select_n3A_347 : vector<16xi32>
      %get3A_349 = arith.constant 2 : i32
      %get3A_350 = arith.index_cast %scan3A_21 : i32 to index
      %get3A_351 = arith.index_cast %get3A_349 : i32 to index
      %get3A_352 = arith.constant 0 : index
      %get3A_353 = tpu.vector_load %arg5[%get3A_350, %get3A_351, %get3A_352] {strides = array<i32>} : memref<20x20x32xi32, #tpu.memory_space<vmem>>, vector<1x1x16xi32>,
      %get3A_354 = vector.shape_cast %get3A_353 : vector<1x1x16xi32> to vector<16xi32>
      %ne3A_355 = arith.constant 100000 : i32
      %ne3A_356 = vector.broadcast %ne3A_355 : i32 to vector<16xi32>
      %ne3A_357 = arith.cmpi ne, %get3A_354, %ne3A_356 : vector<16xi32>
      %jit3A_358 = arith.constant 1 : i32
      %jit3A_359 = arith.constant 0 : i32
      %broadcast_in_dim3A_360 = vector.broadcast %jit3A_358 : i32 to vector<16xi32>
      %broadcast_in_dim3A_361 = vector.broadcast %jit3A_359 : i32 to vector<16xi32>
      %select_n3A_362 = arith.select %ne3A_357, %broadcast_in_dim3A_360, %broadcast_in_dim3A_361 : vector<16xi1>, vector<16xi32>
      %add3A_363 = arith.addi %add3A_348, %select_n3A_362 : vector<16xi32>
      %get3A_364 = arith.constant 3 : i32
      %get3A_365 = arith.index_cast %scan3A_21 : i32 to index
      %get3A_366 = arith.index_cast %get3A_364 : i32 to index
      %get3A_367 = arith.constant 0 : index
      %get3A_368 = tpu.vector_load %arg5[%get3A_365, %get3A_366, %get3A_367] {strides = array<i32>} : memref<20x20x32xi32, #tpu.memory_space<vmem>>, vector<1x1x16xi32>,
      %get3A_369 = vector.shape_cast %get3A_368 : vector<1x1x16xi32> to vector<16xi32>
      %ne3A_370 = arith.constant 100000 : i32
      %ne3A_371 = vector.broadcast %ne3A_370 : i32 to vector<16xi32>
      %ne3A_372 = arith.cmpi ne, %get3A_369, %ne3A_371 : vector<16xi32>
      %jit3A_373 = arith.constant 1 : i32
      %jit3A_374 = arith.constant 0 : i32
      %broadcast_in_dim3A_375 = vector.broadcast %jit3A_373 : i32 to vector<16xi32>
      %broadcast_in_dim3A_376 = vector.broadcast %jit3A_374 : i32 to vector<16xi32>
      %select_n3A_377 = arith.select %ne3A_372, %broadcast_in_dim3A_375, %broadcast_in_dim3A_376 : vector<16xi1>, vector<16xi32>
      %add3A_378 = arith.addi %add3A_363, %select_n3A_377 : vector<16xi32>
      %get3A_379 = arith.constant 4 : i32
      %get3A_380 = arith.index_cast %scan3A_21 : i32 to index
      %get3A_381 = arith.index_cast %get3A_379 : i32 to index
      %get3A_382 = arith.constant 0 : index
      %get3A_383 = tpu.vector_load %arg5[%get3A_380, %get3A_381, %get3A_382] {strides = array<i32>} : memref<20x20x32xi32, #tpu.memory_space<vmem>>, vector<1x1x16xi32>,
      %get3A_384 = vector.shape_cast %get3A_383 : vector<1x1x16xi32> to vector<16xi32>
      %ne3A_385 = arith.constant 100000 : i32
      %ne3A_386 = vector.broadcast %ne3A_385 : i32 to vector<16xi32>
      %ne3A_387 = arith.cmpi ne, %get3A_384, %ne3A_386 : vector<16xi32>
      %jit3A_388 = arith.constant 1 : i32
      %jit3A_389 = arith.constant 0 : i32
      %broadcast_in_dim3A_390 = vector.broadcast %jit3A_388 : i32 to vector<16xi32>
      %broadcast_in_dim3A_391 = vector.broadcast %jit3A_389 : i32 to vector<16xi32>
      %select_n3A_392 = arith.select %ne3A_387, %broadcast_in_dim3A_390, %broadcast_in_dim3A_391 : vector<16xi1>, vector<16xi32>
      %add3A_393 = arith.addi %add3A_378, %select_n3A_392 : vector<16xi32>
      %get3A_394 = arith.constant 5 : i32
      %get3A_395 = arith.index_cast %scan3A_21 : i32 to index
      %get3A_396 = arith.index_cast %get3A_394 : i32 to index
      %get3A_397 = arith.constant 0 : index
      %get3A_398 = tpu.vector_load %arg5[%get3A_395, %get3A_396, %get3A_397] {strides = array<i32>} : memref<20x20x32xi32, #tpu.memory_space<vmem>>, vector<1x1x16xi32>,
      %get3A_399 = vector.shape_cast %get3A_398 : vector<1x1x16xi32> to vector<16xi32>
      %ne3A_400 = arith.constant 100000 : i32
      %ne3A_401 = vector.broadcast %ne3A_400 : i32 to vector<16xi32>
      %ne3A_402 = arith.cmpi ne, %get3A_399, %ne3A_401 : vector<16xi32>
      %jit3A_403 = arith.constant 1 : i32
      %jit3A_404 = arith.constant 0 : i32
      %broadcast_in_dim3A_405 = vector.broadcast %jit3A_403 : i32 to vector<16xi32>
      %broadcast_in_dim3A_406 = vector.broadcast %jit3A_404 : i32 to vector<16xi32>
      %select_n3A_407 = arith.select %ne3A_402, %broadcast_in_dim3A_405, %broadcast_in_dim3A_406 : vector<16xi1>, vector<16xi32>
      %add3A_408 = arith.addi %add3A_393, %select_n3A_407 : vector<16xi32>
      %get3A_409 = arith.constant 6 : i32
      %get3A_410 = arith.index_cast %scan3A_21 : i32 to index
      %get3A_411 = arith.index_cast %get3A_409 : i32 to index
      %get3A_412 = arith.constant 0 : index
      %get3A_413 = tpu.vector_load %arg5[%get3A_410, %get3A_411, %get3A_412] {strides = array<i32>} : memref<20x20x32xi32, #tpu.memory_space<vmem>>, vector<1x1x16xi32>,
      %get3A_414 = vector.shape_cast %get3A_413 : vector<1x1x16xi32> to vector<16xi32>
      %ne3A_415 = arith.constant 100000 : i32
      %ne3A_416 = vector.broadcast %ne3A_415 : i32 to vector<16xi32>
      %ne3A_417 = arith.cmpi ne, %get3A_414, %ne3A_416 : vector<16xi32>
      %jit3A_418 = arith.constant 1 : i32
      %jit3A_419 = arith.constant 0 : i32
      %broadcast_in_dim3A_420 = vector.broadcast %jit3A_418 : i32 to vector<16xi32>
      %broadcast_in_dim3A_421 = vector.broadcast %jit3A_419 : i32 to vector<16xi32>
      %select_n3A_422 = arith.select %ne3A_417, %broadcast_in_dim3A_420, %broadcast_in_dim3A_421 : vector<16xi1>, vector<16xi32>
      %add3A_423 = arith.addi %add3A_408, %select_n3A_422 : vector<16xi32>
      %get3A_424 = arith.constant 7 : i32
      %get3A_425 = arith.index_cast %scan3A_21 : i32 to index
      %get3A_426 = arith.index_cast %get3A_424 : i32 to index
      %get3A_427 = arith.constant 0 : index
      %get3A_428 = tpu.vector_load %arg5[%get3A_425, %get3A_426, %get3A_427] {strides = array<i32>} : memref<20x20x32xi32, #tpu.memory_space<vmem>>, vector<1x1x16xi32>,
      %get3A_429 = vector.shape_cast %get3A_428 : vector<1x1x16xi32> to vector<16xi32>
      %ne3A_430 = arith.constant 100000 : i32
      %ne3A_431 = vector.broadcast %ne3A_430 : i32 to vector<16xi32>
      %ne3A_432 = arith.cmpi ne, %get3A_429, %ne3A_431 : vector<16xi32>
      %jit3A_433 = arith.constant 1 : i32
      %jit3A_434 = arith.constant 0 : i32
      %broadcast_in_dim3A_435 = vector.broadcast %jit3A_433 : i32 to vector<16xi32>
      %broadcast_in_dim3A_436 = vector.broadcast %jit3A_434 : i32 to vector<16xi32>
      %select_n3A_437 = arith.select %ne3A_432, %broadcast_in_dim3A_435, %broadcast_in_dim3A_436 : vector<16xi1>, vector<16xi32>
      %add3A_438 = arith.addi %add3A_423, %select_n3A_437 : vector<16xi32>
      %get3A_439 = arith.constant 8 : i32
      %get3A_440 = arith.index_cast %scan3A_21 : i32 to index
      %get3A_441 = arith.index_cast %get3A_439 : i32 to index
      %get3A_442 = arith.constant 0 : index
      %get3A_443 = tpu.vector_load %arg5[%get3A_440, %get3A_441, %get3A_442] {strides = array<i32>} : memref<20x20x32xi32, #tpu.memory_space<vmem>>, vector<1x1x16xi32>,
      %get3A_444 = vector.shape_cast %get3A_443 : vector<1x1x16xi32> to vector<16xi32>
      %ne3A_445 = arith.constant 100000 : i32
      %ne3A_446 = vector.broadcast %ne3A_445 : i32 to vector<16xi32>
      %ne3A_447 = arith.cmpi ne, %get3A_444, %ne3A_446 : vector<16xi32>
      %jit3A_448 = arith.constant 1 : i32
      %jit3A_449 = arith.constant 0 : i32
      %broadcast_in_dim3A_450 = vector.broadcast %jit3A_448 : i32 to vector<16xi32>
      %broadcast_in_dim3A_451 = vector.broadcast %jit3A_449 : i32 to vector<16xi32>
      %select_n3A_452 = arith.select %ne3A_447, %broadcast_in_dim3A_450, %broadcast_in_dim3A_451 : vector<16xi1>, vector<16xi32>
      %add3A_453 = arith.addi %add3A_438, %select_n3A_452 : vector<16xi32>
      %get3A_454 = arith.constant 9 : i32
      %get3A_455 = arith.index_cast %scan3A_21 : i32 to index
      %get3A_456 = arith.index_cast %get3A_454 : i32 to index
      %get3A_457 = arith.constant 0 : index
      %get3A_458 = tpu.vector_load %arg5[%get3A_455, %get3A_456, %get3A_457] {strides = array<i32>} : memref<20x20x32xi32, #tpu.memory_space<vmem>>, vector<1x1x16xi32>,
      %get3A_459 = vector.shape_cast %get3A_458 : vector<1x1x16xi32> to vector<16xi32>
      %ne3A_460 = arith.constant 100000 : i32
      %ne3A_461 = vector.broadcast %ne3A_460 : i32 to vector<16xi32>
      %ne3A_462 = arith.cmpi ne, %get3A_459, %ne3A_461 : vector<16xi32>
      %jit3A_463 = arith.constant 1 : i32
      %jit3A_464 = arith.constant 0 : i32
      %broadcast_in_dim3A_465 = vector.broadcast %jit3A_463 : i32 to vector<16xi32>
      %broadcast_in_dim3A_466 = vector.broadcast %jit3A_464 : i32 to vector<16xi32>
      %select_n3A_467 = arith.select %ne3A_462, %broadcast_in_dim3A_465, %broadcast_in_dim3A_466 : vector<16xi1>, vector<16xi32>
      %add3A_468 = arith.addi %add3A_453, %select_n3A_467 : vector<16xi32>
      %get3A_469 = arith.constant 10 : i32
      %get3A_470 = arith.index_cast %scan3A_21 : i32 to index
      %get3A_471 = arith.index_cast %get3A_469 : i32 to index
      %get3A_472 = arith.constant 0 : index
      %get3A_473 = tpu.vector_load %arg5[%get3A_470, %get3A_471, %get3A_472] {strides = array<i32>} : memref<20x20x32xi32, #tpu.memory_space<vmem>>, vector<1x1x16xi32>,
      %get3A_474 = vector.shape_cast %get3A_473 : vector<1x1x16xi32> to vector<16xi32>
      %ne3A_475 = arith.constant 100000 : i32
      %ne3A_476 = vector.broadcast %ne3A_475 : i32 to vector<16xi32>
      %ne3A_477 = arith.cmpi ne, %get3A_474, %ne3A_476 : vector<16xi32>
      %jit3A_478 = arith.constant 1 : i32
      %jit3A_479 = arith.constant 0 : i32
      %broadcast_in_dim3A_480 = vector.broadcast %jit3A_478 : i32 to vector<16xi32>
      %broadcast_in_dim3A_481 = vector.broadcast %jit3A_479 : i32 to vector<16xi32>
      %select_n3A_482 = arith.select %ne3A_477, %broadcast_in_dim3A_480, %broadcast_in_dim3A_481 : vector<16xi1>, vector<16xi32>
      %add3A_483 = arith.addi %add3A_468, %select_n3A_482 : vector<16xi32>
      %get3A_484 = arith.constant 11 : i32
      %get3A_485 = arith.index_cast %scan3A_21 : i32 to index
      %get3A_486 = arith.index_cast %get3A_484 : i32 to index
      %get3A_487 = arith.constant 0 : index
      %get3A_488 = tpu.vector_load %arg5[%get3A_485, %get3A_486, %get3A_487] {strides = array<i32>} : memref<20x20x32xi32, #tpu.memory_space<vmem>>, vector<1x1x16xi32>,
      %get3A_489 = vector.shape_cast %get3A_488 : vector<1x1x16xi32> to vector<16xi32>
      %ne3A_490 = arith.constant 100000 : i32
      %ne3A_491 = vector.broadcast %ne3A_490 : i32 to vector<16xi32>
      %ne3A_492 = arith.cmpi ne, %get3A_489, %ne3A_491 : vector<16xi32>
      %jit3A_493 = arith.constant 1 : i32
      %jit3A_494 = arith.constant 0 : i32
      %broadcast_in_dim3A_495 = vector.broadcast %jit3A_493 : i32 to vector<16xi32>
      %broadcast_in_dim3A_496 = vector.broadcast %jit3A_494 : i32 to vector<16xi32>
      %select_n3A_497 = arith.select %ne3A_492, %broadcast_in_dim3A_495, %broadcast_in_dim3A_496 : vector<16xi1>, vector<16xi32>
      %add3A_498 = arith.addi %add3A_483, %select_n3A_497 : vector<16xi32>
      %get3A_499 = arith.constant 12 : i32
      %get3A_500 = arith.index_cast %scan3A_21 : i32 to index
      %get3A_501 = arith.index_cast %get3A_499 : i32 to index
      %get3A_502 = arith.constant 0 : index
      %get3A_503 = tpu.vector_load %arg5[%get3A_500, %get3A_501, %get3A_502] {strides = array<i32>} : memref<20x20x32xi32, #tpu.memory_space<vmem>>, vector<1x1x16xi32>,
      %get3A_504 = vector.shape_cast %get3A_503 : vector<1x1x16xi32> to vector<16xi32>
      %ne3A_505 = arith.constant 100000 : i32
      %ne3A_506 = vector.broadcast %ne3A_505 : i32 to vector<16xi32>
      %ne3A_507 = arith.cmpi ne, %get3A_504, %ne3A_506 : vector<16xi32>
      %jit3A_508 = arith.constant 1 : i32
      %jit3A_509 = arith.constant 0 : i32
      %broadcast_in_dim3A_510 = vector.broadcast %jit3A_508 : i32 to vector<16xi32>
      %broadcast_in_dim3A_511 = vector.broadcast %jit3A_509 : i32 to vector<16xi32>
      %select_n3A_512 = arith.select %ne3A_507, %broadcast_in_dim3A_510, %broadcast_in_dim3A_511 : vector<16xi1>, vector<16xi32>
      %add3A_513 = arith.addi %add3A_498, %select_n3A_512 : vector<16xi32>
      %get3A_514 = arith.constant 13 : i32
      %get3A_515 = arith.index_cast %scan3A_21 : i32 to index
      %get3A_516 = arith.index_cast %get3A_514 : i32 to index
      %get3A_517 = arith.constant 0 : index
      %get3A_518 = tpu.vector_load %arg5[%get3A_515, %get3A_516, %get3A_517] {strides = array<i32>} : memref<20x20x32xi32, #tpu.memory_space<vmem>>, vector<1x1x16xi32>,
      %get3A_519 = vector.shape_cast %get3A_518 : vector<1x1x16xi32> to vector<16xi32>
      %ne3A_520 = arith.constant 100000 : i32
      %ne3A_521 = vector.broadcast %ne3A_520 : i32 to vector<16xi32>
      %ne3A_522 = arith.cmpi ne, %get3A_519, %ne3A_521 : vector<16xi32>
      %jit3A_523 = arith.constant 1 : i32
      %jit3A_524 = arith.constant 0 : i32
      %broadcast_in_dim3A_525 = vector.broadcast %jit3A_523 : i32 to vector<16xi32>
      %broadcast_in_dim3A_526 = vector.broadcast %jit3A_524 : i32 to vector<16xi32>
      %select_n3A_527 = arith.select %ne3A_522, %broadcast_in_dim3A_525, %broadcast_in_dim3A_526 : vector<16xi1>, vector<16xi32>
      %add3A_528 = arith.addi %add3A_513, %select_n3A_527 : vector<16xi32>
      %get3A_529 = arith.constant 14 : i32
      %get3A_530 = arith.index_cast %scan3A_21 : i32 to index
      %get3A_531 = arith.index_cast %get3A_529 : i32 to index
      %get3A_532 = arith.constant 0 : index
      %get3A_533 = tpu.vector_load %arg5[%get3A_530, %get3A_531, %get3A_532] {strides = array<i32>} : memref<20x20x32xi32, #tpu.memory_space<vmem>>, vector<1x1x16xi32>,
      %get3A_534 = vector.shape_cast %get3A_533 : vector<1x1x16xi32> to vector<16xi32>
      %ne3A_535 = arith.constant 100000 : i32
      %ne3A_536 = vector.broadcast %ne3A_535 : i32 to vector<16xi32>
      %ne3A_537 = arith.cmpi ne, %get3A_534, %ne3A_536 : vector<16xi32>
      %jit3A_538 = arith.constant 1 : i32
      %jit3A_539 = arith.constant 0 : i32
      %broadcast_in_dim3A_540 = vector.broadcast %jit3A_538 : i32 to vector<16xi32>
      %broadcast_in_dim3A_541 = vector.broadcast %jit3A_539 : i32 to vector<16xi32>
      %select_n3A_542 = arith.select %ne3A_537, %broadcast_in_dim3A_540, %broadcast_in_dim3A_541 : vector<16xi1>, vector<16xi32>
      %add3A_543 = arith.addi %add3A_528, %select_n3A_542 : vector<16xi32>
      %get3A_544 = arith.constant 15 : i32
      %get3A_545 = arith.index_cast %scan3A_21 : i32 to index
      %get3A_546 = arith.index_cast %get3A_544 : i32 to index
      %get3A_547 = arith.constant 0 : index
      %get3A_548 = tpu.vector_load %arg5[%get3A_545, %get3A_546, %get3A_547] {strides = array<i32>} : memref<20x20x32xi32, #tpu.memory_space<vmem>>, vector<1x1x16xi32>,
      %get3A_549 = vector.shape_cast %get3A_548 : vector<1x1x16xi32> to vector<16xi32>
      %ne3A_550 = arith.constant 100000 : i32
      %ne3A_551 = vector.broadcast %ne3A_550 : i32 to vector<16xi32>
      %ne3A_552 = arith.cmpi ne, %get3A_549, %ne3A_551 : vector<16xi32>
      %jit3A_553 = arith.constant 1 : i32
      %jit3A_554 = arith.constant 0 : i32
      %broadcast_in_dim3A_555 = vector.broadcast %jit3A_553 : i32 to vector<16xi32>
      %broadcast_in_dim3A_556 = vector.broadcast %jit3A_554 : i32 to vector<16xi32>
      %select_n3A_557 = arith.select %ne3A_552, %broadcast_in_dim3A_555, %broadcast_in_dim3A_556 : vector<16xi1>, vector<16xi32>
      %add3A_558 = arith.addi %add3A_543, %select_n3A_557 : vector<16xi32>
      %get3A_559 = arith.constant 16 : i32
      %get3A_560 = arith.index_cast %scan3A_21 : i32 to index
      %get3A_561 = arith.index_cast %get3A_559 : i32 to index
      %get3A_562 = arith.constant 0 : index
      %get3A_563 = tpu.vector_load %arg5[%get3A_560, %get3A_561, %get3A_562] {strides = array<i32>} : memref<20x20x32xi32, #tpu.memory_space<vmem>>, vector<1x1x16xi32>,
      %get3A_564 = vector.shape_cast %get3A_563 : vector<1x1x16xi32> to vector<16xi32>
      %ne3A_565 = arith.constant 100000 : i32
      %ne3A_566 = vector.broadcast %ne3A_565 : i32 to vector<16xi32>
      %ne3A_567 = arith.cmpi ne, %get3A_564, %ne3A_566 : vector<16xi32>
      %jit3A_568 = arith.constant 1 : i32
      %jit3A_569 = arith.constant 0 : i32
      %broadcast_in_dim3A_570 = vector.broadcast %jit3A_568 : i32 to vector<16xi32>
      %broadcast_in_dim3A_571 = vector.broadcast %jit3A_569 : i32 to vector<16xi32>
      %select_n3A_572 = arith.select %ne3A_567, %broadcast_in_dim3A_570, %broadcast_in_dim3A_571 : vector<16xi1>, vector<16xi32>
      %add3A_573 = arith.addi %add3A_558, %select_n3A_572 : vector<16xi32>
      %get3A_574 = arith.constant 17 : i32
      %get3A_575 = arith.index_cast %scan3A_21 : i32 to index
      %get3A_576 = arith.index_cast %get3A_574 : i32 to index
      %get3A_577 = arith.constant 0 : index
      %get3A_578 = tpu.vector_load %arg5[%get3A_575, %get3A_576, %get3A_577] {strides = array<i32>} : memref<20x20x32xi32, #tpu.memory_space<vmem>>, vector<1x1x16xi32>,
      %get3A_579 = vector.shape_cast %get3A_578 : vector<1x1x16xi32> to vector<16xi32>
      %ne3A_580 = arith.constant 100000 : i32
      %ne3A_581 = vector.broadcast %ne3A_580 : i32 to vector<16xi32>
      %ne3A_582 = arith.cmpi ne, %get3A_579, %ne3A_581 : vector<16xi32>
      %jit3A_583 = arith.constant 1 : i32
      %jit3A_584 = arith.constant 0 : i32
      %broadcast_in_dim3A_585 = vector.broadcast %jit3A_583 : i32 to vector<16xi32>
      %broadcast_in_dim3A_586 = vector.broadcast %jit3A_584 : i32 to vector<16xi32>
      %select_n3A_587 = arith.select %ne3A_582, %broadcast_in_dim3A_585, %broadcast_in_dim3A_586 : vector<16xi1>, vector<16xi32>
      %add3A_588 = arith.addi %add3A_573, %select_n3A_587 : vector<16xi32>
      %get3A_589 = arith.constant 18 : i32
      %get3A_590 = arith.index_cast %scan3A_21 : i32 to index
      %get3A_591 = arith.index_cast %get3A_589 : i32 to index
      %get3A_592 = arith.constant 0 : index
      %get3A_593 = tpu.vector_load %arg5[%get3A_590, %get3A_591, %get3A_592] {strides = array<i32>} : memref<20x20x32xi32, #tpu.memory_space<vmem>>, vector<1x1x16xi32>,
      %get3A_594 = vector.shape_cast %get3A_593 : vector<1x1x16xi32> to vector<16xi32>
      %ne3A_595 = arith.constant 100000 : i32
      %ne3A_596 = vector.broadcast %ne3A_595 : i32 to vector<16xi32>
      %ne3A_597 = arith.cmpi ne, %get3A_594, %ne3A_596 : vector<16xi32>
      %jit3A_598 = arith.constant 1 : i32
      %jit3A_599 = arith.constant 0 : i32
      %broadcast_in_dim3A_600 = vector.broadcast %jit3A_598 : i32 to vector<16xi32>
      %broadcast_in_dim3A_601 = vector.broadcast %jit3A_599 : i32 to vector<16xi32>
      %select_n3A_602 = arith.select %ne3A_597, %broadcast_in_dim3A_600, %broadcast_in_dim3A_601 : vector<16xi1>, vector<16xi32>
      %add3A_603 = arith.addi %add3A_588, %select_n3A_602 : vector<16xi32>
      %get3A_604 = arith.constant 19 : i32
      %get3A_605 = arith.index_cast %scan3A_21 : i32 to index
      %get3A_606 = arith.index_cast %get3A_604 : i32 to index
      %get3A_607 = arith.constant 0 : index
      %get3A_608 = tpu.vector_load %arg5[%get3A_605, %get3A_606, %get3A_607] {strides = array<i32>} : memref<20x20x32xi32, #tpu.memory_space<vmem>>, vector<1x1x16xi32>,
      %get3A_609 = vector.shape_cast %get3A_608 : vector<1x1x16xi32> to vector<16xi32>
      %ne3A_610 = arith.constant 100000 : i32
      %ne3A_611 = vector.broadcast %ne3A_610 : i32 to vector<16xi32>
      %ne3A_612 = arith.cmpi ne, %get3A_609, %ne3A_611 : vector<16xi32>
      %jit3A_613 = arith.constant 1 : i32
      %jit3A_614 = arith.constant 0 : i32
      %broadcast_in_dim3A_615 = vector.broadcast %jit3A_613 : i32 to vector<16xi32>
      %broadcast_in_dim3A_616 = vector.broadcast %jit3A_614 : i32 to vector<16xi32>
      %select_n3A_617 = arith.select %ne3A_612, %broadcast_in_dim3A_615, %broadcast_in_dim3A_616 : vector<16xi1>, vector<16xi32>
      %add3A_618 = arith.addi %add3A_603, %select_n3A_617 : vector<16xi32>
      %max3A = arith.constant 1 : i32
      %max3A_619 = vector.broadcast %max3A : i32 to vector<16xi32>
      %max3A_620 = arith.maxsi %add3A_618, %max3A_619 : vector<16xi32>
      %convert_element_type3A = arith.sitofp %max3A_620 : vector<16xi32> to vector<16xf32>
      %div3A = arith.constant 1.000000e+00 : f32
      %div3A_621 = vector.broadcast %div3A : f32 to vector<16xf32>
      %div3A_622 = arith.divf %div3A_621, %convert_element_type3A : vector<16xf32>
      %broadcast_in_dim3A_623 = arith.constant 0 : i32
      %broadcast_in_dim3A_624 = vector.broadcast %broadcast_in_dim3A_623 : i32 to vector<16xi32>
      %get3A_625 = arith.constant 0 : i32
      %get3A_626 = arith.index_cast %scan3A_21 : i32 to index
      %get3A_627 = arith.index_cast %get3A_625 : i32 to index
      %get3A_628 = arith.constant 16 : index
      %get3A_629 = tpu.vector_load %arg5[%get3A_626, %get3A_627, %get3A_628] {strides = array<i32>} : memref<20x20x32xi32, #tpu.memory_space<vmem>>, vector<1x1x16xi32>,
      %get3A_630 = vector.shape_cast %get3A_629 : vector<1x1x16xi32> to vector<16xi32>
      %ne3A_631 = arith.constant 100000 : i32
      %ne3A_632 = vector.broadcast %ne3A_631 : i32 to vector<16xi32>
      %ne3A_633 = arith.cmpi ne, %get3A_630, %ne3A_632 : vector<16xi32>
      %jit3A_634 = arith.constant 1 : i32
      %jit3A_635 = arith.constant 0 : i32
      %broadcast_in_dim3A_636 = vector.broadcast %jit3A_634 : i32 to vector<16xi32>
      %broadcast_in_dim3A_637 = vector.broadcast %jit3A_635 : i32 to vector<16xi32>
      %select_n3A_638 = arith.select %ne3A_633, %broadcast_in_dim3A_636, %broadcast_in_dim3A_637 : vector<16xi1>, vector<16xi32>
      %add3A_639 = arith.addi %broadcast_in_dim3A_624, %select_n3A_638 : vector<16xi32>
      %get3A_640 = arith.constant 1 : i32
      %get3A_641 = arith.index_cast %scan3A_21 : i32 to index
      %get3A_642 = arith.index_cast %get3A_640 : i32 to index
      %get3A_643 = arith.constant 16 : index
      %get3A_644 = tpu.vector_load %arg5[%get3A_641, %get3A_642, %get3A_643] {strides = array<i32>} : memref<20x20x32xi32, #tpu.memory_space<vmem>>, vector<1x1x16xi32>,
      %get3A_645 = vector.shape_cast %get3A_644 : vector<1x1x16xi32> to vector<16xi32>
      %ne3A_646 = arith.constant 100000 : i32
      %ne3A_647 = vector.broadcast %ne3A_646 : i32 to vector<16xi32>
      %ne3A_648 = arith.cmpi ne, %get3A_645, %ne3A_647 : vector<16xi32>
      %jit3A_649 = arith.constant 1 : i32
      %jit3A_650 = arith.constant 0 : i32
      %broadcast_in_dim3A_651 = vector.broadcast %jit3A_649 : i32 to vector<16xi32>
      %broadcast_in_dim3A_652 = vector.broadcast %jit3A_650 : i32 to vector<16xi32>
      %select_n3A_653 = arith.select %ne3A_648, %broadcast_in_dim3A_651, %broadcast_in_dim3A_652 : vector<16xi1>, vector<16xi32>
      %add3A_654 = arith.addi %add3A_639, %select_n3A_653 : vector<16xi32>
      %get3A_655 = arith.constant 2 : i32
      %get3A_656 = arith.index_cast %scan3A_21 : i32 to index
      %get3A_657 = arith.index_cast %get3A_655 : i32 to index
      %get3A_658 = arith.constant 16 : index
      %get3A_659 = tpu.vector_load %arg5[%get3A_656, %get3A_657, %get3A_658] {strides = array<i32>} : memref<20x20x32xi32, #tpu.memory_space<vmem>>, vector<1x1x16xi32>,
      %get3A_660 = vector.shape_cast %get3A_659 : vector<1x1x16xi32> to vector<16xi32>
      %ne3A_661 = arith.constant 100000 : i32
      %ne3A_662 = vector.broadcast %ne3A_661 : i32 to vector<16xi32>
      %ne3A_663 = arith.cmpi ne, %get3A_660, %ne3A_662 : vector<16xi32>
      %jit3A_664 = arith.constant 1 : i32
      %jit3A_665 = arith.constant 0 : i32
      %broadcast_in_dim3A_666 = vector.broadcast %jit3A_664 : i32 to vector<16xi32>
      %broadcast_in_dim3A_667 = vector.broadcast %jit3A_665 : i32 to vector<16xi32>
      %select_n3A_668 = arith.select %ne3A_663, %broadcast_in_dim3A_666, %broadcast_in_dim3A_667 : vector<16xi1>, vector<16xi32>
      %add3A_669 = arith.addi %add3A_654, %select_n3A_668 : vector<16xi32>
      %get3A_670 = arith.constant 3 : i32
      %get3A_671 = arith.index_cast %scan3A_21 : i32 to index
      %get3A_672 = arith.index_cast %get3A_670 : i32 to index
      %get3A_673 = arith.constant 16 : index
      %get3A_674 = tpu.vector_load %arg5[%get3A_671, %get3A_672, %get3A_673] {strides = array<i32>} : memref<20x20x32xi32, #tpu.memory_space<vmem>>, vector<1x1x16xi32>,
      %get3A_675 = vector.shape_cast %get3A_674 : vector<1x1x16xi32> to vector<16xi32>
      %ne3A_676 = arith.constant 100000 : i32
      %ne3A_677 = vector.broadcast %ne3A_676 : i32 to vector<16xi32>
      %ne3A_678 = arith.cmpi ne, %get3A_675, %ne3A_677 : vector<16xi32>
      %jit3A_679 = arith.constant 1 : i32
      %jit3A_680 = arith.constant 0 : i32
      %broadcast_in_dim3A_681 = vector.broadcast %jit3A_679 : i32 to vector<16xi32>
      %broadcast_in_dim3A_682 = vector.broadcast %jit3A_680 : i32 to vector<16xi32>
      %select_n3A_683 = arith.select %ne3A_678, %broadcast_in_dim3A_681, %broadcast_in_dim3A_682 : vector<16xi1>, vector<16xi32>
      %add3A_684 = arith.addi %add3A_669, %select_n3A_683 : vector<16xi32>
      %get3A_685 = arith.constant 4 : i32
      %get3A_686 = arith.index_cast %scan3A_21 : i32 to index
      %get3A_687 = arith.index_cast %get3A_685 : i32 to index
      %get3A_688 = arith.constant 16 : index
      %get3A_689 = tpu.vector_load %arg5[%get3A_686, %get3A_687, %get3A_688] {strides = array<i32>} : memref<20x20x32xi32, #tpu.memory_space<vmem>>, vector<1x1x16xi32>,
      %get3A_690 = vector.shape_cast %get3A_689 : vector<1x1x16xi32> to vector<16xi32>
      %ne3A_691 = arith.constant 100000 : i32
      %ne3A_692 = vector.broadcast %ne3A_691 : i32 to vector<16xi32>
      %ne3A_693 = arith.cmpi ne, %get3A_690, %ne3A_692 : vector<16xi32>
      %jit3A_694 = arith.constant 1 : i32
      %jit3A_695 = arith.constant 0 : i32
      %broadcast_in_dim3A_696 = vector.broadcast %jit3A_694 : i32 to vector<16xi32>
      %broadcast_in_dim3A_697 = vector.broadcast %jit3A_695 : i32 to vector<16xi32>
      %select_n3A_698 = arith.select %ne3A_693, %broadcast_in_dim3A_696, %broadcast_in_dim3A_697 : vector<16xi1>, vector<16xi32>
      %add3A_699 = arith.addi %add3A_684, %select_n3A_698 : vector<16xi32>
      %get3A_700 = arith.constant 5 : i32
      %get3A_701 = arith.index_cast %scan3A_21 : i32 to index
      %get3A_702 = arith.index_cast %get3A_700 : i32 to index
      %get3A_703 = arith.constant 16 : index
      %get3A_704 = tpu.vector_load %arg5[%get3A_701, %get3A_702, %get3A_703] {strides = array<i32>} : memref<20x20x32xi32, #tpu.memory_space<vmem>>, vector<1x1x16xi32>,
      %get3A_705 = vector.shape_cast %get3A_704 : vector<1x1x16xi32> to vector<16xi32>
      %ne3A_706 = arith.constant 100000 : i32
      %ne3A_707 = vector.broadcast %ne3A_706 : i32 to vector<16xi32>
      %ne3A_708 = arith.cmpi ne, %get3A_705, %ne3A_707 : vector<16xi32>
      %jit3A_709 = arith.constant 1 : i32
      %jit3A_710 = arith.constant 0 : i32
      %broadcast_in_dim3A_711 = vector.broadcast %jit3A_709 : i32 to vector<16xi32>
      %broadcast_in_dim3A_712 = vector.broadcast %jit3A_710 : i32 to vector<16xi32>
      %select_n3A_713 = arith.select %ne3A_708, %broadcast_in_dim3A_711, %broadcast_in_dim3A_712 : vector<16xi1>, vector<16xi32>
      %add3A_714 = arith.addi %add3A_699, %select_n3A_713 : vector<16xi32>
      %get3A_715 = arith.constant 6 : i32
      %get3A_716 = arith.index_cast %scan3A_21 : i32 to index
      %get3A_717 = arith.index_cast %get3A_715 : i32 to index
      %get3A_718 = arith.constant 16 : index
      %get3A_719 = tpu.vector_load %arg5[%get3A_716, %get3A_717, %get3A_718] {strides = array<i32>} : memref<20x20x32xi32, #tpu.memory_space<vmem>>, vector<1x1x16xi32>,
      %get3A_720 = vector.shape_cast %get3A_719 : vector<1x1x16xi32> to vector<16xi32>
      %ne3A_721 = arith.constant 100000 : i32
      %ne3A_722 = vector.broadcast %ne3A_721 : i32 to vector<16xi32>
      %ne3A_723 = arith.cmpi ne, %get3A_720, %ne3A_722 : vector<16xi32>
      %jit3A_724 = arith.constant 1 : i32
      %jit3A_725 = arith.constant 0 : i32
      %broadcast_in_dim3A_726 = vector.broadcast %jit3A_724 : i32 to vector<16xi32>
      %broadcast_in_dim3A_727 = vector.broadcast %jit3A_725 : i32 to vector<16xi32>
      %select_n3A_728 = arith.select %ne3A_723, %broadcast_in_dim3A_726, %broadcast_in_dim3A_727 : vector<16xi1>, vector<16xi32>
      %add3A_729 = arith.addi %add3A_714, %select_n3A_728 : vector<16xi32>
      %get3A_730 = arith.constant 7 : i32
      %get3A_731 = arith.index_cast %scan3A_21 : i32 to index
      %get3A_732 = arith.index_cast %get3A_730 : i32 to index
      %get3A_733 = arith.constant 16 : index
      %get3A_734 = tpu.vector_load %arg5[%get3A_731, %get3A_732, %get3A_733] {strides = array<i32>} : memref<20x20x32xi32, #tpu.memory_space<vmem>>, vector<1x1x16xi32>,
      %get3A_735 = vector.shape_cast %get3A_734 : vector<1x1x16xi32> to vector<16xi32>
      %ne3A_736 = arith.constant 100000 : i32
      %ne3A_737 = vector.broadcast %ne3A_736 : i32 to vector<16xi32>
      %ne3A_738 = arith.cmpi ne, %get3A_735, %ne3A_737 : vector<16xi32>
      %jit3A_739 = arith.constant 1 : i32
      %jit3A_740 = arith.constant 0 : i32
      %broadcast_in_dim3A_741 = vector.broadcast %jit3A_739 : i32 to vector<16xi32>
      %broadcast_in_dim3A_742 = vector.broadcast %jit3A_740 : i32 to vector<16xi32>
      %select_n3A_743 = arith.select %ne3A_738, %broadcast_in_dim3A_741, %broadcast_in_dim3A_742 : vector<16xi1>, vector<16xi32>
      %add3A_744 = arith.addi %add3A_729, %select_n3A_743 : vector<16xi32>
      %get3A_745 = arith.constant 8 : i32
      %get3A_746 = arith.index_cast %scan3A_21 : i32 to index
      %get3A_747 = arith.index_cast %get3A_745 : i32 to index
      %get3A_748 = arith.constant 16 : index
      %get3A_749 = tpu.vector_load %arg5[%get3A_746, %get3A_747, %get3A_748] {strides = array<i32>} : memref<20x20x32xi32, #tpu.memory_space<vmem>>, vector<1x1x16xi32>,
      %get3A_750 = vector.shape_cast %get3A_749 : vector<1x1x16xi32> to vector<16xi32>
      %ne3A_751 = arith.constant 100000 : i32
      %ne3A_752 = vector.broadcast %ne3A_751 : i32 to vector<16xi32>
      %ne3A_753 = arith.cmpi ne, %get3A_750, %ne3A_752 : vector<16xi32>
      %jit3A_754 = arith.constant 1 : i32
      %jit3A_755 = arith.constant 0 : i32
      %broadcast_in_dim3A_756 = vector.broadcast %jit3A_754 : i32 to vector<16xi32>
      %broadcast_in_dim3A_757 = vector.broadcast %jit3A_755 : i32 to vector<16xi32>
      %select_n3A_758 = arith.select %ne3A_753, %broadcast_in_dim3A_756, %broadcast_in_dim3A_757 : vector<16xi1>, vector<16xi32>
      %add3A_759 = arith.addi %add3A_744, %select_n3A_758 : vector<16xi32>
      %get3A_760 = arith.constant 9 : i32
      %get3A_761 = arith.index_cast %scan3A_21 : i32 to index
      %get3A_762 = arith.index_cast %get3A_760 : i32 to index
      %get3A_763 = arith.constant 16 : index
      %get3A_764 = tpu.vector_load %arg5[%get3A_761, %get3A_762, %get3A_763] {strides = array<i32>} : memref<20x20x32xi32, #tpu.memory_space<vmem>>, vector<1x1x16xi32>,
      %get3A_765 = vector.shape_cast %get3A_764 : vector<1x1x16xi32> to vector<16xi32>
      %ne3A_766 = arith.constant 100000 : i32
      %ne3A_767 = vector.broadcast %ne3A_766 : i32 to vector<16xi32>
      %ne3A_768 = arith.cmpi ne, %get3A_765, %ne3A_767 : vector<16xi32>
      %jit3A_769 = arith.constant 1 : i32
      %jit3A_770 = arith.constant 0 : i32
      %broadcast_in_dim3A_771 = vector.broadcast %jit3A_769 : i32 to vector<16xi32>
      %broadcast_in_dim3A_772 = vector.broadcast %jit3A_770 : i32 to vector<16xi32>
      %select_n3A_773 = arith.select %ne3A_768, %broadcast_in_dim3A_771, %broadcast_in_dim3A_772 : vector<16xi1>, vector<16xi32>
      %add3A_774 = arith.addi %add3A_759, %select_n3A_773 : vector<16xi32>
      %get3A_775 = arith.constant 10 : i32
      %get3A_776 = arith.index_cast %scan3A_21 : i32 to index
      %get3A_777 = arith.index_cast %get3A_775 : i32 to index
      %get3A_778 = arith.constant 16 : index
      %get3A_779 = tpu.vector_load %arg5[%get3A_776, %get3A_777, %get3A_778] {strides = array<i32>} : memref<20x20x32xi32, #tpu.memory_space<vmem>>, vector<1x1x16xi32>,
      %get3A_780 = vector.shape_cast %get3A_779 : vector<1x1x16xi32> to vector<16xi32>
      %ne3A_781 = arith.constant 100000 : i32
      %ne3A_782 = vector.broadcast %ne3A_781 : i32 to vector<16xi32>
      %ne3A_783 = arith.cmpi ne, %get3A_780, %ne3A_782 : vector<16xi32>
      %jit3A_784 = arith.constant 1 : i32
      %jit3A_785 = arith.constant 0 : i32
      %broadcast_in_dim3A_786 = vector.broadcast %jit3A_784 : i32 to vector<16xi32>
      %broadcast_in_dim3A_787 = vector.broadcast %jit3A_785 : i32 to vector<16xi32>
      %select_n3A_788 = arith.select %ne3A_783, %broadcast_in_dim3A_786, %broadcast_in_dim3A_787 : vector<16xi1>, vector<16xi32>
      %add3A_789 = arith.addi %add3A_774, %select_n3A_788 : vector<16xi32>
      %get3A_790 = arith.constant 11 : i32
      %get3A_791 = arith.index_cast %scan3A_21 : i32 to index
      %get3A_792 = arith.index_cast %get3A_790 : i32 to index
      %get3A_793 = arith.constant 16 : index
      %get3A_794 = tpu.vector_load %arg5[%get3A_791, %get3A_792, %get3A_793] {strides = array<i32>} : memref<20x20x32xi32, #tpu.memory_space<vmem>>, vector<1x1x16xi32>,
      %get3A_795 = vector.shape_cast %get3A_794 : vector<1x1x16xi32> to vector<16xi32>
      %ne3A_796 = arith.constant 100000 : i32
      %ne3A_797 = vector.broadcast %ne3A_796 : i32 to vector<16xi32>
      %ne3A_798 = arith.cmpi ne, %get3A_795, %ne3A_797 : vector<16xi32>
      %jit3A_799 = arith.constant 1 : i32
      %jit3A_800 = arith.constant 0 : i32
      %broadcast_in_dim3A_801 = vector.broadcast %jit3A_799 : i32 to vector<16xi32>
      %broadcast_in_dim3A_802 = vector.broadcast %jit3A_800 : i32 to vector<16xi32>
      %select_n3A_803 = arith.select %ne3A_798, %broadcast_in_dim3A_801, %broadcast_in_dim3A_802 : vector<16xi1>, vector<16xi32>
      %add3A_804 = arith.addi %add3A_789, %select_n3A_803 : vector<16xi32>
      %get3A_805 = arith.constant 12 : i32
      %get3A_806 = arith.index_cast %scan3A_21 : i32 to index
      %get3A_807 = arith.index_cast %get3A_805 : i32 to index
      %get3A_808 = arith.constant 16 : index
      %get3A_809 = tpu.vector_load %arg5[%get3A_806, %get3A_807, %get3A_808] {strides = array<i32>} : memref<20x20x32xi32, #tpu.memory_space<vmem>>, vector<1x1x16xi32>,
      %get3A_810 = vector.shape_cast %get3A_809 : vector<1x1x16xi32> to vector<16xi32>
      %ne3A_811 = arith.constant 100000 : i32
      %ne3A_812 = vector.broadcast %ne3A_811 : i32 to vector<16xi32>
      %ne3A_813 = arith.cmpi ne, %get3A_810, %ne3A_812 : vector<16xi32>
      %jit3A_814 = arith.constant 1 : i32
      %jit3A_815 = arith.constant 0 : i32
      %broadcast_in_dim3A_816 = vector.broadcast %jit3A_814 : i32 to vector<16xi32>
      %broadcast_in_dim3A_817 = vector.broadcast %jit3A_815 : i32 to vector<16xi32>
      %select_n3A_818 = arith.select %ne3A_813, %broadcast_in_dim3A_816, %broadcast_in_dim3A_817 : vector<16xi1>, vector<16xi32>
      %add3A_819 = arith.addi %add3A_804, %select_n3A_818 : vector<16xi32>
      %get3A_820 = arith.constant 13 : i32
      %get3A_821 = arith.index_cast %scan3A_21 : i32 to index
      %get3A_822 = arith.index_cast %get3A_820 : i32 to index
      %get3A_823 = arith.constant 16 : index
      %get3A_824 = tpu.vector_load %arg5[%get3A_821, %get3A_822, %get3A_823] {strides = array<i32>} : memref<20x20x32xi32, #tpu.memory_space<vmem>>, vector<1x1x16xi32>,
      %get3A_825 = vector.shape_cast %get3A_824 : vector<1x1x16xi32> to vector<16xi32>
      %ne3A_826 = arith.constant 100000 : i32
      %ne3A_827 = vector.broadcast %ne3A_826 : i32 to vector<16xi32>
      %ne3A_828 = arith.cmpi ne, %get3A_825, %ne3A_827 : vector<16xi32>
      %jit3A_829 = arith.constant 1 : i32
      %jit3A_830 = arith.constant 0 : i32
      %broadcast_in_dim3A_831 = vector.broadcast %jit3A_829 : i32 to vector<16xi32>
      %broadcast_in_dim3A_832 = vector.broadcast %jit3A_830 : i32 to vector<16xi32>
      %select_n3A_833 = arith.select %ne3A_828, %broadcast_in_dim3A_831, %broadcast_in_dim3A_832 : vector<16xi1>, vector<16xi32>
      %add3A_834 = arith.addi %add3A_819, %select_n3A_833 : vector<16xi32>
      %get3A_835 = arith.constant 14 : i32
      %get3A_836 = arith.index_cast %scan3A_21 : i32 to index
      %get3A_837 = arith.index_cast %get3A_835 : i32 to index
      %get3A_838 = arith.constant 16 : index
      %get3A_839 = tpu.vector_load %arg5[%get3A_836, %get3A_837, %get3A_838] {strides = array<i32>} : memref<20x20x32xi32, #tpu.memory_space<vmem>>, vector<1x1x16xi32>,
      %get3A_840 = vector.shape_cast %get3A_839 : vector<1x1x16xi32> to vector<16xi32>
      %ne3A_841 = arith.constant 100000 : i32
      %ne3A_842 = vector.broadcast %ne3A_841 : i32 to vector<16xi32>
      %ne3A_843 = arith.cmpi ne, %get3A_840, %ne3A_842 : vector<16xi32>
      %jit3A_844 = arith.constant 1 : i32
      %jit3A_845 = arith.constant 0 : i32
      %broadcast_in_dim3A_846 = vector.broadcast %jit3A_844 : i32 to vector<16xi32>
      %broadcast_in_dim3A_847 = vector.broadcast %jit3A_845 : i32 to vector<16xi32>
      %select_n3A_848 = arith.select %ne3A_843, %broadcast_in_dim3A_846, %broadcast_in_dim3A_847 : vector<16xi1>, vector<16xi32>
      %add3A_849 = arith.addi %add3A_834, %select_n3A_848 : vector<16xi32>
      %get3A_850 = arith.constant 15 : i32
      %get3A_851 = arith.index_cast %scan3A_21 : i32 to index
      %get3A_852 = arith.index_cast %get3A_850 : i32 to index
      %get3A_853 = arith.constant 16 : index
      %get3A_854 = tpu.vector_load %arg5[%get3A_851, %get3A_852, %get3A_853] {strides = array<i32>} : memref<20x20x32xi32, #tpu.memory_space<vmem>>, vector<1x1x16xi32>,
      %get3A_855 = vector.shape_cast %get3A_854 : vector<1x1x16xi32> to vector<16xi32>
      %ne3A_856 = arith.constant 100000 : i32
      %ne3A_857 = vector.broadcast %ne3A_856 : i32 to vector<16xi32>
      %ne3A_858 = arith.cmpi ne, %get3A_855, %ne3A_857 : vector<16xi32>
      %jit3A_859 = arith.constant 1 : i32
      %jit3A_860 = arith.constant 0 : i32
      %broadcast_in_dim3A_861 = vector.broadcast %jit3A_859 : i32 to vector<16xi32>
      %broadcast_in_dim3A_862 = vector.broadcast %jit3A_860 : i32 to vector<16xi32>
      %select_n3A_863 = arith.select %ne3A_858, %broadcast_in_dim3A_861, %broadcast_in_dim3A_862 : vector<16xi1>, vector<16xi32>
      %add3A_864 = arith.addi %add3A_849, %select_n3A_863 : vector<16xi32>
      %get3A_865 = arith.constant 16 : i32
      %get3A_866 = arith.index_cast %scan3A_21 : i32 to index
      %get3A_867 = arith.index_cast %get3A_865 : i32 to index
      %get3A_868 = arith.constant 16 : index
      %get3A_869 = tpu.vector_load %arg5[%get3A_866, %get3A_867, %get3A_868] {strides = array<i32>} : memref<20x20x32xi32, #tpu.memory_space<vmem>>, vector<1x1x16xi32>,
      %get3A_870 = vector.shape_cast %get3A_869 : vector<1x1x16xi32> to vector<16xi32>
      %ne3A_871 = arith.constant 100000 : i32
      %ne3A_872 = vector.broadcast %ne3A_871 : i32 to vector<16xi32>
      %ne3A_873 = arith.cmpi ne, %get3A_870, %ne3A_872 : vector<16xi32>
      %jit3A_874 = arith.constant 1 : i32
      %jit3A_875 = arith.constant 0 : i32
      %broadcast_in_dim3A_876 = vector.broadcast %jit3A_874 : i32 to vector<16xi32>
      %broadcast_in_dim3A_877 = vector.broadcast %jit3A_875 : i32 to vector<16xi32>
      %select_n3A_878 = arith.select %ne3A_873, %broadcast_in_dim3A_876, %broadcast_in_dim3A_877 : vector<16xi1>, vector<16xi32>
      %add3A_879 = arith.addi %add3A_864, %select_n3A_878 : vector<16xi32>
      %get3A_880 = arith.constant 17 : i32
      %get3A_881 = arith.index_cast %scan3A_21 : i32 to index
      %get3A_882 = arith.index_cast %get3A_880 : i32 to index
      %get3A_883 = arith.constant 16 : index
      %get3A_884 = tpu.vector_load %arg5[%get3A_881, %get3A_882, %get3A_883] {strides = array<i32>} : memref<20x20x32xi32, #tpu.memory_space<vmem>>, vector<1x1x16xi32>,
      %get3A_885 = vector.shape_cast %get3A_884 : vector<1x1x16xi32> to vector<16xi32>
      %ne3A_886 = arith.constant 100000 : i32
      %ne3A_887 = vector.broadcast %ne3A_886 : i32 to vector<16xi32>
      %ne3A_888 = arith.cmpi ne, %get3A_885, %ne3A_887 : vector<16xi32>
      %jit3A_889 = arith.constant 1 : i32
      %jit3A_890 = arith.constant 0 : i32
      %broadcast_in_dim3A_891 = vector.broadcast %jit3A_889 : i32 to vector<16xi32>
      %broadcast_in_dim3A_892 = vector.broadcast %jit3A_890 : i32 to vector<16xi32>
      %select_n3A_893 = arith.select %ne3A_888, %broadcast_in_dim3A_891, %broadcast_in_dim3A_892 : vector<16xi1>, vector<16xi32>
      %add3A_894 = arith.addi %add3A_879, %select_n3A_893 : vector<16xi32>
      %get3A_895 = arith.constant 18 : i32
      %get3A_896 = arith.index_cast %scan3A_21 : i32 to index
      %get3A_897 = arith.index_cast %get3A_895 : i32 to index
      %get3A_898 = arith.constant 16 : index
      %get3A_899 = tpu.vector_load %arg5[%get3A_896, %get3A_897, %get3A_898] {strides = array<i32>} : memref<20x20x32xi32, #tpu.memory_space<vmem>>, vector<1x1x16xi32>,
      %get3A_900 = vector.shape_cast %get3A_899 : vector<1x1x16xi32> to vector<16xi32>
      %ne3A_901 = arith.constant 100000 : i32
      %ne3A_902 = vector.broadcast %ne3A_901 : i32 to vector<16xi32>
      %ne3A_903 = arith.cmpi ne, %get3A_900, %ne3A_902 : vector<16xi32>
      %jit3A_904 = arith.constant 1 : i32
      %jit3A_905 = arith.constant 0 : i32
      %broadcast_in_dim3A_906 = vector.broadcast %jit3A_904 : i32 to vector<16xi32>
      %broadcast_in_dim3A_907 = vector.broadcast %jit3A_905 : i32 to vector<16xi32>
      %select_n3A_908 = arith.select %ne3A_903, %broadcast_in_dim3A_906, %broadcast_in_dim3A_907 : vector<16xi1>, vector<16xi32>
      %add3A_909 = arith.addi %add3A_894, %select_n3A_908 : vector<16xi32>
      %get3A_910 = arith.constant 19 : i32
      %get3A_911 = arith.index_cast %scan3A_21 : i32 to index
      %get3A_912 = arith.index_cast %get3A_910 : i32 to index
      %get3A_913 = arith.constant 16 : index
      %get3A_914 = tpu.vector_load %arg5[%get3A_911, %get3A_912, %get3A_913] {strides = array<i32>} : memref<20x20x32xi32, #tpu.memory_space<vmem>>, vector<1x1x16xi32>,
      %get3A_915 = vector.shape_cast %get3A_914 : vector<1x1x16xi32> to vector<16xi32>
      %ne3A_916 = arith.constant 100000 : i32
      %ne3A_917 = vector.broadcast %ne3A_916 : i32 to vector<16xi32>
      %ne3A_918 = arith.cmpi ne, %get3A_915, %ne3A_917 : vector<16xi32>
      %jit3A_919 = arith.constant 1 : i32
      %jit3A_920 = arith.constant 0 : i32
      %broadcast_in_dim3A_921 = vector.broadcast %jit3A_919 : i32 to vector<16xi32>
      %broadcast_in_dim3A_922 = vector.broadcast %jit3A_920 : i32 to vector<16xi32>
      %select_n3A_923 = arith.select %ne3A_918, %broadcast_in_dim3A_921, %broadcast_in_dim3A_922 : vector<16xi1>, vector<16xi32>
      %add3A_924 = arith.addi %add3A_909, %select_n3A_923 : vector<16xi32>
      %max3A_925 = arith.constant 1 : i32
      %max3A_926 = vector.broadcast %max3A_925 : i32 to vector<16xi32>
      %max3A_927 = arith.maxsi %add3A_924, %max3A_926 : vector<16xi32>
      %convert_element_type3A_928 = arith.sitofp %max3A_927 : vector<16xi32> to vector<16xf32>
      %div3A_929 = arith.constant 1.000000e+00 : f32
      %div3A_930 = vector.broadcast %div3A_929 : f32 to vector<16xf32>
      %div3A_931 = arith.divf %div3A_930, %convert_element_type3A_928 : vector<16xf32>
      %slice3A = vector.extract_strided_slice %div3A_622 {offsets = [0], sizes = [1], strides = [1]} : vector<16xf32> to vector<1xf32>
      %squeeze3A = vector.extract %slice3A[0] : f32 from vector<1xf32>
      %get3A_932 = arith.constant 0 : i32
      %get3A_933 = arith.index_cast %scan3A_21 : i32 to index
      %get3A_934 = arith.index_cast %get3A_932 : i32 to index
      %get3A_935 = arith.constant 0 : index
      %get3A_936 = tpu.vector_load %arg6[%get3A_933, %get3A_934, %get3A_935] {strides = array<i32>} : memref<20x32x64xf32, #tpu.memory_space<vmem>>, vector<1x1x16xf32>,
      %get3A_937 = vector.shape_cast %get3A_936 : vector<1x1x16xf32> to vector<16xf32>
      %mul3A_938 = vector.broadcast %squeeze3A : f32 to vector<16xf32>
      %mul3A_939 = arith.mulf %get3A_937, %mul3A_938 : vector<16xf32>
      %swap3A = arith.constant 0 : i32
      %swap3A_940 = arith.index_cast %scan3A_21 : i32 to index
      %swap3A_941 = arith.index_cast %swap3A : i32 to index
      %swap3A_942 = arith.constant 0 : index
      %swap3A_943 = tpu.vector_load %arg6[%swap3A_940, %swap3A_941, %swap3A_942] {strides = array<i32>} : memref<20x32x64xf32, #tpu.memory_space<vmem>>, vector<1x1x16xf32>,
      %swap3A_944 = vector.shape_cast %swap3A_943 : vector<1x1x16xf32> to vector<16xf32>
      %swap3A_945 = vector.shape_cast %mul3A_939 : vector<16xf32> to vector<1x1x16xf32>
      tpu.vector_store %arg6[%swap3A_940, %swap3A_941, %swap3A_942], %swap3A_945 {strides = array<i32>} : memref<20x32x64xf32, #tpu.memory_space<vmem>>, vector<1x1x16xf32>,
      %get3A_946 = arith.constant 0 : i32
      %get3A_947 = arith.index_cast %scan3A_21 : i32 to index
      %get3A_948 = arith.index_cast %get3A_946 : i32 to index
      %get3A_949 = arith.constant 16 : index
      %get3A_950 = tpu.vector_load %arg6[%get3A_947, %get3A_948, %get3A_949] {strides = array<i32>} : memref<20x32x64xf32, #tpu.memory_space<vmem>>, vector<1x1x16xf32>,
      %get3A_951 = vector.shape_cast %get3A_950 : vector<1x1x16xf32> to vector<16xf32>
      %mul3A_952 = vector.broadcast %squeeze3A : f32 to vector<16xf32>
      %mul3A_953 = arith.mulf %get3A_951, %mul3A_952 : vector<16xf32>
      %swap3A_954 = arith.constant 0 : i32
      %swap3A_955 = arith.index_cast %scan3A_21 : i32 to index
      %swap3A_956 = arith.index_cast %swap3A_954 : i32 to index
      %swap3A_957 = arith.constant 16 : index
      %swap3A_958 = tpu.vector_load %arg6[%swap3A_955, %swap3A_956, %swap3A_957] {strides = array<i32>} : memref<20x32x64xf32, #tpu.memory_space<vmem>>, vector<1x1x16xf32>,
      %swap3A_959 = vector.shape_cast %swap3A_958 : vector<1x1x16xf32> to vector<16xf32>
      %swap3A_960 = vector.shape_cast %mul3A_953 : vector<16xf32> to vector<1x1x16xf32>
      tpu.vector_store %arg6[%swap3A_955, %swap3A_956, %swap3A_957], %swap3A_960 {strides = array<i32>} : memref<20x32x64xf32, #tpu.memory_space<vmem>>, vector<1x1x16xf32>,
      %get3A_961 = arith.constant 0 : i32
      %get3A_962 = arith.index_cast %scan3A_21 : i32 to index
      %get3A_963 = arith.index_cast %get3A_961 : i32 to index
      %get3A_964 = arith.constant 32 : index
      %get3A_965 = tpu.vector_load %arg6[%get3A_962, %get3A_963, %get3A_964] {strides = array<i32>} : memref<20x32x64xf32, #tpu.memory_space<vmem>>, vector<1x1x16xf32>,
      %get3A_966 = vector.shape_cast %get3A_965 : vector<1x1x16xf32> to vector<16xf32>
      %mul3A_967 = vector.broadcast %squeeze3A : f32 to vector<16xf32>
      %mul3A_968 = arith.mulf %get3A_966, %mul3A_967 : vector<16xf32>
      %swap3A_969 = arith.constant 0 : i32
      %swap3A_970 = arith.index_cast %scan3A_21 : i32 to index
      %swap3A_971 = arith.index_cast %swap3A_969 : i32 to index
      %swap3A_972 = arith.constant 32 : index
      %swap3A_973 = tpu.vector_load %arg6[%swap3A_970, %swap3A_971, %swap3A_972] {strides = array<i32>} : memref<20x32x64xf32, #tpu.memory_space<vmem>>, vector<1x1x16xf32>,
      %swap3A_974 = vector.shape_cast %swap3A_973 : vector<1x1x16xf32> to vector<16xf32>
      %swap3A_975 = vector.shape_cast %mul3A_968 : vector<16xf32> to vector<1x1x16xf32>
      tpu.vector_store %arg6[%swap3A_970, %swap3A_971, %swap3A_972], %swap3A_975 {strides = array<i32>} : memref<20x32x64xf32, #tpu.memory_space<vmem>>, vector<1x1x16xf32>,
      %get3A_976 = arith.constant 0 : i32
      %get3A_977 = arith.index_cast %scan3A_21 : i32 to index
      %get3A_978 = arith.index_cast %get3A_976 : i32 to index
      %get3A_979 = arith.constant 48 : index
      %get3A_980 = tpu.vector_load %arg6[%get3A_977, %get3A_978, %get3A_979] {strides = array<i32>} : memref<20x32x64xf32, #tpu.memory_space<vmem>>, vector<1x1x16xf32>,
      %get3A_981 = vector.shape_cast %get3A_980 : vector<1x1x16xf32> to vector<16xf32>
      %mul3A_982 = vector.broadcast %squeeze3A : f32 to vector<16xf32>
      %mul3A_983 = arith.mulf %get3A_981, %mul3A_982 : vector<16xf32>
      %swap3A_984 = arith.constant 0 : i32
      %swap3A_985 = arith.index_cast %scan3A_21 : i32 to index
      %swap3A_986 = arith.index_cast %swap3A_984 : i32 to index
      %swap3A_987 = arith.constant 48 : index
      %swap3A_988 = tpu.vector_load %arg6[%swap3A_985, %swap3A_986, %swap3A_987] {strides = array<i32>} : memref<20x32x64xf32, #tpu.memory_space<vmem>>, vector<1x1x16xf32>,
      %swap3A_989 = vector.shape_cast %swap3A_988 : vector<1x1x16xf32> to vector<16xf32>
      %swap3A_990 = vector.shape_cast %mul3A_983 : vector<16xf32> to vector<1x1x16xf32>
      tpu.vector_store %arg6[%swap3A_985, %swap3A_986, %swap3A_987], %swap3A_990 {strides = array<i32>} : memref<20x32x64xf32, #tpu.memory_space<vmem>>, vector<1x1x16xf32>,
      %slice3A_991 = vector.extract_strided_slice %div3A_622 {offsets = [1], sizes = [1], strides = [1]} : vector<16xf32> to vector<1xf32>
      %squeeze3A_992 = vector.extract %slice3A_991[0] : f32 from vector<1xf32>
      %get3A_993 = arith.constant 1 : i32
      %get3A_994 = arith.index_cast %scan3A_21 : i32 to index
      %get3A_995 = arith.index_cast %get3A_993 : i32 to index
      %get3A_996 = arith.constant 0 : index
      %get3A_997 = tpu.vector_load %arg6[%get3A_994, %get3A_995, %get3A_996] {strides = array<i32>} : memref<20x32x64xf32, #tpu.memory_space<vmem>>, vector<1x1x16xf32>,
      %get3A_998 = vector.shape_cast %get3A_997 : vector<1x1x16xf32> to vector<16xf32>
      %mul3A_999 = vector.broadcast %squeeze3A_992 : f32 to vector<16xf32>
      %mul3A_1000 = arith.mulf %get3A_998, %mul3A_999 : vector<16xf32>
      %swap3A_1001 = arith.constant 1 : i32
      %swap3A_1002 = arith.index_cast %scan3A_21 : i32 to index
      %swap3A_1003 = arith.index_cast %swap3A_1001 : i32 to index
      %swap3A_1004 = arith.constant 0 : index
      %swap3A_1005 = tpu.vector_load %arg6[%swap3A_1002, %swap3A_1003, %swap3A_1004] {strides = array<i32>} : memref<20x32x64xf32, #tpu.memory_space<vmem>>, vector<1x1x16xf32>,
      %swap3A_1006 = vector.shape_cast %swap3A_1005 : vector<1x1x16xf32> to vector<16xf32>
      %swap3A_1007 = vector.shape_cast %mul3A_1000 : vector<16xf32> to vector<1x1x16xf32>
      tpu.vector_store %arg6[%swap3A_1002, %swap3A_1003, %swap3A_1004], %swap3A_1007 {strides = array<i32>} : memref<20x32x64xf32, #tpu.memory_space<vmem>>, vector<1x1x16xf32>,
      %get3A_1008 = arith.constant 1 : i32
      %get3A_1009 = arith.index_cast %scan3A_21 : i32 to index
      %get3A_1010 = arith.index_cast %get3A_1008 : i32 to index
      %get3A_1011 = arith.constant 16 : index
      %get3A_1012 = tpu.vector_load %arg6[%get3A_1009, %get3A_1010, %get3A_1011] {strides = array<i32>} : memref<20x32x64xf32, #tpu.memory_space<vmem>>, vector<1x1x16xf32>,
      %get3A_1013 = vector.shape_cast %get3A_1012 : vector<1x1x16xf32> to vector<16xf32>
      %mul3A_1014 = vector.broadcast %squeeze3A_992 : f32 to vector<16xf32>
      %mul3A_1015 = arith.mulf %get3A_1013, %mul3A_1014 : vector<16xf32>
      %swap3A_1016 = arith.constant 1 : i32
      %swap3A_1017 = arith.index_cast %scan3A_21 : i32 to index
      %swap3A_1018 = arith.index_cast %swap3A_1016 : i32 to index
      %swap3A_1019 = arith.constant 16 : index
      %swap3A_1020 = tpu.vector_load %arg6[%swap3A_1017, %swap3A_1018, %swap3A_1019] {strides = array<i32>} : memref<20x32x64xf32, #tpu.memory_space<vmem>>, vector<1x1x16xf32>,
      %swap3A_1021 = vector.shape_cast %swap3A_1020 : vector<1x1x16xf32> to vector<16xf32>
      %swap3A_1022 = vector.shape_cast %mul3A_1015 : vector<16xf32> to vector<1x1x16xf32>
      tpu.vector_store %arg6[%swap3A_1017, %swap3A_1018, %swap3A_1019], %swap3A_1022 {strides = array<i32>} : memref<20x32x64xf32, #tpu.memory_space<vmem>>, vector<1x1x16xf32>,
      %get3A_1023 = arith.constant 1 : i32
      %get3A_1024 = arith.index_cast %scan3A_21 : i32 to index
      %get3A_1025 = arith.index_cast %get3A_1023 : i32 to index
      %get3A_1026 = arith.constant 32 : index
      %get3A_1027 = tpu.vector_load %arg6[%get3A_1024, %get3A_1025, %get3A_1026] {strides = array<i32>} : memref<20x32x64xf32, #tpu.memory_space<vmem>>, vector<1x1x16xf32>,
      %get3A_1028 = vector.shape_cast %get3A_1027 : vector<1x1x16xf32> to vector<16xf32>
      %mul3A_1029 = vector.broadcast %squeeze3A_992 : f32 to vector<16xf32>
      %mul3A_1030 = arith.mulf %get3A_1028, %mul3A_1029 : vector<16xf32>
      %swap3A_1031 = arith.constant 1 : i32
      %swap3A_1032 = arith.index_cast %scan3A_21 : i32 to index
      %swap3A_1033 = arith.index_cast %swap3A_1031 : i32 to index
      %swap3A_1034 = arith.constant 32 : index
      %swap3A_1035 = tpu.vector_load %arg6[%swap3A_1032, %swap3A_1033, %swap3A_1034] {strides = array<i32>} : memref<20x32x64xf32, #tpu.memory_space<vmem>>, vector<1x1x16xf32>,
      %swap3A_1036 = vector.shape_cast %swap3A_1035 : vector<1x1x16xf32> to vector<16xf32>
      %swap3A_1037 = vector.shape_cast %mul3A_1030 : vector<16xf32> to vector<1x1x16xf32>
      tpu.vector_store %arg6[%swap3A_1032, %swap3A_1033, %swap3A_1034], %swap3A_1037 {strides = array<i32>} : memref<20x32x64xf32, #tpu.memory_space<vmem>>, vector<1x1x16xf32>,
      %get3A_1038 = arith.constant 1 : i32
      %get3A_1039 = arith.index_cast %scan3A_21 : i32 to index
      %get3A_1040 = arith.index_cast %get3A_1038 : i32 to index
      %get3A_1041 = arith.constant 48 : index
      %get3A_1042 = tpu.vector_load %arg6[%get3A_1039, %get3A_1040, %get3A_1041] {strides = array<i32>} : memref<20x32x64xf32, #tpu.memory_space<vmem>>, vector<1x1x16xf32>,
      %get3A_1043 = vector.shape_cast %get3A_1042 : vector<1x1x16xf32> to vector<16xf32>
      %mul3A_1044 = vector.broadcast %squeeze3A_992 : f32 to vector<16xf32>
      %mul3A_1045 = arith.mulf %get3A_1043, %mul3A_1044 : vector<16xf32>
      %swap3A_1046 = arith.constant 1 : i32
      %swap3A_1047 = arith.index_cast %scan3A_21 : i32 to index
      %swap3A_1048 = arith.index_cast %swap3A_1046 : i32 to index
      %swap3A_1049 = arith.constant 48 : index
      %swap3A_1050 = tpu.vector_load %arg6[%swap3A_1047, %swap3A_1048, %swap3A_1049] {strides = array<i32>} : memref<20x32x64xf32, #tpu.memory_space<vmem>>, vector<1x1x16xf32>,
      %swap3A_1051 = vector.shape_cast %swap3A_1050 : vector<1x1x16xf32> to vector<16xf32>
      %swap3A_1052 = vector.shape_cast %mul3A_1045 : vector<16xf32> to vector<1x1x16xf32>
      tpu.vector_store %arg6[%swap3A_1047, %swap3A_1048, %swap3A_1049], %swap3A_1052 {strides = array<i32>} : memref<20x32x64xf32, #tpu.memory_space<vmem>>, vector<1x1x16xf32>,
      %slice3A_1053 = vector.extract_strided_slice %div3A_622 {offsets = [2], sizes = [1], strides = [1]} : vector<16xf32> to vector<1xf32>
      %squeeze3A_1054 = vector.extract %slice3A_1053[0] : f32 from vector<1xf32>
      %get3A_1055 = arith.constant 2 : i32
      %get3A_1056 = arith.index_cast %scan3A_21 : i32 to index
      %get3A_1057 = arith.index_cast %get3A_1055 : i32 to index
      %get3A_1058 = arith.constant 0 : index
      %get3A_1059 = tpu.vector_load %arg6[%get3A_1056, %get3A_1057, %get3A_1058] {strides = array<i32>} : memref<20x32x64xf32, #tpu.memory_space<vmem>>, vector<1x1x16xf32>,
      %get3A_1060 = vector.shape_cast %get3A_1059 : vector<1x1x16xf32> to vector<16xf32>
      %mul3A_1061 = vector.broadcast %squeeze3A_1054 : f32 to vector<16xf32>
      %mul3A_1062 = arith.mulf %get3A_1060, %mul3A_1061 : vector<16xf32>
      %swap3A_1063 = arith.constant 2 : i32
      %swap3A_1064 = arith.index_cast %scan3A_21 : i32 to index
      %swap3A_1065 = arith.index_cast %swap3A_1063 : i32 to index
      %swap3A_1066 = arith.constant 0 : index
      %swap3A_1067 = tpu.vector_load %arg6[%swap3A_1064, %swap3A_1065, %swap3A_1066] {strides = array<i32>} : memref<20x32x64xf32, #tpu.memory_space<vmem>>, vector<1x1x16xf32>,
      %swap3A_1068 = vector.shape_cast %swap3A_1067 : vector<1x1x16xf32> to vector<16xf32>
      %swap3A_1069 = vector.shape_cast %mul3A_1062 : vector<16xf32> to vector<1x1x16xf32>
      tpu.vector_store %arg6[%swap3A_1064, %swap3A_1065, %swap3A_1066], %swap3A_1069 {strides = array<i32>} : memref<20x32x64xf32, #tpu.memory_space<vmem>>, vector<1x1x16xf32>,
      %get3A_1070 = arith.constant 2 : i32
      %get3A_1071 = arith.index_cast %scan3A_21 : i32 to index
      %get3A_1072 = arith.index_cast %get3A_1070 : i32 to index
      %get3A_1073 = arith.constant 16 : index
      %get3A_1074 = tpu.vector_load %arg6[%get3A_1071, %get3A_1072, %get3A_1073] {strides = array<i32>} : memref<20x32x64xf32, #tpu.memory_space<vmem>>, vector<1x1x16xf32>,
      %get3A_1075 = vector.shape_cast %get3A_1074 : vector<1x1x16xf32> to vector<16xf32>
      %mul3A_1076 = vector.broadcast %squeeze3A_1054 : f32 to vector<16xf32>
      %mul3A_1077 = arith.mulf %get3A_1075, %mul3A_1076 : vector<16xf32>
      %swap3A_1078 = arith.constant 2 : i32
      %swap3A_1079 = arith.index_cast %scan3A_21 : i32 to index
      %swap3A_1080 = arith.index_cast %swap3A_1078 : i32 to index
      %swap3A_1081 = arith.constant 16 : index
      %swap3A_1082 = tpu.vector_load %arg6[%swap3A_1079, %swap3A_1080, %swap3A_1081] {strides = array<i32>} : memref<20x32x64xf32, #tpu.memory_space<vmem>>, vector<1x1x16xf32>,
      %swap3A_1083 = vector.shape_cast %swap3A_1082 : vector<1x1x16xf32> to vector<16xf32>
      %swap3A_1084 = vector.shape_cast %mul3A_1077 : vector<16xf32> to vector<1x1x16xf32>
      tpu.vector_store %arg6[%swap3A_1079, %swap3A_1080, %swap3A_1081], %swap3A_1084 {strides = array<i32>} : memref<20x32x64xf32, #tpu.memory_space<vmem>>, vector<1x1x16xf32>,
      %get3A_1085 = arith.constant 2 : i32
      %get3A_1086 = arith.index_cast %scan3A_21 : i32 to index
      %get3A_1087 = arith.index_cast %get3A_1085 : i32 to index
      %get3A_1088 = arith.constant 32 : index
      %get3A_1089 = tpu.vector_load %arg6[%get3A_1086, %get3A_1087, %get3A_1088] {strides = array<i32>} : memref<20x32x64xf32, #tpu.memory_space<vmem>>, vector<1x1x16xf32>,
      %get3A_1090 = vector.shape_cast %get3A_1089 : vector<1x1x16xf32> to vector<16xf32>
      %mul3A_1091 = vector.broadcast %squeeze3A_1054 : f32 to vector<16xf32>
      %mul3A_1092 = arith.mulf %get3A_1090, %mul3A_1091 : vector<16xf32>
      %swap3A_1093 = arith.constant 2 : i32
      %swap3A_1094 = arith.index_cast %scan3A_21 : i32 to index
      %swap3A_1095 = arith.index_cast %swap3A_1093 : i32 to index
      %swap3A_1096 = arith.constant 32 : index
      %swap3A_1097 = tpu.vector_load %arg6[%swap3A_1094, %swap3A_1095, %swap3A_1096] {strides = array<i32>} : memref<20x32x64xf32, #tpu.memory_space<vmem>>, vector<1x1x16xf32>,
      %swap3A_1098 = vector.shape_cast %swap3A_1097 : vector<1x1x16xf32> to vector<16xf32>
      %swap3A_1099 = vector.shape_cast %mul3A_1092 : vector<16xf32> to vector<1x1x16xf32>
      tpu.vector_store %arg6[%swap3A_1094, %swap3A_1095, %swap3A_1096], %swap3A_1099 {strides = array<i32>} : memref<20x32x64xf32, #tpu.memory_space<vmem>>, vector<1x1x16xf32>,
      %get3A_1100 = arith.constant 2 : i32
      %get3A_1101 = arith.index_cast %scan3A_21 : i32 to index
      %get3A_1102 = arith.index_cast %get3A_1100 : i32 to index
      %get3A_1103 = arith.constant 48 : index
      %get3A_1104 = tpu.vector_load %arg6[%get3A_1101, %get3A_1102, %get3A_1103] {strides = array<i32>} : memref<20x32x64xf32, #tpu.memory_space<vmem>>, vector<1x1x16xf32>,
      %get3A_1105 = vector.shape_cast %get3A_1104 : vector<1x1x16xf32> to vector<16xf32>
      %mul3A_1106 = vector.broadcast %squeeze3A_1054 : f32 to vector<16xf32>
      %mul3A_1107 = arith.mulf %get3A_1105, %mul3A_1106 : vector<16xf32>
      %swap3A_1108 = arith.constant 2 : i32
      %swap3A_1109 = arith.index_cast %scan3A_21 : i32 to index
      %swap3A_1110 = arith.index_cast %swap3A_1108 : i32 to index
      %swap3A_1111 = arith.constant 48 : index
      %swap3A_1112 = tpu.vector_load %arg6[%swap3A_1109, %swap3A_1110, %swap3A_1111] {strides = array<i32>} : memref<20x32x64xf32, #tpu.memory_space<vmem>>, vector<1x1x16xf32>,
      %swap3A_1113 = vector.shape_cast %swap3A_1112 : vector<1x1x16xf32> to vector<16xf32>
      %swap3A_1114 = vector.shape_cast %mul3A_1107 : vector<16xf32> to vector<1x1x16xf32>
      tpu.vector_store %arg6[%swap3A_1109, %swap3A_1110, %swap3A_1111], %swap3A_1114 {strides = array<i32>} : memref<20x32x64xf32, #tpu.memory_space<vmem>>, vector<1x1x16xf32>,
      %slice3A_1115 = vector.extract_strided_slice %div3A_622 {offsets = [3], sizes = [1], strides = [1]} : vector<16xf32> to vector<1xf32>
      %squeeze3A_1116 = vector.extract %slice3A_1115[0] : f32 from vector<1xf32>
      %get3A_1117 = arith.constant 3 : i32
      %get3A_1118 = arith.index_cast %scan3A_21 : i32 to index
      %get3A_1119 = arith.index_cast %get3A_1117 : i32 to index
      %get3A_1120 = arith.constant 0 : index
      %get3A_1121 = tpu.vector_load %arg6[%get3A_1118, %get3A_1119, %get3A_1120] {strides = array<i32>} : memref<20x32x64xf32, #tpu.memory_space<vmem>>, vector<1x1x16xf32>,
      %get3A_1122 = vector.shape_cast %get3A_1121 : vector<1x1x16xf32> to vector<16xf32>
      %mul3A_1123 = vector.broadcast %squeeze3A_1116 : f32 to vector<16xf32>
      %mul3A_1124 = arith.mulf %get3A_1122, %mul3A_1123 : vector<16xf32>
      %swap3A_1125 = arith.constant 3 : i32
      %swap3A_1126 = arith.index_cast %scan3A_21 : i32 to index
      %swap3A_1127 = arith.index_cast %swap3A_1125 : i32 to index
      %swap3A_1128 = arith.constant 0 : index
      %swap3A_1129 = tpu.vector_load %arg6[%swap3A_1126, %swap3A_1127, %swap3A_1128] {strides = array<i32>} : memref<20x32x64xf32, #tpu.memory_space<vmem>>, vector<1x1x16xf32>,
      %swap3A_1130 = vector.shape_cast %swap3A_1129 : vector<1x1x16xf32> to vector<16xf32>
      %swap3A_1131 = vector.shape_cast %mul3A_1124 : vector<16xf32> to vector<1x1x16xf32>
      tpu.vector_store %arg6[%swap3A_1126, %swap3A_1127, %swap3A_1128], %swap3A_1131 {strides = array<i32>} : memref<20x32x64xf32, #tpu.memory_space<vmem>>, vector<1x1x16xf32>,
      %get3A_1132 = arith.constant 3 : i32
      %get3A_1133 = arith.index_cast %scan3A_21 : i32 to index
      %get3A_1134 = arith.index_cast %get3A_1132 : i32 to index
      %get3A_1135 = arith.constant 16 : index
      %get3A_1136 = tpu.vector_load %arg6[%get3A_1133, %get3A_1134, %get3A_1135] {strides = array<i32>} : memref<20x32x64xf32, #tpu.memory_space<vmem>>, vector<1x1x16xf32>,
      %get3A_1137 = vector.shape_cast %get3A_1136 : vector<1x1x16xf32> to vector<16xf32>
      %mul3A_1138 = vector.broadcast %squeeze3A_1116 : f32 to vector<16xf32>
      %mul3A_1139 = arith.mulf %get3A_1137, %mul3A_1138 : vector<16xf32>
      %swap3A_1140 = arith.constant 3 : i32
      %swap3A_1141 = arith.index_cast %scan3A_21 : i32 to index
      %swap3A_1142 = arith.index_cast %swap3A_1140 : i32 to index
      %swap3A_1143 = arith.constant 16 : index
      %swap3A_1144 = tpu.vector_load %arg6[%swap3A_1141, %swap3A_1142, %swap3A_1143] {strides = array<i32>} : memref<20x32x64xf32, #tpu.memory_space<vmem>>, vector<1x1x16xf32>,
      %swap3A_1145 = vector.shape_cast %swap3A_1144 : vector<1x1x16xf32> to vector<16xf32>
      %swap3A_1146 = vector.shape_cast %mul3A_1139 : vector<16xf32> to vector<1x1x16xf32>
      tpu.vector_store %arg6[%swap3A_1141, %swap3A_1142, %swap3A_1143], %swap3A_1146 {strides = array<i32>} : memref<20x32x64xf32, #tpu.memory_space<vmem>>, vector<1x1x16xf32>,
      %get3A_1147 = arith.constant 3 : i32
      %get3A_1148 = arith.index_cast %scan3A_21 : i32 to index
      %get3A_1149 = arith.index_cast %get3A_1147 : i32 to index
      %get3A_1150 = arith.constant 32 : index
      %get3A_1151 = tpu.vector_load %arg6[%get3A_1148, %get3A_1149, %get3A_1150] {strides = array<i32>} : memref<20x32x64xf32, #tpu.memory_space<vmem>>, vector<1x1x16xf32>,
      %get3A_1152 = vector.shape_cast %get3A_1151 : vector<1x1x16xf32> to vector<16xf32>
      %mul3A_1153 = vector.broadcast %squeeze3A_1116 : f32 to vector<16xf32>
      %mul3A_1154 = arith.mulf %get3A_1152, %mul3A_1153 : vector<16xf32>
      %swap3A_1155 = arith.constant 3 : i32
      %swap3A_1156 = arith.index_cast %scan3A_21 : i32 to index
      %swap3A_1157 = arith.index_cast %swap3A_1155 : i32 to index
      %swap3A_1158 = arith.constant 32 : index
      %swap3A_1159 = tpu.vector_load %arg6[%swap3A_1156, %swap3A_1157, %swap3A_1158] {strides = array<i32>} : memref<20x32x64xf32, #tpu.memory_space<vmem>>, vector<1x1x16xf32>,
      %swap3A_1160 = vector.shape_cast %swap3A_1159 : vector<1x1x16xf32> to vector<16xf32>
      %swap3A_1161 = vector.shape_cast %mul3A_1154 : vector<16xf32> to vector<1x1x16xf32>
      tpu.vector_store %arg6[%swap3A_1156, %swap3A_1157, %swap3A_1158], %swap3A_1161 {strides = array<i32>} : memref<20x32x64xf32, #tpu.memory_space<vmem>>, vector<1x1x16xf32>,
      %get3A_1162 = arith.constant 3 : i32
      %get3A_1163 = arith.index_cast %scan3A_21 : i32 to index
      %get3A_1164 = arith.index_cast %get3A_1162 : i32 to index
      %get3A_1165 = arith.constant 48 : index
      %get3A_1166 = tpu.vector_load %arg6[%get3A_1163, %get3A_1164, %get3A_1165] {strides = array<i32>} : memref<20x32x64xf32, #tpu.memory_space<vmem>>, vector<1x1x16xf32>,
      %get3A_1167 = vector.shape_cast %get3A_1166 : vector<1x1x16xf32> to vector<16xf32>
      %mul3A_1168 = vector.broadcast %squeeze3A_1116 : f32 to vector<16xf32>
      %mul3A_1169 = arith.mulf %get3A_1167, %mul3A_1168 : vector<16xf32>
      %swap3A_1170 = arith.constant 3 : i32
      %swap3A_1171 = arith.index_cast %scan3A_21 : i32 to index
      %swap3A_1172 = arith.index_cast %swap3A_1170 : i32 to index
      %swap3A_1173 = arith.constant 48 : index
      %swap3A_1174 = tpu.vector_load %arg6[%swap3A_1171, %swap3A_1172, %swap3A_1173] {strides = array<i32>} : memref<20x32x64xf32, #tpu.memory_space<vmem>>, vector<1x1x16xf32>,
      %swap3A_1175 = vector.shape_cast %swap3A_1174 : vector<1x1x16xf32> to vector<16xf32>
      %swap3A_1176 = vector.shape_cast %mul3A_1169 : vector<16xf32> to vector<1x1x16xf32>
      tpu.vector_store %arg6[%swap3A_1171, %swap3A_1172, %swap3A_1173], %swap3A_1176 {strides = array<i32>} : memref<20x32x64xf32, #tpu.memory_space<vmem>>, vector<1x1x16xf32>,
      %slice3A_1177 = vector.extract_strided_slice %div3A_622 {offsets = [4], sizes = [1], strides = [1]} : vector<16xf32> to vector<1xf32>
      %squeeze3A_1178 = vector.extract %slice3A_1177[0] : f32 from vector<1xf32>
      %get3A_1179 = arith.constant 4 : i32
      %get3A_1180 = arith.index_cast %scan3A_21 : i32 to index
      %get3A_1181 = arith.index_cast %get3A_1179 : i32 to index
      %get3A_1182 = arith.constant 0 : index
      %get3A_1183 = tpu.vector_load %arg6[%get3A_1180, %get3A_1181, %get3A_1182] {strides = array<i32>} : memref<20x32x64xf32, #tpu.memory_space<vmem>>, vector<1x1x16xf32>,
      %get3A_1184 = vector.shape_cast %get3A_1183 : vector<1x1x16xf32> to vector<16xf32>
      %mul3A_1185 = vector.broadcast %squeeze3A_1178 : f32 to vector<16xf32>
      %mul3A_1186 = arith.mulf %get3A_1184, %mul3A_1185 : vector<16xf32>
      %swap3A_1187 = arith.constant 4 : i32
      %swap3A_1188 = arith.index_cast %scan3A_21 : i32 to index
      %swap3A_1189 = arith.index_cast %swap3A_1187 : i32 to index
      %swap3A_1190 = arith.constant 0 : index
      %swap3A_1191 = tpu.vector_load %arg6[%swap3A_1188, %swap3A_1189, %swap3A_1190] {strides = array<i32>} : memref<20x32x64xf32, #tpu.memory_space<vmem>>, vector<1x1x16xf32>,
      %swap3A_1192 = vector.shape_cast %swap3A_1191 : vector<1x1x16xf32> to vector<16xf32>
      %swap3A_1193 = vector.shape_cast %mul3A_1186 : vector<16xf32> to vector<1x1x16xf32>
      tpu.vector_store %arg6[%swap3A_1188, %swap3A_1189, %swap3A_1190], %swap3A_1193 {strides = array<i32>} : memref<20x32x64xf32, #tpu.memory_space<vmem>>, vector<1x1x16xf32>,
      %get3A_1194 = arith.constant 4 : i32
      %get3A_1195 = arith.index_cast %scan3A_21 : i32 to index
      %get3A_1196 = arith.index_cast %get3A_1194 : i32 to index
      %get3A_1197 = arith.constant 16 : index
      %get3A_1198 = tpu.vector_load %arg6[%get3A_1195, %get3A_1196, %get3A_1197] {strides = array<i32>} : memref<20x32x64xf32, #tpu.memory_space<vmem>>, vector<1x1x16xf32>,
      %get3A_1199 = vector.shape_cast %get3A_1198 : vector<1x1x16xf32> to vector<16xf32>
      %mul3A_1200 = vector.broadcast %squeeze3A_1178 : f32 to vector<16xf32>
      %mul3A_1201 = arith.mulf %get3A_1199, %mul3A_1200 : vector<16xf32>
      %swap3A_1202 = arith.constant 4 : i32
      %swap3A_1203 = arith.index_cast %scan3A_21 : i32 to index
      %swap3A_1204 = arith.index_cast %swap3A_1202 : i32 to index
      %swap3A_1205 = arith.constant 16 : index
      %swap3A_1206 = tpu.vector_load %arg6[%swap3A_1203, %swap3A_1204, %swap3A_1205] {strides = array<i32>} : memref<20x32x64xf32, #tpu.memory_space<vmem>>, vector<1x1x16xf32>,
      %swap3A_1207 = vector.shape_cast %swap3A_1206 : vector<1x1x16xf32> to vector<16xf32>
      %swap3A_1208 = vector.shape_cast %mul3A_1201 : vector<16xf32> to vector<1x1x16xf32>
      tpu.vector_store %arg6[%swap3A_1203, %swap3A_1204, %swap3A_1205], %swap3A_1208 {strides = array<i32>} : memref<20x32x64xf32, #tpu.memory_space<vmem>>, vector<1x1x16xf32>,
      %get3A_1209 = arith.constant 4 : i32
      %get3A_1210 = arith.index_cast %scan3A_21 : i32 to index
      %get3A_1211 = arith.index_cast %get3A_1209 : i32 to index
      %get3A_1212 = arith.constant 32 : index
      %get3A_1213 = tpu.vector_load %arg6[%get3A_1210, %get3A_1211, %get3A_1212] {strides = array<i32>} : memref<20x32x64xf32, #tpu.memory_space<vmem>>, vector<1x1x16xf32>,
      %get3A_1214 = vector.shape_cast %get3A_1213 : vector<1x1x16xf32> to vector<16xf32>
      %mul3A_1215 = vector.broadcast %squeeze3A_1178 : f32 to vector<16xf32>
      %mul3A_1216 = arith.mulf %get3A_1214, %mul3A_1215 : vector<16xf32>
      %swap3A_1217 = arith.constant 4 : i32
      %swap3A_1218 = arith.index_cast %scan3A_21 : i32 to index
      %swap3A_1219 = arith.index_cast %swap3A_1217 : i32 to index
      %swap3A_1220 = arith.constant 32 : index
      %swap3A_1221 = tpu.vector_load %arg6[%swap3A_1218, %swap3A_1219, %swap3A_1220] {strides = array<i32>} : memref<20x32x64xf32, #tpu.memory_space<vmem>>, vector<1x1x16xf32>,
      %swap3A_1222 = vector.shape_cast %swap3A_1221 : vector<1x1x16xf32> to vector<16xf32>
      %swap3A_1223 = vector.shape_cast %mul3A_1216 : vector<16xf32> to vector<1x1x16xf32>
      tpu.vector_store %arg6[%swap3A_1218, %swap3A_1219, %swap3A_1220], %swap3A_1223 {strides = array<i32>} : memref<20x32x64xf32, #tpu.memory_space<vmem>>, vector<1x1x16xf32>,
      %get3A_1224 = arith.constant 4 : i32
      %get3A_1225 = arith.index_cast %scan3A_21 : i32 to index
      %get3A_1226 = arith.index_cast %get3A_1224 : i32 to index
      %get3A_1227 = arith.constant 48 : index
      %get3A_1228 = tpu.vector_load %arg6[%get3A_1225, %get3A_1226, %get3A_1227] {strides = array<i32>} : memref<20x32x64xf32, #tpu.memory_space<vmem>>, vector<1x1x16xf32>,
      %get3A_1229 = vector.shape_cast %get3A_1228 : vector<1x1x16xf32> to vector<16xf32>
      %mul3A_1230 = vector.broadcast %squeeze3A_1178 : f32 to vector<16xf32>
      %mul3A_1231 = arith.mulf %get3A_1229, %mul3A_1230 : vector<16xf32>
      %swap3A_1232 = arith.constant 4 : i32
      %swap3A_1233 = arith.index_cast %scan3A_21 : i32 to index
      %swap3A_1234 = arith.index_cast %swap3A_1232 : i32 to index
      %swap3A_1235 = arith.constant 48 : index
      %swap3A_1236 = tpu.vector_load %arg6[%swap3A_1233, %swap3A_1234, %swap3A_1235] {strides = array<i32>} : memref<20x32x64xf32, #tpu.memory_space<vmem>>, vector<1x1x16xf32>,
      %swap3A_1237 = vector.shape_cast %swap3A_1236 : vector<1x1x16xf32> to vector<16xf32>
      %swap3A_1238 = vector.shape_cast %mul3A_1231 : vector<16xf32> to vector<1x1x16xf32>
      tpu.vector_store %arg6[%swap3A_1233, %swap3A_1234, %swap3A_1235], %swap3A_1238 {strides = array<i32>} : memref<20x32x64xf32, #tpu.memory_space<vmem>>, vector<1x1x16xf32>,
      %slice3A_1239 = vector.extract_strided_slice %div3A_622 {offsets = [5], sizes = [1], strides = [1]} : vector<16xf32> to vector<1xf32>
      %squeeze3A_1240 = vector.extract %slice3A_1239[0] : f32 from vector<1xf32>
      %get3A_1241 = arith.constant 5 : i32
      %get3A_1242 = arith.index_cast %scan3A_21 : i32 to index
      %get3A_1243 = arith.index_cast %get3A_1241 : i32 to index
      %get3A_1244 = arith.constant 0 : index
      %get3A_1245 = tpu.vector_load %arg6[%get3A_1242, %get3A_1243, %get3A_1244] {strides = array<i32>} : memref<20x32x64xf32, #tpu.memory_space<vmem>>, vector<1x1x16xf32>,
      %get3A_1246 = vector.shape_cast %get3A_1245 : vector<1x1x16xf32> to vector<16xf32>
      %mul3A_1247 = vector.broadcast %squeeze3A_1240 : f32 to vector<16xf32>
      %mul3A_1248 = arith.mulf %get3A_1246, %mul3A_1247 : vector<16xf32>
      %swap3A_1249 = arith.constant 5 : i32
      %swap3A_1250 = arith.index_cast %scan3A_21 : i32 to index
      %swap3A_1251 = arith.index_cast %swap3A_1249 : i32 to index
      %swap3A_1252 = arith.constant 0 : index
      %swap3A_1253 = tpu.vector_load %arg6[%swap3A_1250, %swap3A_1251, %swap3A_1252] {strides = array<i32>} : memref<20x32x64xf32, #tpu.memory_space<vmem>>, vector<1x1x16xf32>,
      %swap3A_1254 = vector.shape_cast %swap3A_1253 : vector<1x1x16xf32> to vector<16xf32>
      %swap3A_1255 = vector.shape_cast %mul3A_1248 : vector<16xf32> to vector<1x1x16xf32>
      tpu.vector_store %arg6[%swap3A_1250, %swap3A_1251, %swap3A_1252], %swap3A_1255 {strides = array<i32>} : memref<20x32x64xf32, #tpu.memory_space<vmem>>, vector<1x1x16xf32>,
      %get3A_1256 = arith.constant 5 : i32
      %get3A_1257 = arith.index_cast %scan3A_21 : i32 to index
      %get3A_1258 = arith.index_cast %get3A_1256 : i32 to index
      %get3A_1259 = arith.constant 16 : index
      %get3A_1260 = tpu.vector_load %arg6[%get3A_1257, %get3A_1258, %get3A_1259] {strides = array<i32>} : memref<20x32x64xf32, #tpu.memory_space<vmem>>, vector<1x1x16xf32>,
      %get3A_1261 = vector.shape_cast %get3A_1260 : vector<1x1x16xf32> to vector<16xf32>
      %mul3A_1262 = vector.broadcast %squeeze3A_1240 : f32 to vector<16xf32>
      %mul3A_1263 = arith.mulf %get3A_1261, %mul3A_1262 : vector<16xf32>
      %swap3A_1264 = arith.constant 5 : i32
      %swap3A_1265 = arith.index_cast %scan3A_21 : i32 to index
      %swap3A_1266 = arith.index_cast %swap3A_1264 : i32 to index
      %swap3A_1267 = arith.constant 16 : index
      %swap3A_1268 = tpu.vector_load %arg6[%swap3A_1265, %swap3A_1266, %swap3A_1267] {strides = array<i32>} : memref<20x32x64xf32, #tpu.memory_space<vmem>>, vector<1x1x16xf32>,
      %swap3A_1269 = vector.shape_cast %swap3A_1268 : vector<1x1x16xf32> to vector<16xf32>
      %swap3A_1270 = vector.shape_cast %mul3A_1263 : vector<16xf32> to vector<1x1x16xf32>
      tpu.vector_store %arg6[%swap3A_1265, %swap3A_1266, %swap3A_1267], %swap3A_1270 {strides = array<i32>} : memref<20x32x64xf32, #tpu.memory_space<vmem>>, vector<1x1x16xf32>,
      %get3A_1271 = arith.constant 5 : i32
      %get3A_1272 = arith.index_cast %scan3A_21 : i32 to index
      %get3A_1273 = arith.index_cast %get3A_1271 : i32 to index
      %get3A_1274 = arith.constant 32 : index
      %get3A_1275 = tpu.vector_load %arg6[%get3A_1272, %get3A_1273, %get3A_1274] {strides = array<i32>} : memref<20x32x64xf32, #tpu.memory_space<vmem>>, vector<1x1x16xf32>,
      %get3A_1276 = vector.shape_cast %get3A_1275 : vector<1x1x16xf32> to vector<16xf32>
      %mul3A_1277 = vector.broadcast %squeeze3A_1240 : f32 to vector<16xf32>
      %mul3A_1278 = arith.mulf %get3A_1276, %mul3A_1277 : vector<16xf32>
      %swap3A_1279 = arith.constant 5 : i32
      %swap3A_1280 = arith.index_cast %scan3A_21 : i32 to index
      %swap3A_1281 = arith.index_cast %swap3A_1279 : i32 to index
      %swap3A_1282 = arith.constant 32 : index
      %swap3A_1283 = tpu.vector_load %arg6[%swap3A_1280, %swap3A_1281, %swap3A_1282] {strides = array<i32>} : memref<20x32x64xf32, #tpu.memory_space<vmem>>, vector<1x1x16xf32>,
      %swap3A_1284 = vector.shape_cast %swap3A_1283 : vector<1x1x16xf32> to vector<16xf32>
      %swap3A_1285 = vector.shape_cast %mul3A_1278 : vector<16xf32> to vector<1x1x16xf32>
      tpu.vector_store %arg6[%swap3A_1280, %swap3A_1281, %swap3A_1282], %swap3A_1285 {strides = array<i32>} : memref<20x32x64xf32, #tpu.memory_space<vmem>>, vector<1x1x16xf32>,
      %get3A_1286 = arith.constant 5 : i32
      %get3A_1287 = arith.index_cast %scan3A_21 : i32 to index
      %get3A_1288 = arith.index_cast %get3A_1286 : i32 to index
      %get3A_1289 = arith.constant 48 : index
      %get3A_1290 = tpu.vector_load %arg6[%get3A_1287, %get3A_1288, %get3A_1289] {strides = array<i32>} : memref<20x32x64xf32, #tpu.memory_space<vmem>>, vector<1x1x16xf32>,
      %get3A_1291 = vector.shape_cast %get3A_1290 : vector<1x1x16xf32> to vector<16xf32>
      %mul3A_1292 = vector.broadcast %squeeze3A_1240 : f32 to vector<16xf32>
      %mul3A_1293 = arith.mulf %get3A_1291, %mul3A_1292 : vector<16xf32>
      %swap3A_1294 = arith.constant 5 : i32
      %swap3A_1295 = arith.index_cast %scan3A_21 : i32 to index
      %swap3A_1296 = arith.index_cast %swap3A_1294 : i32 to index
      %swap3A_1297 = arith.constant 48 : index
      %swap3A_1298 = tpu.vector_load %arg6[%swap3A_1295, %swap3A_1296, %swap3A_1297] {strides = array<i32>} : memref<20x32x64xf32, #tpu.memory_space<vmem>>, vector<1x1x16xf32>,
      %swap3A_1299 = vector.shape_cast %swap3A_1298 : vector<1x1x16xf32> to vector<16xf32>
      %swap3A_1300 = vector.shape_cast %mul3A_1293 : vector<16xf32> to vector<1x1x16xf32>
      tpu.vector_store %arg6[%swap3A_1295, %swap3A_1296, %swap3A_1297], %swap3A_1300 {strides = array<i32>} : memref<20x32x64xf32, #tpu.memory_space<vmem>>, vector<1x1x16xf32>,
      %slice3A_1301 = vector.extract_strided_slice %div3A_622 {offsets = [6], sizes = [1], strides = [1]} : vector<16xf32> to vector<1xf32>
      %squeeze3A_1302 = vector.extract %slice3A_1301[0] : f32 from vector<1xf32>
      %get3A_1303 = arith.constant 6 : i32
      %get3A_1304 = arith.index_cast %scan3A_21 : i32 to index
      %get3A_1305 = arith.index_cast %get3A_1303 : i32 to index
      %get3A_1306 = arith.constant 0 : index
      %get3A_1307 = tpu.vector_load %arg6[%get3A_1304, %get3A_1305, %get3A_1306] {strides = array<i32>} : memref<20x32x64xf32, #tpu.memory_space<vmem>>, vector<1x1x16xf32>,
      %get3A_1308 = vector.shape_cast %get3A_1307 : vector<1x1x16xf32> to vector<16xf32>
      %mul3A_1309 = vector.broadcast %squeeze3A_1302 : f32 to vector<16xf32>
      %mul3A_1310 = arith.mulf %get3A_1308, %mul3A_1309 : vector<16xf32>
      %swap3A_1311 = arith.constant 6 : i32
      %swap3A_1312 = arith.index_cast %scan3A_21 : i32 to index
      %swap3A_1313 = arith.index_cast %swap3A_1311 : i32 to index
      %swap3A_1314 = arith.constant 0 : index
      %swap3A_1315 = tpu.vector_load %arg6[%swap3A_1312, %swap3A_1313, %swap3A_1314] {strides = array<i32>} : memref<20x32x64xf32, #tpu.memory_space<vmem>>, vector<1x1x16xf32>,
      %swap3A_1316 = vector.shape_cast %swap3A_1315 : vector<1x1x16xf32> to vector<16xf32>
      %swap3A_1317 = vector.shape_cast %mul3A_1310 : vector<16xf32> to vector<1x1x16xf32>
      tpu.vector_store %arg6[%swap3A_1312, %swap3A_1313, %swap3A_1314], %swap3A_1317 {strides = array<i32>} : memref<20x32x64xf32, #tpu.memory_space<vmem>>, vector<1x1x16xf32>,
      %get3A_1318 = arith.constant 6 : i32
      %get3A_1319 = arith.index_cast %scan3A_21 : i32 to index
      %get3A_1320 = arith.index_cast %get3A_1318 : i32 to index
      %get3A_1321 = arith.constant 16 : index
      %get3A_1322 = tpu.vector_load %arg6[%get3A_1319, %get3A_1320, %get3A_1321] {strides = array<i32>} : memref<20x32x64xf32, #tpu.memory_space<vmem>>, vector<1x1x16xf32>,
      %get3A_1323 = vector.shape_cast %get3A_1322 : vector<1x1x16xf32> to vector<16xf32>
      %mul3A_1324 = vector.broadcast %squeeze3A_1302 : f32 to vector<16xf32>
      %mul3A_1325 = arith.mulf %get3A_1323, %mul3A_1324 : vector<16xf32>
      %swap3A_1326 = arith.constant 6 : i32
      %swap3A_1327 = arith.index_cast %scan3A_21 : i32 to index
      %swap3A_1328 = arith.index_cast %swap3A_1326 : i32 to index
      %swap3A_1329 = arith.constant 16 : index
      %swap3A_1330 = tpu.vector_load %arg6[%swap3A_1327, %swap3A_1328, %swap3A_1329] {strides = array<i32>} : memref<20x32x64xf32, #tpu.memory_space<vmem>>, vector<1x1x16xf32>,
      %swap3A_1331 = vector.shape_cast %swap3A_1330 : vector<1x1x16xf32> to vector<16xf32>
      %swap3A_1332 = vector.shape_cast %mul3A_1325 : vector<16xf32> to vector<1x1x16xf32>
      tpu.vector_store %arg6[%swap3A_1327, %swap3A_1328, %swap3A_1329], %swap3A_1332 {strides = array<i32>} : memref<20x32x64xf32, #tpu.memory_space<vmem>>, vector<1x1x16xf32>,
      %get3A_1333 = arith.constant 6 : i32
      %get3A_1334 = arith.index_cast %scan3A_21 : i32 to index
      %get3A_1335 = arith.index_cast %get3A_1333 : i32 to index
      %get3A_1336 = arith.constant 32 : index
      %get3A_1337 = tpu.vector_load %arg6[%get3A_1334, %get3A_1335, %get3A_1336] {strides = array<i32>} : memref<20x32x64xf32, #tpu.memory_space<vmem>>, vector<1x1x16xf32>,
      %get3A_1338 = vector.shape_cast %get3A_1337 : vector<1x1x16xf32> to vector<16xf32>
      %mul3A_1339 = vector.broadcast %squeeze3A_1302 : f32 to vector<16xf32>
      %mul3A_1340 = arith.mulf %get3A_1338, %mul3A_1339 : vector<16xf32>
      %swap3A_1341 = arith.constant 6 : i32
      %swap3A_1342 = arith.index_cast %scan3A_21 : i32 to index
      %swap3A_1343 = arith.index_cast %swap3A_1341 : i32 to index
      %swap3A_1344 = arith.constant 32 : index
      %swap3A_1345 = tpu.vector_load %arg6[%swap3A_1342, %swap3A_1343, %swap3A_1344] {strides = array<i32>} : memref<20x32x64xf32, #tpu.memory_space<vmem>>, vector<1x1x16xf32>,
      %swap3A_1346 = vector.shape_cast %swap3A_1345 : vector<1x1x16xf32> to vector<16xf32>
      %swap3A_1347 = vector.shape_cast %mul3A_1340 : vector<16xf32> to vector<1x1x16xf32>
      tpu.vector_store %arg6[%swap3A_1342, %swap3A_1343, %swap3A_1344], %swap3A_1347 {strides = array<i32>} : memref<20x32x64xf32, #tpu.memory_space<vmem>>, vector<1x1x16xf32>,
      %get3A_1348 = arith.constant 6 : i32
      %get3A_1349 = arith.index_cast %scan3A_21 : i32 to index
      %get3A_1350 = arith.index_cast %get3A_1348 : i32 to index
      %get3A_1351 = arith.constant 48 : index
      %get3A_1352 = tpu.vector_load %arg6[%get3A_1349, %get3A_1350, %get3A_1351] {strides = array<i32>} : memref<20x32x64xf32, #tpu.memory_space<vmem>>, vector<1x1x16xf32>,
      %get3A_1353 = vector.shape_cast %get3A_1352 : vector<1x1x16xf32> to vector<16xf32>
      %mul3A_1354 = vector.broadcast %squeeze3A_1302 : f32 to vector<16xf32>
      %mul3A_1355 = arith.mulf %get3A_1353, %mul3A_1354 : vector<16xf32>
      %swap3A_1356 = arith.constant 6 : i32
      %swap3A_1357 = arith.index_cast %scan3A_21 : i32 to index
      %swap3A_1358 = arith.index_cast %swap3A_1356 : i32 to index
      %swap3A_1359 = arith.constant 48 : index
      %swap3A_1360 = tpu.vector_load %arg6[%swap3A_1357, %swap3A_1358, %swap3A_1359] {strides = array<i32>} : memref<20x32x64xf32, #tpu.memory_space<vmem>>, vector<1x1x16xf32>,
      %swap3A_1361 = vector.shape_cast %swap3A_1360 : vector<1x1x16xf32> to vector<16xf32>
      %swap3A_1362 = vector.shape_cast %mul3A_1355 : vector<16xf32> to vector<1x1x16xf32>
      tpu.vector_store %arg6[%swap3A_1357, %swap3A_1358, %swap3A_1359], %swap3A_1362 {strides = array<i32>} : memref<20x32x64xf32, #tpu.memory_space<vmem>>, vector<1x1x16xf32>,
      %slice3A_1363 = vector.extract_strided_slice %div3A_622 {offsets = [7], sizes = [1], strides = [1]} : vector<16xf32> to vector<1xf32>
      %squeeze3A_1364 = vector.extract %slice3A_1363[0] : f32 from vector<1xf32>
      %get3A_1365 = arith.constant 7 : i32
      %get3A_1366 = arith.index_cast %scan3A_21 : i32 to index
      %get3A_1367 = arith.index_cast %get3A_1365 : i32 to index
      %get3A_1368 = arith.constant 0 : index
      %get3A_1369 = tpu.vector_load %arg6[%get3A_1366, %get3A_1367, %get3A_1368] {strides = array<i32>} : memref<20x32x64xf32, #tpu.memory_space<vmem>>, vector<1x1x16xf32>,
      %get3A_1370 = vector.shape_cast %get3A_1369 : vector<1x1x16xf32> to vector<16xf32>
      %mul3A_1371 = vector.broadcast %squeeze3A_1364 : f32 to vector<16xf32>
      %mul3A_1372 = arith.mulf %get3A_1370, %mul3A_1371 : vector<16xf32>
      %swap3A_1373 = arith.constant 7 : i32
      %swap3A_1374 = arith.index_cast %scan3A_21 : i32 to index
      %swap3A_1375 = arith.index_cast %swap3A_1373 : i32 to index
      %swap3A_1376 = arith.constant 0 : index
      %swap3A_1377 = tpu.vector_load %arg6[%swap3A_1374, %swap3A_1375, %swap3A_1376] {strides = array<i32>} : memref<20x32x64xf32, #tpu.memory_space<vmem>>, vector<1x1x16xf32>,
      %swap3A_1378 = vector.shape_cast %swap3A_1377 : vector<1x1x16xf32> to vector<16xf32>
      %swap3A_1379 = vector.shape_cast %mul3A_1372 : vector<16xf32> to vector<1x1x16xf32>
      tpu.vector_store %arg6[%swap3A_1374, %swap3A_1375, %swap3A_1376], %swap3A_1379 {strides = array<i32>} : memref<20x32x64xf32, #tpu.memory_space<vmem>>, vector<1x1x16xf32>,
      %get3A_1380 = arith.constant 7 : i32
      %get3A_1381 = arith.index_cast %scan3A_21 : i32 to index
      %get3A_1382 = arith.index_cast %get3A_1380 : i32 to index
      %get3A_1383 = arith.constant 16 : index
      %get3A_1384 = tpu.vector_load %arg6[%get3A_1381, %get3A_1382, %get3A_1383] {strides = array<i32>} : memref<20x32x64xf32, #tpu.memory_space<vmem>>, vector<1x1x16xf32>,
      %get3A_1385 = vector.shape_cast %get3A_1384 : vector<1x1x16xf32> to vector<16xf32>
      %mul3A_1386 = vector.broadcast %squeeze3A_1364 : f32 to vector<16xf32>
      %mul3A_1387 = arith.mulf %get3A_1385, %mul3A_1386 : vector<16xf32>
      %swap3A_1388 = arith.constant 7 : i32
      %swap3A_1389 = arith.index_cast %scan3A_21 : i32 to index
      %swap3A_1390 = arith.index_cast %swap3A_1388 : i32 to index
      %swap3A_1391 = arith.constant 16 : index
      %swap3A_1392 = tpu.vector_load %arg6[%swap3A_1389, %swap3A_1390, %swap3A_1391] {strides = array<i32>} : memref<20x32x64xf32, #tpu.memory_space<vmem>>, vector<1x1x16xf32>,
      %swap3A_1393 = vector.shape_cast %swap3A_1392 : vector<1x1x16xf32> to vector<16xf32>
      %swap3A_1394 = vector.shape_cast %mul3A_1387 : vector<16xf32> to vector<1x1x16xf32>
      tpu.vector_store %arg6[%swap3A_1389, %swap3A_1390, %swap3A_1391], %swap3A_1394 {strides = array<i32>} : memref<20x32x64xf32, #tpu.memory_space<vmem>>, vector<1x1x16xf32>,
      %get3A_1395 = arith.constant 7 : i32
      %get3A_1396 = arith.index_cast %scan3A_21 : i32 to index
      %get3A_1397 = arith.index_cast %get3A_1395 : i32 to index
      %get3A_1398 = arith.constant 32 : index
      %get3A_1399 = tpu.vector_load %arg6[%get3A_1396, %get3A_1397, %get3A_1398] {strides = array<i32>} : memref<20x32x64xf32, #tpu.memory_space<vmem>>, vector<1x1x16xf32>,
      %get3A_1400 = vector.shape_cast %get3A_1399 : vector<1x1x16xf32> to vector<16xf32>
      %mul3A_1401 = vector.broadcast %squeeze3A_1364 : f32 to vector<16xf32>
      %mul3A_1402 = arith.mulf %get3A_1400, %mul3A_1401 : vector<16xf32>
      %swap3A_1403 = arith.constant 7 : i32
      %swap3A_1404 = arith.index_cast %scan3A_21 : i32 to index
      %swap3A_1405 = arith.index_cast %swap3A_1403 : i32 to index
      %swap3A_1406 = arith.constant 32 : index
      %swap3A_1407 = tpu.vector_load %arg6[%swap3A_1404, %swap3A_1405, %swap3A_1406] {strides = array<i32>} : memref<20x32x64xf32, #tpu.memory_space<vmem>>, vector<1x1x16xf32>,
      %swap3A_1408 = vector.shape_cast %swap3A_1407 : vector<1x1x16xf32> to vector<16xf32>
      %swap3A_1409 = vector.shape_cast %mul3A_1402 : vector<16xf32> to vector<1x1x16xf32>
      tpu.vector_store %arg6[%swap3A_1404, %swap3A_1405, %swap3A_1406], %swap3A_1409 {strides = array<i32>} : memref<20x32x64xf32, #tpu.memory_space<vmem>>, vector<1x1x16xf32>,
      %get3A_1410 = arith.constant 7 : i32
      %get3A_1411 = arith.index_cast %scan3A_21 : i32 to index
      %get3A_1412 = arith.index_cast %get3A_1410 : i32 to index
      %get3A_1413 = arith.constant 48 : index
      %get3A_1414 = tpu.vector_load %arg6[%get3A_1411, %get3A_1412, %get3A_1413] {strides = array<i32>} : memref<20x32x64xf32, #tpu.memory_space<vmem>>, vector<1x1x16xf32>,
      %get3A_1415 = vector.shape_cast %get3A_1414 : vector<1x1x16xf32> to vector<16xf32>
      %mul3A_1416 = vector.broadcast %squeeze3A_1364 : f32 to vector<16xf32>
      %mul3A_1417 = arith.mulf %get3A_1415, %mul3A_1416 : vector<16xf32>
      %swap3A_1418 = arith.constant 7 : i32
      %swap3A_1419 = arith.index_cast %scan3A_21 : i32 to index
      %swap3A_1420 = arith.index_cast %swap3A_1418 : i32 to index
      %swap3A_1421 = arith.constant 48 : index
      %swap3A_1422 = tpu.vector_load %arg6[%swap3A_1419, %swap3A_1420, %swap3A_1421] {strides = array<i32>} : memref<20x32x64xf32, #tpu.memory_space<vmem>>, vector<1x1x16xf32>,
      %swap3A_1423 = vector.shape_cast %swap3A_1422 : vector<1x1x16xf32> to vector<16xf32>
      %swap3A_1424 = vector.shape_cast %mul3A_1417 : vector<16xf32> to vector<1x1x16xf32>
      tpu.vector_store %arg6[%swap3A_1419, %swap3A_1420, %swap3A_1421], %swap3A_1424 {strides = array<i32>} : memref<20x32x64xf32, #tpu.memory_space<vmem>>, vector<1x1x16xf32>,
      %slice3A_1425 = vector.extract_strided_slice %div3A_622 {offsets = [8], sizes = [1], strides = [1]} : vector<16xf32> to vector<1xf32>
      %squeeze3A_1426 = vector.extract %slice3A_1425[0] : f32 from vector<1xf32>
      %get3A_1427 = arith.constant 8 : i32
      %get3A_1428 = arith.index_cast %scan3A_21 : i32 to index
      %get3A_1429 = arith.index_cast %get3A_1427 : i32 to index
      %get3A_1430 = arith.constant 0 : index
      %get3A_1431 = tpu.vector_load %arg6[%get3A_1428, %get3A_1429, %get3A_1430] {strides = array<i32>} : memref<20x32x64xf32, #tpu.memory_space<vmem>>, vector<1x1x16xf32>,
      %get3A_1432 = vector.shape_cast %get3A_1431 : vector<1x1x16xf32> to vector<16xf32>
      %mul3A_1433 = vector.broadcast %squeeze3A_1426 : f32 to vector<16xf32>
      %mul3A_1434 = arith.mulf %get3A_1432, %mul3A_1433 : vector<16xf32>
      %swap3A_1435 = arith.constant 8 : i32
      %swap3A_1436 = arith.index_cast %scan3A_21 : i32 to index
      %swap3A_1437 = arith.index_cast %swap3A_1435 : i32 to index
      %swap3A_1438 = arith.constant 0 : index
      %swap3A_1439 = tpu.vector_load %arg6[%swap3A_1436, %swap3A_1437, %swap3A_1438] {strides = array<i32>} : memref<20x32x64xf32, #tpu.memory_space<vmem>>, vector<1x1x16xf32>,
      %swap3A_1440 = vector.shape_cast %swap3A_1439 : vector<1x1x16xf32> to vector<16xf32>
      %swap3A_1441 = vector.shape_cast %mul3A_1434 : vector<16xf32> to vector<1x1x16xf32>
      tpu.vector_store %arg6[%swap3A_1436, %swap3A_1437, %swap3A_1438], %swap3A_1441 {strides = array<i32>} : memref<20x32x64xf32, #tpu.memory_space<vmem>>, vector<1x1x16xf32>,
      %get3A_1442 = arith.constant 8 : i32
      %get3A_1443 = arith.index_cast %scan3A_21 : i32 to index
      %get3A_1444 = arith.index_cast %get3A_1442 : i32 to index
      %get3A_1445 = arith.constant 16 : index
      %get3A_1446 = tpu.vector_load %arg6[%get3A_1443, %get3A_1444, %get3A_1445] {strides = array<i32>} : memref<20x32x64xf32, #tpu.memory_space<vmem>>, vector<1x1x16xf32>,
      %get3A_1447 = vector.shape_cast %get3A_1446 : vector<1x1x16xf32> to vector<16xf32>
      %mul3A_1448 = vector.broadcast %squeeze3A_1426 : f32 to vector<16xf32>
      %mul3A_1449 = arith.mulf %get3A_1447, %mul3A_1448 : vector<16xf32>
      %swap3A_1450 = arith.constant 8 : i32
      %swap3A_1451 = arith.index_cast %scan3A_21 : i32 to index
      %swap3A_1452 = arith.index_cast %swap3A_1450 : i32 to index
      %swap3A_1453 = arith.constant 16 : index
      %swap3A_1454 = tpu.vector_load %arg6[%swap3A_1451, %swap3A_1452, %swap3A_1453] {strides = array<i32>} : memref<20x32x64xf32, #tpu.memory_space<vmem>>, vector<1x1x16xf32>,
      %swap3A_1455 = vector.shape_cast %swap3A_1454 : vector<1x1x16xf32> to vector<16xf32>
      %swap3A_1456 = vector.shape_cast %mul3A_1449 : vector<16xf32> to vector<1x1x16xf32>
      tpu.vector_store %arg6[%swap3A_1451, %swap3A_1452, %swap3A_1453], %swap3A_1456 {strides = array<i32>} : memref<20x32x64xf32, #tpu.memory_space<vmem>>, vector<1x1x16xf32>,
      %get3A_1457 = arith.constant 8 : i32
      %get3A_1458 = arith.index_cast %scan3A_21 : i32 to index
      %get3A_1459 = arith.index_cast %get3A_1457 : i32 to index
      %get3A_1460 = arith.constant 32 : index
      %get3A_1461 = tpu.vector_load %arg6[%get3A_1458, %get3A_1459, %get3A_1460] {strides = array<i32>} : memref<20x32x64xf32, #tpu.memory_space<vmem>>, vector<1x1x16xf32>,
      %get3A_1462 = vector.shape_cast %get3A_1461 : vector<1x1x16xf32> to vector<16xf32>
      %mul3A_1463 = vector.broadcast %squeeze3A_1426 : f32 to vector<16xf32>
      %mul3A_1464 = arith.mulf %get3A_1462, %mul3A_1463 : vector<16xf32>
      %swap3A_1465 = arith.constant 8 : i32
      %swap3A_1466 = arith.index_cast %scan3A_21 : i32 to index
      %swap3A_1467 = arith.index_cast %swap3A_1465 : i32 to index
      %swap3A_1468 = arith.constant 32 : index
      %swap3A_1469 = tpu.vector_load %arg6[%swap3A_1466, %swap3A_1467, %swap3A_1468] {strides = array<i32>} : memref<20x32x64xf32, #tpu.memory_space<vmem>>, vector<1x1x16xf32>,
      %swap3A_1470 = vector.shape_cast %swap3A_1469 : vector<1x1x16xf32> to vector<16xf32>
      %swap3A_1471 = vector.shape_cast %mul3A_1464 : vector<16xf32> to vector<1x1x16xf32>
      tpu.vector_store %arg6[%swap3A_1466, %swap3A_1467, %swap3A_1468], %swap3A_1471 {strides = array<i32>} : memref<20x32x64xf32, #tpu.memory_space<vmem>>, vector<1x1x16xf32>,
      %get3A_1472 = arith.constant 8 : i32
      %get3A_1473 = arith.index_cast %scan3A_21 : i32 to index
      %get3A_1474 = arith.index_cast %get3A_1472 : i32 to index
      %get3A_1475 = arith.constant 48 : index
      %get3A_1476 = tpu.vector_load %arg6[%get3A_1473, %get3A_1474, %get3A_1475] {strides = array<i32>} : memref<20x32x64xf32, #tpu.memory_space<vmem>>, vector<1x1x16xf32>,
      %get3A_1477 = vector.shape_cast %get3A_1476 : vector<1x1x16xf32> to vector<16xf32>
      %mul3A_1478 = vector.broadcast %squeeze3A_1426 : f32 to vector<16xf32>
      %mul3A_1479 = arith.mulf %get3A_1477, %mul3A_1478 : vector<16xf32>
      %swap3A_1480 = arith.constant 8 : i32
      %swap3A_1481 = arith.index_cast %scan3A_21 : i32 to index
      %swap3A_1482 = arith.index_cast %swap3A_1480 : i32 to index
      %swap3A_1483 = arith.constant 48 : index
      %swap3A_1484 = tpu.vector_load %arg6[%swap3A_1481, %swap3A_1482, %swap3A_1483] {strides = array<i32>} : memref<20x32x64xf32, #tpu.memory_space<vmem>>, vector<1x1x16xf32>,
      %swap3A_1485 = vector.shape_cast %swap3A_1484 : vector<1x1x16xf32> to vector<16xf32>
      %swap3A_1486 = vector.shape_cast %mul3A_1479 : vector<16xf32> to vector<1x1x16xf32>
      tpu.vector_store %arg6[%swap3A_1481, %swap3A_1482, %swap3A_1483], %swap3A_1486 {strides = array<i32>} : memref<20x32x64xf32, #tpu.memory_space<vmem>>, vector<1x1x16xf32>,
      %slice3A_1487 = vector.extract_strided_slice %div3A_622 {offsets = [9], sizes = [1], strides = [1]} : vector<16xf32> to vector<1xf32>
      %squeeze3A_1488 = vector.extract %slice3A_1487[0] : f32 from vector<1xf32>
      %get3A_1489 = arith.constant 9 : i32
      %get3A_1490 = arith.index_cast %scan3A_21 : i32 to index
      %get3A_1491 = arith.index_cast %get3A_1489 : i32 to index
      %get3A_1492 = arith.constant 0 : index
      %get3A_1493 = tpu.vector_load %arg6[%get3A_1490, %get3A_1491, %get3A_1492] {strides = array<i32>} : memref<20x32x64xf32, #tpu.memory_space<vmem>>, vector<1x1x16xf32>,
      %get3A_1494 = vector.shape_cast %get3A_1493 : vector<1x1x16xf32> to vector<16xf32>
      %mul3A_1495 = vector.broadcast %squeeze3A_1488 : f32 to vector<16xf32>
      %mul3A_1496 = arith.mulf %get3A_1494, %mul3A_1495 : vector<16xf32>
      %swap3A_1497 = arith.constant 9 : i32
      %swap3A_1498 = arith.index_cast %scan3A_21 : i32 to index
      %swap3A_1499 = arith.index_cast %swap3A_1497 : i32 to index
      %swap3A_1500 = arith.constant 0 : index
      %swap3A_1501 = tpu.vector_load %arg6[%swap3A_1498, %swap3A_1499, %swap3A_1500] {strides = array<i32>} : memref<20x32x64xf32, #tpu.memory_space<vmem>>, vector<1x1x16xf32>,
      %swap3A_1502 = vector.shape_cast %swap3A_1501 : vector<1x1x16xf32> to vector<16xf32>
      %swap3A_1503 = vector.shape_cast %mul3A_1496 : vector<16xf32> to vector<1x1x16xf32>
      tpu.vector_store %arg6[%swap3A_1498, %swap3A_1499, %swap3A_1500], %swap3A_1503 {strides = array<i32>} : memref<20x32x64xf32, #tpu.memory_space<vmem>>, vector<1x1x16xf32>,
      %get3A_1504 = arith.constant 9 : i32
      %get3A_1505 = arith.index_cast %scan3A_21 : i32 to index
      %get3A_1506 = arith.index_cast %get3A_1504 : i32 to index
      %get3A_1507 = arith.constant 16 : index
      %get3A_1508 = tpu.vector_load %arg6[%get3A_1505, %get3A_1506, %get3A_1507] {strides = array<i32>} : memref<20x32x64xf32, #tpu.memory_space<vmem>>, vector<1x1x16xf32>,
      %get3A_1509 = vector.shape_cast %get3A_1508 : vector<1x1x16xf32> to vector<16xf32>
      %mul3A_1510 = vector.broadcast %squeeze3A_1488 : f32 to vector<16xf32>
      %mul3A_1511 = arith.mulf %get3A_1509, %mul3A_1510 : vector<16xf32>
      %swap3A_1512 = arith.constant 9 : i32
      %swap3A_1513 = arith.index_cast %scan3A_21 : i32 to index
      %swap3A_1514 = arith.index_cast %swap3A_1512 : i32 to index
      %swap3A_1515 = arith.constant 16 : index
      %swap3A_1516 = tpu.vector_load %arg6[%swap3A_1513, %swap3A_1514, %swap3A_1515] {strides = array<i32>} : memref<20x32x64xf32, #tpu.memory_space<vmem>>, vector<1x1x16xf32>,
      %swap3A_1517 = vector.shape_cast %swap3A_1516 : vector<1x1x16xf32> to vector<16xf32>
      %swap3A_1518 = vector.shape_cast %mul3A_1511 : vector<16xf32> to vector<1x1x16xf32>
      tpu.vector_store %arg6[%swap3A_1513, %swap3A_1514, %swap3A_1515], %swap3A_1518 {strides = array<i32>} : memref<20x32x64xf32, #tpu.memory_space<vmem>>, vector<1x1x16xf32>,
      %get3A_1519 = arith.constant 9 : i32
      %get3A_1520 = arith.index_cast %scan3A_21 : i32 to index
      %get3A_1521 = arith.index_cast %get3A_1519 : i32 to index
      %get3A_1522 = arith.constant 32 : index
      %get3A_1523 = tpu.vector_load %arg6[%get3A_1520, %get3A_1521, %get3A_1522] {strides = array<i32>} : memref<20x32x64xf32, #tpu.memory_space<vmem>>, vector<1x1x16xf32>,
      %get3A_1524 = vector.shape_cast %get3A_1523 : vector<1x1x16xf32> to vector<16xf32>
      %mul3A_1525 = vector.broadcast %squeeze3A_1488 : f32 to vector<16xf32>
      %mul3A_1526 = arith.mulf %get3A_1524, %mul3A_1525 : vector<16xf32>
      %swap3A_1527 = arith.constant 9 : i32
      %swap3A_1528 = arith.index_cast %scan3A_21 : i32 to index
      %swap3A_1529 = arith.index_cast %swap3A_1527 : i32 to index
      %swap3A_1530 = arith.constant 32 : index
      %swap3A_1531 = tpu.vector_load %arg6[%swap3A_1528, %swap3A_1529, %swap3A_1530] {strides = array<i32>} : memref<20x32x64xf32, #tpu.memory_space<vmem>>, vector<1x1x16xf32>,
      %swap3A_1532 = vector.shape_cast %swap3A_1531 : vector<1x1x16xf32> to vector<16xf32>
      %swap3A_1533 = vector.shape_cast %mul3A_1526 : vector<16xf32> to vector<1x1x16xf32>
      tpu.vector_store %arg6[%swap3A_1528, %swap3A_1529, %swap3A_1530], %swap3A_1533 {strides = array<i32>} : memref<20x32x64xf32, #tpu.memory_space<vmem>>, vector<1x1x16xf32>,
      %get3A_1534 = arith.constant 9 : i32
      %get3A_1535 = arith.index_cast %scan3A_21 : i32 to index
      %get3A_1536 = arith.index_cast %get3A_1534 : i32 to index
      %get3A_1537 = arith.constant 48 : index
      %get3A_1538 = tpu.vector_load %arg6[%get3A_1535, %get3A_1536, %get3A_1537] {strides = array<i32>} : memref<20x32x64xf32, #tpu.memory_space<vmem>>, vector<1x1x16xf32>,
      %get3A_1539 = vector.shape_cast %get3A_1538 : vector<1x1x16xf32> to vector<16xf32>
      %mul3A_1540 = vector.broadcast %squeeze3A_1488 : f32 to vector<16xf32>
      %mul3A_1541 = arith.mulf %get3A_1539, %mul3A_1540 : vector<16xf32>
      %swap3A_1542 = arith.constant 9 : i32
      %swap3A_1543 = arith.index_cast %scan3A_21 : i32 to index
      %swap3A_1544 = arith.index_cast %swap3A_1542 : i32 to index
      %swap3A_1545 = arith.constant 48 : index
      %swap3A_1546 = tpu.vector_load %arg6[%swap3A_1543, %swap3A_1544, %swap3A_1545] {strides = array<i32>} : memref<20x32x64xf32, #tpu.memory_space<vmem>>, vector<1x1x16xf32>,
      %swap3A_1547 = vector.shape_cast %swap3A_1546 : vector<1x1x16xf32> to vector<16xf32>
      %swap3A_1548 = vector.shape_cast %mul3A_1541 : vector<16xf32> to vector<1x1x16xf32>
      tpu.vector_store %arg6[%swap3A_1543, %swap3A_1544, %swap3A_1545], %swap3A_1548 {strides = array<i32>} : memref<20x32x64xf32, #tpu.memory_space<vmem>>, vector<1x1x16xf32>,
      %slice3A_1549 = vector.extract_strided_slice %div3A_622 {offsets = [10], sizes = [1], strides = [1]} : vector<16xf32> to vector<1xf32>
      %squeeze3A_1550 = vector.extract %slice3A_1549[0] : f32 from vector<1xf32>
      %get3A_1551 = arith.constant 10 : i32
      %get3A_1552 = arith.index_cast %scan3A_21 : i32 to index
      %get3A_1553 = arith.index_cast %get3A_1551 : i32 to index
      %get3A_1554 = arith.constant 0 : index
      %get3A_1555 = tpu.vector_load %arg6[%get3A_1552, %get3A_1553, %get3A_1554] {strides = array<i32>} : memref<20x32x64xf32, #tpu.memory_space<vmem>>, vector<1x1x16xf32>,
      %get3A_1556 = vector.shape_cast %get3A_1555 : vector<1x1x16xf32> to vector<16xf32>
      %mul3A_1557 = vector.broadcast %squeeze3A_1550 : f32 to vector<16xf32>
      %mul3A_1558 = arith.mulf %get3A_1556, %mul3A_1557 : vector<16xf32>
      %swap3A_1559 = arith.constant 10 : i32
      %swap3A_1560 = arith.index_cast %scan3A_21 : i32 to index
      %swap3A_1561 = arith.index_cast %swap3A_1559 : i32 to index
      %swap3A_1562 = arith.constant 0 : index
      %swap3A_1563 = tpu.vector_load %arg6[%swap3A_1560, %swap3A_1561, %swap3A_1562] {strides = array<i32>} : memref<20x32x64xf32, #tpu.memory_space<vmem>>, vector<1x1x16xf32>,
      %swap3A_1564 = vector.shape_cast %swap3A_1563 : vector<1x1x16xf32> to vector<16xf32>
      %swap3A_1565 = vector.shape_cast %mul3A_1558 : vector<16xf32> to vector<1x1x16xf32>
      tpu.vector_store %arg6[%swap3A_1560, %swap3A_1561, %swap3A_1562], %swap3A_1565 {strides = array<i32>} : memref<20x32x64xf32, #tpu.memory_space<vmem>>, vector<1x1x16xf32>,
      %get3A_1566 = arith.constant 10 : i32
      %get3A_1567 = arith.index_cast %scan3A_21 : i32 to index
      %get3A_1568 = arith.index_cast %get3A_1566 : i32 to index
      %get3A_1569 = arith.constant 16 : index
      %get3A_1570 = tpu.vector_load %arg6[%get3A_1567, %get3A_1568, %get3A_1569] {strides = array<i32>} : memref<20x32x64xf32, #tpu.memory_space<vmem>>, vector<1x1x16xf32>,
      %get3A_1571 = vector.shape_cast %get3A_1570 : vector<1x1x16xf32> to vector<16xf32>
      %mul3A_1572 = vector.broadcast %squeeze3A_1550 : f32 to vector<16xf32>
      %mul3A_1573 = arith.mulf %get3A_1571, %mul3A_1572 : vector<16xf32>
      %swap3A_1574 = arith.constant 10 : i32
      %swap3A_1575 = arith.index_cast %scan3A_21 : i32 to index
      %swap3A_1576 = arith.index_cast %swap3A_1574 : i32 to index
      %swap3A_1577 = arith.constant 16 : index
      %swap3A_1578 = tpu.vector_load %arg6[%swap3A_1575, %swap3A_1576, %swap3A_1577] {strides = array<i32>} : memref<20x32x64xf32, #tpu.memory_space<vmem>>, vector<1x1x16xf32>,
      %swap3A_1579 = vector.shape_cast %swap3A_1578 : vector<1x1x16xf32> to vector<16xf32>
      %swap3A_1580 = vector.shape_cast %mul3A_1573 : vector<16xf32> to vector<1x1x16xf32>
      tpu.vector_store %arg6[%swap3A_1575, %swap3A_1576, %swap3A_1577], %swap3A_1580 {strides = array<i32>} : memref<20x32x64xf32, #tpu.memory_space<vmem>>, vector<1x1x16xf32>,
      %get3A_1581 = arith.constant 10 : i32
      %get3A_1582 = arith.index_cast %scan3A_21 : i32 to index
      %get3A_1583 = arith.index_cast %get3A_1581 : i32 to index
      %get3A_1584 = arith.constant 32 : index
      %get3A_1585 = tpu.vector_load %arg6[%get3A_1582, %get3A_1583, %get3A_1584] {strides = array<i32>} : memref<20x32x64xf32, #tpu.memory_space<vmem>>, vector<1x1x16xf32>,
      %get3A_1586 = vector.shape_cast %get3A_1585 : vector<1x1x16xf32> to vector<16xf32>
      %mul3A_1587 = vector.broadcast %squeeze3A_1550 : f32 to vector<16xf32>
      %mul3A_1588 = arith.mulf %get3A_1586, %mul3A_1587 : vector<16xf32>
      %swap3A_1589 = arith.constant 10 : i32
      %swap3A_1590 = arith.index_cast %scan3A_21 : i32 to index
      %swap3A_1591 = arith.index_cast %swap3A_1589 : i32 to index
      %swap3A_1592 = arith.constant 32 : index
      %swap3A_1593 = tpu.vector_load %arg6[%swap3A_1590, %swap3A_1591, %swap3A_1592] {strides = array<i32>} : memref<20x32x64xf32, #tpu.memory_space<vmem>>, vector<1x1x16xf32>,
      %swap3A_1594 = vector.shape_cast %swap3A_1593 : vector<1x1x16xf32> to vector<16xf32>
      %swap3A_1595 = vector.shape_cast %mul3A_1588 : vector<16xf32> to vector<1x1x16xf32>
      tpu.vector_store %arg6[%swap3A_1590, %swap3A_1591, %swap3A_1592], %swap3A_1595 {strides = array<i32>} : memref<20x32x64xf32, #tpu.memory_space<vmem>>, vector<1x1x16xf32>,
      %get3A_1596 = arith.constant 10 : i32
      %get3A_1597 = arith.index_cast %scan3A_21 : i32 to index
      %get3A_1598 = arith.index_cast %get3A_1596 : i32 to index
      %get3A_1599 = arith.constant 48 : index
      %get3A_1600 = tpu.vector_load %arg6[%get3A_1597, %get3A_1598, %get3A_1599] {strides = array<i32>} : memref<20x32x64xf32, #tpu.memory_space<vmem>>, vector<1x1x16xf32>,
      %get3A_1601 = vector.shape_cast %get3A_1600 : vector<1x1x16xf32> to vector<16xf32>
      %mul3A_1602 = vector.broadcast %squeeze3A_1550 : f32 to vector<16xf32>
      %mul3A_1603 = arith.mulf %get3A_1601, %mul3A_1602 : vector<16xf32>
      %swap3A_1604 = arith.constant 10 : i32
      %swap3A_1605 = arith.index_cast %scan3A_21 : i32 to index
      %swap3A_1606 = arith.index_cast %swap3A_1604 : i32 to index
      %swap3A_1607 = arith.constant 48 : index
      %swap3A_1608 = tpu.vector_load %arg6[%swap3A_1605, %swap3A_1606, %swap3A_1607] {strides = array<i32>} : memref<20x32x64xf32, #tpu.memory_space<vmem>>, vector<1x1x16xf32>,
      %swap3A_1609 = vector.shape_cast %swap3A_1608 : vector<1x1x16xf32> to vector<16xf32>
      %swap3A_1610 = vector.shape_cast %mul3A_1603 : vector<16xf32> to vector<1x1x16xf32>
      tpu.vector_store %arg6[%swap3A_1605, %swap3A_1606, %swap3A_1607], %swap3A_1610 {strides = array<i32>} : memref<20x32x64xf32, #tpu.memory_space<vmem>>, vector<1x1x16xf32>,
      %slice3A_1611 = vector.extract_strided_slice %div3A_622 {offsets = [11], sizes = [1], strides = [1]} : vector<16xf32> to vector<1xf32>
      %squeeze3A_1612 = vector.extract %slice3A_1611[0] : f32 from vector<1xf32>
      %get3A_1613 = arith.constant 11 : i32
      %get3A_1614 = arith.index_cast %scan3A_21 : i32 to index
      %get3A_1615 = arith.index_cast %get3A_1613 : i32 to index
      %get3A_1616 = arith.constant 0 : index
      %get3A_1617 = tpu.vector_load %arg6[%get3A_1614, %get3A_1615, %get3A_1616] {strides = array<i32>} : memref<20x32x64xf32, #tpu.memory_space<vmem>>, vector<1x1x16xf32>,
      %get3A_1618 = vector.shape_cast %get3A_1617 : vector<1x1x16xf32> to vector<16xf32>
      %mul3A_1619 = vector.broadcast %squeeze3A_1612 : f32 to vector<16xf32>
      %mul3A_1620 = arith.mulf %get3A_1618, %mul3A_1619 : vector<16xf32>
      %swap3A_1621 = arith.constant 11 : i32
      %swap3A_1622 = arith.index_cast %scan3A_21 : i32 to index
      %swap3A_1623 = arith.index_cast %swap3A_1621 : i32 to index
      %swap3A_1624 = arith.constant 0 : index
      %swap3A_1625 = tpu.vector_load %arg6[%swap3A_1622, %swap3A_1623, %swap3A_1624] {strides = array<i32>} : memref<20x32x64xf32, #tpu.memory_space<vmem>>, vector<1x1x16xf32>,
      %swap3A_1626 = vector.shape_cast %swap3A_1625 : vector<1x1x16xf32> to vector<16xf32>
      %swap3A_1627 = vector.shape_cast %mul3A_1620 : vector<16xf32> to vector<1x1x16xf32>
      tpu.vector_store %arg6[%swap3A_1622, %swap3A_1623, %swap3A_1624], %swap3A_1627 {strides = array<i32>} : memref<20x32x64xf32, #tpu.memory_space<vmem>>, vector<1x1x16xf32>,
      %get3A_1628 = arith.constant 11 : i32
      %get3A_1629 = arith.index_cast %scan3A_21 : i32 to index
      %get3A_1630 = arith.index_cast %get3A_1628 : i32 to index
      %get3A_1631 = arith.constant 16 : index
      %get3A_1632 = tpu.vector_load %arg6[%get3A_1629, %get3A_1630, %get3A_1631] {strides = array<i32>} : memref<20x32x64xf32, #tpu.memory_space<vmem>>, vector<1x1x16xf32>,
      %get3A_1633 = vector.shape_cast %get3A_1632 : vector<1x1x16xf32> to vector<16xf32>
      %mul3A_1634 = vector.broadcast %squeeze3A_1612 : f32 to vector<16xf32>
      %mul3A_1635 = arith.mulf %get3A_1633, %mul3A_1634 : vector<16xf32>
      %swap3A_1636 = arith.constant 11 : i32
      %swap3A_1637 = arith.index_cast %scan3A_21 : i32 to index
      %swap3A_1638 = arith.index_cast %swap3A_1636 : i32 to index
      %swap3A_1639 = arith.constant 16 : index
      %swap3A_1640 = tpu.vector_load %arg6[%swap3A_1637, %swap3A_1638, %swap3A_1639] {strides = array<i32>} : memref<20x32x64xf32, #tpu.memory_space<vmem>>, vector<1x1x16xf32>,
      %swap3A_1641 = vector.shape_cast %swap3A_1640 : vector<1x1x16xf32> to vector<16xf32>
      %swap3A_1642 = vector.shape_cast %mul3A_1635 : vector<16xf32> to vector<1x1x16xf32>
      tpu.vector_store %arg6[%swap3A_1637, %swap3A_1638, %swap3A_1639], %swap3A_1642 {strides = array<i32>} : memref<20x32x64xf32, #tpu.memory_space<vmem>>, vector<1x1x16xf32>,
      %get3A_1643 = arith.constant 11 : i32
      %get3A_1644 = arith.index_cast %scan3A_21 : i32 to index
      %get3A_1645 = arith.index_cast %get3A_1643 : i32 to index
      %get3A_1646 = arith.constant 32 : index
      %get3A_1647 = tpu.vector_load %arg6[%get3A_1644, %get3A_1645, %get3A_1646] {strides = array<i32>} : memref<20x32x64xf32, #tpu.memory_space<vmem>>, vector<1x1x16xf32>,
      %get3A_1648 = vector.shape_cast %get3A_1647 : vector<1x1x16xf32> to vector<16xf32>
      %mul3A_1649 = vector.broadcast %squeeze3A_1612 : f32 to vector<16xf32>
      %mul3A_1650 = arith.mulf %get3A_1648, %mul3A_1649 : vector<16xf32>
      %swap3A_1651 = arith.constant 11 : i32
      %swap3A_1652 = arith.index_cast %scan3A_21 : i32 to index
      %swap3A_1653 = arith.index_cast %swap3A_1651 : i32 to index
      %swap3A_1654 = arith.constant 32 : index
      %swap3A_1655 = tpu.vector_load %arg6[%swap3A_1652, %swap3A_1653, %swap3A_1654] {strides = array<i32>} : memref<20x32x64xf32, #tpu.memory_space<vmem>>, vector<1x1x16xf32>,
      %swap3A_1656 = vector.shape_cast %swap3A_1655 : vector<1x1x16xf32> to vector<16xf32>
      %swap3A_1657 = vector.shape_cast %mul3A_1650 : vector<16xf32> to vector<1x1x16xf32>
      tpu.vector_store %arg6[%swap3A_1652, %swap3A_1653, %swap3A_1654], %swap3A_1657 {strides = array<i32>} : memref<20x32x64xf32, #tpu.memory_space<vmem>>, vector<1x1x16xf32>,
      %get3A_1658 = arith.constant 11 : i32
      %get3A_1659 = arith.index_cast %scan3A_21 : i32 to index
      %get3A_1660 = arith.index_cast %get3A_1658 : i32 to index
      %get3A_1661 = arith.constant 48 : index
      %get3A_1662 = tpu.vector_load %arg6[%get3A_1659, %get3A_1660, %get3A_1661] {strides = array<i32>} : memref<20x32x64xf32, #tpu.memory_space<vmem>>, vector<1x1x16xf32>,
      %get3A_1663 = vector.shape_cast %get3A_1662 : vector<1x1x16xf32> to vector<16xf32>
      %mul3A_1664 = vector.broadcast %squeeze3A_1612 : f32 to vector<16xf32>
      %mul3A_1665 = arith.mulf %get3A_1663, %mul3A_1664 : vector<16xf32>
      %swap3A_1666 = arith.constant 11 : i32
      %swap3A_1667 = arith.index_cast %scan3A_21 : i32 to index
      %swap3A_1668 = arith.index_cast %swap3A_1666 : i32 to index
      %swap3A_1669 = arith.constant 48 : index
      %swap3A_1670 = tpu.vector_load %arg6[%swap3A_1667, %swap3A_1668, %swap3A_1669] {strides = array<i32>} : memref<20x32x64xf32, #tpu.memory_space<vmem>>, vector<1x1x16xf32>,
      %swap3A_1671 = vector.shape_cast %swap3A_1670 : vector<1x1x16xf32> to vector<16xf32>
      %swap3A_1672 = vector.shape_cast %mul3A_1665 : vector<16xf32> to vector<1x1x16xf32>
      tpu.vector_store %arg6[%swap3A_1667, %swap3A_1668, %swap3A_1669], %swap3A_1672 {strides = array<i32>} : memref<20x32x64xf32, #tpu.memory_space<vmem>>, vector<1x1x16xf32>,
      %slice3A_1673 = vector.extract_strided_slice %div3A_622 {offsets = [12], sizes = [1], strides = [1]} : vector<16xf32> to vector<1xf32>
      %squeeze3A_1674 = vector.extract %slice3A_1673[0] : f32 from vector<1xf32>
      %get3A_1675 = arith.constant 12 : i32
      %get3A_1676 = arith.index_cast %scan3A_21 : i32 to index
      %get3A_1677 = arith.index_cast %get3A_1675 : i32 to index
      %get3A_1678 = arith.constant 0 : index
      %get3A_1679 = tpu.vector_load %arg6[%get3A_1676, %get3A_1677, %get3A_1678] {strides = array<i32>} : memref<20x32x64xf32, #tpu.memory_space<vmem>>, vector<1x1x16xf32>,
      %get3A_1680 = vector.shape_cast %get3A_1679 : vector<1x1x16xf32> to vector<16xf32>
      %mul3A_1681 = vector.broadcast %squeeze3A_1674 : f32 to vector<16xf32>
      %mul3A_1682 = arith.mulf %get3A_1680, %mul3A_1681 : vector<16xf32>
      %swap3A_1683 = arith.constant 12 : i32
      %swap3A_1684 = arith.index_cast %scan3A_21 : i32 to index
      %swap3A_1685 = arith.index_cast %swap3A_1683 : i32 to index
      %swap3A_1686 = arith.constant 0 : index
      %swap3A_1687 = tpu.vector_load %arg6[%swap3A_1684, %swap3A_1685, %swap3A_1686] {strides = array<i32>} : memref<20x32x64xf32, #tpu.memory_space<vmem>>, vector<1x1x16xf32>,
      %swap3A_1688 = vector.shape_cast %swap3A_1687 : vector<1x1x16xf32> to vector<16xf32>
      %swap3A_1689 = vector.shape_cast %mul3A_1682 : vector<16xf32> to vector<1x1x16xf32>
      tpu.vector_store %arg6[%swap3A_1684, %swap3A_1685, %swap3A_1686], %swap3A_1689 {strides = array<i32>} : memref<20x32x64xf32, #tpu.memory_space<vmem>>, vector<1x1x16xf32>,
      %get3A_1690 = arith.constant 12 : i32
      %get3A_1691 = arith.index_cast %scan3A_21 : i32 to index
      %get3A_1692 = arith.index_cast %get3A_1690 : i32 to index
      %get3A_1693 = arith.constant 16 : index
      %get3A_1694 = tpu.vector_load %arg6[%get3A_1691, %get3A_1692, %get3A_1693] {strides = array<i32>} : memref<20x32x64xf32, #tpu.memory_space<vmem>>, vector<1x1x16xf32>,
      %get3A_1695 = vector.shape_cast %get3A_1694 : vector<1x1x16xf32> to vector<16xf32>
      %mul3A_1696 = vector.broadcast %squeeze3A_1674 : f32 to vector<16xf32>
      %mul3A_1697 = arith.mulf %get3A_1695, %mul3A_1696 : vector<16xf32>
      %swap3A_1698 = arith.constant 12 : i32
      %swap3A_1699 = arith.index_cast %scan3A_21 : i32 to index
      %swap3A_1700 = arith.index_cast %swap3A_1698 : i32 to index
      %swap3A_1701 = arith.constant 16 : index
      %swap3A_1702 = tpu.vector_load %arg6[%swap3A_1699, %swap3A_1700, %swap3A_1701] {strides = array<i32>} : memref<20x32x64xf32, #tpu.memory_space<vmem>>, vector<1x1x16xf32>,
      %swap3A_1703 = vector.shape_cast %swap3A_1702 : vector<1x1x16xf32> to vector<16xf32>
      %swap3A_1704 = vector.shape_cast %mul3A_1697 : vector<16xf32> to vector<1x1x16xf32>
      tpu.vector_store %arg6[%swap3A_1699, %swap3A_1700, %swap3A_1701], %swap3A_1704 {strides = array<i32>} : memref<20x32x64xf32, #tpu.memory_space<vmem>>, vector<1x1x16xf32>,
      %get3A_1705 = arith.constant 12 : i32
      %get3A_1706 = arith.index_cast %scan3A_21 : i32 to index
      %get3A_1707 = arith.index_cast %get3A_1705 : i32 to index
      %get3A_1708 = arith.constant 32 : index
      %get3A_1709 = tpu.vector_load %arg6[%get3A_1706, %get3A_1707, %get3A_1708] {strides = array<i32>} : memref<20x32x64xf32, #tpu.memory_space<vmem>>, vector<1x1x16xf32>,
      %get3A_1710 = vector.shape_cast %get3A_1709 : vector<1x1x16xf32> to vector<16xf32>
      %mul3A_1711 = vector.broadcast %squeeze3A_1674 : f32 to vector<16xf32>
      %mul3A_1712 = arith.mulf %get3A_1710, %mul3A_1711 : vector<16xf32>
      %swap3A_1713 = arith.constant 12 : i32
      %swap3A_1714 = arith.index_cast %scan3A_21 : i32 to index
      %swap3A_1715 = arith.index_cast %swap3A_1713 : i32 to index
      %swap3A_1716 = arith.constant 32 : index
      %swap3A_1717 = tpu.vector_load %arg6[%swap3A_1714, %swap3A_1715, %swap3A_1716] {strides = array<i32>} : memref<20x32x64xf32, #tpu.memory_space<vmem>>, vector<1x1x16xf32>,
      %swap3A_1718 = vector.shape_cast %swap3A_1717 : vector<1x1x16xf32> to vector<16xf32>
      %swap3A_1719 = vector.shape_cast %mul3A_1712 : vector<16xf32> to vector<1x1x16xf32>
      tpu.vector_store %arg6[%swap3A_1714, %swap3A_1715, %swap3A_1716], %swap3A_1719 {strides = array<i32>} : memref<20x32x64xf32, #tpu.memory_space<vmem>>, vector<1x1x16xf32>,
      %get3A_1720 = arith.constant 12 : i32
      %get3A_1721 = arith.index_cast %scan3A_21 : i32 to index
      %get3A_1722 = arith.index_cast %get3A_1720 : i32 to index
      %get3A_1723 = arith.constant 48 : index
      %get3A_1724 = tpu.vector_load %arg6[%get3A_1721, %get3A_1722, %get3A_1723] {strides = array<i32>} : memref<20x32x64xf32, #tpu.memory_space<vmem>>, vector<1x1x16xf32>,
      %get3A_1725 = vector.shape_cast %get3A_1724 : vector<1x1x16xf32> to vector<16xf32>
      %mul3A_1726 = vector.broadcast %squeeze3A_1674 : f32 to vector<16xf32>
      %mul3A_1727 = arith.mulf %get3A_1725, %mul3A_1726 : vector<16xf32>
      %swap3A_1728 = arith.constant 12 : i32
      %swap3A_1729 = arith.index_cast %scan3A_21 : i32 to index
      %swap3A_1730 = arith.index_cast %swap3A_1728 : i32 to index
      %swap3A_1731 = arith.constant 48 : index
      %swap3A_1732 = tpu.vector_load %arg6[%swap3A_1729, %swap3A_1730, %swap3A_1731] {strides = array<i32>} : memref<20x32x64xf32, #tpu.memory_space<vmem>>, vector<1x1x16xf32>,
      %swap3A_1733 = vector.shape_cast %swap3A_1732 : vector<1x1x16xf32> to vector<16xf32>
      %swap3A_1734 = vector.shape_cast %mul3A_1727 : vector<16xf32> to vector<1x1x16xf32>
      tpu.vector_store %arg6[%swap3A_1729, %swap3A_1730, %swap3A_1731], %swap3A_1734 {strides = array<i32>} : memref<20x32x64xf32, #tpu.memory_space<vmem>>, vector<1x1x16xf32>,
      %slice3A_1735 = vector.extract_strided_slice %div3A_622 {offsets = [13], sizes = [1], strides = [1]} : vector<16xf32> to vector<1xf32>
      %squeeze3A_1736 = vector.extract %slice3A_1735[0] : f32 from vector<1xf32>
      %get3A_1737 = arith.constant 13 : i32
      %get3A_1738 = arith.index_cast %scan3A_21 : i32 to index
      %get3A_1739 = arith.index_cast %get3A_1737 : i32 to index
      %get3A_1740 = arith.constant 0 : index
      %get3A_1741 = tpu.vector_load %arg6[%get3A_1738, %get3A_1739, %get3A_1740] {strides = array<i32>} : memref<20x32x64xf32, #tpu.memory_space<vmem>>, vector<1x1x16xf32>,
      %get3A_1742 = vector.shape_cast %get3A_1741 : vector<1x1x16xf32> to vector<16xf32>
      %mul3A_1743 = vector.broadcast %squeeze3A_1736 : f32 to vector<16xf32>
      %mul3A_1744 = arith.mulf %get3A_1742, %mul3A_1743 : vector<16xf32>
      %swap3A_1745 = arith.constant 13 : i32
      %swap3A_1746 = arith.index_cast %scan3A_21 : i32 to index
      %swap3A_1747 = arith.index_cast %swap3A_1745 : i32 to index
      %swap3A_1748 = arith.constant 0 : index
      %swap3A_1749 = tpu.vector_load %arg6[%swap3A_1746, %swap3A_1747, %swap3A_1748] {strides = array<i32>} : memref<20x32x64xf32, #tpu.memory_space<vmem>>, vector<1x1x16xf32>,
      %swap3A_1750 = vector.shape_cast %swap3A_1749 : vector<1x1x16xf32> to vector<16xf32>
      %swap3A_1751 = vector.shape_cast %mul3A_1744 : vector<16xf32> to vector<1x1x16xf32>
      tpu.vector_store %arg6[%swap3A_1746, %swap3A_1747, %swap3A_1748], %swap3A_1751 {strides = array<i32>} : memref<20x32x64xf32, #tpu.memory_space<vmem>>, vector<1x1x16xf32>,
      %get3A_1752 = arith.constant 13 : i32
      %get3A_1753 = arith.index_cast %scan3A_21 : i32 to index
      %get3A_1754 = arith.index_cast %get3A_1752 : i32 to index
      %get3A_1755 = arith.constant 16 : index
      %get3A_1756 = tpu.vector_load %arg6[%get3A_1753, %get3A_1754, %get3A_1755] {strides = array<i32>} : memref<20x32x64xf32, #tpu.memory_space<vmem>>, vector<1x1x16xf32>,
      %get3A_1757 = vector.shape_cast %get3A_1756 : vector<1x1x16xf32> to vector<16xf32>
      %mul3A_1758 = vector.broadcast %squeeze3A_1736 : f32 to vector<16xf32>
      %mul3A_1759 = arith.mulf %get3A_1757, %mul3A_1758 : vector<16xf32>
      %swap3A_1760 = arith.constant 13 : i32
      %swap3A_1761 = arith.index_cast %scan3A_21 : i32 to index
      %swap3A_1762 = arith.index_cast %swap3A_1760 : i32 to index
      %swap3A_1763 = arith.constant 16 : index
      %swap3A_1764 = tpu.vector_load %arg6[%swap3A_1761, %swap3A_1762, %swap3A_1763] {strides = array<i32>} : memref<20x32x64xf32, #tpu.memory_space<vmem>>, vector<1x1x16xf32>,
      %swap3A_1765 = vector.shape_cast %swap3A_1764 : vector<1x1x16xf32> to vector<16xf32>
      %swap3A_1766 = vector.shape_cast %mul3A_1759 : vector<16xf32> to vector<1x1x16xf32>
      tpu.vector_store %arg6[%swap3A_1761, %swap3A_1762, %swap3A_1763], %swap3A_1766 {strides = array<i32>} : memref<20x32x64xf32, #tpu.memory_space<vmem>>, vector<1x1x16xf32>,
      %get3A_1767 = arith.constant 13 : i32
      %get3A_1768 = arith.index_cast %scan3A_21 : i32 to index
      %get3A_1769 = arith.index_cast %get3A_1767 : i32 to index
      %get3A_1770 = arith.constant 32 : index
      %get3A_1771 = tpu.vector_load %arg6[%get3A_1768, %get3A_1769, %get3A_1770] {strides = array<i32>} : memref<20x32x64xf32, #tpu.memory_space<vmem>>, vector<1x1x16xf32>,
      %get3A_1772 = vector.shape_cast %get3A_1771 : vector<1x1x16xf32> to vector<16xf32>
      %mul3A_1773 = vector.broadcast %squeeze3A_1736 : f32 to vector<16xf32>
      %mul3A_1774 = arith.mulf %get3A_1772, %mul3A_1773 : vector<16xf32>
      %swap3A_1775 = arith.constant 13 : i32
      %swap3A_1776 = arith.index_cast %scan3A_21 : i32 to index
      %swap3A_1777 = arith.index_cast %swap3A_1775 : i32 to index
      %swap3A_1778 = arith.constant 32 : index
      %swap3A_1779 = tpu.vector_load %arg6[%swap3A_1776, %swap3A_1777, %swap3A_1778] {strides = array<i32>} : memref<20x32x64xf32, #tpu.memory_space<vmem>>, vector<1x1x16xf32>,
      %swap3A_1780 = vector.shape_cast %swap3A_1779 : vector<1x1x16xf32> to vector<16xf32>
      %swap3A_1781 = vector.shape_cast %mul3A_1774 : vector<16xf32> to vector<1x1x16xf32>
      tpu.vector_store %arg6[%swap3A_1776, %swap3A_1777, %swap3A_1778], %swap3A_1781 {strides = array<i32>} : memref<20x32x64xf32, #tpu.memory_space<vmem>>, vector<1x1x16xf32>,
      %get3A_1782 = arith.constant 13 : i32
      %get3A_1783 = arith.index_cast %scan3A_21 : i32 to index
      %get3A_1784 = arith.index_cast %get3A_1782 : i32 to index
      %get3A_1785 = arith.constant 48 : index
      %get3A_1786 = tpu.vector_load %arg6[%get3A_1783, %get3A_1784, %get3A_1785] {strides = array<i32>} : memref<20x32x64xf32, #tpu.memory_space<vmem>>, vector<1x1x16xf32>,
      %get3A_1787 = vector.shape_cast %get3A_1786 : vector<1x1x16xf32> to vector<16xf32>
      %mul3A_1788 = vector.broadcast %squeeze3A_1736 : f32 to vector<16xf32>
      %mul3A_1789 = arith.mulf %get3A_1787, %mul3A_1788 : vector<16xf32>
      %swap3A_1790 = arith.constant 13 : i32
      %swap3A_1791 = arith.index_cast %scan3A_21 : i32 to index
      %swap3A_1792 = arith.index_cast %swap3A_1790 : i32 to index
      %swap3A_1793 = arith.constant 48 : index
      %swap3A_1794 = tpu.vector_load %arg6[%swap3A_1791, %swap3A_1792, %swap3A_1793] {strides = array<i32>} : memref<20x32x64xf32, #tpu.memory_space<vmem>>, vector<1x1x16xf32>,
      %swap3A_1795 = vector.shape_cast %swap3A_1794 : vector<1x1x16xf32> to vector<16xf32>
      %swap3A_1796 = vector.shape_cast %mul3A_1789 : vector<16xf32> to vector<1x1x16xf32>
      tpu.vector_store %arg6[%swap3A_1791, %swap3A_1792, %swap3A_1793], %swap3A_1796 {strides = array<i32>} : memref<20x32x64xf32, #tpu.memory_space<vmem>>, vector<1x1x16xf32>,
      %slice3A_1797 = vector.extract_strided_slice %div3A_622 {offsets = [14], sizes = [1], strides = [1]} : vector<16xf32> to vector<1xf32>
      %squeeze3A_1798 = vector.extract %slice3A_1797[0] : f32 from vector<1xf32>
      %get3A_1799 = arith.constant 14 : i32
      %get3A_1800 = arith.index_cast %scan3A_21 : i32 to index
      %get3A_1801 = arith.index_cast %get3A_1799 : i32 to index
      %get3A_1802 = arith.constant 0 : index
      %get3A_1803 = tpu.vector_load %arg6[%get3A_1800, %get3A_1801, %get3A_1802] {strides = array<i32>} : memref<20x32x64xf32, #tpu.memory_space<vmem>>, vector<1x1x16xf32>,
      %get3A_1804 = vector.shape_cast %get3A_1803 : vector<1x1x16xf32> to vector<16xf32>
      %mul3A_1805 = vector.broadcast %squeeze3A_1798 : f32 to vector<16xf32>
      %mul3A_1806 = arith.mulf %get3A_1804, %mul3A_1805 : vector<16xf32>
      %swap3A_1807 = arith.constant 14 : i32
      %swap3A_1808 = arith.index_cast %scan3A_21 : i32 to index
      %swap3A_1809 = arith.index_cast %swap3A_1807 : i32 to index
      %swap3A_1810 = arith.constant 0 : index
      %swap3A_1811 = tpu.vector_load %arg6[%swap3A_1808, %swap3A_1809, %swap3A_1810] {strides = array<i32>} : memref<20x32x64xf32, #tpu.memory_space<vmem>>, vector<1x1x16xf32>,
      %swap3A_1812 = vector.shape_cast %swap3A_1811 : vector<1x1x16xf32> to vector<16xf32>
      %swap3A_1813 = vector.shape_cast %mul3A_1806 : vector<16xf32> to vector<1x1x16xf32>
      tpu.vector_store %arg6[%swap3A_1808, %swap3A_1809, %swap3A_1810], %swap3A_1813 {strides = array<i32>} : memref<20x32x64xf32, #tpu.memory_space<vmem>>, vector<1x1x16xf32>,
      %get3A_1814 = arith.constant 14 : i32
      %get3A_1815 = arith.index_cast %scan3A_21 : i32 to index
      %get3A_1816 = arith.index_cast %get3A_1814 : i32 to index
      %get3A_1817 = arith.constant 16 : index
      %get3A_1818 = tpu.vector_load %arg6[%get3A_1815, %get3A_1816, %get3A_1817] {strides = array<i32>} : memref<20x32x64xf32, #tpu.memory_space<vmem>>, vector<1x1x16xf32>,
      %get3A_1819 = vector.shape_cast %get3A_1818 : vector<1x1x16xf32> to vector<16xf32>
      %mul3A_1820 = vector.broadcast %squeeze3A_1798 : f32 to vector<16xf32>
      %mul3A_1821 = arith.mulf %get3A_1819, %mul3A_1820 : vector<16xf32>
      %swap3A_1822 = arith.constant 14 : i32
      %swap3A_1823 = arith.index_cast %scan3A_21 : i32 to index
      %swap3A_1824 = arith.index_cast %swap3A_1822 : i32 to index
      %swap3A_1825 = arith.constant 16 : index
      %swap3A_1826 = tpu.vector_load %arg6[%swap3A_1823, %swap3A_1824, %swap3A_1825] {strides = array<i32>} : memref<20x32x64xf32, #tpu.memory_space<vmem>>, vector<1x1x16xf32>,
      %swap3A_1827 = vector.shape_cast %swap3A_1826 : vector<1x1x16xf32> to vector<16xf32>
      %swap3A_1828 = vector.shape_cast %mul3A_1821 : vector<16xf32> to vector<1x1x16xf32>
      tpu.vector_store %arg6[%swap3A_1823, %swap3A_1824, %swap3A_1825], %swap3A_1828 {strides = array<i32>} : memref<20x32x64xf32, #tpu.memory_space<vmem>>, vector<1x1x16xf32>,
      %get3A_1829 = arith.constant 14 : i32
      %get3A_1830 = arith.index_cast %scan3A_21 : i32 to index
      %get3A_1831 = arith.index_cast %get3A_1829 : i32 to index
      %get3A_1832 = arith.constant 32 : index
      %get3A_1833 = tpu.vector_load %arg6[%get3A_1830, %get3A_1831, %get3A_1832] {strides = array<i32>} : memref<20x32x64xf32, #tpu.memory_space<vmem>>, vector<1x1x16xf32>,
      %get3A_1834 = vector.shape_cast %get3A_1833 : vector<1x1x16xf32> to vector<16xf32>
      %mul3A_1835 = vector.broadcast %squeeze3A_1798 : f32 to vector<16xf32>
      %mul3A_1836 = arith.mulf %get3A_1834, %mul3A_1835 : vector<16xf32>
      %swap3A_1837 = arith.constant 14 : i32
      %swap3A_1838 = arith.index_cast %scan3A_21 : i32 to index
      %swap3A_1839 = arith.index_cast %swap3A_1837 : i32 to index
      %swap3A_1840 = arith.constant 32 : index
      %swap3A_1841 = tpu.vector_load %arg6[%swap3A_1838, %swap3A_1839, %swap3A_1840] {strides = array<i32>} : memref<20x32x64xf32, #tpu.memory_space<vmem>>, vector<1x1x16xf32>,
      %swap3A_1842 = vector.shape_cast %swap3A_1841 : vector<1x1x16xf32> to vector<16xf32>
      %swap3A_1843 = vector.shape_cast %mul3A_1836 : vector<16xf32> to vector<1x1x16xf32>
      tpu.vector_store %arg6[%swap3A_1838, %swap3A_1839, %swap3A_1840], %swap3A_1843 {strides = array<i32>} : memref<20x32x64xf32, #tpu.memory_space<vmem>>, vector<1x1x16xf32>,
      %get3A_1844 = arith.constant 14 : i32
      %get3A_1845 = arith.index_cast %scan3A_21 : i32 to index
      %get3A_1846 = arith.index_cast %get3A_1844 : i32 to index
      %get3A_1847 = arith.constant 48 : index
      %get3A_1848 = tpu.vector_load %arg6[%get3A_1845, %get3A_1846, %get3A_1847] {strides = array<i32>} : memref<20x32x64xf32, #tpu.memory_space<vmem>>, vector<1x1x16xf32>,
      %get3A_1849 = vector.shape_cast %get3A_1848 : vector<1x1x16xf32> to vector<16xf32>
      %mul3A_1850 = vector.broadcast %squeeze3A_1798 : f32 to vector<16xf32>
      %mul3A_1851 = arith.mulf %get3A_1849, %mul3A_1850 : vector<16xf32>
      %swap3A_1852 = arith.constant 14 : i32
      %swap3A_1853 = arith.index_cast %scan3A_21 : i32 to index
      %swap3A_1854 = arith.index_cast %swap3A_1852 : i32 to index
      %swap3A_1855 = arith.constant 48 : index
      %swap3A_1856 = tpu.vector_load %arg6[%swap3A_1853, %swap3A_1854, %swap3A_1855] {strides = array<i32>} : memref<20x32x64xf32, #tpu.memory_space<vmem>>, vector<1x1x16xf32>,
      %swap3A_1857 = vector.shape_cast %swap3A_1856 : vector<1x1x16xf32> to vector<16xf32>
      %swap3A_1858 = vector.shape_cast %mul3A_1851 : vector<16xf32> to vector<1x1x16xf32>
      tpu.vector_store %arg6[%swap3A_1853, %swap3A_1854, %swap3A_1855], %swap3A_1858 {strides = array<i32>} : memref<20x32x64xf32, #tpu.memory_space<vmem>>, vector<1x1x16xf32>,
      %slice3A_1859 = vector.extract_strided_slice %div3A_622 {offsets = [15], sizes = [1], strides = [1]} : vector<16xf32> to vector<1xf32>
      %squeeze3A_1860 = vector.extract %slice3A_1859[0] : f32 from vector<1xf32>
      %get3A_1861 = arith.constant 15 : i32
      %get3A_1862 = arith.index_cast %scan3A_21 : i32 to index
      %get3A_1863 = arith.index_cast %get3A_1861 : i32 to index
      %get3A_1864 = arith.constant 0 : index
      %get3A_1865 = tpu.vector_load %arg6[%get3A_1862, %get3A_1863, %get3A_1864] {strides = array<i32>} : memref<20x32x64xf32, #tpu.memory_space<vmem>>, vector<1x1x16xf32>,
      %get3A_1866 = vector.shape_cast %get3A_1865 : vector<1x1x16xf32> to vector<16xf32>
      %mul3A_1867 = vector.broadcast %squeeze3A_1860 : f32 to vector<16xf32>
      %mul3A_1868 = arith.mulf %get3A_1866, %mul3A_1867 : vector<16xf32>
      %swap3A_1869 = arith.constant 15 : i32
      %swap3A_1870 = arith.index_cast %scan3A_21 : i32 to index
      %swap3A_1871 = arith.index_cast %swap3A_1869 : i32 to index
      %swap3A_1872 = arith.constant 0 : index
      %swap3A_1873 = tpu.vector_load %arg6[%swap3A_1870, %swap3A_1871, %swap3A_1872] {strides = array<i32>} : memref<20x32x64xf32, #tpu.memory_space<vmem>>, vector<1x1x16xf32>,
      %swap3A_1874 = vector.shape_cast %swap3A_1873 : vector<1x1x16xf32> to vector<16xf32>
      %swap3A_1875 = vector.shape_cast %mul3A_1868 : vector<16xf32> to vector<1x1x16xf32>
      tpu.vector_store %arg6[%swap3A_1870, %swap3A_1871, %swap3A_1872], %swap3A_1875 {strides = array<i32>} : memref<20x32x64xf32, #tpu.memory_space<vmem>>, vector<1x1x16xf32>,
      %get3A_1876 = arith.constant 15 : i32
      %get3A_1877 = arith.index_cast %scan3A_21 : i32 to index
      %get3A_1878 = arith.index_cast %get3A_1876 : i32 to index
      %get3A_1879 = arith.constant 16 : index
      %get3A_1880 = tpu.vector_load %arg6[%get3A_1877, %get3A_1878, %get3A_1879] {strides = array<i32>} : memref<20x32x64xf32, #tpu.memory_space<vmem>>, vector<1x1x16xf32>,
      %get3A_1881 = vector.shape_cast %get3A_1880 : vector<1x1x16xf32> to vector<16xf32>
      %mul3A_1882 = vector.broadcast %squeeze3A_1860 : f32 to vector<16xf32>
      %mul3A_1883 = arith.mulf %get3A_1881, %mul3A_1882 : vector<16xf32>
      %swap3A_1884 = arith.constant 15 : i32
      %swap3A_1885 = arith.index_cast %scan3A_21 : i32 to index
      %swap3A_1886 = arith.index_cast %swap3A_1884 : i32 to index
      %swap3A_1887 = arith.constant 16 : index
      %swap3A_1888 = tpu.vector_load %arg6[%swap3A_1885, %swap3A_1886, %swap3A_1887] {strides = array<i32>} : memref<20x32x64xf32, #tpu.memory_space<vmem>>, vector<1x1x16xf32>,
      %swap3A_1889 = vector.shape_cast %swap3A_1888 : vector<1x1x16xf32> to vector<16xf32>
      %swap3A_1890 = vector.shape_cast %mul3A_1883 : vector<16xf32> to vector<1x1x16xf32>
      tpu.vector_store %arg6[%swap3A_1885, %swap3A_1886, %swap3A_1887], %swap3A_1890 {strides = array<i32>} : memref<20x32x64xf32, #tpu.memory_space<vmem>>, vector<1x1x16xf32>,
      %get3A_1891 = arith.constant 15 : i32
      %get3A_1892 = arith.index_cast %scan3A_21 : i32 to index
      %get3A_1893 = arith.index_cast %get3A_1891 : i32 to index
      %get3A_1894 = arith.constant 32 : index
      %get3A_1895 = tpu.vector_load %arg6[%get3A_1892, %get3A_1893, %get3A_1894] {strides = array<i32>} : memref<20x32x64xf32, #tpu.memory_space<vmem>>, vector<1x1x16xf32>,
      %get3A_1896 = vector.shape_cast %get3A_1895 : vector<1x1x16xf32> to vector<16xf32>
      %mul3A_1897 = vector.broadcast %squeeze3A_1860 : f32 to vector<16xf32>
      %mul3A_1898 = arith.mulf %get3A_1896, %mul3A_1897 : vector<16xf32>
      %swap3A_1899 = arith.constant 15 : i32
      %swap3A_1900 = arith.index_cast %scan3A_21 : i32 to index
      %swap3A_1901 = arith.index_cast %swap3A_1899 : i32 to index
      %swap3A_1902 = arith.constant 32 : index
      %swap3A_1903 = tpu.vector_load %arg6[%swap3A_1900, %swap3A_1901, %swap3A_1902] {strides = array<i32>} : memref<20x32x64xf32, #tpu.memory_space<vmem>>, vector<1x1x16xf32>,
      %swap3A_1904 = vector.shape_cast %swap3A_1903 : vector<1x1x16xf32> to vector<16xf32>
      %swap3A_1905 = vector.shape_cast %mul3A_1898 : vector<16xf32> to vector<1x1x16xf32>
      tpu.vector_store %arg6[%swap3A_1900, %swap3A_1901, %swap3A_1902], %swap3A_1905 {strides = array<i32>} : memref<20x32x64xf32, #tpu.memory_space<vmem>>, vector<1x1x16xf32>,
      %get3A_1906 = arith.constant 15 : i32
      %get3A_1907 = arith.index_cast %scan3A_21 : i32 to index
      %get3A_1908 = arith.index_cast %get3A_1906 : i32 to index
      %get3A_1909 = arith.constant 48 : index
      %get3A_1910 = tpu.vector_load %arg6[%get3A_1907, %get3A_1908, %get3A_1909] {strides = array<i32>} : memref<20x32x64xf32, #tpu.memory_space<vmem>>, vector<1x1x16xf32>,
      %get3A_1911 = vector.shape_cast %get3A_1910 : vector<1x1x16xf32> to vector<16xf32>
      %mul3A_1912 = vector.broadcast %squeeze3A_1860 : f32 to vector<16xf32>
      %mul3A_1913 = arith.mulf %get3A_1911, %mul3A_1912 : vector<16xf32>
      %swap3A_1914 = arith.constant 15 : i32
      %swap3A_1915 = arith.index_cast %scan3A_21 : i32 to index
      %swap3A_1916 = arith.index_cast %swap3A_1914 : i32 to index
      %swap3A_1917 = arith.constant 48 : index
      %swap3A_1918 = tpu.vector_load %arg6[%swap3A_1915, %swap3A_1916, %swap3A_1917] {strides = array<i32>} : memref<20x32x64xf32, #tpu.memory_space<vmem>>, vector<1x1x16xf32>,
      %swap3A_1919 = vector.shape_cast %swap3A_1918 : vector<1x1x16xf32> to vector<16xf32>
      %swap3A_1920 = vector.shape_cast %mul3A_1913 : vector<16xf32> to vector<1x1x16xf32>
      tpu.vector_store %arg6[%swap3A_1915, %swap3A_1916, %swap3A_1917], %swap3A_1920 {strides = array<i32>} : memref<20x32x64xf32, #tpu.memory_space<vmem>>, vector<1x1x16xf32>,
      %slice3A_1921 = vector.extract_strided_slice %div3A_931 {offsets = [0], sizes = [1], strides = [1]} : vector<16xf32> to vector<1xf32>
      %squeeze3A_1922 = vector.extract %slice3A_1921[0] : f32 from vector<1xf32>
      %get3A_1923 = arith.constant 16 : i32
      %get3A_1924 = arith.index_cast %scan3A_21 : i32 to index
      %get3A_1925 = arith.index_cast %get3A_1923 : i32 to index
      %get3A_1926 = arith.constant 0 : index
      %get3A_1927 = tpu.vector_load %arg6[%get3A_1924, %get3A_1925, %get3A_1926] {strides = array<i32>} : memref<20x32x64xf32, #tpu.memory_space<vmem>>, vector<1x1x16xf32>,
      %get3A_1928 = vector.shape_cast %get3A_1927 : vector<1x1x16xf32> to vector<16xf32>
      %mul3A_1929 = vector.broadcast %squeeze3A_1922 : f32 to vector<16xf32>
      %mul3A_1930 = arith.mulf %get3A_1928, %mul3A_1929 : vector<16xf32>
      %swap3A_1931 = arith.constant 16 : i32
      %swap3A_1932 = arith.index_cast %scan3A_21 : i32 to index
      %swap3A_1933 = arith.index_cast %swap3A_1931 : i32 to index
      %swap3A_1934 = arith.constant 0 : index
      %swap3A_1935 = tpu.vector_load %arg6[%swap3A_1932, %swap3A_1933, %swap3A_1934] {strides = array<i32>} : memref<20x32x64xf32, #tpu.memory_space<vmem>>, vector<1x1x16xf32>,
      %swap3A_1936 = vector.shape_cast %swap3A_1935 : vector<1x1x16xf32> to vector<16xf32>
      %swap3A_1937 = vector.shape_cast %mul3A_1930 : vector<16xf32> to vector<1x1x16xf32>
      tpu.vector_store %arg6[%swap3A_1932, %swap3A_1933, %swap3A_1934], %swap3A_1937 {strides = array<i32>} : memref<20x32x64xf32, #tpu.memory_space<vmem>>, vector<1x1x16xf32>,
      %get3A_1938 = arith.constant 16 : i32
      %get3A_1939 = arith.index_cast %scan3A_21 : i32 to index
      %get3A_1940 = arith.index_cast %get3A_1938 : i32 to index
      %get3A_1941 = arith.constant 16 : index
      %get3A_1942 = tpu.vector_load %arg6[%get3A_1939, %get3A_1940, %get3A_1941] {strides = array<i32>} : memref<20x32x64xf32, #tpu.memory_space<vmem>>, vector<1x1x16xf32>,
      %get3A_1943 = vector.shape_cast %get3A_1942 : vector<1x1x16xf32> to vector<16xf32>
      %mul3A_1944 = vector.broadcast %squeeze3A_1922 : f32 to vector<16xf32>
      %mul3A_1945 = arith.mulf %get3A_1943, %mul3A_1944 : vector<16xf32>
      %swap3A_1946 = arith.constant 16 : i32
      %swap3A_1947 = arith.index_cast %scan3A_21 : i32 to index
      %swap3A_1948 = arith.index_cast %swap3A_1946 : i32 to index
      %swap3A_1949 = arith.constant 16 : index
      %swap3A_1950 = tpu.vector_load %arg6[%swap3A_1947, %swap3A_1948, %swap3A_1949] {strides = array<i32>} : memref<20x32x64xf32, #tpu.memory_space<vmem>>, vector<1x1x16xf32>,
      %swap3A_1951 = vector.shape_cast %swap3A_1950 : vector<1x1x16xf32> to vector<16xf32>
      %swap3A_1952 = vector.shape_cast %mul3A_1945 : vector<16xf32> to vector<1x1x16xf32>
      tpu.vector_store %arg6[%swap3A_1947, %swap3A_1948, %swap3A_1949], %swap3A_1952 {strides = array<i32>} : memref<20x32x64xf32, #tpu.memory_space<vmem>>, vector<1x1x16xf32>,
      %get3A_1953 = arith.constant 16 : i32
      %get3A_1954 = arith.index_cast %scan3A_21 : i32 to index
      %get3A_1955 = arith.index_cast %get3A_1953 : i32 to index
      %get3A_1956 = arith.constant 32 : index
      %get3A_1957 = tpu.vector_load %arg6[%get3A_1954, %get3A_1955, %get3A_1956] {strides = array<i32>} : memref<20x32x64xf32, #tpu.memory_space<vmem>>, vector<1x1x16xf32>,
      %get3A_1958 = vector.shape_cast %get3A_1957 : vector<1x1x16xf32> to vector<16xf32>
      %mul3A_1959 = vector.broadcast %squeeze3A_1922 : f32 to vector<16xf32>
      %mul3A_1960 = arith.mulf %get3A_1958, %mul3A_1959 : vector<16xf32>
      %swap3A_1961 = arith.constant 16 : i32
      %swap3A_1962 = arith.index_cast %scan3A_21 : i32 to index
      %swap3A_1963 = arith.index_cast %swap3A_1961 : i32 to index
      %swap3A_1964 = arith.constant 32 : index
      %swap3A_1965 = tpu.vector_load %arg6[%swap3A_1962, %swap3A_1963, %swap3A_1964] {strides = array<i32>} : memref<20x32x64xf32, #tpu.memory_space<vmem>>, vector<1x1x16xf32>,
      %swap3A_1966 = vector.shape_cast %swap3A_1965 : vector<1x1x16xf32> to vector<16xf32>
      %swap3A_1967 = vector.shape_cast %mul3A_1960 : vector<16xf32> to vector<1x1x16xf32>
      tpu.vector_store %arg6[%swap3A_1962, %swap3A_1963, %swap3A_1964], %swap3A_1967 {strides = array<i32>} : memref<20x32x64xf32, #tpu.memory_space<vmem>>, vector<1x1x16xf32>,
      %get3A_1968 = arith.constant 16 : i32
      %get3A_1969 = arith.index_cast %scan3A_21 : i32 to index
      %get3A_1970 = arith.index_cast %get3A_1968 : i32 to index
      %get3A_1971 = arith.constant 48 : index
      %get3A_1972 = tpu.vector_load %arg6[%get3A_1969, %get3A_1970, %get3A_1971] {strides = array<i32>} : memref<20x32x64xf32, #tpu.memory_space<vmem>>, vector<1x1x16xf32>,
      %get3A_1973 = vector.shape_cast %get3A_1972 : vector<1x1x16xf32> to vector<16xf32>
      %mul3A_1974 = vector.broadcast %squeeze3A_1922 : f32 to vector<16xf32>
      %mul3A_1975 = arith.mulf %get3A_1973, %mul3A_1974 : vector<16xf32>
      %swap3A_1976 = arith.constant 16 : i32
      %swap3A_1977 = arith.index_cast %scan3A_21 : i32 to index
      %swap3A_1978 = arith.index_cast %swap3A_1976 : i32 to index
      %swap3A_1979 = arith.constant 48 : index
      %swap3A_1980 = tpu.vector_load %arg6[%swap3A_1977, %swap3A_1978, %swap3A_1979] {strides = array<i32>} : memref<20x32x64xf32, #tpu.memory_space<vmem>>, vector<1x1x16xf32>,
      %swap3A_1981 = vector.shape_cast %swap3A_1980 : vector<1x1x16xf32> to vector<16xf32>
      %swap3A_1982 = vector.shape_cast %mul3A_1975 : vector<16xf32> to vector<1x1x16xf32>
      tpu.vector_store %arg6[%swap3A_1977, %swap3A_1978, %swap3A_1979], %swap3A_1982 {strides = array<i32>} : memref<20x32x64xf32, #tpu.memory_space<vmem>>, vector<1x1x16xf32>,
      %slice3A_1983 = vector.extract_strided_slice %div3A_931 {offsets = [1], sizes = [1], strides = [1]} : vector<16xf32> to vector<1xf32>
      %squeeze3A_1984 = vector.extract %slice3A_1983[0] : f32 from vector<1xf32>
      %get3A_1985 = arith.constant 17 : i32
      %get3A_1986 = arith.index_cast %scan3A_21 : i32 to index
      %get3A_1987 = arith.index_cast %get3A_1985 : i32 to index
      %get3A_1988 = arith.constant 0 : index
      %get3A_1989 = tpu.vector_load %arg6[%get3A_1986, %get3A_1987, %get3A_1988] {strides = array<i32>} : memref<20x32x64xf32, #tpu.memory_space<vmem>>, vector<1x1x16xf32>,
      %get3A_1990 = vector.shape_cast %get3A_1989 : vector<1x1x16xf32> to vector<16xf32>
      %mul3A_1991 = vector.broadcast %squeeze3A_1984 : f32 to vector<16xf32>
      %mul3A_1992 = arith.mulf %get3A_1990, %mul3A_1991 : vector<16xf32>
      %swap3A_1993 = arith.constant 17 : i32
      %swap3A_1994 = arith.index_cast %scan3A_21 : i32 to index
      %swap3A_1995 = arith.index_cast %swap3A_1993 : i32 to index
      %swap3A_1996 = arith.constant 0 : index
      %swap3A_1997 = tpu.vector_load %arg6[%swap3A_1994, %swap3A_1995, %swap3A_1996] {strides = array<i32>} : memref<20x32x64xf32, #tpu.memory_space<vmem>>, vector<1x1x16xf32>,
      %swap3A_1998 = vector.shape_cast %swap3A_1997 : vector<1x1x16xf32> to vector<16xf32>
      %swap3A_1999 = vector.shape_cast %mul3A_1992 : vector<16xf32> to vector<1x1x16xf32>
      tpu.vector_store %arg6[%swap3A_1994, %swap3A_1995, %swap3A_1996], %swap3A_1999 {strides = array<i32>} : memref<20x32x64xf32, #tpu.memory_space<vmem>>, vector<1x1x16xf32>,
      %get3A_2000 = arith.constant 17 : i32
      %get3A_2001 = arith.index_cast %scan3A_21 : i32 to index
      %get3A_2002 = arith.index_cast %get3A_2000 : i32 to index
      %get3A_2003 = arith.constant 16 : index
      %get3A_2004 = tpu.vector_load %arg6[%get3A_2001, %get3A_2002, %get3A_2003] {strides = array<i32>} : memref<20x32x64xf32, #tpu.memory_space<vmem>>, vector<1x1x16xf32>,
      %get3A_2005 = vector.shape_cast %get3A_2004 : vector<1x1x16xf32> to vector<16xf32>
      %mul3A_2006 = vector.broadcast %squeeze3A_1984 : f32 to vector<16xf32>
      %mul3A_2007 = arith.mulf %get3A_2005, %mul3A_2006 : vector<16xf32>
      %swap3A_2008 = arith.constant 17 : i32
      %swap3A_2009 = arith.index_cast %scan3A_21 : i32 to index
      %swap3A_2010 = arith.index_cast %swap3A_2008 : i32 to index
      %swap3A_2011 = arith.constant 16 : index
      %swap3A_2012 = tpu.vector_load %arg6[%swap3A_2009, %swap3A_2010, %swap3A_2011] {strides = array<i32>} : memref<20x32x64xf32, #tpu.memory_space<vmem>>, vector<1x1x16xf32>,
      %swap3A_2013 = vector.shape_cast %swap3A_2012 : vector<1x1x16xf32> to vector<16xf32>
      %swap3A_2014 = vector.shape_cast %mul3A_2007 : vector<16xf32> to vector<1x1x16xf32>
      tpu.vector_store %arg6[%swap3A_2009, %swap3A_2010, %swap3A_2011], %swap3A_2014 {strides = array<i32>} : memref<20x32x64xf32, #tpu.memory_space<vmem>>, vector<1x1x16xf32>,
      %get3A_2015 = arith.constant 17 : i32
      %get3A_2016 = arith.index_cast %scan3A_21 : i32 to index
      %get3A_2017 = arith.index_cast %get3A_2015 : i32 to index
      %get3A_2018 = arith.constant 32 : index
      %get3A_2019 = tpu.vector_load %arg6[%get3A_2016, %get3A_2017, %get3A_2018] {strides = array<i32>} : memref<20x32x64xf32, #tpu.memory_space<vmem>>, vector<1x1x16xf32>,
      %get3A_2020 = vector.shape_cast %get3A_2019 : vector<1x1x16xf32> to vector<16xf32>
      %mul3A_2021 = vector.broadcast %squeeze3A_1984 : f32 to vector<16xf32>
      %mul3A_2022 = arith.mulf %get3A_2020, %mul3A_2021 : vector<16xf32>
      %swap3A_2023 = arith.constant 17 : i32
      %swap3A_2024 = arith.index_cast %scan3A_21 : i32 to index
      %swap3A_2025 = arith.index_cast %swap3A_2023 : i32 to index
      %swap3A_2026 = arith.constant 32 : index
      %swap3A_2027 = tpu.vector_load %arg6[%swap3A_2024, %swap3A_2025, %swap3A_2026] {strides = array<i32>} : memref<20x32x64xf32, #tpu.memory_space<vmem>>, vector<1x1x16xf32>,
      %swap3A_2028 = vector.shape_cast %swap3A_2027 : vector<1x1x16xf32> to vector<16xf32>
      %swap3A_2029 = vector.shape_cast %mul3A_2022 : vector<16xf32> to vector<1x1x16xf32>
      tpu.vector_store %arg6[%swap3A_2024, %swap3A_2025, %swap3A_2026], %swap3A_2029 {strides = array<i32>} : memref<20x32x64xf32, #tpu.memory_space<vmem>>, vector<1x1x16xf32>,
      %get3A_2030 = arith.constant 17 : i32
      %get3A_2031 = arith.index_cast %scan3A_21 : i32 to index
      %get3A_2032 = arith.index_cast %get3A_2030 : i32 to index
      %get3A_2033 = arith.constant 48 : index
      %get3A_2034 = tpu.vector_load %arg6[%get3A_2031, %get3A_2032, %get3A_2033] {strides = array<i32>} : memref<20x32x64xf32, #tpu.memory_space<vmem>>, vector<1x1x16xf32>,
      %get3A_2035 = vector.shape_cast %get3A_2034 : vector<1x1x16xf32> to vector<16xf32>
      %mul3A_2036 = vector.broadcast %squeeze3A_1984 : f32 to vector<16xf32>
      %mul3A_2037 = arith.mulf %get3A_2035, %mul3A_2036 : vector<16xf32>
      %swap3A_2038 = arith.constant 17 : i32
      %swap3A_2039 = arith.index_cast %scan3A_21 : i32 to index
      %swap3A_2040 = arith.index_cast %swap3A_2038 : i32 to index
      %swap3A_2041 = arith.constant 48 : index
      %swap3A_2042 = tpu.vector_load %arg6[%swap3A_2039, %swap3A_2040, %swap3A_2041] {strides = array<i32>} : memref<20x32x64xf32, #tpu.memory_space<vmem>>, vector<1x1x16xf32>,
      %swap3A_2043 = vector.shape_cast %swap3A_2042 : vector<1x1x16xf32> to vector<16xf32>
      %swap3A_2044 = vector.shape_cast %mul3A_2037 : vector<16xf32> to vector<1x1x16xf32>
      tpu.vector_store %arg6[%swap3A_2039, %swap3A_2040, %swap3A_2041], %swap3A_2044 {strides = array<i32>} : memref<20x32x64xf32, #tpu.memory_space<vmem>>, vector<1x1x16xf32>,
      %slice3A_2045 = vector.extract_strided_slice %div3A_931 {offsets = [2], sizes = [1], strides = [1]} : vector<16xf32> to vector<1xf32>
      %squeeze3A_2046 = vector.extract %slice3A_2045[0] : f32 from vector<1xf32>
      %get3A_2047 = arith.constant 18 : i32
      %get3A_2048 = arith.index_cast %scan3A_21 : i32 to index
      %get3A_2049 = arith.index_cast %get3A_2047 : i32 to index
      %get3A_2050 = arith.constant 0 : index
      %get3A_2051 = tpu.vector_load %arg6[%get3A_2048, %get3A_2049, %get3A_2050] {strides = array<i32>} : memref<20x32x64xf32, #tpu.memory_space<vmem>>, vector<1x1x16xf32>,
      %get3A_2052 = vector.shape_cast %get3A_2051 : vector<1x1x16xf32> to vector<16xf32>
      %mul3A_2053 = vector.broadcast %squeeze3A_2046 : f32 to vector<16xf32>
      %mul3A_2054 = arith.mulf %get3A_2052, %mul3A_2053 : vector<16xf32>
      %swap3A_2055 = arith.constant 18 : i32
      %swap3A_2056 = arith.index_cast %scan3A_21 : i32 to index
      %swap3A_2057 = arith.index_cast %swap3A_2055 : i32 to index
      %swap3A_2058 = arith.constant 0 : index
      %swap3A_2059 = tpu.vector_load %arg6[%swap3A_2056, %swap3A_2057, %swap3A_2058] {strides = array<i32>} : memref<20x32x64xf32, #tpu.memory_space<vmem>>, vector<1x1x16xf32>,
      %swap3A_2060 = vector.shape_cast %swap3A_2059 : vector<1x1x16xf32> to vector<16xf32>
      %swap3A_2061 = vector.shape_cast %mul3A_2054 : vector<16xf32> to vector<1x1x16xf32>
      tpu.vector_store %arg6[%swap3A_2056, %swap3A_2057, %swap3A_2058], %swap3A_2061 {strides = array<i32>} : memref<20x32x64xf32, #tpu.memory_space<vmem>>, vector<1x1x16xf32>,
      %get3A_2062 = arith.constant 18 : i32
      %get3A_2063 = arith.index_cast %scan3A_21 : i32 to index
      %get3A_2064 = arith.index_cast %get3A_2062 : i32 to index
      %get3A_2065 = arith.constant 16 : index
      %get3A_2066 = tpu.vector_load %arg6[%get3A_2063, %get3A_2064, %get3A_2065] {strides = array<i32>} : memref<20x32x64xf32, #tpu.memory_space<vmem>>, vector<1x1x16xf32>,
      %get3A_2067 = vector.shape_cast %get3A_2066 : vector<1x1x16xf32> to vector<16xf32>
      %mul3A_2068 = vector.broadcast %squeeze3A_2046 : f32 to vector<16xf32>
      %mul3A_2069 = arith.mulf %get3A_2067, %mul3A_2068 : vector<16xf32>
      %swap3A_2070 = arith.constant 18 : i32
      %swap3A_2071 = arith.index_cast %scan3A_21 : i32 to index
      %swap3A_2072 = arith.index_cast %swap3A_2070 : i32 to index
      %swap3A_2073 = arith.constant 16 : index
      %swap3A_2074 = tpu.vector_load %arg6[%swap3A_2071, %swap3A_2072, %swap3A_2073] {strides = array<i32>} : memref<20x32x64xf32, #tpu.memory_space<vmem>>, vector<1x1x16xf32>,
      %swap3A_2075 = vector.shape_cast %swap3A_2074 : vector<1x1x16xf32> to vector<16xf32>
      %swap3A_2076 = vector.shape_cast %mul3A_2069 : vector<16xf32> to vector<1x1x16xf32>
      tpu.vector_store %arg6[%swap3A_2071, %swap3A_2072, %swap3A_2073], %swap3A_2076 {strides = array<i32>} : memref<20x32x64xf32, #tpu.memory_space<vmem>>, vector<1x1x16xf32>,
      %get3A_2077 = arith.constant 18 : i32
      %get3A_2078 = arith.index_cast %scan3A_21 : i32 to index
      %get3A_2079 = arith.index_cast %get3A_2077 : i32 to index
      %get3A_2080 = arith.constant 32 : index
      %get3A_2081 = tpu.vector_load %arg6[%get3A_2078, %get3A_2079, %get3A_2080] {strides = array<i32>} : memref<20x32x64xf32, #tpu.memory_space<vmem>>, vector<1x1x16xf32>,
      %get3A_2082 = vector.shape_cast %get3A_2081 : vector<1x1x16xf32> to vector<16xf32>
      %mul3A_2083 = vector.broadcast %squeeze3A_2046 : f32 to vector<16xf32>
      %mul3A_2084 = arith.mulf %get3A_2082, %mul3A_2083 : vector<16xf32>
      %swap3A_2085 = arith.constant 18 : i32
      %swap3A_2086 = arith.index_cast %scan3A_21 : i32 to index
      %swap3A_2087 = arith.index_cast %swap3A_2085 : i32 to index
      %swap3A_2088 = arith.constant 32 : index
      %swap3A_2089 = tpu.vector_load %arg6[%swap3A_2086, %swap3A_2087, %swap3A_2088] {strides = array<i32>} : memref<20x32x64xf32, #tpu.memory_space<vmem>>, vector<1x1x16xf32>,
      %swap3A_2090 = vector.shape_cast %swap3A_2089 : vector<1x1x16xf32> to vector<16xf32>
      %swap3A_2091 = vector.shape_cast %mul3A_2084 : vector<16xf32> to vector<1x1x16xf32>
      tpu.vector_store %arg6[%swap3A_2086, %swap3A_2087, %swap3A_2088], %swap3A_2091 {strides = array<i32>} : memref<20x32x64xf32, #tpu.memory_space<vmem>>, vector<1x1x16xf32>,
      %get3A_2092 = arith.constant 18 : i32
      %get3A_2093 = arith.index_cast %scan3A_21 : i32 to index
      %get3A_2094 = arith.index_cast %get3A_2092 : i32 to index
      %get3A_2095 = arith.constant 48 : index
      %get3A_2096 = tpu.vector_load %arg6[%get3A_2093, %get3A_2094, %get3A_2095] {strides = array<i32>} : memref<20x32x64xf32, #tpu.memory_space<vmem>>, vector<1x1x16xf32>,
      %get3A_2097 = vector.shape_cast %get3A_2096 : vector<1x1x16xf32> to vector<16xf32>
      %mul3A_2098 = vector.broadcast %squeeze3A_2046 : f32 to vector<16xf32>
      %mul3A_2099 = arith.mulf %get3A_2097, %mul3A_2098 : vector<16xf32>
      %swap3A_2100 = arith.constant 18 : i32
      %swap3A_2101 = arith.index_cast %scan3A_21 : i32 to index
      %swap3A_2102 = arith.index_cast %swap3A_2100 : i32 to index
      %swap3A_2103 = arith.constant 48 : index
      %swap3A_2104 = tpu.vector_load %arg6[%swap3A_2101, %swap3A_2102, %swap3A_2103] {strides = array<i32>} : memref<20x32x64xf32, #tpu.memory_space<vmem>>, vector<1x1x16xf32>,
      %swap3A_2105 = vector.shape_cast %swap3A_2104 : vector<1x1x16xf32> to vector<16xf32>
      %swap3A_2106 = vector.shape_cast %mul3A_2099 : vector<16xf32> to vector<1x1x16xf32>
      tpu.vector_store %arg6[%swap3A_2101, %swap3A_2102, %swap3A_2103], %swap3A_2106 {strides = array<i32>} : memref<20x32x64xf32, #tpu.memory_space<vmem>>, vector<1x1x16xf32>,
      %slice3A_2107 = vector.extract_strided_slice %div3A_931 {offsets = [3], sizes = [1], strides = [1]} : vector<16xf32> to vector<1xf32>
      %squeeze3A_2108 = vector.extract %slice3A_2107[0] : f32 from vector<1xf32>
      %get3A_2109 = arith.constant 19 : i32
      %get3A_2110 = arith.index_cast %scan3A_21 : i32 to index
      %get3A_2111 = arith.index_cast %get3A_2109 : i32 to index
      %get3A_2112 = arith.constant 0 : index
      %get3A_2113 = tpu.vector_load %arg6[%get3A_2110, %get3A_2111, %get3A_2112] {strides = array<i32>} : memref<20x32x64xf32, #tpu.memory_space<vmem>>, vector<1x1x16xf32>,
      %get3A_2114 = vector.shape_cast %get3A_2113 : vector<1x1x16xf32> to vector<16xf32>
      %mul3A_2115 = vector.broadcast %squeeze3A_2108 : f32 to vector<16xf32>
      %mul3A_2116 = arith.mulf %get3A_2114, %mul3A_2115 : vector<16xf32>
      %swap3A_2117 = arith.constant 19 : i32
      %swap3A_2118 = arith.index_cast %scan3A_21 : i32 to index
      %swap3A_2119 = arith.index_cast %swap3A_2117 : i32 to index
      %swap3A_2120 = arith.constant 0 : index
      %swap3A_2121 = tpu.vector_load %arg6[%swap3A_2118, %swap3A_2119, %swap3A_2120] {strides = array<i32>} : memref<20x32x64xf32, #tpu.memory_space<vmem>>, vector<1x1x16xf32>,
      %swap3A_2122 = vector.shape_cast %swap3A_2121 : vector<1x1x16xf32> to vector<16xf32>
      %swap3A_2123 = vector.shape_cast %mul3A_2116 : vector<16xf32> to vector<1x1x16xf32>
      tpu.vector_store %arg6[%swap3A_2118, %swap3A_2119, %swap3A_2120], %swap3A_2123 {strides = array<i32>} : memref<20x32x64xf32, #tpu.memory_space<vmem>>, vector<1x1x16xf32>,
      %get3A_2124 = arith.constant 19 : i32
      %get3A_2125 = arith.index_cast %scan3A_21 : i32 to index
      %get3A_2126 = arith.index_cast %get3A_2124 : i32 to index
      %get3A_2127 = arith.constant 16 : index
      %get3A_2128 = tpu.vector_load %arg6[%get3A_2125, %get3A_2126, %get3A_2127] {strides = array<i32>} : memref<20x32x64xf32, #tpu.memory_space<vmem>>, vector<1x1x16xf32>,
      %get3A_2129 = vector.shape_cast %get3A_2128 : vector<1x1x16xf32> to vector<16xf32>
      %mul3A_2130 = vector.broadcast %squeeze3A_2108 : f32 to vector<16xf32>
      %mul3A_2131 = arith.mulf %get3A_2129, %mul3A_2130 : vector<16xf32>
      %swap3A_2132 = arith.constant 19 : i32
      %swap3A_2133 = arith.index_cast %scan3A_21 : i32 to index
      %swap3A_2134 = arith.index_cast %swap3A_2132 : i32 to index
      %swap3A_2135 = arith.constant 16 : index
      %swap3A_2136 = tpu.vector_load %arg6[%swap3A_2133, %swap3A_2134, %swap3A_2135] {strides = array<i32>} : memref<20x32x64xf32, #tpu.memory_space<vmem>>, vector<1x1x16xf32>,
      %swap3A_2137 = vector.shape_cast %swap3A_2136 : vector<1x1x16xf32> to vector<16xf32>
      %swap3A_2138 = vector.shape_cast %mul3A_2131 : vector<16xf32> to vector<1x1x16xf32>
      tpu.vector_store %arg6[%swap3A_2133, %swap3A_2134, %swap3A_2135], %swap3A_2138 {strides = array<i32>} : memref<20x32x64xf32, #tpu.memory_space<vmem>>, vector<1x1x16xf32>,
      %get3A_2139 = arith.constant 19 : i32
      %get3A_2140 = arith.index_cast %scan3A_21 : i32 to index
      %get3A_2141 = arith.index_cast %get3A_2139 : i32 to index
      %get3A_2142 = arith.constant 32 : index
      %get3A_2143 = tpu.vector_load %arg6[%get3A_2140, %get3A_2141, %get3A_2142] {strides = array<i32>} : memref<20x32x64xf32, #tpu.memory_space<vmem>>, vector<1x1x16xf32>,
      %get3A_2144 = vector.shape_cast %get3A_2143 : vector<1x1x16xf32> to vector<16xf32>
      %mul3A_2145 = vector.broadcast %squeeze3A_2108 : f32 to vector<16xf32>
      %mul3A_2146 = arith.mulf %get3A_2144, %mul3A_2145 : vector<16xf32>
      %swap3A_2147 = arith.constant 19 : i32
      %swap3A_2148 = arith.index_cast %scan3A_21 : i32 to index
      %swap3A_2149 = arith.index_cast %swap3A_2147 : i32 to index
      %swap3A_2150 = arith.constant 32 : index
      %swap3A_2151 = tpu.vector_load %arg6[%swap3A_2148, %swap3A_2149, %swap3A_2150] {strides = array<i32>} : memref<20x32x64xf32, #tpu.memory_space<vmem>>, vector<1x1x16xf32>,
      %swap3A_2152 = vector.shape_cast %swap3A_2151 : vector<1x1x16xf32> to vector<16xf32>
      %swap3A_2153 = vector.shape_cast %mul3A_2146 : vector<16xf32> to vector<1x1x16xf32>
      tpu.vector_store %arg6[%swap3A_2148, %swap3A_2149, %swap3A_2150], %swap3A_2153 {strides = array<i32>} : memref<20x32x64xf32, #tpu.memory_space<vmem>>, vector<1x1x16xf32>,
      %get3A_2154 = arith.constant 19 : i32
      %get3A_2155 = arith.index_cast %scan3A_21 : i32 to index
      %get3A_2156 = arith.index_cast %get3A_2154 : i32 to index
      %get3A_2157 = arith.constant 48 : index
      %get3A_2158 = tpu.vector_load %arg6[%get3A_2155, %get3A_2156, %get3A_2157] {strides = array<i32>} : memref<20x32x64xf32, #tpu.memory_space<vmem>>, vector<1x1x16xf32>,
      %get3A_2159 = vector.shape_cast %get3A_2158 : vector<1x1x16xf32> to vector<16xf32>
      %mul3A_2160 = vector.broadcast %squeeze3A_2108 : f32 to vector<16xf32>
      %mul3A_2161 = arith.mulf %get3A_2159, %mul3A_2160 : vector<16xf32>
      %swap3A_2162 = arith.constant 19 : i32
      %swap3A_2163 = arith.index_cast %scan3A_21 : i32 to index
      %swap3A_2164 = arith.index_cast %swap3A_2162 : i32 to index
      %swap3A_2165 = arith.constant 48 : index
      %swap3A_2166 = tpu.vector_load %arg6[%swap3A_2163, %swap3A_2164, %swap3A_2165] {strides = array<i32>} : memref<20x32x64xf32, #tpu.memory_space<vmem>>, vector<1x1x16xf32>,
      %swap3A_2167 = vector.shape_cast %swap3A_2166 : vector<1x1x16xf32> to vector<16xf32>
      %swap3A_2168 = vector.shape_cast %mul3A_2161 : vector<16xf32> to vector<1x1x16xf32>
      tpu.vector_store %arg6[%swap3A_2163, %swap3A_2164, %swap3A_2165], %swap3A_2168 {strides = array<i32>} : memref<20x32x64xf32, #tpu.memory_space<vmem>>, vector<1x1x16xf32>,
      %slice3A_2169 = vector.extract_strided_slice %div3A_931 {offsets = [4], sizes = [1], strides = [1]} : vector<16xf32> to vector<1xf32>
      %squeeze3A_2170 = vector.extract %slice3A_2169[0] : f32 from vector<1xf32>
      %get3A_2171 = arith.constant 20 : i32
      %get3A_2172 = arith.index_cast %scan3A_21 : i32 to index
      %get3A_2173 = arith.index_cast %get3A_2171 : i32 to index
      %get3A_2174 = arith.constant 0 : index
      %get3A_2175 = tpu.vector_load %arg6[%get3A_2172, %get3A_2173, %get3A_2174] {strides = array<i32>} : memref<20x32x64xf32, #tpu.memory_space<vmem>>, vector<1x1x16xf32>,
      %get3A_2176 = vector.shape_cast %get3A_2175 : vector<1x1x16xf32> to vector<16xf32>
      %mul3A_2177 = vector.broadcast %squeeze3A_2170 : f32 to vector<16xf32>
      %mul3A_2178 = arith.mulf %get3A_2176, %mul3A_2177 : vector<16xf32>
      %swap3A_2179 = arith.constant 20 : i32
      %swap3A_2180 = arith.index_cast %scan3A_21 : i32 to index
      %swap3A_2181 = arith.index_cast %swap3A_2179 : i32 to index
      %swap3A_2182 = arith.constant 0 : index
      %swap3A_2183 = tpu.vector_load %arg6[%swap3A_2180, %swap3A_2181, %swap3A_2182] {strides = array<i32>} : memref<20x32x64xf32, #tpu.memory_space<vmem>>, vector<1x1x16xf32>,
      %swap3A_2184 = vector.shape_cast %swap3A_2183 : vector<1x1x16xf32> to vector<16xf32>
      %swap3A_2185 = vector.shape_cast %mul3A_2178 : vector<16xf32> to vector<1x1x16xf32>
      tpu.vector_store %arg6[%swap3A_2180, %swap3A_2181, %swap3A_2182], %swap3A_2185 {strides = array<i32>} : memref<20x32x64xf32, #tpu.memory_space<vmem>>, vector<1x1x16xf32>,
      %get3A_2186 = arith.constant 20 : i32
      %get3A_2187 = arith.index_cast %scan3A_21 : i32 to index
      %get3A_2188 = arith.index_cast %get3A_2186 : i32 to index
      %get3A_2189 = arith.constant 16 : index
      %get3A_2190 = tpu.vector_load %arg6[%get3A_2187, %get3A_2188, %get3A_2189] {strides = array<i32>} : memref<20x32x64xf32, #tpu.memory_space<vmem>>, vector<1x1x16xf32>,
      %get3A_2191 = vector.shape_cast %get3A_2190 : vector<1x1x16xf32> to vector<16xf32>
      %mul3A_2192 = vector.broadcast %squeeze3A_2170 : f32 to vector<16xf32>
      %mul3A_2193 = arith.mulf %get3A_2191, %mul3A_2192 : vector<16xf32>
      %swap3A_2194 = arith.constant 20 : i32
      %swap3A_2195 = arith.index_cast %scan3A_21 : i32 to index
      %swap3A_2196 = arith.index_cast %swap3A_2194 : i32 to index
      %swap3A_2197 = arith.constant 16 : index
      %swap3A_2198 = tpu.vector_load %arg6[%swap3A_2195, %swap3A_2196, %swap3A_2197] {strides = array<i32>} : memref<20x32x64xf32, #tpu.memory_space<vmem>>, vector<1x1x16xf32>,
      %swap3A_2199 = vector.shape_cast %swap3A_2198 : vector<1x1x16xf32> to vector<16xf32>
      %swap3A_2200 = vector.shape_cast %mul3A_2193 : vector<16xf32> to vector<1x1x16xf32>
      tpu.vector_store %arg6[%swap3A_2195, %swap3A_2196, %swap3A_2197], %swap3A_2200 {strides = array<i32>} : memref<20x32x64xf32, #tpu.memory_space<vmem>>, vector<1x1x16xf32>,
      %get3A_2201 = arith.constant 20 : i32
      %get3A_2202 = arith.index_cast %scan3A_21 : i32 to index
      %get3A_2203 = arith.index_cast %get3A_2201 : i32 to index
      %get3A_2204 = arith.constant 32 : index
      %get3A_2205 = tpu.vector_load %arg6[%get3A_2202, %get3A_2203, %get3A_2204] {strides = array<i32>} : memref<20x32x64xf32, #tpu.memory_space<vmem>>, vector<1x1x16xf32>,
      %get3A_2206 = vector.shape_cast %get3A_2205 : vector<1x1x16xf32> to vector<16xf32>
      %mul3A_2207 = vector.broadcast %squeeze3A_2170 : f32 to vector<16xf32>
      %mul3A_2208 = arith.mulf %get3A_2206, %mul3A_2207 : vector<16xf32>
      %swap3A_2209 = arith.constant 20 : i32
      %swap3A_2210 = arith.index_cast %scan3A_21 : i32 to index
      %swap3A_2211 = arith.index_cast %swap3A_2209 : i32 to index
      %swap3A_2212 = arith.constant 32 : index
      %swap3A_2213 = tpu.vector_load %arg6[%swap3A_2210, %swap3A_2211, %swap3A_2212] {strides = array<i32>} : memref<20x32x64xf32, #tpu.memory_space<vmem>>, vector<1x1x16xf32>,
      %swap3A_2214 = vector.shape_cast %swap3A_2213 : vector<1x1x16xf32> to vector<16xf32>
      %swap3A_2215 = vector.shape_cast %mul3A_2208 : vector<16xf32> to vector<1x1x16xf32>
      tpu.vector_store %arg6[%swap3A_2210, %swap3A_2211, %swap3A_2212], %swap3A_2215 {strides = array<i32>} : memref<20x32x64xf32, #tpu.memory_space<vmem>>, vector<1x1x16xf32>,
      %get3A_2216 = arith.constant 20 : i32
      %get3A_2217 = arith.index_cast %scan3A_21 : i32 to index
      %get3A_2218 = arith.index_cast %get3A_2216 : i32 to index
      %get3A_2219 = arith.constant 48 : index
      %get3A_2220 = tpu.vector_load %arg6[%get3A_2217, %get3A_2218, %get3A_2219] {strides = array<i32>} : memref<20x32x64xf32, #tpu.memory_space<vmem>>, vector<1x1x16xf32>,
      %get3A_2221 = vector.shape_cast %get3A_2220 : vector<1x1x16xf32> to vector<16xf32>
      %mul3A_2222 = vector.broadcast %squeeze3A_2170 : f32 to vector<16xf32>
      %mul3A_2223 = arith.mulf %get3A_2221, %mul3A_2222 : vector<16xf32>
      %swap3A_2224 = arith.constant 20 : i32
      %swap3A_2225 = arith.index_cast %scan3A_21 : i32 to index
      %swap3A_2226 = arith.index_cast %swap3A_2224 : i32 to index
      %swap3A_2227 = arith.constant 48 : index
      %swap3A_2228 = tpu.vector_load %arg6[%swap3A_2225, %swap3A_2226, %swap3A_2227] {strides = array<i32>} : memref<20x32x64xf32, #tpu.memory_space<vmem>>, vector<1x1x16xf32>,
      %swap3A_2229 = vector.shape_cast %swap3A_2228 : vector<1x1x16xf32> to vector<16xf32>
      %swap3A_2230 = vector.shape_cast %mul3A_2223 : vector<16xf32> to vector<1x1x16xf32>
      tpu.vector_store %arg6[%swap3A_2225, %swap3A_2226, %swap3A_2227], %swap3A_2230 {strides = array<i32>} : memref<20x32x64xf32, #tpu.memory_space<vmem>>, vector<1x1x16xf32>,
      %slice3A_2231 = vector.extract_strided_slice %div3A_931 {offsets = [5], sizes = [1], strides = [1]} : vector<16xf32> to vector<1xf32>
      %squeeze3A_2232 = vector.extract %slice3A_2231[0] : f32 from vector<1xf32>
      %get3A_2233 = arith.constant 21 : i32
      %get3A_2234 = arith.index_cast %scan3A_21 : i32 to index
      %get3A_2235 = arith.index_cast %get3A_2233 : i32 to index
      %get3A_2236 = arith.constant 0 : index
      %get3A_2237 = tpu.vector_load %arg6[%get3A_2234, %get3A_2235, %get3A_2236] {strides = array<i32>} : memref<20x32x64xf32, #tpu.memory_space<vmem>>, vector<1x1x16xf32>,
      %get3A_2238 = vector.shape_cast %get3A_2237 : vector<1x1x16xf32> to vector<16xf32>
      %mul3A_2239 = vector.broadcast %squeeze3A_2232 : f32 to vector<16xf32>
      %mul3A_2240 = arith.mulf %get3A_2238, %mul3A_2239 : vector<16xf32>
      %swap3A_2241 = arith.constant 21 : i32
      %swap3A_2242 = arith.index_cast %scan3A_21 : i32 to index
      %swap3A_2243 = arith.index_cast %swap3A_2241 : i32 to index
      %swap3A_2244 = arith.constant 0 : index
      %swap3A_2245 = tpu.vector_load %arg6[%swap3A_2242, %swap3A_2243, %swap3A_2244] {strides = array<i32>} : memref<20x32x64xf32, #tpu.memory_space<vmem>>, vector<1x1x16xf32>,
      %swap3A_2246 = vector.shape_cast %swap3A_2245 : vector<1x1x16xf32> to vector<16xf32>
      %swap3A_2247 = vector.shape_cast %mul3A_2240 : vector<16xf32> to vector<1x1x16xf32>
      tpu.vector_store %arg6[%swap3A_2242, %swap3A_2243, %swap3A_2244], %swap3A_2247 {strides = array<i32>} : memref<20x32x64xf32, #tpu.memory_space<vmem>>, vector<1x1x16xf32>,
      %get3A_2248 = arith.constant 21 : i32
      %get3A_2249 = arith.index_cast %scan3A_21 : i32 to index
      %get3A_2250 = arith.index_cast %get3A_2248 : i32 to index
      %get3A_2251 = arith.constant 16 : index
      %get3A_2252 = tpu.vector_load %arg6[%get3A_2249, %get3A_2250, %get3A_2251] {strides = array<i32>} : memref<20x32x64xf32, #tpu.memory_space<vmem>>, vector<1x1x16xf32>,
      %get3A_2253 = vector.shape_cast %get3A_2252 : vector<1x1x16xf32> to vector<16xf32>
      %mul3A_2254 = vector.broadcast %squeeze3A_2232 : f32 to vector<16xf32>
      %mul3A_2255 = arith.mulf %get3A_2253, %mul3A_2254 : vector<16xf32>
      %swap3A_2256 = arith.constant 21 : i32
      %swap3A_2257 = arith.index_cast %scan3A_21 : i32 to index
      %swap3A_2258 = arith.index_cast %swap3A_2256 : i32 to index
      %swap3A_2259 = arith.constant 16 : index
      %swap3A_2260 = tpu.vector_load %arg6[%swap3A_2257, %swap3A_2258, %swap3A_2259] {strides = array<i32>} : memref<20x32x64xf32, #tpu.memory_space<vmem>>, vector<1x1x16xf32>,
      %swap3A_2261 = vector.shape_cast %swap3A_2260 : vector<1x1x16xf32> to vector<16xf32>
      %swap3A_2262 = vector.shape_cast %mul3A_2255 : vector<16xf32> to vector<1x1x16xf32>
      tpu.vector_store %arg6[%swap3A_2257, %swap3A_2258, %swap3A_2259], %swap3A_2262 {strides = array<i32>} : memref<20x32x64xf32, #tpu.memory_space<vmem>>, vector<1x1x16xf32>,
      %get3A_2263 = arith.constant 21 : i32
      %get3A_2264 = arith.index_cast %scan3A_21 : i32 to index
      %get3A_2265 = arith.index_cast %get3A_2263 : i32 to index
      %get3A_2266 = arith.constant 32 : index
      %get3A_2267 = tpu.vector_load %arg6[%get3A_2264, %get3A_2265, %get3A_2266] {strides = array<i32>} : memref<20x32x64xf32, #tpu.memory_space<vmem>>, vector<1x1x16xf32>,
      %get3A_2268 = vector.shape_cast %get3A_2267 : vector<1x1x16xf32> to vector<16xf32>
      %mul3A_2269 = vector.broadcast %squeeze3A_2232 : f32 to vector<16xf32>
      %mul3A_2270 = arith.mulf %get3A_2268, %mul3A_2269 : vector<16xf32>
      %swap3A_2271 = arith.constant 21 : i32
      %swap3A_2272 = arith.index_cast %scan3A_21 : i32 to index
      %swap3A_2273 = arith.index_cast %swap3A_2271 : i32 to index
      %swap3A_2274 = arith.constant 32 : index
      %swap3A_2275 = tpu.vector_load %arg6[%swap3A_2272, %swap3A_2273, %swap3A_2274] {strides = array<i32>} : memref<20x32x64xf32, #tpu.memory_space<vmem>>, vector<1x1x16xf32>,
      %swap3A_2276 = vector.shape_cast %swap3A_2275 : vector<1x1x16xf32> to vector<16xf32>
      %swap3A_2277 = vector.shape_cast %mul3A_2270 : vector<16xf32> to vector<1x1x16xf32>
      tpu.vector_store %arg6[%swap3A_2272, %swap3A_2273, %swap3A_2274], %swap3A_2277 {strides = array<i32>} : memref<20x32x64xf32, #tpu.memory_space<vmem>>, vector<1x1x16xf32>,
      %get3A_2278 = arith.constant 21 : i32
      %get3A_2279 = arith.index_cast %scan3A_21 : i32 to index
      %get3A_2280 = arith.index_cast %get3A_2278 : i32 to index
      %get3A_2281 = arith.constant 48 : index
      %get3A_2282 = tpu.vector_load %arg6[%get3A_2279, %get3A_2280, %get3A_2281] {strides = array<i32>} : memref<20x32x64xf32, #tpu.memory_space<vmem>>, vector<1x1x16xf32>,
      %get3A_2283 = vector.shape_cast %get3A_2282 : vector<1x1x16xf32> to vector<16xf32>
      %mul3A_2284 = vector.broadcast %squeeze3A_2232 : f32 to vector<16xf32>
      %mul3A_2285 = arith.mulf %get3A_2283, %mul3A_2284 : vector<16xf32>
      %swap3A_2286 = arith.constant 21 : i32
      %swap3A_2287 = arith.index_cast %scan3A_21 : i32 to index
      %swap3A_2288 = arith.index_cast %swap3A_2286 : i32 to index
      %swap3A_2289 = arith.constant 48 : index
      %swap3A_2290 = tpu.vector_load %arg6[%swap3A_2287, %swap3A_2288, %swap3A_2289] {strides = array<i32>} : memref<20x32x64xf32, #tpu.memory_space<vmem>>, vector<1x1x16xf32>,
      %swap3A_2291 = vector.shape_cast %swap3A_2290 : vector<1x1x16xf32> to vector<16xf32>
      %swap3A_2292 = vector.shape_cast %mul3A_2285 : vector<16xf32> to vector<1x1x16xf32>
      tpu.vector_store %arg6[%swap3A_2287, %swap3A_2288, %swap3A_2289], %swap3A_2292 {strides = array<i32>} : memref<20x32x64xf32, #tpu.memory_space<vmem>>, vector<1x1x16xf32>,
      %slice3A_2293 = vector.extract_strided_slice %div3A_931 {offsets = [6], sizes = [1], strides = [1]} : vector<16xf32> to vector<1xf32>
      %squeeze3A_2294 = vector.extract %slice3A_2293[0] : f32 from vector<1xf32>
      %get3A_2295 = arith.constant 22 : i32
      %get3A_2296 = arith.index_cast %scan3A_21 : i32 to index
      %get3A_2297 = arith.index_cast %get3A_2295 : i32 to index
      %get3A_2298 = arith.constant 0 : index
      %get3A_2299 = tpu.vector_load %arg6[%get3A_2296, %get3A_2297, %get3A_2298] {strides = array<i32>} : memref<20x32x64xf32, #tpu.memory_space<vmem>>, vector<1x1x16xf32>,
      %get3A_2300 = vector.shape_cast %get3A_2299 : vector<1x1x16xf32> to vector<16xf32>
      %mul3A_2301 = vector.broadcast %squeeze3A_2294 : f32 to vector<16xf32>
      %mul3A_2302 = arith.mulf %get3A_2300, %mul3A_2301 : vector<16xf32>
      %swap3A_2303 = arith.constant 22 : i32
      %swap3A_2304 = arith.index_cast %scan3A_21 : i32 to index
      %swap3A_2305 = arith.index_cast %swap3A_2303 : i32 to index
      %swap3A_2306 = arith.constant 0 : index
      %swap3A_2307 = tpu.vector_load %arg6[%swap3A_2304, %swap3A_2305, %swap3A_2306] {strides = array<i32>} : memref<20x32x64xf32, #tpu.memory_space<vmem>>, vector<1x1x16xf32>,
      %swap3A_2308 = vector.shape_cast %swap3A_2307 : vector<1x1x16xf32> to vector<16xf32>
      %swap3A_2309 = vector.shape_cast %mul3A_2302 : vector<16xf32> to vector<1x1x16xf32>
      tpu.vector_store %arg6[%swap3A_2304, %swap3A_2305, %swap3A_2306], %swap3A_2309 {strides = array<i32>} : memref<20x32x64xf32, #tpu.memory_space<vmem>>, vector<1x1x16xf32>,
      %get3A_2310 = arith.constant 22 : i32
      %get3A_2311 = arith.index_cast %scan3A_21 : i32 to index
      %get3A_2312 = arith.index_cast %get3A_2310 : i32 to index
      %get3A_2313 = arith.constant 16 : index
      %get3A_2314 = tpu.vector_load %arg6[%get3A_2311, %get3A_2312, %get3A_2313] {strides = array<i32>} : memref<20x32x64xf32, #tpu.memory_space<vmem>>, vector<1x1x16xf32>,
      %get3A_2315 = vector.shape_cast %get3A_2314 : vector<1x1x16xf32> to vector<16xf32>
      %mul3A_2316 = vector.broadcast %squeeze3A_2294 : f32 to vector<16xf32>
      %mul3A_2317 = arith.mulf %get3A_2315, %mul3A_2316 : vector<16xf32>
      %swap3A_2318 = arith.constant 22 : i32
      %swap3A_2319 = arith.index_cast %scan3A_21 : i32 to index
      %swap3A_2320 = arith.index_cast %swap3A_2318 : i32 to index
      %swap3A_2321 = arith.constant 16 : index
      %swap3A_2322 = tpu.vector_load %arg6[%swap3A_2319, %swap3A_2320, %swap3A_2321] {strides = array<i32>} : memref<20x32x64xf32, #tpu.memory_space<vmem>>, vector<1x1x16xf32>,
      %swap3A_2323 = vector.shape_cast %swap3A_2322 : vector<1x1x16xf32> to vector<16xf32>
      %swap3A_2324 = vector.shape_cast %mul3A_2317 : vector<16xf32> to vector<1x1x16xf32>
      tpu.vector_store %arg6[%swap3A_2319, %swap3A_2320, %swap3A_2321], %swap3A_2324 {strides = array<i32>} : memref<20x32x64xf32, #tpu.memory_space<vmem>>, vector<1x1x16xf32>,
      %get3A_2325 = arith.constant 22 : i32
      %get3A_2326 = arith.index_cast %scan3A_21 : i32 to index
      %get3A_2327 = arith.index_cast %get3A_2325 : i32 to index
      %get3A_2328 = arith.constant 32 : index
      %get3A_2329 = tpu.vector_load %arg6[%get3A_2326, %get3A_2327, %get3A_2328] {strides = array<i32>} : memref<20x32x64xf32, #tpu.memory_space<vmem>>, vector<1x1x16xf32>,
      %get3A_2330 = vector.shape_cast %get3A_2329 : vector<1x1x16xf32> to vector<16xf32>
      %mul3A_2331 = vector.broadcast %squeeze3A_2294 : f32 to vector<16xf32>
      %mul3A_2332 = arith.mulf %get3A_2330, %mul3A_2331 : vector<16xf32>
      %swap3A_2333 = arith.constant 22 : i32
      %swap3A_2334 = arith.index_cast %scan3A_21 : i32 to index
      %swap3A_2335 = arith.index_cast %swap3A_2333 : i32 to index
      %swap3A_2336 = arith.constant 32 : index
      %swap3A_2337 = tpu.vector_load %arg6[%swap3A_2334, %swap3A_2335, %swap3A_2336] {strides = array<i32>} : memref<20x32x64xf32, #tpu.memory_space<vmem>>, vector<1x1x16xf32>,
      %swap3A_2338 = vector.shape_cast %swap3A_2337 : vector<1x1x16xf32> to vector<16xf32>
      %swap3A_2339 = vector.shape_cast %mul3A_2332 : vector<16xf32> to vector<1x1x16xf32>
      tpu.vector_store %arg6[%swap3A_2334, %swap3A_2335, %swap3A_2336], %swap3A_2339 {strides = array<i32>} : memref<20x32x64xf32, #tpu.memory_space<vmem>>, vector<1x1x16xf32>,
      %get3A_2340 = arith.constant 22 : i32
      %get3A_2341 = arith.index_cast %scan3A_21 : i32 to index
      %get3A_2342 = arith.index_cast %get3A_2340 : i32 to index
      %get3A_2343 = arith.constant 48 : index
      %get3A_2344 = tpu.vector_load %arg6[%get3A_2341, %get3A_2342, %get3A_2343] {strides = array<i32>} : memref<20x32x64xf32, #tpu.memory_space<vmem>>, vector<1x1x16xf32>,
      %get3A_2345 = vector.shape_cast %get3A_2344 : vector<1x1x16xf32> to vector<16xf32>
      %mul3A_2346 = vector.broadcast %squeeze3A_2294 : f32 to vector<16xf32>
      %mul3A_2347 = arith.mulf %get3A_2345, %mul3A_2346 : vector<16xf32>
      %swap3A_2348 = arith.constant 22 : i32
      %swap3A_2349 = arith.index_cast %scan3A_21 : i32 to index
      %swap3A_2350 = arith.index_cast %swap3A_2348 : i32 to index
      %swap3A_2351 = arith.constant 48 : index
      %swap3A_2352 = tpu.vector_load %arg6[%swap3A_2349, %swap3A_2350, %swap3A_2351] {strides = array<i32>} : memref<20x32x64xf32, #tpu.memory_space<vmem>>, vector<1x1x16xf32>,
      %swap3A_2353 = vector.shape_cast %swap3A_2352 : vector<1x1x16xf32> to vector<16xf32>
      %swap3A_2354 = vector.shape_cast %mul3A_2347 : vector<16xf32> to vector<1x1x16xf32>
      tpu.vector_store %arg6[%swap3A_2349, %swap3A_2350, %swap3A_2351], %swap3A_2354 {strides = array<i32>} : memref<20x32x64xf32, #tpu.memory_space<vmem>>, vector<1x1x16xf32>,
      %slice3A_2355 = vector.extract_strided_slice %div3A_931 {offsets = [7], sizes = [1], strides = [1]} : vector<16xf32> to vector<1xf32>
      %squeeze3A_2356 = vector.extract %slice3A_2355[0] : f32 from vector<1xf32>
      %get3A_2357 = arith.constant 23 : i32
      %get3A_2358 = arith.index_cast %scan3A_21 : i32 to index
      %get3A_2359 = arith.index_cast %get3A_2357 : i32 to index
      %get3A_2360 = arith.constant 0 : index
      %get3A_2361 = tpu.vector_load %arg6[%get3A_2358, %get3A_2359, %get3A_2360] {strides = array<i32>} : memref<20x32x64xf32, #tpu.memory_space<vmem>>, vector<1x1x16xf32>,
      %get3A_2362 = vector.shape_cast %get3A_2361 : vector<1x1x16xf32> to vector<16xf32>
      %mul3A_2363 = vector.broadcast %squeeze3A_2356 : f32 to vector<16xf32>
      %mul3A_2364 = arith.mulf %get3A_2362, %mul3A_2363 : vector<16xf32>
      %swap3A_2365 = arith.constant 23 : i32
      %swap3A_2366 = arith.index_cast %scan3A_21 : i32 to index
      %swap3A_2367 = arith.index_cast %swap3A_2365 : i32 to index
      %swap3A_2368 = arith.constant 0 : index
      %swap3A_2369 = tpu.vector_load %arg6[%swap3A_2366, %swap3A_2367, %swap3A_2368] {strides = array<i32>} : memref<20x32x64xf32, #tpu.memory_space<vmem>>, vector<1x1x16xf32>,
      %swap3A_2370 = vector.shape_cast %swap3A_2369 : vector<1x1x16xf32> to vector<16xf32>
      %swap3A_2371 = vector.shape_cast %mul3A_2364 : vector<16xf32> to vector<1x1x16xf32>
      tpu.vector_store %arg6[%swap3A_2366, %swap3A_2367, %swap3A_2368], %swap3A_2371 {strides = array<i32>} : memref<20x32x64xf32, #tpu.memory_space<vmem>>, vector<1x1x16xf32>,
      %get3A_2372 = arith.constant 23 : i32
      %get3A_2373 = arith.index_cast %scan3A_21 : i32 to index
      %get3A_2374 = arith.index_cast %get3A_2372 : i32 to index
      %get3A_2375 = arith.constant 16 : index
      %get3A_2376 = tpu.vector_load %arg6[%get3A_2373, %get3A_2374, %get3A_2375] {strides = array<i32>} : memref<20x32x64xf32, #tpu.memory_space<vmem>>, vector<1x1x16xf32>,
      %get3A_2377 = vector.shape_cast %get3A_2376 : vector<1x1x16xf32> to vector<16xf32>
      %mul3A_2378 = vector.broadcast %squeeze3A_2356 : f32 to vector<16xf32>
      %mul3A_2379 = arith.mulf %get3A_2377, %mul3A_2378 : vector<16xf32>
      %swap3A_2380 = arith.constant 23 : i32
      %swap3A_2381 = arith.index_cast %scan3A_21 : i32 to index
      %swap3A_2382 = arith.index_cast %swap3A_2380 : i32 to index
      %swap3A_2383 = arith.constant 16 : index
      %swap3A_2384 = tpu.vector_load %arg6[%swap3A_2381, %swap3A_2382, %swap3A_2383] {strides = array<i32>} : memref<20x32x64xf32, #tpu.memory_space<vmem>>, vector<1x1x16xf32>,
      %swap3A_2385 = vector.shape_cast %swap3A_2384 : vector<1x1x16xf32> to vector<16xf32>
      %swap3A_2386 = vector.shape_cast %mul3A_2379 : vector<16xf32> to vector<1x1x16xf32>
      tpu.vector_store %arg6[%swap3A_2381, %swap3A_2382, %swap3A_2383], %swap3A_2386 {strides = array<i32>} : memref<20x32x64xf32, #tpu.memory_space<vmem>>, vector<1x1x16xf32>,
      %get3A_2387 = arith.constant 23 : i32
      %get3A_2388 = arith.index_cast %scan3A_21 : i32 to index
      %get3A_2389 = arith.index_cast %get3A_2387 : i32 to index
      %get3A_2390 = arith.constant 32 : index
      %get3A_2391 = tpu.vector_load %arg6[%get3A_2388, %get3A_2389, %get3A_2390] {strides = array<i32>} : memref<20x32x64xf32, #tpu.memory_space<vmem>>, vector<1x1x16xf32>,
      %get3A_2392 = vector.shape_cast %get3A_2391 : vector<1x1x16xf32> to vector<16xf32>
      %mul3A_2393 = vector.broadcast %squeeze3A_2356 : f32 to vector<16xf32>
      %mul3A_2394 = arith.mulf %get3A_2392, %mul3A_2393 : vector<16xf32>
      %swap3A_2395 = arith.constant 23 : i32
      %swap3A_2396 = arith.index_cast %scan3A_21 : i32 to index
      %swap3A_2397 = arith.index_cast %swap3A_2395 : i32 to index
      %swap3A_2398 = arith.constant 32 : index
      %swap3A_2399 = tpu.vector_load %arg6[%swap3A_2396, %swap3A_2397, %swap3A_2398] {strides = array<i32>} : memref<20x32x64xf32, #tpu.memory_space<vmem>>, vector<1x1x16xf32>,
      %swap3A_2400 = vector.shape_cast %swap3A_2399 : vector<1x1x16xf32> to vector<16xf32>
      %swap3A_2401 = vector.shape_cast %mul3A_2394 : vector<16xf32> to vector<1x1x16xf32>
      tpu.vector_store %arg6[%swap3A_2396, %swap3A_2397, %swap3A_2398], %swap3A_2401 {strides = array<i32>} : memref<20x32x64xf32, #tpu.memory_space<vmem>>, vector<1x1x16xf32>,
      %get3A_2402 = arith.constant 23 : i32
      %get3A_2403 = arith.index_cast %scan3A_21 : i32 to index
      %get3A_2404 = arith.index_cast %get3A_2402 : i32 to index
      %get3A_2405 = arith.constant 48 : index
      %get3A_2406 = tpu.vector_load %arg6[%get3A_2403, %get3A_2404, %get3A_2405] {strides = array<i32>} : memref<20x32x64xf32, #tpu.memory_space<vmem>>, vector<1x1x16xf32>,
      %get3A_2407 = vector.shape_cast %get3A_2406 : vector<1x1x16xf32> to vector<16xf32>
      %mul3A_2408 = vector.broadcast %squeeze3A_2356 : f32 to vector<16xf32>
      %mul3A_2409 = arith.mulf %get3A_2407, %mul3A_2408 : vector<16xf32>
      %swap3A_2410 = arith.constant 23 : i32
      %swap3A_2411 = arith.index_cast %scan3A_21 : i32 to index
      %swap3A_2412 = arith.index_cast %swap3A_2410 : i32 to index
      %swap3A_2413 = arith.constant 48 : index
      %swap3A_2414 = tpu.vector_load %arg6[%swap3A_2411, %swap3A_2412, %swap3A_2413] {strides = array<i32>} : memref<20x32x64xf32, #tpu.memory_space<vmem>>, vector<1x1x16xf32>,
      %swap3A_2415 = vector.shape_cast %swap3A_2414 : vector<1x1x16xf32> to vector<16xf32>
      %swap3A_2416 = vector.shape_cast %mul3A_2409 : vector<16xf32> to vector<1x1x16xf32>
      tpu.vector_store %arg6[%swap3A_2411, %swap3A_2412, %swap3A_2413], %swap3A_2416 {strides = array<i32>} : memref<20x32x64xf32, #tpu.memory_space<vmem>>, vector<1x1x16xf32>,
      %slice3A_2417 = vector.extract_strided_slice %div3A_931 {offsets = [8], sizes = [1], strides = [1]} : vector<16xf32> to vector<1xf32>
      %squeeze3A_2418 = vector.extract %slice3A_2417[0] : f32 from vector<1xf32>
      %get3A_2419 = arith.constant 24 : i32
      %get3A_2420 = arith.index_cast %scan3A_21 : i32 to index
      %get3A_2421 = arith.index_cast %get3A_2419 : i32 to index
      %get3A_2422 = arith.constant 0 : index
      %get3A_2423 = tpu.vector_load %arg6[%get3A_2420, %get3A_2421, %get3A_2422] {strides = array<i32>} : memref<20x32x64xf32, #tpu.memory_space<vmem>>, vector<1x1x16xf32>,
      %get3A_2424 = vector.shape_cast %get3A_2423 : vector<1x1x16xf32> to vector<16xf32>
      %mul3A_2425 = vector.broadcast %squeeze3A_2418 : f32 to vector<16xf32>
      %mul3A_2426 = arith.mulf %get3A_2424, %mul3A_2425 : vector<16xf32>
      %swap3A_2427 = arith.constant 24 : i32
      %swap3A_2428 = arith.index_cast %scan3A_21 : i32 to index
      %swap3A_2429 = arith.index_cast %swap3A_2427 : i32 to index
      %swap3A_2430 = arith.constant 0 : index
      %swap3A_2431 = tpu.vector_load %arg6[%swap3A_2428, %swap3A_2429, %swap3A_2430] {strides = array<i32>} : memref<20x32x64xf32, #tpu.memory_space<vmem>>, vector<1x1x16xf32>,
      %swap3A_2432 = vector.shape_cast %swap3A_2431 : vector<1x1x16xf32> to vector<16xf32>
      %swap3A_2433 = vector.shape_cast %mul3A_2426 : vector<16xf32> to vector<1x1x16xf32>
      tpu.vector_store %arg6[%swap3A_2428, %swap3A_2429, %swap3A_2430], %swap3A_2433 {strides = array<i32>} : memref<20x32x64xf32, #tpu.memory_space<vmem>>, vector<1x1x16xf32>,
      %get3A_2434 = arith.constant 24 : i32
      %get3A_2435 = arith.index_cast %scan3A_21 : i32 to index
      %get3A_2436 = arith.index_cast %get3A_2434 : i32 to index
      %get3A_2437 = arith.constant 16 : index
      %get3A_2438 = tpu.vector_load %arg6[%get3A_2435, %get3A_2436, %get3A_2437] {strides = array<i32>} : memref<20x32x64xf32, #tpu.memory_space<vmem>>, vector<1x1x16xf32>,
      %get3A_2439 = vector.shape_cast %get3A_2438 : vector<1x1x16xf32> to vector<16xf32>
      %mul3A_2440 = vector.broadcast %squeeze3A_2418 : f32 to vector<16xf32>
      %mul3A_2441 = arith.mulf %get3A_2439, %mul3A_2440 : vector<16xf32>
      %swap3A_2442 = arith.constant 24 : i32
      %swap3A_2443 = arith.index_cast %scan3A_21 : i32 to index
      %swap3A_2444 = arith.index_cast %swap3A_2442 : i32 to index
      %swap3A_2445 = arith.constant 16 : index
      %swap3A_2446 = tpu.vector_load %arg6[%swap3A_2443, %swap3A_2444, %swap3A_2445] {strides = array<i32>} : memref<20x32x64xf32, #tpu.memory_space<vmem>>, vector<1x1x16xf32>,
      %swap3A_2447 = vector.shape_cast %swap3A_2446 : vector<1x1x16xf32> to vector<16xf32>
      %swap3A_2448 = vector.shape_cast %mul3A_2441 : vector<16xf32> to vector<1x1x16xf32>
      tpu.vector_store %arg6[%swap3A_2443, %swap3A_2444, %swap3A_2445], %swap3A_2448 {strides = array<i32>} : memref<20x32x64xf32, #tpu.memory_space<vmem>>, vector<1x1x16xf32>,
      %get3A_2449 = arith.constant 24 : i32
      %get3A_2450 = arith.index_cast %scan3A_21 : i32 to index
      %get3A_2451 = arith.index_cast %get3A_2449 : i32 to index
      %get3A_2452 = arith.constant 32 : index
      %get3A_2453 = tpu.vector_load %arg6[%get3A_2450, %get3A_2451, %get3A_2452] {strides = array<i32>} : memref<20x32x64xf32, #tpu.memory_space<vmem>>, vector<1x1x16xf32>,
      %get3A_2454 = vector.shape_cast %get3A_2453 : vector<1x1x16xf32> to vector<16xf32>
      %mul3A_2455 = vector.broadcast %squeeze3A_2418 : f32 to vector<16xf32>
      %mul3A_2456 = arith.mulf %get3A_2454, %mul3A_2455 : vector<16xf32>
      %swap3A_2457 = arith.constant 24 : i32
      %swap3A_2458 = arith.index_cast %scan3A_21 : i32 to index
      %swap3A_2459 = arith.index_cast %swap3A_2457 : i32 to index
      %swap3A_2460 = arith.constant 32 : index
      %swap3A_2461 = tpu.vector_load %arg6[%swap3A_2458, %swap3A_2459, %swap3A_2460] {strides = array<i32>} : memref<20x32x64xf32, #tpu.memory_space<vmem>>, vector<1x1x16xf32>,
      %swap3A_2462 = vector.shape_cast %swap3A_2461 : vector<1x1x16xf32> to vector<16xf32>
      %swap3A_2463 = vector.shape_cast %mul3A_2456 : vector<16xf32> to vector<1x1x16xf32>
      tpu.vector_store %arg6[%swap3A_2458, %swap3A_2459, %swap3A_2460], %swap3A_2463 {strides = array<i32>} : memref<20x32x64xf32, #tpu.memory_space<vmem>>, vector<1x1x16xf32>,
      %get3A_2464 = arith.constant 24 : i32
      %get3A_2465 = arith.index_cast %scan3A_21 : i32 to index
      %get3A_2466 = arith.index_cast %get3A_2464 : i32 to index
      %get3A_2467 = arith.constant 48 : index
      %get3A_2468 = tpu.vector_load %arg6[%get3A_2465, %get3A_2466, %get3A_2467] {strides = array<i32>} : memref<20x32x64xf32, #tpu.memory_space<vmem>>, vector<1x1x16xf32>,
      %get3A_2469 = vector.shape_cast %get3A_2468 : vector<1x1x16xf32> to vector<16xf32>
      %mul3A_2470 = vector.broadcast %squeeze3A_2418 : f32 to vector<16xf32>
      %mul3A_2471 = arith.mulf %get3A_2469, %mul3A_2470 : vector<16xf32>
      %swap3A_2472 = arith.constant 24 : i32
      %swap3A_2473 = arith.index_cast %scan3A_21 : i32 to index
      %swap3A_2474 = arith.index_cast %swap3A_2472 : i32 to index
      %swap3A_2475 = arith.constant 48 : index
      %swap3A_2476 = tpu.vector_load %arg6[%swap3A_2473, %swap3A_2474, %swap3A_2475] {strides = array<i32>} : memref<20x32x64xf32, #tpu.memory_space<vmem>>, vector<1x1x16xf32>,
      %swap3A_2477 = vector.shape_cast %swap3A_2476 : vector<1x1x16xf32> to vector<16xf32>
      %swap3A_2478 = vector.shape_cast %mul3A_2471 : vector<16xf32> to vector<1x1x16xf32>
      tpu.vector_store %arg6[%swap3A_2473, %swap3A_2474, %swap3A_2475], %swap3A_2478 {strides = array<i32>} : memref<20x32x64xf32, #tpu.memory_space<vmem>>, vector<1x1x16xf32>,
      %slice3A_2479 = vector.extract_strided_slice %div3A_931 {offsets = [9], sizes = [1], strides = [1]} : vector<16xf32> to vector<1xf32>
      %squeeze3A_2480 = vector.extract %slice3A_2479[0] : f32 from vector<1xf32>
      %get3A_2481 = arith.constant 25 : i32
      %get3A_2482 = arith.index_cast %scan3A_21 : i32 to index
      %get3A_2483 = arith.index_cast %get3A_2481 : i32 to index
      %get3A_2484 = arith.constant 0 : index
      %get3A_2485 = tpu.vector_load %arg6[%get3A_2482, %get3A_2483, %get3A_2484] {strides = array<i32>} : memref<20x32x64xf32, #tpu.memory_space<vmem>>, vector<1x1x16xf32>,
      %get3A_2486 = vector.shape_cast %get3A_2485 : vector<1x1x16xf32> to vector<16xf32>
      %mul3A_2487 = vector.broadcast %squeeze3A_2480 : f32 to vector<16xf32>
      %mul3A_2488 = arith.mulf %get3A_2486, %mul3A_2487 : vector<16xf32>
      %swap3A_2489 = arith.constant 25 : i32
      %swap3A_2490 = arith.index_cast %scan3A_21 : i32 to index
      %swap3A_2491 = arith.index_cast %swap3A_2489 : i32 to index
      %swap3A_2492 = arith.constant 0 : index
      %swap3A_2493 = tpu.vector_load %arg6[%swap3A_2490, %swap3A_2491, %swap3A_2492] {strides = array<i32>} : memref<20x32x64xf32, #tpu.memory_space<vmem>>, vector<1x1x16xf32>,
      %swap3A_2494 = vector.shape_cast %swap3A_2493 : vector<1x1x16xf32> to vector<16xf32>
      %swap3A_2495 = vector.shape_cast %mul3A_2488 : vector<16xf32> to vector<1x1x16xf32>
      tpu.vector_store %arg6[%swap3A_2490, %swap3A_2491, %swap3A_2492], %swap3A_2495 {strides = array<i32>} : memref<20x32x64xf32, #tpu.memory_space<vmem>>, vector<1x1x16xf32>,
      %get3A_2496 = arith.constant 25 : i32
      %get3A_2497 = arith.index_cast %scan3A_21 : i32 to index
      %get3A_2498 = arith.index_cast %get3A_2496 : i32 to index
      %get3A_2499 = arith.constant 16 : index
      %get3A_2500 = tpu.vector_load %arg6[%get3A_2497, %get3A_2498, %get3A_2499] {strides = array<i32>} : memref<20x32x64xf32, #tpu.memory_space<vmem>>, vector<1x1x16xf32>,
      %get3A_2501 = vector.shape_cast %get3A_2500 : vector<1x1x16xf32> to vector<16xf32>
      %mul3A_2502 = vector.broadcast %squeeze3A_2480 : f32 to vector<16xf32>
      %mul3A_2503 = arith.mulf %get3A_2501, %mul3A_2502 : vector<16xf32>
      %swap3A_2504 = arith.constant 25 : i32
      %swap3A_2505 = arith.index_cast %scan3A_21 : i32 to index
      %swap3A_2506 = arith.index_cast %swap3A_2504 : i32 to index
      %swap3A_2507 = arith.constant 16 : index
      %swap3A_2508 = tpu.vector_load %arg6[%swap3A_2505, %swap3A_2506, %swap3A_2507] {strides = array<i32>} : memref<20x32x64xf32, #tpu.memory_space<vmem>>, vector<1x1x16xf32>,
      %swap3A_2509 = vector.shape_cast %swap3A_2508 : vector<1x1x16xf32> to vector<16xf32>
      %swap3A_2510 = vector.shape_cast %mul3A_2503 : vector<16xf32> to vector<1x1x16xf32>
      tpu.vector_store %arg6[%swap3A_2505, %swap3A_2506, %swap3A_2507], %swap3A_2510 {strides = array<i32>} : memref<20x32x64xf32, #tpu.memory_space<vmem>>, vector<1x1x16xf32>,
      %get3A_2511 = arith.constant 25 : i32
      %get3A_2512 = arith.index_cast %scan3A_21 : i32 to index
      %get3A_2513 = arith.index_cast %get3A_2511 : i32 to index
      %get3A_2514 = arith.constant 32 : index
      %get3A_2515 = tpu.vector_load %arg6[%get3A_2512, %get3A_2513, %get3A_2514] {strides = array<i32>} : memref<20x32x64xf32, #tpu.memory_space<vmem>>, vector<1x1x16xf32>,
      %get3A_2516 = vector.shape_cast %get3A_2515 : vector<1x1x16xf32> to vector<16xf32>
      %mul3A_2517 = vector.broadcast %squeeze3A_2480 : f32 to vector<16xf32>
      %mul3A_2518 = arith.mulf %get3A_2516, %mul3A_2517 : vector<16xf32>
      %swap3A_2519 = arith.constant 25 : i32
      %swap3A_2520 = arith.index_cast %scan3A_21 : i32 to index
      %swap3A_2521 = arith.index_cast %swap3A_2519 : i32 to index
      %swap3A_2522 = arith.constant 32 : index
      %swap3A_2523 = tpu.vector_load %arg6[%swap3A_2520, %swap3A_2521, %swap3A_2522] {strides = array<i32>} : memref<20x32x64xf32, #tpu.memory_space<vmem>>, vector<1x1x16xf32>,
      %swap3A_2524 = vector.shape_cast %swap3A_2523 : vector<1x1x16xf32> to vector<16xf32>
      %swap3A_2525 = vector.shape_cast %mul3A_2518 : vector<16xf32> to vector<1x1x16xf32>
      tpu.vector_store %arg6[%swap3A_2520, %swap3A_2521, %swap3A_2522], %swap3A_2525 {strides = array<i32>} : memref<20x32x64xf32, #tpu.memory_space<vmem>>, vector<1x1x16xf32>,
      %get3A_2526 = arith.constant 25 : i32
      %get3A_2527 = arith.index_cast %scan3A_21 : i32 to index
      %get3A_2528 = arith.index_cast %get3A_2526 : i32 to index
      %get3A_2529 = arith.constant 48 : index
      %get3A_2530 = tpu.vector_load %arg6[%get3A_2527, %get3A_2528, %get3A_2529] {strides = array<i32>} : memref<20x32x64xf32, #tpu.memory_space<vmem>>, vector<1x1x16xf32>,
      %get3A_2531 = vector.shape_cast %get3A_2530 : vector<1x1x16xf32> to vector<16xf32>
      %mul3A_2532 = vector.broadcast %squeeze3A_2480 : f32 to vector<16xf32>
      %mul3A_2533 = arith.mulf %get3A_2531, %mul3A_2532 : vector<16xf32>
      %swap3A_2534 = arith.constant 25 : i32
      %swap3A_2535 = arith.index_cast %scan3A_21 : i32 to index
      %swap3A_2536 = arith.index_cast %swap3A_2534 : i32 to index
      %swap3A_2537 = arith.constant 48 : index
      %swap3A_2538 = tpu.vector_load %arg6[%swap3A_2535, %swap3A_2536, %swap3A_2537] {strides = array<i32>} : memref<20x32x64xf32, #tpu.memory_space<vmem>>, vector<1x1x16xf32>,
      %swap3A_2539 = vector.shape_cast %swap3A_2538 : vector<1x1x16xf32> to vector<16xf32>
      %swap3A_2540 = vector.shape_cast %mul3A_2533 : vector<16xf32> to vector<1x1x16xf32>
      tpu.vector_store %arg6[%swap3A_2535, %swap3A_2536, %swap3A_2537], %swap3A_2540 {strides = array<i32>} : memref<20x32x64xf32, #tpu.memory_space<vmem>>, vector<1x1x16xf32>,
      %slice3A_2541 = vector.extract_strided_slice %div3A_931 {offsets = [10], sizes = [1], strides = [1]} : vector<16xf32> to vector<1xf32>
      %squeeze3A_2542 = vector.extract %slice3A_2541[0] : f32 from vector<1xf32>
      %get3A_2543 = arith.constant 26 : i32
      %get3A_2544 = arith.index_cast %scan3A_21 : i32 to index
      %get3A_2545 = arith.index_cast %get3A_2543 : i32 to index
      %get3A_2546 = arith.constant 0 : index
      %get3A_2547 = tpu.vector_load %arg6[%get3A_2544, %get3A_2545, %get3A_2546] {strides = array<i32>} : memref<20x32x64xf32, #tpu.memory_space<vmem>>, vector<1x1x16xf32>,
      %get3A_2548 = vector.shape_cast %get3A_2547 : vector<1x1x16xf32> to vector<16xf32>
      %mul3A_2549 = vector.broadcast %squeeze3A_2542 : f32 to vector<16xf32>
      %mul3A_2550 = arith.mulf %get3A_2548, %mul3A_2549 : vector<16xf32>
      %swap3A_2551 = arith.constant 26 : i32
      %swap3A_2552 = arith.index_cast %scan3A_21 : i32 to index
      %swap3A_2553 = arith.index_cast %swap3A_2551 : i32 to index
      %swap3A_2554 = arith.constant 0 : index
      %swap3A_2555 = tpu.vector_load %arg6[%swap3A_2552, %swap3A_2553, %swap3A_2554] {strides = array<i32>} : memref<20x32x64xf32, #tpu.memory_space<vmem>>, vector<1x1x16xf32>,
      %swap3A_2556 = vector.shape_cast %swap3A_2555 : vector<1x1x16xf32> to vector<16xf32>
      %swap3A_2557 = vector.shape_cast %mul3A_2550 : vector<16xf32> to vector<1x1x16xf32>
      tpu.vector_store %arg6[%swap3A_2552, %swap3A_2553, %swap3A_2554], %swap3A_2557 {strides = array<i32>} : memref<20x32x64xf32, #tpu.memory_space<vmem>>, vector<1x1x16xf32>,
      %get3A_2558 = arith.constant 26 : i32
      %get3A_2559 = arith.index_cast %scan3A_21 : i32 to index
      %get3A_2560 = arith.index_cast %get3A_2558 : i32 to index
      %get3A_2561 = arith.constant 16 : index
      %get3A_2562 = tpu.vector_load %arg6[%get3A_2559, %get3A_2560, %get3A_2561] {strides = array<i32>} : memref<20x32x64xf32, #tpu.memory_space<vmem>>, vector<1x1x16xf32>,
      %get3A_2563 = vector.shape_cast %get3A_2562 : vector<1x1x16xf32> to vector<16xf32>
      %mul3A_2564 = vector.broadcast %squeeze3A_2542 : f32 to vector<16xf32>
      %mul3A_2565 = arith.mulf %get3A_2563, %mul3A_2564 : vector<16xf32>
      %swap3A_2566 = arith.constant 26 : i32
      %swap3A_2567 = arith.index_cast %scan3A_21 : i32 to index
      %swap3A_2568 = arith.index_cast %swap3A_2566 : i32 to index
      %swap3A_2569 = arith.constant 16 : index
      %swap3A_2570 = tpu.vector_load %arg6[%swap3A_2567, %swap3A_2568, %swap3A_2569] {strides = array<i32>} : memref<20x32x64xf32, #tpu.memory_space<vmem>>, vector<1x1x16xf32>,
      %swap3A_2571 = vector.shape_cast %swap3A_2570 : vector<1x1x16xf32> to vector<16xf32>
      %swap3A_2572 = vector.shape_cast %mul3A_2565 : vector<16xf32> to vector<1x1x16xf32>
      tpu.vector_store %arg6[%swap3A_2567, %swap3A_2568, %swap3A_2569], %swap3A_2572 {strides = array<i32>} : memref<20x32x64xf32, #tpu.memory_space<vmem>>, vector<1x1x16xf32>,
      %get3A_2573 = arith.constant 26 : i32
      %get3A_2574 = arith.index_cast %scan3A_21 : i32 to index
      %get3A_2575 = arith.index_cast %get3A_2573 : i32 to index
      %get3A_2576 = arith.constant 32 : index
      %get3A_2577 = tpu.vector_load %arg6[%get3A_2574, %get3A_2575, %get3A_2576] {strides = array<i32>} : memref<20x32x64xf32, #tpu.memory_space<vmem>>, vector<1x1x16xf32>,
      %get3A_2578 = vector.shape_cast %get3A_2577 : vector<1x1x16xf32> to vector<16xf32>
      %mul3A_2579 = vector.broadcast %squeeze3A_2542 : f32 to vector<16xf32>
      %mul3A_2580 = arith.mulf %get3A_2578, %mul3A_2579 : vector<16xf32>
      %swap3A_2581 = arith.constant 26 : i32
      %swap3A_2582 = arith.index_cast %scan3A_21 : i32 to index
      %swap3A_2583 = arith.index_cast %swap3A_2581 : i32 to index
      %swap3A_2584 = arith.constant 32 : index
      %swap3A_2585 = tpu.vector_load %arg6[%swap3A_2582, %swap3A_2583, %swap3A_2584] {strides = array<i32>} : memref<20x32x64xf32, #tpu.memory_space<vmem>>, vector<1x1x16xf32>,
      %swap3A_2586 = vector.shape_cast %swap3A_2585 : vector<1x1x16xf32> to vector<16xf32>
      %swap3A_2587 = vector.shape_cast %mul3A_2580 : vector<16xf32> to vector<1x1x16xf32>
      tpu.vector_store %arg6[%swap3A_2582, %swap3A_2583, %swap3A_2584], %swap3A_2587 {strides = array<i32>} : memref<20x32x64xf32, #tpu.memory_space<vmem>>, vector<1x1x16xf32>,
      %get3A_2588 = arith.constant 26 : i32
      %get3A_2589 = arith.index_cast %scan3A_21 : i32 to index
      %get3A_2590 = arith.index_cast %get3A_2588 : i32 to index
      %get3A_2591 = arith.constant 48 : index
      %get3A_2592 = tpu.vector_load %arg6[%get3A_2589, %get3A_2590, %get3A_2591] {strides = array<i32>} : memref<20x32x64xf32, #tpu.memory_space<vmem>>, vector<1x1x16xf32>,
      %get3A_2593 = vector.shape_cast %get3A_2592 : vector<1x1x16xf32> to vector<16xf32>
      %mul3A_2594 = vector.broadcast %squeeze3A_2542 : f32 to vector<16xf32>
      %mul3A_2595 = arith.mulf %get3A_2593, %mul3A_2594 : vector<16xf32>
      %swap3A_2596 = arith.constant 26 : i32
      %swap3A_2597 = arith.index_cast %scan3A_21 : i32 to index
      %swap3A_2598 = arith.index_cast %swap3A_2596 : i32 to index
      %swap3A_2599 = arith.constant 48 : index
      %swap3A_2600 = tpu.vector_load %arg6[%swap3A_2597, %swap3A_2598, %swap3A_2599] {strides = array<i32>} : memref<20x32x64xf32, #tpu.memory_space<vmem>>, vector<1x1x16xf32>,
      %swap3A_2601 = vector.shape_cast %swap3A_2600 : vector<1x1x16xf32> to vector<16xf32>
      %swap3A_2602 = vector.shape_cast %mul3A_2595 : vector<16xf32> to vector<1x1x16xf32>
      tpu.vector_store %arg6[%swap3A_2597, %swap3A_2598, %swap3A_2599], %swap3A_2602 {strides = array<i32>} : memref<20x32x64xf32, #tpu.memory_space<vmem>>, vector<1x1x16xf32>,
      %slice3A_2603 = vector.extract_strided_slice %div3A_931 {offsets = [11], sizes = [1], strides = [1]} : vector<16xf32> to vector<1xf32>
      %squeeze3A_2604 = vector.extract %slice3A_2603[0] : f32 from vector<1xf32>
      %get3A_2605 = arith.constant 27 : i32
      %get3A_2606 = arith.index_cast %scan3A_21 : i32 to index
      %get3A_2607 = arith.index_cast %get3A_2605 : i32 to index
      %get3A_2608 = arith.constant 0 : index
      %get3A_2609 = tpu.vector_load %arg6[%get3A_2606, %get3A_2607, %get3A_2608] {strides = array<i32>} : memref<20x32x64xf32, #tpu.memory_space<vmem>>, vector<1x1x16xf32>,
      %get3A_2610 = vector.shape_cast %get3A_2609 : vector<1x1x16xf32> to vector<16xf32>
      %mul3A_2611 = vector.broadcast %squeeze3A_2604 : f32 to vector<16xf32>
      %mul3A_2612 = arith.mulf %get3A_2610, %mul3A_2611 : vector<16xf32>
      %swap3A_2613 = arith.constant 27 : i32
      %swap3A_2614 = arith.index_cast %scan3A_21 : i32 to index
      %swap3A_2615 = arith.index_cast %swap3A_2613 : i32 to index
      %swap3A_2616 = arith.constant 0 : index
      %swap3A_2617 = tpu.vector_load %arg6[%swap3A_2614, %swap3A_2615, %swap3A_2616] {strides = array<i32>} : memref<20x32x64xf32, #tpu.memory_space<vmem>>, vector<1x1x16xf32>,
      %swap3A_2618 = vector.shape_cast %swap3A_2617 : vector<1x1x16xf32> to vector<16xf32>
      %swap3A_2619 = vector.shape_cast %mul3A_2612 : vector<16xf32> to vector<1x1x16xf32>
      tpu.vector_store %arg6[%swap3A_2614, %swap3A_2615, %swap3A_2616], %swap3A_2619 {strides = array<i32>} : memref<20x32x64xf32, #tpu.memory_space<vmem>>, vector<1x1x16xf32>,
      %get3A_2620 = arith.constant 27 : i32
      %get3A_2621 = arith.index_cast %scan3A_21 : i32 to index
      %get3A_2622 = arith.index_cast %get3A_2620 : i32 to index
      %get3A_2623 = arith.constant 16 : index
      %get3A_2624 = tpu.vector_load %arg6[%get3A_2621, %get3A_2622, %get3A_2623] {strides = array<i32>} : memref<20x32x64xf32, #tpu.memory_space<vmem>>, vector<1x1x16xf32>,
      %get3A_2625 = vector.shape_cast %get3A_2624 : vector<1x1x16xf32> to vector<16xf32>
      %mul3A_2626 = vector.broadcast %squeeze3A_2604 : f32 to vector<16xf32>
      %mul3A_2627 = arith.mulf %get3A_2625, %mul3A_2626 : vector<16xf32>
      %swap3A_2628 = arith.constant 27 : i32
      %swap3A_2629 = arith.index_cast %scan3A_21 : i32 to index
      %swap3A_2630 = arith.index_cast %swap3A_2628 : i32 to index
      %swap3A_2631 = arith.constant 16 : index
      %swap3A_2632 = tpu.vector_load %arg6[%swap3A_2629, %swap3A_2630, %swap3A_2631] {strides = array<i32>} : memref<20x32x64xf32, #tpu.memory_space<vmem>>, vector<1x1x16xf32>,
      %swap3A_2633 = vector.shape_cast %swap3A_2632 : vector<1x1x16xf32> to vector<16xf32>
      %swap3A_2634 = vector.shape_cast %mul3A_2627 : vector<16xf32> to vector<1x1x16xf32>
      tpu.vector_store %arg6[%swap3A_2629, %swap3A_2630, %swap3A_2631], %swap3A_2634 {strides = array<i32>} : memref<20x32x64xf32, #tpu.memory_space<vmem>>, vector<1x1x16xf32>,
      %get3A_2635 = arith.constant 27 : i32
      %get3A_2636 = arith.index_cast %scan3A_21 : i32 to index
      %get3A_2637 = arith.index_cast %get3A_2635 : i32 to index
      %get3A_2638 = arith.constant 32 : index
      %get3A_2639 = tpu.vector_load %arg6[%get3A_2636, %get3A_2637, %get3A_2638] {strides = array<i32>} : memref<20x32x64xf32, #tpu.memory_space<vmem>>, vector<1x1x16xf32>,
      %get3A_2640 = vector.shape_cast %get3A_2639 : vector<1x1x16xf32> to vector<16xf32>
      %mul3A_2641 = vector.broadcast %squeeze3A_2604 : f32 to vector<16xf32>
      %mul3A_2642 = arith.mulf %get3A_2640, %mul3A_2641 : vector<16xf32>
      %swap3A_2643 = arith.constant 27 : i32
      %swap3A_2644 = arith.index_cast %scan3A_21 : i32 to index
      %swap3A_2645 = arith.index_cast %swap3A_2643 : i32 to index
      %swap3A_2646 = arith.constant 32 : index
      %swap3A_2647 = tpu.vector_load %arg6[%swap3A_2644, %swap3A_2645, %swap3A_2646] {strides = array<i32>} : memref<20x32x64xf32, #tpu.memory_space<vmem>>, vector<1x1x16xf32>,
      %swap3A_2648 = vector.shape_cast %swap3A_2647 : vector<1x1x16xf32> to vector<16xf32>
      %swap3A_2649 = vector.shape_cast %mul3A_2642 : vector<16xf32> to vector<1x1x16xf32>
      tpu.vector_store %arg6[%swap3A_2644, %swap3A_2645, %swap3A_2646], %swap3A_2649 {strides = array<i32>} : memref<20x32x64xf32, #tpu.memory_space<vmem>>, vector<1x1x16xf32>,
      %get3A_2650 = arith.constant 27 : i32
      %get3A_2651 = arith.index_cast %scan3A_21 : i32 to index
      %get3A_2652 = arith.index_cast %get3A_2650 : i32 to index
      %get3A_2653 = arith.constant 48 : index
      %get3A_2654 = tpu.vector_load %arg6[%get3A_2651, %get3A_2652, %get3A_2653] {strides = array<i32>} : memref<20x32x64xf32, #tpu.memory_space<vmem>>, vector<1x1x16xf32>,
      %get3A_2655 = vector.shape_cast %get3A_2654 : vector<1x1x16xf32> to vector<16xf32>
      %mul3A_2656 = vector.broadcast %squeeze3A_2604 : f32 to vector<16xf32>
      %mul3A_2657 = arith.mulf %get3A_2655, %mul3A_2656 : vector<16xf32>
      %swap3A_2658 = arith.constant 27 : i32
      %swap3A_2659 = arith.index_cast %scan3A_21 : i32 to index
      %swap3A_2660 = arith.index_cast %swap3A_2658 : i32 to index
      %swap3A_2661 = arith.constant 48 : index
      %swap3A_2662 = tpu.vector_load %arg6[%swap3A_2659, %swap3A_2660, %swap3A_2661] {strides = array<i32>} : memref<20x32x64xf32, #tpu.memory_space<vmem>>, vector<1x1x16xf32>,
      %swap3A_2663 = vector.shape_cast %swap3A_2662 : vector<1x1x16xf32> to vector<16xf32>
      %swap3A_2664 = vector.shape_cast %mul3A_2657 : vector<16xf32> to vector<1x1x16xf32>
      tpu.vector_store %arg6[%swap3A_2659, %swap3A_2660, %swap3A_2661], %swap3A_2664 {strides = array<i32>} : memref<20x32x64xf32, #tpu.memory_space<vmem>>, vector<1x1x16xf32>,
      %slice3A_2665 = vector.extract_strided_slice %div3A_931 {offsets = [12], sizes = [1], strides = [1]} : vector<16xf32> to vector<1xf32>
      %squeeze3A_2666 = vector.extract %slice3A_2665[0] : f32 from vector<1xf32>
      %get3A_2667 = arith.constant 28 : i32
      %get3A_2668 = arith.index_cast %scan3A_21 : i32 to index
      %get3A_2669 = arith.index_cast %get3A_2667 : i32 to index
      %get3A_2670 = arith.constant 0 : index
      %get3A_2671 = tpu.vector_load %arg6[%get3A_2668, %get3A_2669, %get3A_2670] {strides = array<i32>} : memref<20x32x64xf32, #tpu.memory_space<vmem>>, vector<1x1x16xf32>,
      %get3A_2672 = vector.shape_cast %get3A_2671 : vector<1x1x16xf32> to vector<16xf32>
      %mul3A_2673 = vector.broadcast %squeeze3A_2666 : f32 to vector<16xf32>
      %mul3A_2674 = arith.mulf %get3A_2672, %mul3A_2673 : vector<16xf32>
      %swap3A_2675 = arith.constant 28 : i32
      %swap3A_2676 = arith.index_cast %scan3A_21 : i32 to index
      %swap3A_2677 = arith.index_cast %swap3A_2675 : i32 to index
      %swap3A_2678 = arith.constant 0 : index
      %swap3A_2679 = tpu.vector_load %arg6[%swap3A_2676, %swap3A_2677, %swap3A_2678] {strides = array<i32>} : memref<20x32x64xf32, #tpu.memory_space<vmem>>, vector<1x1x16xf32>,
      %swap3A_2680 = vector.shape_cast %swap3A_2679 : vector<1x1x16xf32> to vector<16xf32>
      %swap3A_2681 = vector.shape_cast %mul3A_2674 : vector<16xf32> to vector<1x1x16xf32>
      tpu.vector_store %arg6[%swap3A_2676, %swap3A_2677, %swap3A_2678], %swap3A_2681 {strides = array<i32>} : memref<20x32x64xf32, #tpu.memory_space<vmem>>, vector<1x1x16xf32>,
      %get3A_2682 = arith.constant 28 : i32
      %get3A_2683 = arith.index_cast %scan3A_21 : i32 to index
      %get3A_2684 = arith.index_cast %get3A_2682 : i32 to index
      %get3A_2685 = arith.constant 16 : index
      %get3A_2686 = tpu.vector_load %arg6[%get3A_2683, %get3A_2684, %get3A_2685] {strides = array<i32>} : memref<20x32x64xf32, #tpu.memory_space<vmem>>, vector<1x1x16xf32>,
      %get3A_2687 = vector.shape_cast %get3A_2686 : vector<1x1x16xf32> to vector<16xf32>
      %mul3A_2688 = vector.broadcast %squeeze3A_2666 : f32 to vector<16xf32>
      %mul3A_2689 = arith.mulf %get3A_2687, %mul3A_2688 : vector<16xf32>
      %swap3A_2690 = arith.constant 28 : i32
      %swap3A_2691 = arith.index_cast %scan3A_21 : i32 to index
      %swap3A_2692 = arith.index_cast %swap3A_2690 : i32 to index
      %swap3A_2693 = arith.constant 16 : index
      %swap3A_2694 = tpu.vector_load %arg6[%swap3A_2691, %swap3A_2692, %swap3A_2693] {strides = array<i32>} : memref<20x32x64xf32, #tpu.memory_space<vmem>>, vector<1x1x16xf32>,
      %swap3A_2695 = vector.shape_cast %swap3A_2694 : vector<1x1x16xf32> to vector<16xf32>
      %swap3A_2696 = vector.shape_cast %mul3A_2689 : vector<16xf32> to vector<1x1x16xf32>
      tpu.vector_store %arg6[%swap3A_2691, %swap3A_2692, %swap3A_2693], %swap3A_2696 {strides = array<i32>} : memref<20x32x64xf32, #tpu.memory_space<vmem>>, vector<1x1x16xf32>,
      %get3A_2697 = arith.constant 28 : i32
      %get3A_2698 = arith.index_cast %scan3A_21 : i32 to index
      %get3A_2699 = arith.index_cast %get3A_2697 : i32 to index
      %get3A_2700 = arith.constant 32 : index
      %get3A_2701 = tpu.vector_load %arg6[%get3A_2698, %get3A_2699, %get3A_2700] {strides = array<i32>} : memref<20x32x64xf32, #tpu.memory_space<vmem>>, vector<1x1x16xf32>,
      %get3A_2702 = vector.shape_cast %get3A_2701 : vector<1x1x16xf32> to vector<16xf32>
      %mul3A_2703 = vector.broadcast %squeeze3A_2666 : f32 to vector<16xf32>
      %mul3A_2704 = arith.mulf %get3A_2702, %mul3A_2703 : vector<16xf32>
      %swap3A_2705 = arith.constant 28 : i32
      %swap3A_2706 = arith.index_cast %scan3A_21 : i32 to index
      %swap3A_2707 = arith.index_cast %swap3A_2705 : i32 to index
      %swap3A_2708 = arith.constant 32 : index
      %swap3A_2709 = tpu.vector_load %arg6[%swap3A_2706, %swap3A_2707, %swap3A_2708] {strides = array<i32>} : memref<20x32x64xf32, #tpu.memory_space<vmem>>, vector<1x1x16xf32>,
      %swap3A_2710 = vector.shape_cast %swap3A_2709 : vector<1x1x16xf32> to vector<16xf32>
      %swap3A_2711 = vector.shape_cast %mul3A_2704 : vector<16xf32> to vector<1x1x16xf32>
      tpu.vector_store %arg6[%swap3A_2706, %swap3A_2707, %swap3A_2708], %swap3A_2711 {strides = array<i32>} : memref<20x32x64xf32, #tpu.memory_space<vmem>>, vector<1x1x16xf32>,
      %get3A_2712 = arith.constant 28 : i32
      %get3A_2713 = arith.index_cast %scan3A_21 : i32 to index
      %get3A_2714 = arith.index_cast %get3A_2712 : i32 to index
      %get3A_2715 = arith.constant 48 : index
      %get3A_2716 = tpu.vector_load %arg6[%get3A_2713, %get3A_2714, %get3A_2715] {strides = array<i32>} : memref<20x32x64xf32, #tpu.memory_space<vmem>>, vector<1x1x16xf32>,
      %get3A_2717 = vector.shape_cast %get3A_2716 : vector<1x1x16xf32> to vector<16xf32>
      %mul3A_2718 = vector.broadcast %squeeze3A_2666 : f32 to vector<16xf32>
      %mul3A_2719 = arith.mulf %get3A_2717, %mul3A_2718 : vector<16xf32>
      %swap3A_2720 = arith.constant 28 : i32
      %swap3A_2721 = arith.index_cast %scan3A_21 : i32 to index
      %swap3A_2722 = arith.index_cast %swap3A_2720 : i32 to index
      %swap3A_2723 = arith.constant 48 : index
      %swap3A_2724 = tpu.vector_load %arg6[%swap3A_2721, %swap3A_2722, %swap3A_2723] {strides = array<i32>} : memref<20x32x64xf32, #tpu.memory_space<vmem>>, vector<1x1x16xf32>,
      %swap3A_2725 = vector.shape_cast %swap3A_2724 : vector<1x1x16xf32> to vector<16xf32>
      %swap3A_2726 = vector.shape_cast %mul3A_2719 : vector<16xf32> to vector<1x1x16xf32>
      tpu.vector_store %arg6[%swap3A_2721, %swap3A_2722, %swap3A_2723], %swap3A_2726 {strides = array<i32>} : memref<20x32x64xf32, #tpu.memory_space<vmem>>, vector<1x1x16xf32>,
      %slice3A_2727 = vector.extract_strided_slice %div3A_931 {offsets = [13], sizes = [1], strides = [1]} : vector<16xf32> to vector<1xf32>
      %squeeze3A_2728 = vector.extract %slice3A_2727[0] : f32 from vector<1xf32>
      %get3A_2729 = arith.constant 29 : i32
      %get3A_2730 = arith.index_cast %scan3A_21 : i32 to index
      %get3A_2731 = arith.index_cast %get3A_2729 : i32 to index
      %get3A_2732 = arith.constant 0 : index
      %get3A_2733 = tpu.vector_load %arg6[%get3A_2730, %get3A_2731, %get3A_2732] {strides = array<i32>} : memref<20x32x64xf32, #tpu.memory_space<vmem>>, vector<1x1x16xf32>,
      %get3A_2734 = vector.shape_cast %get3A_2733 : vector<1x1x16xf32> to vector<16xf32>
      %mul3A_2735 = vector.broadcast %squeeze3A_2728 : f32 to vector<16xf32>
      %mul3A_2736 = arith.mulf %get3A_2734, %mul3A_2735 : vector<16xf32>
      %swap3A_2737 = arith.constant 29 : i32
      %swap3A_2738 = arith.index_cast %scan3A_21 : i32 to index
      %swap3A_2739 = arith.index_cast %swap3A_2737 : i32 to index
      %swap3A_2740 = arith.constant 0 : index
      %swap3A_2741 = tpu.vector_load %arg6[%swap3A_2738, %swap3A_2739, %swap3A_2740] {strides = array<i32>} : memref<20x32x64xf32, #tpu.memory_space<vmem>>, vector<1x1x16xf32>,
      %swap3A_2742 = vector.shape_cast %swap3A_2741 : vector<1x1x16xf32> to vector<16xf32>
      %swap3A_2743 = vector.shape_cast %mul3A_2736 : vector<16xf32> to vector<1x1x16xf32>
      tpu.vector_store %arg6[%swap3A_2738, %swap3A_2739, %swap3A_2740], %swap3A_2743 {strides = array<i32>} : memref<20x32x64xf32, #tpu.memory_space<vmem>>, vector<1x1x16xf32>,
      %get3A_2744 = arith.constant 29 : i32
      %get3A_2745 = arith.index_cast %scan3A_21 : i32 to index
      %get3A_2746 = arith.index_cast %get3A_2744 : i32 to index
      %get3A_2747 = arith.constant 16 : index
      %get3A_2748 = tpu.vector_load %arg6[%get3A_2745, %get3A_2746, %get3A_2747] {strides = array<i32>} : memref<20x32x64xf32, #tpu.memory_space<vmem>>, vector<1x1x16xf32>,
      %get3A_2749 = vector.shape_cast %get3A_2748 : vector<1x1x16xf32> to vector<16xf32>
      %mul3A_2750 = vector.broadcast %squeeze3A_2728 : f32 to vector<16xf32>
      %mul3A_2751 = arith.mulf %get3A_2749, %mul3A_2750 : vector<16xf32>
      %swap3A_2752 = arith.constant 29 : i32
      %swap3A_2753 = arith.index_cast %scan3A_21 : i32 to index
      %swap3A_2754 = arith.index_cast %swap3A_2752 : i32 to index
      %swap3A_2755 = arith.constant 16 : index
      %swap3A_2756 = tpu.vector_load %arg6[%swap3A_2753, %swap3A_2754, %swap3A_2755] {strides = array<i32>} : memref<20x32x64xf32, #tpu.memory_space<vmem>>, vector<1x1x16xf32>,
      %swap3A_2757 = vector.shape_cast %swap3A_2756 : vector<1x1x16xf32> to vector<16xf32>
      %swap3A_2758 = vector.shape_cast %mul3A_2751 : vector<16xf32> to vector<1x1x16xf32>
      tpu.vector_store %arg6[%swap3A_2753, %swap3A_2754, %swap3A_2755], %swap3A_2758 {strides = array<i32>} : memref<20x32x64xf32, #tpu.memory_space<vmem>>, vector<1x1x16xf32>,
      %get3A_2759 = arith.constant 29 : i32
      %get3A_2760 = arith.index_cast %scan3A_21 : i32 to index
      %get3A_2761 = arith.index_cast %get3A_2759 : i32 to index
      %get3A_2762 = arith.constant 32 : index
      %get3A_2763 = tpu.vector_load %arg6[%get3A_2760, %get3A_2761, %get3A_2762] {strides = array<i32>} : memref<20x32x64xf32, #tpu.memory_space<vmem>>, vector<1x1x16xf32>,
      %get3A_2764 = vector.shape_cast %get3A_2763 : vector<1x1x16xf32> to vector<16xf32>
      %mul3A_2765 = vector.broadcast %squeeze3A_2728 : f32 to vector<16xf32>
      %mul3A_2766 = arith.mulf %get3A_2764, %mul3A_2765 : vector<16xf32>
      %swap3A_2767 = arith.constant 29 : i32
      %swap3A_2768 = arith.index_cast %scan3A_21 : i32 to index
      %swap3A_2769 = arith.index_cast %swap3A_2767 : i32 to index
      %swap3A_2770 = arith.constant 32 : index
      %swap3A_2771 = tpu.vector_load %arg6[%swap3A_2768, %swap3A_2769, %swap3A_2770] {strides = array<i32>} : memref<20x32x64xf32, #tpu.memory_space<vmem>>, vector<1x1x16xf32>,
      %swap3A_2772 = vector.shape_cast %swap3A_2771 : vector<1x1x16xf32> to vector<16xf32>
      %swap3A_2773 = vector.shape_cast %mul3A_2766 : vector<16xf32> to vector<1x1x16xf32>
      tpu.vector_store %arg6[%swap3A_2768, %swap3A_2769, %swap3A_2770], %swap3A_2773 {strides = array<i32>} : memref<20x32x64xf32, #tpu.memory_space<vmem>>, vector<1x1x16xf32>,
      %get3A_2774 = arith.constant 29 : i32
      %get3A_2775 = arith.index_cast %scan3A_21 : i32 to index
      %get3A_2776 = arith.index_cast %get3A_2774 : i32 to index
      %get3A_2777 = arith.constant 48 : index
      %get3A_2778 = tpu.vector_load %arg6[%get3A_2775, %get3A_2776, %get3A_2777] {strides = array<i32>} : memref<20x32x64xf32, #tpu.memory_space<vmem>>, vector<1x1x16xf32>,
      %get3A_2779 = vector.shape_cast %get3A_2778 : vector<1x1x16xf32> to vector<16xf32>
      %mul3A_2780 = vector.broadcast %squeeze3A_2728 : f32 to vector<16xf32>
      %mul3A_2781 = arith.mulf %get3A_2779, %mul3A_2780 : vector<16xf32>
      %swap3A_2782 = arith.constant 29 : i32
      %swap3A_2783 = arith.index_cast %scan3A_21 : i32 to index
      %swap3A_2784 = arith.index_cast %swap3A_2782 : i32 to index
      %swap3A_2785 = arith.constant 48 : index
      %swap3A_2786 = tpu.vector_load %arg6[%swap3A_2783, %swap3A_2784, %swap3A_2785] {strides = array<i32>} : memref<20x32x64xf32, #tpu.memory_space<vmem>>, vector<1x1x16xf32>,
      %swap3A_2787 = vector.shape_cast %swap3A_2786 : vector<1x1x16xf32> to vector<16xf32>
      %swap3A_2788 = vector.shape_cast %mul3A_2781 : vector<16xf32> to vector<1x1x16xf32>
      tpu.vector_store %arg6[%swap3A_2783, %swap3A_2784, %swap3A_2785], %swap3A_2788 {strides = array<i32>} : memref<20x32x64xf32, #tpu.memory_space<vmem>>, vector<1x1x16xf32>,
      %slice3A_2789 = vector.extract_strided_slice %div3A_931 {offsets = [14], sizes = [1], strides = [1]} : vector<16xf32> to vector<1xf32>
      %squeeze3A_2790 = vector.extract %slice3A_2789[0] : f32 from vector<1xf32>
      %get3A_2791 = arith.constant 30 : i32
      %get3A_2792 = arith.index_cast %scan3A_21 : i32 to index
      %get3A_2793 = arith.index_cast %get3A_2791 : i32 to index
      %get3A_2794 = arith.constant 0 : index
      %get3A_2795 = tpu.vector_load %arg6[%get3A_2792, %get3A_2793, %get3A_2794] {strides = array<i32>} : memref<20x32x64xf32, #tpu.memory_space<vmem>>, vector<1x1x16xf32>,
      %get3A_2796 = vector.shape_cast %get3A_2795 : vector<1x1x16xf32> to vector<16xf32>
      %mul3A_2797 = vector.broadcast %squeeze3A_2790 : f32 to vector<16xf32>
      %mul3A_2798 = arith.mulf %get3A_2796, %mul3A_2797 : vector<16xf32>
      %swap3A_2799 = arith.constant 30 : i32
      %swap3A_2800 = arith.index_cast %scan3A_21 : i32 to index
      %swap3A_2801 = arith.index_cast %swap3A_2799 : i32 to index
      %swap3A_2802 = arith.constant 0 : index
      %swap3A_2803 = tpu.vector_load %arg6[%swap3A_2800, %swap3A_2801, %swap3A_2802] {strides = array<i32>} : memref<20x32x64xf32, #tpu.memory_space<vmem>>, vector<1x1x16xf32>,
      %swap3A_2804 = vector.shape_cast %swap3A_2803 : vector<1x1x16xf32> to vector<16xf32>
      %swap3A_2805 = vector.shape_cast %mul3A_2798 : vector<16xf32> to vector<1x1x16xf32>
      tpu.vector_store %arg6[%swap3A_2800, %swap3A_2801, %swap3A_2802], %swap3A_2805 {strides = array<i32>} : memref<20x32x64xf32, #tpu.memory_space<vmem>>, vector<1x1x16xf32>,
      %get3A_2806 = arith.constant 30 : i32
      %get3A_2807 = arith.index_cast %scan3A_21 : i32 to index
      %get3A_2808 = arith.index_cast %get3A_2806 : i32 to index
      %get3A_2809 = arith.constant 16 : index
      %get3A_2810 = tpu.vector_load %arg6[%get3A_2807, %get3A_2808, %get3A_2809] {strides = array<i32>} : memref<20x32x64xf32, #tpu.memory_space<vmem>>, vector<1x1x16xf32>,
      %get3A_2811 = vector.shape_cast %get3A_2810 : vector<1x1x16xf32> to vector<16xf32>
      %mul3A_2812 = vector.broadcast %squeeze3A_2790 : f32 to vector<16xf32>
      %mul3A_2813 = arith.mulf %get3A_2811, %mul3A_2812 : vector<16xf32>
      %swap3A_2814 = arith.constant 30 : i32
      %swap3A_2815 = arith.index_cast %scan3A_21 : i32 to index
      %swap3A_2816 = arith.index_cast %swap3A_2814 : i32 to index
      %swap3A_2817 = arith.constant 16 : index
      %swap3A_2818 = tpu.vector_load %arg6[%swap3A_2815, %swap3A_2816, %swap3A_2817] {strides = array<i32>} : memref<20x32x64xf32, #tpu.memory_space<vmem>>, vector<1x1x16xf32>,
      %swap3A_2819 = vector.shape_cast %swap3A_2818 : vector<1x1x16xf32> to vector<16xf32>
      %swap3A_2820 = vector.shape_cast %mul3A_2813 : vector<16xf32> to vector<1x1x16xf32>
      tpu.vector_store %arg6[%swap3A_2815, %swap3A_2816, %swap3A_2817], %swap3A_2820 {strides = array<i32>} : memref<20x32x64xf32, #tpu.memory_space<vmem>>, vector<1x1x16xf32>,
      %get3A_2821 = arith.constant 30 : i32
      %get3A_2822 = arith.index_cast %scan3A_21 : i32 to index
      %get3A_2823 = arith.index_cast %get3A_2821 : i32 to index
      %get3A_2824 = arith.constant 32 : index
      %get3A_2825 = tpu.vector_load %arg6[%get3A_2822, %get3A_2823, %get3A_2824] {strides = array<i32>} : memref<20x32x64xf32, #tpu.memory_space<vmem>>, vector<1x1x16xf32>,
      %get3A_2826 = vector.shape_cast %get3A_2825 : vector<1x1x16xf32> to vector<16xf32>
      %mul3A_2827 = vector.broadcast %squeeze3A_2790 : f32 to vector<16xf32>
      %mul3A_2828 = arith.mulf %get3A_2826, %mul3A_2827 : vector<16xf32>
      %swap3A_2829 = arith.constant 30 : i32
      %swap3A_2830 = arith.index_cast %scan3A_21 : i32 to index
      %swap3A_2831 = arith.index_cast %swap3A_2829 : i32 to index
      %swap3A_2832 = arith.constant 32 : index
      %swap3A_2833 = tpu.vector_load %arg6[%swap3A_2830, %swap3A_2831, %swap3A_2832] {strides = array<i32>} : memref<20x32x64xf32, #tpu.memory_space<vmem>>, vector<1x1x16xf32>,
      %swap3A_2834 = vector.shape_cast %swap3A_2833 : vector<1x1x16xf32> to vector<16xf32>
      %swap3A_2835 = vector.shape_cast %mul3A_2828 : vector<16xf32> to vector<1x1x16xf32>
      tpu.vector_store %arg6[%swap3A_2830, %swap3A_2831, %swap3A_2832], %swap3A_2835 {strides = array<i32>} : memref<20x32x64xf32, #tpu.memory_space<vmem>>, vector<1x1x16xf32>,
      %get3A_2836 = arith.constant 30 : i32
      %get3A_2837 = arith.index_cast %scan3A_21 : i32 to index
      %get3A_2838 = arith.index_cast %get3A_2836 : i32 to index
      %get3A_2839 = arith.constant 48 : index
      %get3A_2840 = tpu.vector_load %arg6[%get3A_2837, %get3A_2838, %get3A_2839] {strides = array<i32>} : memref<20x32x64xf32, #tpu.memory_space<vmem>>, vector<1x1x16xf32>,
      %get3A_2841 = vector.shape_cast %get3A_2840 : vector<1x1x16xf32> to vector<16xf32>
      %mul3A_2842 = vector.broadcast %squeeze3A_2790 : f32 to vector<16xf32>
      %mul3A_2843 = arith.mulf %get3A_2841, %mul3A_2842 : vector<16xf32>
      %swap3A_2844 = arith.constant 30 : i32
      %swap3A_2845 = arith.index_cast %scan3A_21 : i32 to index
      %swap3A_2846 = arith.index_cast %swap3A_2844 : i32 to index
      %swap3A_2847 = arith.constant 48 : index
      %swap3A_2848 = tpu.vector_load %arg6[%swap3A_2845, %swap3A_2846, %swap3A_2847] {strides = array<i32>} : memref<20x32x64xf32, #tpu.memory_space<vmem>>, vector<1x1x16xf32>,
      %swap3A_2849 = vector.shape_cast %swap3A_2848 : vector<1x1x16xf32> to vector<16xf32>
      %swap3A_2850 = vector.shape_cast %mul3A_2843 : vector<16xf32> to vector<1x1x16xf32>
      tpu.vector_store %arg6[%swap3A_2845, %swap3A_2846, %swap3A_2847], %swap3A_2850 {strides = array<i32>} : memref<20x32x64xf32, #tpu.memory_space<vmem>>, vector<1x1x16xf32>,
      %slice3A_2851 = vector.extract_strided_slice %div3A_931 {offsets = [15], sizes = [1], strides = [1]} : vector<16xf32> to vector<1xf32>
      %squeeze3A_2852 = vector.extract %slice3A_2851[0] : f32 from vector<1xf32>
      %get3A_2853 = arith.constant 31 : i32
      %get3A_2854 = arith.index_cast %scan3A_21 : i32 to index
      %get3A_2855 = arith.index_cast %get3A_2853 : i32 to index
      %get3A_2856 = arith.constant 0 : index
      %get3A_2857 = tpu.vector_load %arg6[%get3A_2854, %get3A_2855, %get3A_2856] {strides = array<i32>} : memref<20x32x64xf32, #tpu.memory_space<vmem>>, vector<1x1x16xf32>,
      %get3A_2858 = vector.shape_cast %get3A_2857 : vector<1x1x16xf32> to vector<16xf32>
      %mul3A_2859 = vector.broadcast %squeeze3A_2852 : f32 to vector<16xf32>
      %mul3A_2860 = arith.mulf %get3A_2858, %mul3A_2859 : vector<16xf32>
      %swap3A_2861 = arith.constant 31 : i32
      %swap3A_2862 = arith.index_cast %scan3A_21 : i32 to index
      %swap3A_2863 = arith.index_cast %swap3A_2861 : i32 to index
      %swap3A_2864 = arith.constant 0 : index
      %swap3A_2865 = tpu.vector_load %arg6[%swap3A_2862, %swap3A_2863, %swap3A_2864] {strides = array<i32>} : memref<20x32x64xf32, #tpu.memory_space<vmem>>, vector<1x1x16xf32>,
      %swap3A_2866 = vector.shape_cast %swap3A_2865 : vector<1x1x16xf32> to vector<16xf32>
      %swap3A_2867 = vector.shape_cast %mul3A_2860 : vector<16xf32> to vector<1x1x16xf32>
      tpu.vector_store %arg6[%swap3A_2862, %swap3A_2863, %swap3A_2864], %swap3A_2867 {strides = array<i32>} : memref<20x32x64xf32, #tpu.memory_space<vmem>>, vector<1x1x16xf32>,
      %get3A_2868 = arith.constant 31 : i32
      %get3A_2869 = arith.index_cast %scan3A_21 : i32 to index
      %get3A_2870 = arith.index_cast %get3A_2868 : i32 to index
      %get3A_2871 = arith.constant 16 : index
      %get3A_2872 = tpu.vector_load %arg6[%get3A_2869, %get3A_2870, %get3A_2871] {strides = array<i32>} : memref<20x32x64xf32, #tpu.memory_space<vmem>>, vector<1x1x16xf32>,
      %get3A_2873 = vector.shape_cast %get3A_2872 : vector<1x1x16xf32> to vector<16xf32>
      %mul3A_2874 = vector.broadcast %squeeze3A_2852 : f32 to vector<16xf32>
      %mul3A_2875 = arith.mulf %get3A_2873, %mul3A_2874 : vector<16xf32>
      %swap3A_2876 = arith.constant 31 : i32
      %swap3A_2877 = arith.index_cast %scan3A_21 : i32 to index
      %swap3A_2878 = arith.index_cast %swap3A_2876 : i32 to index
      %swap3A_2879 = arith.constant 16 : index
      %swap3A_2880 = tpu.vector_load %arg6[%swap3A_2877, %swap3A_2878, %swap3A_2879] {strides = array<i32>} : memref<20x32x64xf32, #tpu.memory_space<vmem>>, vector<1x1x16xf32>,
      %swap3A_2881 = vector.shape_cast %swap3A_2880 : vector<1x1x16xf32> to vector<16xf32>
      %swap3A_2882 = vector.shape_cast %mul3A_2875 : vector<16xf32> to vector<1x1x16xf32>
      tpu.vector_store %arg6[%swap3A_2877, %swap3A_2878, %swap3A_2879], %swap3A_2882 {strides = array<i32>} : memref<20x32x64xf32, #tpu.memory_space<vmem>>, vector<1x1x16xf32>,
      %get3A_2883 = arith.constant 31 : i32
      %get3A_2884 = arith.index_cast %scan3A_21 : i32 to index
      %get3A_2885 = arith.index_cast %get3A_2883 : i32 to index
      %get3A_2886 = arith.constant 32 : index
      %get3A_2887 = tpu.vector_load %arg6[%get3A_2884, %get3A_2885, %get3A_2886] {strides = array<i32>} : memref<20x32x64xf32, #tpu.memory_space<vmem>>, vector<1x1x16xf32>,
      %get3A_2888 = vector.shape_cast %get3A_2887 : vector<1x1x16xf32> to vector<16xf32>
      %mul3A_2889 = vector.broadcast %squeeze3A_2852 : f32 to vector<16xf32>
      %mul3A_2890 = arith.mulf %get3A_2888, %mul3A_2889 : vector<16xf32>
      %swap3A_2891 = arith.constant 31 : i32
      %swap3A_2892 = arith.index_cast %scan3A_21 : i32 to index
      %swap3A_2893 = arith.index_cast %swap3A_2891 : i32 to index
      %swap3A_2894 = arith.constant 32 : index
      %swap3A_2895 = tpu.vector_load %arg6[%swap3A_2892, %swap3A_2893, %swap3A_2894] {strides = array<i32>} : memref<20x32x64xf32, #tpu.memory_space<vmem>>, vector<1x1x16xf32>,
      %swap3A_2896 = vector.shape_cast %swap3A_2895 : vector<1x1x16xf32> to vector<16xf32>
      %swap3A_2897 = vector.shape_cast %mul3A_2890 : vector<16xf32> to vector<1x1x16xf32>
      tpu.vector_store %arg6[%swap3A_2892, %swap3A_2893, %swap3A_2894], %swap3A_2897 {strides = array<i32>} : memref<20x32x64xf32, #tpu.memory_space<vmem>>, vector<1x1x16xf32>,
      %get3A_2898 = arith.constant 31 : i32
      %get3A_2899 = arith.index_cast %scan3A_21 : i32 to index
      %get3A_2900 = arith.index_cast %get3A_2898 : i32 to index
      %get3A_2901 = arith.constant 48 : index
      %get3A_2902 = tpu.vector_load %arg6[%get3A_2899, %get3A_2900, %get3A_2901] {strides = array<i32>} : memref<20x32x64xf32, #tpu.memory_space<vmem>>, vector<1x1x16xf32>,
      %get3A_2903 = vector.shape_cast %get3A_2902 : vector<1x1x16xf32> to vector<16xf32>
      %mul3A_2904 = vector.broadcast %squeeze3A_2852 : f32 to vector<16xf32>
      %mul3A_2905 = arith.mulf %get3A_2903, %mul3A_2904 : vector<16xf32>
      %swap3A_2906 = arith.constant 31 : i32
      %swap3A_2907 = arith.index_cast %scan3A_21 : i32 to index
      %swap3A_2908 = arith.index_cast %swap3A_2906 : i32 to index
      %swap3A_2909 = arith.constant 48 : index
      %swap3A_2910 = tpu.vector_load %arg6[%swap3A_2907, %swap3A_2908, %swap3A_2909] {strides = array<i32>} : memref<20x32x64xf32, #tpu.memory_space<vmem>>, vector<1x1x16xf32>,
      %swap3A_2911 = vector.shape_cast %swap3A_2910 : vector<1x1x16xf32> to vector<16xf32>
      %swap3A_2912 = vector.shape_cast %mul3A_2905 : vector<16xf32> to vector<1x1x16xf32>
      tpu.vector_store %arg6[%swap3A_2907, %swap3A_2908, %swap3A_2909], %swap3A_2912 {strides = array<i32>} : memref<20x32x64xf32, #tpu.memory_space<vmem>>, vector<1x1x16xf32>,
      %dma_start3A = arith.constant 0 : i32
      %dma_start3A_2913 = arith.constant 0 : i32
      %dma_start3A_2914 = tpu.memref_slice %arg6[%scan3A_21, %dma_start3A, %dma_start3A_2913] : memref<20x32x64xf32, #tpu.memory_space<vmem>> -> memref<1x32x64xf32, #tpu.memory_space<vmem>>
      %dma_start3A_2915 = tpu.memref_squeeze %dma_start3A_2914 : memref<1x32x64xf32, #tpu.memory_space<vmem>> -> memref<32x64xf32, #tpu.memory_space<vmem>>
      %dma_start3A_2916 = arith.constant 0 : i32
      %dma_start3A_2917 = arith.constant 0 : i32
      %dma_start3A_2918 = tpu.memref_slice %arg4[%add3A, %dma_start3A_2916, %scan3A_21, %dma_start3A_2917] : memref<32x32x20x64xf32, #tpu.memory_space<hbm>> -> memref<1x32x1x64xf32, #tpu.memory_space<hbm>>
      %dma_start3A_2919 = tpu.memref_squeeze %dma_start3A_2918 : memref<1x32x1x64xf32, #tpu.memory_space<hbm>> -> memref<32x64xf32, #tpu.memory_space<hbm>>
      %dma_start3A_2920 = arith.constant 0 : i32
      %dma_start3A_2921 = arith.constant 0 : i32
      %dma_start3A_2922 = tpu.memref_slice %arg4[%add3A, %dma_start3A_2920, %scan3A_21, %dma_start3A_2921] : memref<32x32x20x64xf32, #tpu.memory_space<hbm>> -> memref<1x32x1x64xf32, #tpu.memory_space<hbm>>
      %dma_start3A_2923 = tpu.memref_squeeze %dma_start3A_2922 : memref<1x32x1x64xf32, #tpu.memory_space<hbm>> -> memref<32x64xf32, #tpu.memory_space<hbm>>
      %dma_start3A_2924 = arith.constant 0 : i32
      %dma_start3A_2925 = arith.constant 0 : i32
      %dma_start3A_2926 = tpu.memref_slice %arg6[%scan3A_21, %dma_start3A_2924, %dma_start3A_2925] : memref<20x32x64xf32, #tpu.memory_space<vmem>> -> memref<1x32x64xf32, #tpu.memory_space<vmem>>
      %dma_start3A_2927 = tpu.memref_squeeze %dma_start3A_2926 : memref<1x32x64xf32, #tpu.memory_space<vmem>> -> memref<32x64xf32, #tpu.memory_space<vmem>>
      tpu.enqueue_dma source(%dma_start3A_2927 : memref<32x64xf32, #tpu.memory_space<vmem>>) target(%dma_start3A_2923 : memref<32x64xf32, #tpu.memory_space<hbm>>) target_semaphore(%arg8 : memref<!tpu.dma_semaphore, #tpu.memory_space<semaphore_mem>>)
    }
    %scan3A_14 = arith.constant 20 : i32
    %scan3A_15 = arith.constant 0 : i32
    %scan3A_16 = arith.constant 0 : i32
    %scan3A_17 = arith.constant 20 : i32
    %scan3A_18 = arith.addi %scan3A_16, %scan3A_17 : i32
    %scan3A_19 = arith.constant 1 : i32
    scf.for %scan3A_21 = %scan3A_16 to %scan3A_18 step %scan3A_19  : i32 {
      %dma_wait3A = arith.constant 0 : i32
      %dma_wait3A_22 = arith.constant 0 : i32
      %dma_wait3A_23 = arith.constant 0 : i32
      %dma_wait3A_24 = arith.constant 0 : i32
      %dma_wait3A_25 = tpu.memref_slice %arg6[%dma_wait3A, %dma_wait3A_23, %dma_wait3A_24] : memref<20x32x64xf32, #tpu.memory_space<vmem>> -> memref<1x32x64xf32, #tpu.memory_space<vmem>>
      %dma_wait3A_26 = tpu.memref_squeeze %dma_wait3A_25 : memref<1x32x64xf32, #tpu.memory_space<vmem>> -> memref<32x64xf32, #tpu.memory_space<vmem>>
      %dma_wait3A_27 = arith.constant 0 : i32
      %dma_wait3A_28 = arith.constant 0 : i32
      %dma_wait3A_29 = tpu.memref_slice %arg4[%add3A, %dma_wait3A_27, %dma_wait3A_22, %dma_wait3A_28] : memref<32x32x20x64xf32, #tpu.memory_space<hbm>> -> memref<1x32x1x64xf32, #tpu.memory_space<hbm>>
      %dma_wait3A_30 = tpu.memref_squeeze %dma_wait3A_29 : memref<1x32x1x64xf32, #tpu.memory_space<hbm>> -> memref<32x64xf32, #tpu.memory_space<hbm>>
      %dma_wait3A_31 = arith.constant 0 : i32
      %dma_wait3A_32 = arith.constant 0 : i32
      %dma_wait3A_33 = tpu.memref_slice %arg4[%add3A, %dma_wait3A_31, %dma_wait3A_22, %dma_wait3A_32] : memref<32x32x20x64xf32, #tpu.memory_space<hbm>> -> memref<1x32x1x64xf32, #tpu.memory_space<hbm>>
      %dma_wait3A_34 = tpu.memref_squeeze %dma_wait3A_33 : memref<1x32x1x64xf32, #tpu.memory_space<hbm>> -> memref<32x64xf32, #tpu.memory_space<hbm>>
      %dma_wait3A_35 = arith.constant 0 : i32
      %dma_wait3A_36 = arith.constant 0 : i32
      %dma_wait3A_37 = tpu.memref_slice %arg6[%dma_wait3A, %dma_wait3A_35, %dma_wait3A_36] : memref<20x32x64xf32, #tpu.memory_space<vmem>> -> memref<1x32x64xf32, #tpu.memory_space<vmem>>
      %dma_wait3A_38 = tpu.memref_squeeze %dma_wait3A_37 : memref<1x32x64xf32, #tpu.memory_space<vmem>> -> memref<32x64xf32, #tpu.memory_space<vmem>>
      tpu.wait_dma2 semaphore(%arg8 : memref<!tpu.dma_semaphore, #tpu.memory_space<semaphore_mem>>) src(%dma_wait3A_38 : memref<32x64xf32, #tpu.memory_space<vmem>>) dst(%dma_wait3A_34 : memref<32x64xf32, #tpu.memory_space<hbm>>)
    }
    %scan3A_20 = arith.constant 20 : i32
    return
  }
}

</mosaic_0001>

<sc_bundles>
// kernel: kernel.3.cloned.1.call-start
scs
__scs_entry_jumppad:
0x0: {  	(pc) =	sbr.rel $0x88, $3  }
0x1: {  	(tag) =	ssettag $0x0;
	lr =	simm.s32 $0x1  }
0x2: {  	[smem:$0x3F9F] =	sst lr;
	_ =	strace $0xD0000000  }
0x3: {  	_ = 	snop  }
0x4: {  	_ = 	snop  }
0x5: {  	_ = 	snop  }
0x6: {  	_ = 	snop  }
0x7: {  	_ = 	snop  }
__scs_overlays_trampoline_lowered:
0x8: {  	[smem:$0x3FAE] =	sst s0  }
0x9: {  	[smem:$0x3FAF] =	sst s1  }
0xa: {  	[smem:$0x3FB0] =	sst s2  }
0xb: {  	[smem:$0x3FB1] =	sst s3  }
0xc: {  	[smem:$0x3FB2] =	sst s4  }
0xd: {  	[smem:$0x3FB3] =	sst s5  }
0xe: {  	[smem:$0x3FB4] =	sst s6  }
0xf: {  	[smem:$0x3FB5] =	sst s7  }
0x10: {  	[smem:$0x3FB6] =	sst s8  }
0x11: {  	[smem:$0x3FB7] =	sst s9;
	s0 =	simm.s32 @!p0 $0x0  }
0x12: {  	s1 =	sld [smem:$0x3F9D];
	s0 =	simm.s32 @p0 $0x1  }
0x13: {  	[smem:$0x3FB8] =	sst s0;
	s0 =	simm.s32 @!p1 $0x0  }
0x14: {  	s2 =	sld [smem:$0x3F9C];
	s0 =	simm.s32 @p1 $0x1  }
0x15: {  	[smem:$0x3FB9] =	sst s0;
	s0 =	simm.s32 @!p2 $0x0  }
0x16: {  	s3 =	sld [smem:$0x3FDB];
	s0 =	simm.s32 @p2 $0x1  }
0x17: {  	s4 =	simm.s32 $0x1BF5;
	[smem:$0x3FBB] =	sst s0  }
0x18: {  	s0 =	sld [smem:$0x3F9E];
	_ =	swait.ge [sflag:s4], $0x0  }
0x19: {  	s7 =	sld [smem:$0x3F9F]  }
0x1a: {  	s8 =	sadd.s32 $0xFFFFE003, lr  }
0x1b: {  	s9 =	sadd.s32 $0xFFFFFEF7, lr;
	s5 =	simm.s32 $0xFFFFFFFF;
	p2 =	slt.u32 s8, $0xFFFFF086  }
0x1c: {  	p1 =	slt.u32 s9, $0xF7A;
	s5 =	simm.s32 @!p2 $0x0  }
0x1d: {  	s5 =	simm.s32 @p1 $0x1;
	p0 =	seq.s32 s7, s2  }
0x1e: {  	s7 =	smul.u32 @!p0 $0xF7A, s2;
	p2 =	seq.s32 @!p0 s5, $0x0  }
0x1f: {  	s9 =	smul.u32 $0xF7A, s1;
	s8 =	simm.s32 @!p0 $0x1BF5;
	p2 =	por !p2, p0  }
0x20: {  	[sflag:s8] =	ssyncset.s32 @!p0 $0xFFFFF086;
	s6 =	sadd.s32 @!p0 s3, s7;
	s7 =	simm.s32 @!p0 $0x108  }
0x21: {  	s3 =	sadd.s32 s3, s9;
	s6 =	sadd.s32 @!p0 $0x88, s6;
	s7 =	simm.s32 @p2 $0x1082  }
0x22: {  	[simem:s7], [sflag:s8] =	dma.local @!p0 [hbm:s6], $0xF7A  }
0x23: {  	s9 =	sor.u32 $0xD0000000, s2;
	s6 =	simm.s32 $0x108;
	_ =	swait.ge @!p0 [sflag:s8], $0x0  }
0x24: {  	s3 =	sadd.s32 $0x88, s3;
	s6 =	simm.s32 @!p1 $0x1082;
	[sflag:s4] =	ssyncset.s32 $0xFFFFF086  }
0x25: {  	[simem:s6], [sflag:s4] =	dma.local [hbm:s3], $0xF7A  }
0x26: {  	[smem:$0x3F9F] =	sst s1;
	(tag) =	ssettag s2;
	_ =	strace s9  }
0x27: {  	s1 =	sld [smem:$0x3FAF]  }
0x28: {  	s2 =	sld [smem:$0x3FB0]  }
0x29: {  	s4 =	sld [smem:$0x3FB2]  }
0x2a: {  	p0 =	seq.s32 s5, $0x0;
	s5 =	sld [smem:$0x3FB3]  }
0x2b: {  	s6 =	sld [smem:$0x3FB4]  }
0x2c: {  	s7 =	sld [smem:$0x3FB5]  }
0x2d: {  	s3 =	simm.s32 $0x108;
	s8 =	sld [smem:$0x3FB6]  }
0x2e: {  	s3 =	simm.s32 @!p0 $0x1082;
	s9 =	sld [smem:$0x3FB7]  }
0x2f: {  	lr =	sadd.s32 s0, s3;
	s0 =	sld [smem:$0x3FAE]  }
0x30: {  	s3 =	sld [smem:$0x3FB1]  }
0x31: {  	[smem:$0x3FBA] =	sst s10  }
0x32: {  	s10 =	sld [smem:$0x3FB8];
	_ =	sdelay $0x3  }
0x33: {  	p0 =	seq.s32 s10, $0x1;
	s10 =	sld [smem:$0x3FBA];
	_ =	sdelay $0x3  }
0x34: {  	[smem:$0x3FBA] =	sst s10  }
0x35: {  	s10 =	sld [smem:$0x3FB9];
	_ =	sdelay $0x3  }
0x36: {  	p1 =	seq.s32 s10, $0x1;
	s10 =	sld [smem:$0x3FBA];
	_ =	sdelay $0x3  }
0x37: {  	[smem:$0x3FBA] =	sst s10  }
0x38: {  	s10 =	sld [smem:$0x3FBB]  }
0x39: {  	_ = 	snop;
	(pc) =	sbr.ind lr, $3  }
0x3a: {  	_ = 	snop  }
0x3b: {  	_ = 	snop  }
0x3c: {  	p2 =	seq.s32 s10, $0x1;
	s10 =	sld [smem:$0x3FBA]  }
0x3d: {  	_ =	shalt  }
0x3e: {  	_ =	shalt  }
0x3f: {  	_ =	shalt  }
0x40: {  	_ =	shalt  }
0x41: {  	_ =	shalt  }
0x42: {  	_ =	shalt  }
0x43: {  	_ =	shalt  }
0x44: {  	_ =	shalt  }
0x45: {  	_ =	shalt  }
0x46: {  	_ =	shalt  }
0x47: {  	_ =	shalt  }
0x48: {  	_ =	shalt  }
0x49: {  	_ =	shalt  }
0x4a: {  	_ =	shalt  }
0x4b: {  	_ =	shalt  }
0x4c: {  	_ =	shalt  }
0x4d: {  	_ =	shalt  }
0x4e: {  	_ =	shalt  }
0x4f: {  	_ =	shalt  }
0x50: {  	_ =	shalt  }
0x51: {  	_ =	shalt  }
0x52: {  	_ =	shalt  }
0x53: {  	_ =	shalt  }
0x54: {  	_ =	shalt  }
0x55: {  	_ =	shalt  }
0x56: {  	_ =	shalt  }
0x57: {  	_ =	shalt  }
0x58: {  	_ =	shalt  }
0x59: {  	_ =	shalt  }
0x5a: {  	_ =	shalt  }
0x5b: {  	_ =	shalt  }
0x5c: {  	_ =	shalt  }
0x5d: {  	_ =	shalt  }
0x5e: {  	_ =	shalt  }
0x5f: {  	_ =	shalt  }
0x60: {  	_ =	shalt  }
0x61: {  	_ =	shalt  }
0x62: {  	_ =	shalt  }
0x63: {  	_ =	shalt  }
0x64: {  	_ =	shalt  }
0x65: {  	_ =	shalt  }
0x66: {  	_ =	shalt  }
0x67: {  	_ =	shalt  }
0x68: {  	_ =	shalt  }
0x69: {  	_ =	shalt  }
0x6a: {  	_ =	shalt  }
0x6b: {  	_ =	shalt  }
0x6c: {  	_ =	shalt  }
0x6d: {  	_ =	shalt  }
0x6e: {  	_ =	shalt  }
0x6f: {  	_ =	shalt  }
0x70: {  	_ =	shalt  }
0x71: {  	_ =	shalt  }
0x72: {  	_ =	shalt  }
0x73: {  	_ =	shalt  }
0x74: {  	_ =	shalt  }
0x75: {  	_ =	shalt  }
0x76: {  	_ =	shalt  }
0x77: {  	_ =	shalt  }
0x78: {  	_ =	shalt  }
0x79: {  	_ =	shalt  }
0x7a: {  	_ =	shalt  }
0x7b: {  	_ =	shalt  }
0x7c: {  	_ =	shalt  }
0x7d: {  	_ =	shalt  }
0x7e: {  	_ =	shalt  }
0x7f: {  	_ =	shalt  }
0x80: {  	_ =	shalt  }
0x81: {  	_ =	shalt  }
0x82: {  	_ =	shalt  }
0x83: {  	_ =	shalt  }
0x84: {  	_ =	shalt  }
0x85: {  	_ =	shalt  }
0x86: {  	_ =	shalt  }
0x87: {  	_ =	shalt  }
.Lfunc_end0:
.L_simem_size_0:
called_computation_lowered:
.L_overlay_start_0:
0x88: {  	s2 =	sld [smem:$0x3FD9]  }
0x89: {  	s3 =	sld [smem:$0x3FFE];
	_ =	sdelay $0x1  }
0x8a: {  	s1 =	srdreg.scid  }
0x8b: {  	s0 =	sand.u32 $0x1, s1  }
0x8c: {  	s17 =	sshll.u32 s0, $0xA;
	s2 =	sadd.s32 s3, s2  }
0x8d: {  	s2 =	sadd.s32 s2, s17  }
0x8e: {  	[smem:$0x3FC6] =	sst s2  }
0x8f: {  	_ = 	snop  }
0x90: {  	s2 =	sld [smem:$0x3FD0];
	(tm) =	ssettm $0x1  }
0x91: {  	s18 =	sld [smem:$0x3FFB];
	_ =	sdelay $0x3  }
0x92: {  	_ =	strace s18  }
0x93: {  	s3 =	sld [smem:$0x3FFC];
	_ =	sdelay $0x3  }
0x94: {  	_ =	strace s3  }
0x95: {  	s3 =	sld [smem:$0x3FFD];
	_ =	sdelay $0x3  }
0x96: {  	_ =	strace s3  }
0x97: {  	_ =	strace $0x8FFFFFFF  }
0x98: {  	s19 =	sld [smem:$0x3FDB];
	_ =	sdelay $0x1  }
0x99: {  	s4 =	simm.s32 $_scs_section_size  }
0x9a: {  	s5 =	simm.s32 $_size__tile_overlayer_lowered;
	s6 =	simm.s32 $_tile_overlayer_lowered  }
0x9b: {  	s22 =	simm.s32 $0x1BFF;
	s21 =	sshll.u32 s6, $0x1;
	s3 =	sadd.s32 s4, s19  }
0x9c: {  	s7 =	simm.s32 $0x0;
	s20 =	sshll.u32 s5, $0x1;
	s5 =	sadd.s32 s21, s3  }
0x9d: {  	[timem:s7], [sflag:s22] =	dma.local [hbm:s5], s20  }
0x9e: {  	_ =	swait.ge [sflag:s22], s20  }
0x9f: {  	s4 =	ssub.s32 $0x0, s20;
	[sflag:s22] =	ssyncset.done $0x0  }
0xa0: {  	[sflag:s22] =	ssyncadd.s32 s4;
	_ =	sdelay $0x1  }
0xa1: {  	s23 =	simm.s32 $0x1B8B  }
0xa2: {  	_ =	swait.ge [sflag:s23], $0x1  }
0xa3: {  	[sflag:s23] =	ssyncset.done $0x0  }
0xa4: {  	s25 =	simm.s32 $0x1B8E;
	s24 =	sld [smem:$0x3FFE];
	[sflag:s23] =	ssyncadd.s32 $0xFFFFFFFF  }
0xa5: {  	s26 =	simm.s32 $execute0_lowered;
	[smem:$0x3FD2] =	sst s25  }
0xa6: {  	s5 =	sshll.u32 s26, $0x1;
	_ =	strace $0x80000046;
	[dreg:$0x1] =	wrdreg $0xFFFFFFFF  }
0xa7: {  	s28 =	simm.s32 $_size_execute0_lowered;
	s3 =	sadd.s32 s3, s5;
	[dreg:$0x0] =	wrdreg $0x0  }
0xa8: {  	s5 =	sshll.u32 s28, $0x1;
	[dreg:$0x2] =	wrdreg s3  }
0xa9: {  	[dreg:$0x3] =	wrdreg s5  }
0xaa: {  	[dreg:$0x4] =	wrdreg $0xC0  }
0xab: {  	_ =	task [dreg:s7], $0x5FFFF  }
0xac: {  	[dreg:$0x1] =	wrdreg $0xFFFFFFFF  }
0xad: {  	[dreg:$0x0] =	wrdreg $0x60  }
0xae: {  	[dreg:$0x2] =	wrdreg s24  }
0xaf: {  	[dreg:$0x3] =	wrdreg s2  }
0xb0: {  	[dreg:$0x4] =	wrdreg $0x9  }
0xb1: {  	_ =	task.clear_ibuf [dreg:s7], $0x5FFFF;
	_ =	strace $0x90000046  }
0xb2: {  	s29 =	simm.s32 $0x9;
	_ =	strace $0x80000048  }
0xb3: {  	_ =	swait.ge [sflag:s29], $0x1  }
0xb4: {  	[sflag:s29] =	ssyncadd.s32 $0xFFFFFFFF  }
0xb5: {  	_ =	strace $0x90000048  }
0xb6: {  	_ =	sfence  }
0xb7: {  	s30 =	sld [smem:$0x0];
	_ =	sdelay $0x2  }
0xb8: {  	s31 =	sshll.u32 s1, $0xD;
	s1 =	sshrl.u32 s1, $0x2  }
0xb9: {  	s3 =	sand.u32 $0x4000, s31;
	s1 =	sadd.s32 s1, s30  }
0xba: {  	s0 =	sor.u32 s3, s0;
	s1 =	sshll.u32 s1, $0x11  }
0xbb: {  	s0 =	sor.u32 s1, s0  }
0xbc: {  	s0 =	sadd.s32 $0x8F2B, s0  }
0xbd: {  	[sflag:s0] =	ssyncadd.remote.s32 $0x1  }
0xbe: {  	_ =	sfence.sel $0xFFFF  }
0xbf: {  	[dreg:$0x0] =	wrdreg $0xFFFFFFFF;
	(pc) =	sbr.abs _section_cstart, $3  }
0xc0: {  	[dreg:$0x1] =	wrdreg $0xFFFFFFFF  }
0xc1: {  	_ =	task.clear_ibuf [dreg:s7], $0x2FFFF;
	_ =	strace $0x9FFFFFFF  }
0xc2: {  	(tm) =	ssettm $0x7FFFFFFF  }
0xc3: {  	_ =	shalt  }
tec
execute0_lowered:
.L_overlay_start_1:
0x0: {  	(tag) =	ssettag $0x1  }
0x1: {  	s4 =	rddreg [dreg:$0x0]  }
0x2: {  	s1 =	srdreg.scid;
	s0 =	stileid.u32  }
0x3: {  	s2 =	rddreg [dreg:$0x1];
	s3 =	simm.s32 $0x0;
	s9 =	simm.s32 $0x400  }
0x4: {  	s10 =	simm.s32 $0x16;
	s11 =	simm.s32 $0x40;
	s12 =	simm.s32 $0x500  }
0x5: {  	s13 =	simm.s32 $0x15;
	s5 =	sand.u32 $0x1, s1;
	s1 =	rddreg [dreg:$0x2]  }
0x6: {  	s14 =	simm.s32 $0x0;
	s6 =	sshll.u32 s0, $0x1;
	[smem:$0x7FF] =	sst s3  }
0x7: {  	s6 =	sor.u32 s5, s6;
	s5 =	ssub.s32 $0x2, s5;
	_ =	strace $0x80000047  }
0x8: {  	s7 =	sshll.u32 s6, $0x2;
	s8 =	sshrl.u32 s5, $0x1;
	s6 =	smul.u32 $0xA000, s6  }
0x9: {  	s7 =	sadd.s32 s7, s4;
	s4 =	sadd.s32 $0x187200, s4;
	s8 =	ssub.s32 s5, s8  }
0xa: {  	v0 =	vimm.f32 $0.0e+00;
	v1 =	vimm.s32 $0x0;
	s5 =	sadd.s32 $0x600, s7;
	s7 =	smax.u32 s8, $0x1;
	s8 =	simm.s32 $0x20  }
.LBB2_1:
0xb: {  	[tilespmem:s3], [sflag:$0x16] =	stream.strided.gather [hbm4b:s5+s8], $0x3200, s9, s8, $0x38;
	[tilespmem:$0xD200] =	vst v63  }
0xc: {  	_ =	swait.ge [sflag:s10], $0x3200  }
0xd: {  	[sflag:s10] =	ssyncset.done $0x0  }
0xe: {  	s15 =	simm.s32 $0x3200;
	[sflag:s10] =	ssyncadd.s32 $0xFFFFCE00  }
0xf: {  	[tilespmem:s15+$0x20] =	vst v0  }
0x10: {  	[tilespmem:s15+$0x30] =	vst v0  }
0x11: {  	[tilespmem:s15+$0x40] =	vst v0  }
0x12: {  	[tilespmem:s15+$0x50] =	vst v0  }
0x13: {  	[tilespmem:s15+$0x0] =	vst v0  }
0x14: {  	[tilespmem:s15+$0x7F0] =	vst v0  }
0x15: {  	[tilespmem:s15+$0x7E0] =	vst v0  }
0x16: {  	[tilespmem:s15+$0x7D0] =	vst v0  }
0x17: {  	[tilespmem:s15+$0x7C0] =	vst v0  }
0x18: {  	[tilespmem:s15+$0x7B0] =	vst v0  }
0x19: {  	[tilespmem:s15+$0x7A0] =	vst v0  }
0x1a: {  	[tilespmem:s15+$0x790] =	vst v0  }
0x1b: {  	[tilespmem:s15+$0x780] =	vst v0  }
0x1c: {  	[tilespmem:s15+$0x770] =	vst v0  }
0x1d: {  	[tilespmem:s15+$0x760] =	vst v0  }
0x1e: {  	[tilespmem:s15+$0x750] =	vst v0  }
0x1f: {  	[tilespmem:s15+$0x740] =	vst v0  }
0x20: {  	[tilespmem:s15+$0x730] =	vst v0  }
0x21: {  	[tilespmem:s15+$0x720] =	vst v0  }
0x22: {  	[tilespmem:s15+$0x710] =	vst v0  }
0x23: {  	[tilespmem:s15+$0x700] =	vst v0  }
0x24: {  	[tilespmem:s15+$0x6F0] =	vst v0  }
0x25: {  	[tilespmem:s15+$0x6E0] =	vst v0  }
0x26: {  	[tilespmem:s15+$0x6D0] =	vst v0  }
0x27: {  	[tilespmem:s15+$0x6C0] =	vst v0  }
0x28: {  	[tilespmem:s15+$0x6B0] =	vst v0  }
0x29: {  	[tilespmem:s15+$0x6A0] =	vst v0  }
0x2a: {  	[tilespmem:s15+$0x690] =	vst v0  }
0x2b: {  	[tilespmem:s15+$0x680] =	vst v0  }
0x2c: {  	[tilespmem:s15+$0x670] =	vst v0  }
0x2d: {  	[tilespmem:s15+$0x660] =	vst v0  }
0x2e: {  	[tilespmem:s15+$0x650] =	vst v0  }
0x2f: {  	[tilespmem:s15+$0x640] =	vst v0  }
0x30: {  	[tilespmem:s15+$0x630] =	vst v0  }
0x31: {  	[tilespmem:s15+$0x620] =	vst v0  }
0x32: {  	[tilespmem:s15+$0x610] =	vst v0  }
0x33: {  	[tilespmem:s15+$0x600] =	vst v0  }
0x34: {  	[tilespmem:s15+$0x5F0] =	vst v0  }
0x35: {  	[tilespmem:s15+$0x5E0] =	vst v0  }
0x36: {  	[tilespmem:s15+$0x5D0] =	vst v0  }
0x37: {  	[tilespmem:s15+$0x5C0] =	vst v0  }
0x38: {  	[tilespmem:s15+$0x5B0] =	vst v0  }
0x39: {  	[tilespmem:s15+$0x5A0] =	vst v0  }
0x3a: {  	[tilespmem:s15+$0x590] =	vst v0  }
0x3b: {  	[tilespmem:s15+$0x580] =	vst v0  }
0x3c: {  	[tilespmem:s15+$0x570] =	vst v0  }
0x3d: {  	[tilespmem:s15+$0x560] =	vst v0  }
0x3e: {  	[tilespmem:s15+$0x550] =	vst v0  }
0x3f: {  	[tilespmem:s15+$0x540] =	vst v0  }
0x40: {  	[tilespmem:s15+$0x530] =	vst v0  }
0x41: {  	[tilespmem:s15+$0x520] =	vst v0  }
0x42: {  	[tilespmem:s15+$0x510] =	vst v0  }
0x43: {  	[tilespmem:s15+$0x500] =	vst v0  }
0x44: {  	[tilespmem:s15+$0x4F0] =	vst v0  }
0x45: {  	[tilespmem:s15+$0x4E0] =	vst v0  }
0x46: {  	[tilespmem:s15+$0x4D0] =	vst v0  }
0x47: {  	[tilespmem:s15+$0x4C0] =	vst v0  }
0x48: {  	[tilespmem:s15+$0x4B0] =	vst v0  }
0x49: {  	[tilespmem:s15+$0x4A0] =	vst v0  }
0x4a: {  	[tilespmem:s15+$0x490] =	vst v0  }
0x4b: {  	[tilespmem:s15+$0x480] =	vst v0  }
0x4c: {  	[tilespmem:s15+$0x470] =	vst v0  }
0x4d: {  	[tilespmem:s15+$0x460] =	vst v0  }
0x4e: {  	[tilespmem:s15+$0x450] =	vst v0  }
0x4f: {  	[tilespmem:s15+$0x440] =	vst v0  }
0x50: {  	[tilespmem:s15+$0x430] =	vst v0  }
0x51: {  	[tilespmem:s15+$0x420] =	vst v0  }
0x52: {  	[tilespmem:s15+$0x410] =	vst v0  }
0x53: {  	[tilespmem:s15+$0x400] =	vst v0  }
0x54: {  	[tilespmem:s15+$0x3F0] =	vst v0  }
0x55: {  	[tilespmem:s15+$0x3E0] =	vst v0  }
0x56: {  	[tilespmem:s15+$0x3D0] =	vst v0  }
0x57: {  	[tilespmem:s15+$0x3C0] =	vst v0  }
0x58: {  	[tilespmem:s15+$0x3B0] =	vst v0  }
0x59: {  	[tilespmem:s15+$0x3A0] =	vst v0  }
0x5a: {  	[tilespmem:s15+$0x390] =	vst v0  }
0x5b: {  	[tilespmem:s15+$0x380] =	vst v0  }
0x5c: {  	[tilespmem:s15+$0x370] =	vst v0  }
0x5d: {  	[tilespmem:s15+$0x360] =	vst v0  }
0x5e: {  	[tilespmem:s15+$0x350] =	vst v0  }
0x5f: {  	[tilespmem:s15+$0x340] =	vst v0  }
0x60: {  	[tilespmem:s15+$0x330] =	vst v0  }
0x61: {  	[tilespmem:s15+$0x320] =	vst v0  }
0x62: {  	[tilespmem:s15+$0x310] =	vst v0  }
0x63: {  	[tilespmem:s15+$0x300] =	vst v0  }
0x64: {  	[tilespmem:s15+$0x2F0] =	vst v0  }
0x65: {  	[tilespmem:s15+$0x2E0] =	vst v0  }
0x66: {  	[tilespmem:s15+$0x2D0] =	vst v0  }
0x67: {  	[tilespmem:s15+$0x2C0] =	vst v0  }
0x68: {  	[tilespmem:s15+$0x2B0] =	vst v0  }
0x69: {  	[tilespmem:s15+$0x2A0] =	vst v0  }
0x6a: {  	[tilespmem:s15+$0x290] =	vst v0  }
0x6b: {  	[tilespmem:s15+$0x280] =	vst v0  }
0x6c: {  	[tilespmem:s15+$0x270] =	vst v0  }
0x6d: {  	[tilespmem:s15+$0x260] =	vst v0  }
0x6e: {  	[tilespmem:s15+$0x250] =	vst v0  }
0x6f: {  	[tilespmem:s15+$0x240] =	vst v0  }
0x70: {  	[tilespmem:s15+$0x230] =	vst v0  }
0x71: {  	[tilespmem:s15+$0x220] =	vst v0  }
0x72: {  	[tilespmem:s15+$0x210] =	vst v0  }
0x73: {  	[tilespmem:s15+$0x200] =	vst v0  }
0x74: {  	[tilespmem:s15+$0x1F0] =	vst v0  }
0x75: {  	[tilespmem:s15+$0x1E0] =	vst v0  }
0x76: {  	[tilespmem:s15+$0x1D0] =	vst v0  }
0x77: {  	[tilespmem:s15+$0x1C0] =	vst v0  }
0x78: {  	[tilespmem:s15+$0x1B0] =	vst v0  }
0x79: {  	[tilespmem:s15+$0x1A0] =	vst v0  }
0x7a: {  	[tilespmem:s15+$0x190] =	vst v0  }
0x7b: {  	[tilespmem:s15+$0x180] =	vst v0  }
0x7c: {  	[tilespmem:s15+$0x170] =	vst v0  }
0x7d: {  	[tilespmem:s15+$0x160] =	vst v0  }
0x7e: {  	[tilespmem:s15+$0x150] =	vst v0  }
0x7f: {  	[tilespmem:s15+$0x140] =	vst v0  }
0x80: {  	[tilespmem:s15+$0x130] =	vst v0  }
0x81: {  	[tilespmem:s15+$0x120] =	vst v0  }
0x82: {  	[tilespmem:s15+$0x110] =	vst v0  }
0x83: {  	[tilespmem:s15+$0x100] =	vst v0  }
0x84: {  	[tilespmem:s15+$0xF0] =	vst v0  }
0x85: {  	[tilespmem:s15+$0xE0] =	vst v0  }
0x86: {  	[tilespmem:s15+$0xD0] =	vst v0  }
0x87: {  	[tilespmem:s15+$0xC0] =	vst v0  }
0x88: {  	[tilespmem:s15+$0xB0] =	vst v0  }
0x89: {  	[tilespmem:s15+$0xA0] =	vst v0  }
0x8a: {  	[tilespmem:s15+$0x90] =	vst v0  }
0x8b: {  	[tilespmem:s15+$0x80] =	vst v0  }
0x8c: {  	[tilespmem:s15+$0x70] =	vst v0  }
0x8d: {  	[tilespmem:s15+$0x60] =	vst v0  }
0x8e: {  	s16 =	simm.s32 $0x1;
	s17 =	simm.s32 $0x0;
	[tilespmem:s15+$0x10] =	vst v0  }
0x8f: {  	[tilespmem:s15], [sflag:s16] =	stream.indirect.gather.add.f32 [hbm:s4], $0x40, s17, s8, $0xb8;
	[tilespmem:$0xD200] =	vst v63  }
0x90: {  	s26 =	simm.s32 $0x20  }
0x91: {  	[tilespmem:s15], [sflag:s16] =	stream.indirect.gather.add.f32 [hbm:s4], $0x40, s26, s8, $0xb8;
	[tilespmem:$0xD200] =	vst v63  }
0x92: {  	s28 =	simm.s32 $0x40  }
0x93: {  	[tilespmem:s15], [sflag:s16] =	stream.indirect.gather.add.f32 [hbm:s4], $0x40, s28, s8, $0xb8;
	[tilespmem:$0xD200] =	vst v63  }
0x94: {  	s29 =	simm.s32 $0x60  }
0x95: {  	[tilespmem:s15], [sflag:s16] =	stream.indirect.gather.add.f32 [hbm:s4], $0x40, s29, s8, $0xb8;
	[tilespmem:$0xD200] =	vst v63  }
0x96: {  	s30 =	simm.s32 $0x80  }
0x97: {  	[tilespmem:s15], [sflag:s16] =	stream.indirect.gather.add.f32 [hbm:s4], $0x40, s30, s8, $0xb8;
	[tilespmem:$0xD200] =	vst v63  }
0x98: {  	s31 =	simm.s32 $0xA0  }
0x99: {  	[tilespmem:s15], [sflag:s16] =	stream.indirect.gather.add.f32 [hbm:s4], $0x40, s31, s8, $0xb8;
	[tilespmem:$0xD200] =	vst v63  }
0x9a: {  	s18 =	simm.s32 $0xC0  }
0x9b: {  	[tilespmem:s15], [sflag:s16] =	stream.indirect.gather.add.f32 [hbm:s4], $0x40, s18, s8, $0xb8;
	[tilespmem:$0xD200] =	vst v63  }
0x9c: {  	s19 =	simm.s32 $0xE0  }
0x9d: {  	[tilespmem:s15], [sflag:s16] =	stream.indirect.gather.add.f32 [hbm:s4], $0x40, s19, s8, $0xb8;
	[tilespmem:$0xD200] =	vst v63  }
0x9e: {  	s20 =	simm.s32 $0x100  }
0x9f: {  	[tilespmem:s15], [sflag:s16] =	stream.indirect.gather.add.f32 [hbm:s4], $0x40, s20, s8, $0xb8;
	[tilespmem:$0xD200] =	vst v63  }
0xa0: {  	s21 =	simm.s32 $0x120  }
0xa1: {  	[tilespmem:s15], [sflag:s16] =	stream.indirect.gather.add.f32 [hbm:s4], $0x40, s21, s8, $0xb8;
	[tilespmem:$0xD200] =	vst v63  }
0xa2: {  	s22 =	simm.s32 $0x140  }
0xa3: {  	[tilespmem:s15], [sflag:s16] =	stream.indirect.gather.add.f32 [hbm:s4], $0x40, s22, s8, $0xb8;
	[tilespmem:$0xD200] =	vst v63  }
0xa4: {  	s23 =	simm.s32 $0x160  }
0xa5: {  	[tilespmem:s15], [sflag:s16] =	stream.indirect.gather.add.f32 [hbm:s4], $0x40, s23, s8, $0xb8;
	[tilespmem:$0xD200] =	vst v63  }
0xa6: {  	s24 =	simm.s32 $0x180  }
0xa7: {  	[tilespmem:s15], [sflag:s16] =	stream.indirect.gather.add.f32 [hbm:s4], $0x40, s24, s8, $0xb8;
	[tilespmem:$0xD200] =	vst v63  }
0xa8: {  	s25 =	simm.s32 $0x1A0  }
0xa9: {  	[tilespmem:s15], [sflag:s16] =	stream.indirect.gather.add.f32 [hbm:s4], $0x40, s25, s8, $0xb8;
	[tilespmem:$0xD200] =	vst v63  }
0xaa: {  	s26 =	simm.s32 $0x1C0  }
0xab: {  	[tilespmem:s15], [sflag:s16] =	stream.indirect.gather.add.f32 [hbm:s4], $0x40, s26, s8, $0xb8;
	[tilespmem:$0xD200] =	vst v63  }
0xac: {  	s28 =	simm.s32 $0x1E0  }
0xad: {  	[tilespmem:s15], [sflag:s16] =	stream.indirect.gather.add.f32 [hbm:s4], $0x40, s28, s8, $0xb8;
	[tilespmem:$0xD200] =	vst v63  }
0xae: {  	s29 =	simm.s32 $0x200  }
0xaf: {  	[tilespmem:s15], [sflag:s16] =	stream.indirect.gather.add.f32 [hbm:s4], $0x40, s29, s8, $0xb8;
	[tilespmem:$0xD200] =	vst v63  }
0xb0: {  	s17 =	simm.s32 $0xA00;
	s30 =	simm.s32 $0x220;
	s31 =	simm.s32 $0x240  }
0xb1: {  	[tilespmem:s15], [sflag:s16] =	stream.indirect.gather.add.f32 [hbm:s4], $0x40, s30, s8, $0xb8;
	[tilespmem:$0xD200] =	vst v63  }
0xb2: {  	s18 =	simm.s32 $0x2;
	s19 =	simm.s32 $0x3A00;
	s20 =	simm.s32 $0x260  }
0xb3: {  	[tilespmem:s15], [sflag:s16] =	stream.indirect.gather.add.f32 [hbm:s4], $0x40, s31, s8, $0xb8;
	[tilespmem:$0xD200] =	vst v63  }
.LBB2_2:
0xb4: {  	[tilespmem:s15], [sflag:s16] =	stream.indirect.gather.add.f32 [hbm:s4], $0x40, s20, s8, $0xb8;
	[tilespmem:$0xD200] =	vst v63  }
0xb5: {  	p0 =	sne.s32 s17, $0xBE00;
	s20 =	smov.u32 s17;
	s17 =	sadd.s32 $0xA00, s17;
	[tilespmem:s19+$0x20] =	vst v0  }
0xb6: {  	s16 =	smov.u32 s18;
	s15 =	smov.u32 s19;
	[tilespmem:s19+$0x30] =	vst v0  }
0xb7: {  	[tilespmem:s19+$0x40] =	vst v0  }
0xb8: {  	[tilespmem:s19+$0x50] =	vst v0  }
0xb9: {  	[tilespmem:s19+$0x0] =	vst v0  }
0xba: {  	[tilespmem:s19+$0x7F0] =	vst v0  }
0xbb: {  	[tilespmem:s19+$0x7E0] =	vst v0  }
0xbc: {  	[tilespmem:s19+$0x7D0] =	vst v0  }
0xbd: {  	[tilespmem:s19+$0x7C0] =	vst v0  }
0xbe: {  	[tilespmem:s19+$0x7B0] =	vst v0  }
0xbf: {  	[tilespmem:s19+$0x7A0] =	vst v0  }
0xc0: {  	[tilespmem:s19+$0x790] =	vst v0  }
0xc1: {  	[tilespmem:s19+$0x780] =	vst v0  }
0xc2: {  	[tilespmem:s19+$0x770] =	vst v0  }
0xc3: {  	[tilespmem:s19+$0x760] =	vst v0  }
0xc4: {  	[tilespmem:s19+$0x750] =	vst v0  }
0xc5: {  	[tilespmem:s19+$0x740] =	vst v0  }
0xc6: {  	[tilespmem:s19+$0x730] =	vst v0  }
0xc7: {  	[tilespmem:s19+$0x720] =	vst v0  }
0xc8: {  	[tilespmem:s19+$0x710] =	vst v0  }
0xc9: {  	[tilespmem:s19+$0x700] =	vst v0  }
0xca: {  	[tilespmem:s19+$0x6F0] =	vst v0  }
0xcb: {  	[tilespmem:s19+$0x6E0] =	vst v0  }
0xcc: {  	[tilespmem:s19+$0x6D0] =	vst v0  }
0xcd: {  	[tilespmem:s19+$0x6C0] =	vst v0  }
0xce: {  	[tilespmem:s19+$0x6B0] =	vst v0  }
0xcf: {  	[tilespmem:s19+$0x6A0] =	vst v0  }
0xd0: {  	[tilespmem:s19+$0x690] =	vst v0  }
0xd1: {  	[tilespmem:s19+$0x680] =	vst v0  }
0xd2: {  	[tilespmem:s19+$0x670] =	vst v0  }
0xd3: {  	[tilespmem:s19+$0x660] =	vst v0  }
0xd4: {  	[tilespmem:s19+$0x650] =	vst v0  }
0xd5: {  	[tilespmem:s19+$0x640] =	vst v0  }
0xd6: {  	[tilespmem:s19+$0x630] =	vst v0  }
0xd7: {  	[tilespmem:s19+$0x620] =	vst v0  }
0xd8: {  	[tilespmem:s19+$0x610] =	vst v0  }
0xd9: {  	[tilespmem:s19+$0x600] =	vst v0  }
0xda: {  	[tilespmem:s19+$0x5F0] =	vst v0  }
0xdb: {  	[tilespmem:s19+$0x5E0] =	vst v0  }
0xdc: {  	[tilespmem:s19+$0x5D0] =	vst v0  }
0xdd: {  	[tilespmem:s19+$0x5C0] =	vst v0  }
0xde: {  	[tilespmem:s19+$0x5B0] =	vst v0  }
0xdf: {  	[tilespmem:s19+$0x5A0] =	vst v0  }
0xe0: {  	[tilespmem:s19+$0x590] =	vst v0  }
0xe1: {  	[tilespmem:s19+$0x580] =	vst v0  }
0xe2: {  	[tilespmem:s19+$0x570] =	vst v0  }
0xe3: {  	[tilespmem:s19+$0x560] =	vst v0  }
0xe4: {  	[tilespmem:s19+$0x550] =	vst v0  }
0xe5: {  	[tilespmem:s19+$0x540] =	vst v0  }
0xe6: {  	[tilespmem:s19+$0x530] =	vst v0  }
0xe7: {  	[tilespmem:s19+$0x520] =	vst v0  }
0xe8: {  	[tilespmem:s19+$0x510] =	vst v0  }
0xe9: {  	[tilespmem:s19+$0x500] =	vst v0  }
0xea: {  	[tilespmem:s19+$0x4F0] =	vst v0  }
0xeb: {  	[tilespmem:s19+$0x4E0] =	vst v0  }
0xec: {  	[tilespmem:s19+$0x4D0] =	vst v0  }
0xed: {  	[tilespmem:s19+$0x4C0] =	vst v0  }
0xee: {  	[tilespmem:s19+$0x4B0] =	vst v0  }
0xef: {  	[tilespmem:s19+$0x4A0] =	vst v0  }
0xf0: {  	[tilespmem:s19+$0x490] =	vst v0  }
0xf1: {  	[tilespmem:s19+$0x480] =	vst v0  }
0xf2: {  	[tilespmem:s19+$0x470] =	vst v0  }
0xf3: {  	[tilespmem:s19+$0x460] =	vst v0  }
0xf4: {  	[tilespmem:s19+$0x450] =	vst v0  }
0xf5: {  	[tilespmem:s19+$0x440] =	vst v0  }
0xf6: {  	[tilespmem:s19+$0x430] =	vst v0  }
0xf7: {  	[tilespmem:s19+$0x420] =	vst v0  }
0xf8: {  	[tilespmem:s19+$0x410] =	vst v0  }
0xf9: {  	[tilespmem:s19+$0x400] =	vst v0  }
0xfa: {  	[tilespmem:s19+$0x3F0] =	vst v0  }
0xfb: {  	[tilespmem:s19+$0x3E0] =	vst v0  }
0xfc: {  	[tilespmem:s19+$0x3D0] =	vst v0  }
0xfd: {  	[tilespmem:s19+$0x3C0] =	vst v0  }
0xfe: {  	[tilespmem:s19+$0x3B0] =	vst v0  }
0xff: {  	[tilespmem:s19+$0x3A0] =	vst v0  }
0x100: {  	[tilespmem:s19+$0x390] =	vst v0  }
0x101: {  	[tilespmem:s19+$0x380] =	vst v0  }
0x102: {  	[tilespmem:s19+$0x370] =	vst v0  }
0x103: {  	[tilespmem:s19+$0x360] =	vst v0  }
0x104: {  	[tilespmem:s19+$0x350] =	vst v0  }
0x105: {  	[tilespmem:s19+$0x340] =	vst v0  }
0x106: {  	[tilespmem:s19+$0x330] =	vst v0  }
0x107: {  	[tilespmem:s19+$0x320] =	vst v0  }
0x108: {  	[tilespmem:s19+$0x310] =	vst v0  }
0x109: {  	[tilespmem:s19+$0x300] =	vst v0  }
0x10a: {  	[tilespmem:s19+$0x2F0] =	vst v0  }
0x10b: {  	[tilespmem:s19+$0x2E0] =	vst v0  }
0x10c: {  	[tilespmem:s19+$0x2D0] =	vst v0  }
0x10d: {  	[tilespmem:s19+$0x2C0] =	vst v0  }
0x10e: {  	[tilespmem:s19+$0x2B0] =	vst v0  }
0x10f: {  	[tilespmem:s19+$0x2A0] =	vst v0  }
0x110: {  	[tilespmem:s19+$0x290] =	vst v0  }
0x111: {  	[tilespmem:s19+$0x280] =	vst v0  }
0x112: {  	[tilespmem:s19+$0x270] =	vst v0  }
0x113: {  	[tilespmem:s19+$0x260] =	vst v0  }
0x114: {  	[tilespmem:s19+$0x250] =	vst v0  }
0x115: {  	[tilespmem:s19+$0x240] =	vst v0  }
0x116: {  	[tilespmem:s19+$0x230] =	vst v0  }
0x117: {  	[tilespmem:s19+$0x220] =	vst v0  }
0x118: {  	[tilespmem:s19+$0x210] =	vst v0  }
0x119: {  	[tilespmem:s19+$0x200] =	vst v0  }
0x11a: {  	[tilespmem:s19+$0x1F0] =	vst v0  }
0x11b: {  	[tilespmem:s19+$0x1E0] =	vst v0  }
0x11c: {  	[tilespmem:s19+$0x1D0] =	vst v0  }
0x11d: {  	[tilespmem:s19+$0x1C0] =	vst v0  }
0x11e: {  	[tilespmem:s19+$0x1B0] =	vst v0  }
0x11f: {  	[tilespmem:s19+$0x1A0] =	vst v0  }
0x120: {  	[tilespmem:s19+$0x190] =	vst v0  }
0x121: {  	[tilespmem:s19+$0x180] =	vst v0  }
0x122: {  	[tilespmem:s19+$0x170] =	vst v0  }
0x123: {  	[tilespmem:s19+$0x160] =	vst v0  }
0x124: {  	[tilespmem:s19+$0x150] =	vst v0  }
0x125: {  	[tilespmem:s19+$0x140] =	vst v0  }
0x126: {  	[tilespmem:s19+$0x130] =	vst v0  }
0x127: {  	[tilespmem:s19+$0x120] =	vst v0  }
0x128: {  	[tilespmem:s19+$0x110] =	vst v0  }
0x129: {  	[tilespmem:s19+$0x100] =	vst v0  }
0x12a: {  	[tilespmem:s19+$0xF0] =	vst v0  }
0x12b: {  	[tilespmem:s19+$0xE0] =	vst v0  }
0x12c: {  	[tilespmem:s19+$0xD0] =	vst v0  }
0x12d: {  	[tilespmem:s19+$0xC0] =	vst v0  }
0x12e: {  	[tilespmem:s19+$0xB0] =	vst v0  }
0x12f: {  	[tilespmem:s19+$0xA0] =	vst v0  }
0x130: {  	[tilespmem:s19+$0x90] =	vst v0  }
0x131: {  	[tilespmem:s19+$0x80] =	vst v0  }
0x132: {  	[tilespmem:s19+$0x70] =	vst v0  }
0x133: {  	[tilespmem:s19+$0x60] =	vst v0  }
0x134: {  	s20 =	sshra.s32 s20, $0x2;
	[tilespmem:s19+$0x10] =	vst v0  }
0x135: {  	[tilespmem:s19], [sflag:s18] =	stream.indirect.gather.add.f32 [hbm:s4], $0x40, s20, s8, $0xb8;
	[tilespmem:$0xD200] =	vst v63  }
0x136: {  	s21 =	sadd.s32 $0x20, s20  }
0x137: {  	[tilespmem:s19], [sflag:s18] =	stream.indirect.gather.add.f32 [hbm:s4], $0x40, s21, s8, $0xb8;
	[tilespmem:$0xD200] =	vst v63  }
0x138: {  	s21 =	sadd.s32 $0x40, s20  }
0x139: {  	[tilespmem:s19], [sflag:s18] =	stream.indirect.gather.add.f32 [hbm:s4], $0x40, s21, s8, $0xb8;
	[tilespmem:$0xD200] =	vst v63  }
0x13a: {  	s21 =	sadd.s32 $0x60, s20  }
0x13b: {  	[tilespmem:s19], [sflag:s18] =	stream.indirect.gather.add.f32 [hbm:s4], $0x40, s21, s8, $0xb8;
	[tilespmem:$0xD200] =	vst v63  }
0x13c: {  	s21 =	sadd.s32 $0x80, s20  }
0x13d: {  	[tilespmem:s19], [sflag:s18] =	stream.indirect.gather.add.f32 [hbm:s4], $0x40, s21, s8, $0xb8;
	[tilespmem:$0xD200] =	vst v63  }
0x13e: {  	s21 =	sadd.s32 $0xA0, s20  }
0x13f: {  	[tilespmem:s19], [sflag:s18] =	stream.indirect.gather.add.f32 [hbm:s4], $0x40, s21, s8, $0xb8;
	[tilespmem:$0xD200] =	vst v63  }
0x140: {  	s21 =	sadd.s32 $0xC0, s20  }
0x141: {  	[tilespmem:s19], [sflag:s18] =	stream.indirect.gather.add.f32 [hbm:s4], $0x40, s21, s8, $0xb8;
	[tilespmem:$0xD200] =	vst v63  }
0x142: {  	s21 =	sadd.s32 $0xE0, s20  }
0x143: {  	[tilespmem:s19], [sflag:s18] =	stream.indirect.gather.add.f32 [hbm:s4], $0x40, s21, s8, $0xb8;
	[tilespmem:$0xD200] =	vst v63  }
0x144: {  	s21 =	sadd.s32 $0x100, s20  }
0x145: {  	[tilespmem:s19], [sflag:s18] =	stream.indirect.gather.add.f32 [hbm:s4], $0x40, s21, s8, $0xb8;
	[tilespmem:$0xD200] =	vst v63  }
0x146: {  	s21 =	sadd.s32 $0x120, s20  }
0x147: {  	[tilespmem:s19], [sflag:s18] =	stream.indirect.gather.add.f32 [hbm:s4], $0x40, s21, s8, $0xb8;
	[tilespmem:$0xD200] =	vst v63  }
0x148: {  	s21 =	sadd.s32 $0x140, s20  }
0x149: {  	[tilespmem:s19], [sflag:s18] =	stream.indirect.gather.add.f32 [hbm:s4], $0x40, s21, s8, $0xb8;
	[tilespmem:$0xD200] =	vst v63  }
0x14a: {  	s21 =	sadd.s32 $0x160, s20  }
0x14b: {  	[tilespmem:s19], [sflag:s18] =	stream.indirect.gather.add.f32 [hbm:s4], $0x40, s21, s8, $0xb8;
	[tilespmem:$0xD200] =	vst v63  }
0x14c: {  	s21 =	sadd.s32 $0x180, s20  }
0x14d: {  	[tilespmem:s19], [sflag:s18] =	stream.indirect.gather.add.f32 [hbm:s4], $0x40, s21, s8, $0xb8;
	[tilespmem:$0xD200] =	vst v63  }
0x14e: {  	s21 =	sadd.s32 $0x1A0, s20  }
0x14f: {  	[tilespmem:s19], [sflag:s18] =	stream.indirect.gather.add.f32 [hbm:s4], $0x40, s21, s8, $0xb8;
	[tilespmem:$0xD200] =	vst v63  }
0x150: {  	s21 =	sadd.s32 $0x1C0, s20  }
0x151: {  	[tilespmem:s19], [sflag:s18] =	stream.indirect.gather.add.f32 [hbm:s4], $0x40, s21, s8, $0xb8;
	[tilespmem:$0xD200] =	vst v63  }
0x152: {  	s21 =	sadd.s32 $0x1E0, s20  }
0x153: {  	[tilespmem:s19], [sflag:s18] =	stream.indirect.gather.add.f32 [hbm:s4], $0x40, s21, s8, $0xb8;
	[tilespmem:$0xD200] =	vst v63  }
0x154: {  	s21 =	sadd.s32 $0x200, s20  }
0x155: {  	[tilespmem:s19], [sflag:s18] =	stream.indirect.gather.add.f32 [hbm:s4], $0x40, s21, s8, $0xb8;
	[tilespmem:$0xD200] =	vst v63  }
.Ltmp0:
0x156: {  	s21 =	sadd.s32 $0x220, s20;
	(pc) =	sbr.rel @p0 .LBB2_2-.Ltmp0, $4  }
0x157: {  	[tilespmem:s19], [sflag:s18] =	stream.indirect.gather.add.f32 [hbm:s4], $0x40, s21, s8, $0xb8;
	[tilespmem:$0xD200] =	vst v63  }
0x158: {  	s21 =	sadd.s32 $0x240, s20  }
0x159: {  	[tilespmem:s19], [sflag:s18] =	stream.indirect.gather.add.f32 [hbm:s4], $0x40, s21, s8, $0xb8;
	[tilespmem:$0xD200] =	vst v63  }
0x15a: {  	s20 =	sadd.s32 $0x260, s20;
	s18 =	sadd.s32 $0x1, s18;
	s19 =	sadd.s32 $0x800, s19  }
0x15b: {  	[tilespmem:s15], [sflag:s16] =	stream.indirect.gather.add.f32 [hbm:s4], $0x40, s20, s8, $0xb8;
	[tilespmem:$0xD200] =	vst v63  }
0x15c: {  	s15 =	simm.s32 $0x0  }
.LBB2_4:
0x15d: {  	s16 =	sadd.s32 $0x1, s15  }
0x15e: {  	_ =	swait.ge [sflag:s16], $0x800  }
0x15f: {  	[sflag:s16] =	ssyncset.done $0x0  }
0x160: {  	[sflag:s16] =	ssyncadd.s32 $0xFFFFF800  }
0x161: {  	_ =	swait.ge [sflag:s16], $0x800  }
0x162: {  	[sflag:s16] =	ssyncset.done $0x0  }
0x163: {  	[sflag:s16] =	ssyncadd.s32 $0xFFFFF800  }
0x164: {  	_ =	swait.ge [sflag:s16], $0x800  }
0x165: {  	[sflag:s16] =	ssyncset.done $0x0  }
0x166: {  	[sflag:s16] =	ssyncadd.s32 $0xFFFFF800  }
0x167: {  	_ =	swait.ge [sflag:s16], $0x800  }
0x168: {  	[sflag:s16] =	ssyncset.done $0x0  }
0x169: {  	[sflag:s16] =	ssyncadd.s32 $0xFFFFF800  }
0x16a: {  	_ =	swait.ge [sflag:s16], $0x800  }
0x16b: {  	[sflag:s16] =	ssyncset.done $0x0  }
0x16c: {  	[sflag:s16] =	ssyncadd.s32 $0xFFFFF800  }
0x16d: {  	_ =	swait.ge [sflag:s16], $0x800  }
0x16e: {  	[sflag:s16] =	ssyncset.done $0x0  }
0x16f: {  	[sflag:s16] =	ssyncadd.s32 $0xFFFFF800  }
0x170: {  	_ =	swait.ge [sflag:s16], $0x800  }
0x171: {  	[sflag:s16] =	ssyncset.done $0x0  }
0x172: {  	[sflag:s16] =	ssyncadd.s32 $0xFFFFF800  }
0x173: {  	_ =	swait.ge [sflag:s16], $0x800  }
0x174: {  	[sflag:s16] =	ssyncset.done $0x0  }
0x175: {  	[sflag:s16] =	ssyncadd.s32 $0xFFFFF800  }
0x176: {  	_ =	swait.ge [sflag:s16], $0x800  }
0x177: {  	[sflag:s16] =	ssyncset.done $0x0  }
0x178: {  	[sflag:s16] =	ssyncadd.s32 $0xFFFFF800  }
0x179: {  	_ =	swait.ge [sflag:s16], $0x800  }
0x17a: {  	[sflag:s16] =	ssyncset.done $0x0  }
0x17b: {  	[sflag:s16] =	ssyncadd.s32 $0xFFFFF800  }
0x17c: {  	_ =	swait.ge [sflag:s16], $0x800  }
0x17d: {  	[sflag:s16] =	ssyncset.done $0x0  }
0x17e: {  	[sflag:s16] =	ssyncadd.s32 $0xFFFFF800  }
0x17f: {  	_ =	swait.ge [sflag:s16], $0x800  }
0x180: {  	[sflag:s16] =	ssyncset.done $0x0  }
0x181: {  	[sflag:s16] =	ssyncadd.s32 $0xFFFFF800  }
0x182: {  	_ =	swait.ge [sflag:s16], $0x800  }
0x183: {  	[sflag:s16] =	ssyncset.done $0x0  }
0x184: {  	[sflag:s16] =	ssyncadd.s32 $0xFFFFF800  }
0x185: {  	_ =	swait.ge [sflag:s16], $0x800  }
0x186: {  	[sflag:s16] =	ssyncset.done $0x0  }
0x187: {  	[sflag:s16] =	ssyncadd.s32 $0xFFFFF800  }
0x188: {  	_ =	swait.ge [sflag:s16], $0x800  }
0x189: {  	[sflag:s16] =	ssyncset.done $0x0  }
0x18a: {  	[sflag:s16] =	ssyncadd.s32 $0xFFFFF800  }
0x18b: {  	_ =	swait.ge [sflag:s16], $0x800  }
0x18c: {  	[sflag:s16] =	ssyncset.done $0x0  }
0x18d: {  	[sflag:s16] =	ssyncadd.s32 $0xFFFFF800  }
0x18e: {  	_ =	swait.ge [sflag:s16], $0x800  }
0x18f: {  	[sflag:s16] =	ssyncset.done $0x0  }
0x190: {  	[sflag:s16] =	ssyncadd.s32 $0xFFFFF800  }
0x191: {  	_ =	swait.ge [sflag:s16], $0x800  }
0x192: {  	[sflag:s16] =	ssyncset.done $0x0  }
0x193: {  	[sflag:s16] =	ssyncadd.s32 $0xFFFFF800  }
0x194: {  	_ =	swait.ge [sflag:s16], $0x800  }
0x195: {  	[sflag:s16] =	ssyncset.done $0x0  }
0x196: {  	[sflag:s16] =	ssyncadd.s32 $0xFFFFF800  }
0x197: {  	s17 =	smul.u32 $0xA00, s15;
	_ =	swait.ge [sflag:s16], $0x800  }
0x198: {  	[sflag:s16] =	ssyncset.done $0x0  }
0x199: {  	s17 =	sshra.s32 s17, $0x2;
	[sflag:s16] =	ssyncadd.s32 $0xFFFFF800  }
0x19a: {  	v2 =	vld [tilespmem:s17+$0x0]  }
0x19b: {  	v3 =	vld [tilespmem:s17+$0x20]  }
0x19c: {  	v4 =	vld [tilespmem:s17+$0x40]  }
0x19d: {  	v5 =	vld [tilespmem:s17+$0x60]  }
0x19e: {  	v6 =	vld [tilespmem:s17+$0x80]  }
0x19f: {  	v7 =	vld [tilespmem:s17+$0xA0]  }
0x1a0: {  	v8 =	vld [tilespmem:s17+$0xC0]  }
0x1a1: {  	v9 =	vld [tilespmem:s17+$0xE0]  }
0x1a2: {  	v10 =	vld [tilespmem:s17+$0x100]  }
0x1a3: {  	v40 =	vld [tilespmem:s17+$0x140];
	vm0 =	vne.s32 v2, $0x186A0;
	vm1 =	vne.s32 v3, $0x186A0  }
0x1a4: {  	v42 =	vld [tilespmem:s17+$0x160];
	vm14 =	vne.s32 v4, $0x186A0;
	v3 =	vsel vm0, $0x1, v1;
	v11 =	vsel vm1, $0x1, v1  }
0x1a5: {  	v44 =	vld [tilespmem:s17+$0x180];
	vm15 =	vne.s32 v5, $0x186A0;
	v41 =	vsel vm14, $0x1, v1;
	v3 =	vadd.s32 v3, v11  }
0x1a6: {  	v2 =	vld [tilespmem:s17+$0x120];
	vm4 =	vne.s32 v6, $0x186A0;
	v43 =	vsel vm15, $0x1, v1;
	v3 =	vadd.s32 v41, v3  }
0x1a7: {  	v46 =	vld [tilespmem:s17+$0x1A0];
	vm5 =	vne.s32 v7, $0x186A0;
	v45 =	vsel vm4, $0x1, v1;
	v3 =	vadd.s32 v43, v3  }
0x1a8: {  	v48 =	vld [tilespmem:s17+$0x1C0];
	vm6 =	vne.s32 v8, $0x186A0;
	v47 =	vsel vm5, $0x1, v1;
	v3 =	vadd.s32 v45, v3  }
0x1a9: {  	v50 =	vld [tilespmem:s17+$0x1E0];
	vm7 =	vne.s32 v9, $0x186A0;
	v49 =	vsel vm6, $0x1, v1;
	v3 =	vadd.s32 v47, v3  }
0x1aa: {  	v52 =	vld [tilespmem:s17+$0x200];
	vm8 =	vne.s32 v10, $0x186A0;
	v51 =	vsel vm7, $0x1, v1;
	v3 =	vadd.s32 v49, v3  }
0x1ab: {  	v55 =	vld [tilespmem:s17+$0x240];
	v53 =	vsel vm8, $0x1, v1;
	vm9 =	vne.s32 v2, $0x186A0;
	v3 =	vadd.s32 v51, v3  }
0x1ac: {  	v57 =	vld [tilespmem:s17+$0x260];
	vm10 =	vne.s32 v40, $0x186A0;
	v54 =	vsel vm9, $0x1, v1;
	v3 =	vadd.s32 v53, v3  }
0x1ad: {  	v14 =	vld [tilespmem:s17+$0x10];
	vm11 =	vne.s32 v42, $0x186A0;
	v56 =	vsel vm10, $0x1, v1;
	v3 =	vadd.s32 v54, v3  }
0x1ae: {  	vm12 =	vne.s32 v44, $0x186A0;
	v58 =	vsel vm11, $0x1, v1;
	v2 =	vld [tilespmem:s17+$0x220];
	v3 =	vadd.s32 v56, v3  }
0x1af: {  	v15 =	vld [tilespmem:s17+$0x30];
	vm13 =	vne.s32 v46, $0x186A0;
	v6 =	vsel vm12, $0x1, v1;
	v3 =	vadd.s32 v58, v3  }
0x1b0: {  	v16 =	vld [tilespmem:s17+$0x50];
	v59 =	vsel vm13, $0x1, v1;
	vm14 =	vne.s32 v48, $0x186A0;
	v3 =	vadd.s32 v6, v3  }
0x1b1: {  	v17 =	vld [tilespmem:s17+$0x70];
	vm15 =	vne.s32 v50, $0x186A0;
	v60 =	vsel vm14, $0x1, v1;
	v3 =	vadd.s32 v59, v3  }
0x1b2: {  	v18 =	vld [tilespmem:s17+$0x90];
	vm4 =	vne.s32 v52, $0x186A0;
	v61 =	vsel vm15, $0x1, v1;
	v3 =	vadd.s32 v60, v3  }
0x1b3: {  	v19 =	vld [tilespmem:s17+$0xB0];
	v62 =	vsel vm4, $0x1, v1;
	vm5 =	vne.s32 v2, $0x186A0;
	v3 =	vadd.s32 v61, v3  }
0x1b4: {  	v20 =	vld [tilespmem:s17+$0xD0];
	vm6 =	vne.s32 v55, $0x186A0;
	v2 =	vadd.s32 v62, v3;
	v3 =	vsel vm5, $0x1, v1  }
0x1b5: {  	v21 =	vld [tilespmem:s17+$0xF0];
	vm7 =	vne.s32 v57, $0x186A0;
	v2 =	vadd.s32 v3, v2;
	v3 =	vsel vm6, $0x1, v1  }
0x1b6: {  	v22 =	vld [tilespmem:s17+$0x110];
	v2 =	vadd.s32 v3, v2;
	v3 =	vsel vm7, $0x1, v1  }
0x1b7: {  	s18 =	sshll.u32 s15, $0xB;
	v13 =	vld [tilespmem:s17+$0x130];
	v2 =	vadd.s32 v3, v2  }
0x1b8: {  	s30 =	sand.u32 $0x3FFFF800, s18;
	v12 =	vld [tilespmem:s17+$0x150];
	v2 =	vmax.u32 v2, $0x1  }
0x1b9: {  	v23 =	vld [tilespmem:s30+$0x3200];
	v2 =	vcvt.s32.f32 v2  }
0x1ba: {  	v24 =	vld [tilespmem:s30+$0x3210]  }
0x1bb: {  	v25 =	vld [tilespmem:s30+$0x3220];
	(erf) = vrcp.f32 v2  }
0x1bc: {  	v27 =	vld [tilespmem:s30+$0x3230]  }
0x1bd: {  	v28 =	vld [tilespmem:s30+$0x3240]  }
0x1be: {  	v29 =	vld [tilespmem:s30+$0x3250]  }
0x1bf: {  	v30 =	vld [tilespmem:s30+$0x3260]  }
0x1c0: {  	v31 =	vld [tilespmem:s30+$0x3270]  }
0x1c1: {  	v10 =	vld [tilespmem:s17+$0x190]  }
0x1c2: {  	v9 =	vld [tilespmem:s17+$0x1B0]  }
0x1c3: {  	v8 =	vld [tilespmem:s17+$0x1D0]  }
0x1c4: {  	v7 =	vld [tilespmem:s17+$0x1F0];
	v2 =	vpop (erf)  }
0x1c5: {  	v5 =	vld [tilespmem:s17+$0x230];
	v26 =	vbroadcast v2, $0x0  }
0x1c6: {  	v4 =	vld [tilespmem:s17+$0x250]  }
0x1c7: {  	v11 =	vld [tilespmem:s17+$0x170];
	v23 =	vmul.f32 v23, v26  }
0x1c8: {  	v6 =	vld [tilespmem:s17+$0x210];
	v24 =	vmul.f32 v24, v26  }
0x1c9: {  	v3 =	vld [tilespmem:s17+$0x270];
	v33 =	vbroadcast v2, $0x1;
	v63 =	vmul.f32 v25, v26;
	[tilespmem:s30+$0x3200] =	vst v23  }
0x1ca: {  	v35 =	vld [tilespmem:s30+$0x3280];
	v34 =	vmul.f32 v27, v26;
	[tilespmem:s30+$0x3210] =	vst v24  }
0x1cb: {  	v37 =	vld [tilespmem:s30+$0x3290];
	v36 =	vmul.f32 v28, v33;
	[tilespmem:s30+$0x3220] =	vst v63  }
0x1cc: {  	v39 =	vld [tilespmem:s30+$0x32A0];
	v38 =	vmul.f32 v29, v33;
	[tilespmem:s30+$0x3230] =	vst v34  }
0x1cd: {  	v42 =	vld [tilespmem:s30+$0x32B0];
	v41 =	vbroadcast v2, $0x2;
	v40 =	vmul.f32 v30, v33;
	[tilespmem:s30+$0x3240] =	vst v36  }
0x1ce: {  	v44 =	vld [tilespmem:s30+$0x32C0];
	v43 =	vmul.f32 v31, v33;
	[tilespmem:s30+$0x3250] =	vst v38  }
0x1cf: {  	v46 =	vld [tilespmem:s30+$0x32D0];
	v45 =	vmul.f32 v35, v41;
	[tilespmem:s30+$0x3260] =	vst v40  }
0x1d0: {  	v49 =	vld [tilespmem:s30+$0x32E0];
	v48 =	vmul.f32 v37, v41;
	[tilespmem:s30+$0x3270] =	vst v43  }
0x1d1: {  	v52 =	vld [tilespmem:s30+$0x32F0];
	v51 =	vbroadcast v2, $0x3;
	v50 =	vmul.f32 v39, v41;
	[tilespmem:s30+$0x3280] =	vst v45  }
0x1d2: {  	vm11 =	vne.s32 v17, $0x186A0;
	v17 =	vld [tilespmem:s30+$0x34D0];
	v54 =	vmul.f32 v42, v41;
	[tilespmem:s30+$0x3290] =	vst v48  }
0x1d3: {  	vm8 =	vne.s32 v14, $0x186A0;
	v55 =	vld [tilespmem:s30+$0x3300];
	vm15 =	vne.s32 v21, $0x186A0;
	v57 =	vmul.f32 v44, v51;
	[tilespmem:s30+$0x32A0] =	vst v50  }
0x1d4: {  	v47 =	vsel vm8, $0x1, v1;
	vm9 =	vne.s32 v15, $0x186A0;
	v58 =	vld [tilespmem:s30+$0x3310];
	v59 =	vmul.f32 v46, v51;
	[tilespmem:s30+$0x32B0] =	vst v54  }
0x1d5: {  	v53 =	vsel vm9, $0x1, v1;
	v60 =	vld [tilespmem:s30+$0x3320];
	v21 =	vbroadcast v2, $0xB;
	v61 =	vmul.f32 v49, v51;
	[tilespmem:s30+$0x32C0] =	vst v57  }
0x1d6: {  	v62 =	vbroadcast v2, $0x4;
	v26 =	vadd.s32 v47, v53;
	v15 =	vmul.f32 v52, v51;
	v33 =	vld [tilespmem:s30+$0x3340];
	[tilespmem:s30+$0x32D0] =	vst v59  }
0x1d7: {  	v37 =	vld [tilespmem:s30+$0x3350];
	v53 =	vsel vm15, $0x1, v1;
	vm15 =	vne.s32 v3, $0x186A0;
	v3 =	vmul.f32 v17, v21;
	[tilespmem:s30+$0x32E0] =	vst v61  }
0x1d8: {  	v39 =	vld [tilespmem:s30+$0x3360];
	v36 =	vmul.f32 v55, v62;
	[tilespmem:s30+$0x32F0] =	vst v15  }
0x1d9: {  	v41 =	vbroadcast v2, $0x5;
	v42 =	vld [tilespmem:s30+$0x3370];
	v38 =	vmul.f32 v58, v62;
	[tilespmem:s30+$0x34D0] =	vst v3  }
0x1da: {  	v47 =	vld [tilespmem:s30+$0x3390];
	v40 =	vmul.f32 v60, v62;
	[tilespmem:s30+$0x3300] =	vst v36  }
0x1db: {  	vm10 =	vne.s32 v16, $0x186A0;
	v49 =	vld [tilespmem:s30+$0x33A0];
	[tilespmem:s30+$0x3310] =	vst v38;
	v46 =	vmul.f32 v33, v41  }
0x1dc: {  	vm12 =	vne.s32 v18, $0x186A0;
	vm13 =	vne.s32 v19, $0x186A0;
	v52 =	vld [tilespmem:s30+$0x33B0];
	[tilespmem:s30+$0x3320] =	vst v40;
	v48 =	vmul.f32 v37, v41  }
0x1dd: {  	v32 =	vsel vm11, $0x1, v1;
	v51 =	vbroadcast v2, $0x6;
	v63 =	vld [tilespmem:s30+$0x3330];
	v50 =	vmul.f32 v39, v41;
	[tilespmem:s30+$0x3340] =	vst v46  }
0x1de: {  	vm14 =	vne.s32 v20, $0x186A0;
	vm4 =	vne.s32 v22, $0x186A0;
	v45 =	vld [tilespmem:s30+$0x3380];
	v54 =	vmul.f32 v42, v41;
	[tilespmem:s30+$0x3350] =	vst v48  }
0x1df: {  	v20 =	vsel vm14, $0x1, v1;
	v22 =	vsel vm4, $0x1, v1;
	v55 =	vld [tilespmem:s30+$0x33C0];
	v58 =	vmul.f32 v47, v51;
	[tilespmem:s30+$0x3360] =	vst v50  }
0x1e0: {  	vm11 =	vne.s32 v7, $0x186A0;
	v56 =	vsel vm10, $0x1, v1;
	v57 =	vld [tilespmem:s30+$0x33D0];
	v60 =	vmul.f32 v49, v51;
	[tilespmem:s30+$0x3370] =	vst v54  }
0x1e1: {  	vm14 =	vne.s32 v4, $0x186A0;
	v26 =	vadd.s32 v56, v26;
	v59 =	vld [tilespmem:s30+$0x33E0];
	v25 =	vmul.f32 v52, v51;
	[tilespmem:s30+$0x3390] =	vst v58  }
0x1e2: {  	v34 =	vadd.s32 v32, v26;
	v61 =	vbroadcast v2, $0x7;
	v26 =	vld [tilespmem:s30+$0x3400];
	v44 =	vmul.f32 v63, v62;
	[tilespmem:s30+$0x33A0] =	vst v60  }
0x1e3: {  	vm8 =	vne.s32 v10, $0x186A0;
	v35 =	vsel vm12, $0x1, v1;
	v29 =	vld [tilespmem:s30+$0x3410];
	v56 =	vmul.f32 v45, v51;
	[tilespmem:s30+$0x33B0] =	vst v25  }
0x1e4: {  	vm9 =	vne.s32 v9, $0x186A0;
	v18 =	vadd.s32 v35, v34;
	v34 =	vld [tilespmem:s30+$0x3430];
	v28 =	vmul.f32 v55, v61;
	[tilespmem:s30+$0x3330] =	vst v44  }
0x1e5: {  	v31 =	vld [tilespmem:s30+$0x3420];
	v43 =	vsel vm13, $0x1, v1;
	v33 =	vbroadcast v2, $0x8;
	v30 =	vmul.f32 v57, v61;
	[tilespmem:s30+$0x3380] =	vst v56  }
0x1e6: {  	vm10 =	vne.s32 v8, $0x186A0;
	v18 =	vadd.s32 v43, v18;
	v43 =	vld [tilespmem:s30+$0x3460];
	v32 =	vmul.f32 v59, v61;
	[tilespmem:s30+$0x33C0] =	vst v28  }
0x1e7: {  	v19 =	vld [tilespmem:s30+$0x34E0];
	vm5 =	vne.s32 v13, $0x186A0;
	vm6 =	vne.s32 v12, $0x186A0;
	v40 =	vmul.f32 v26, v33;
	[tilespmem:s30+$0x33D0] =	vst v30  }
0x1e8: {  	vm7 =	vne.s32 v11, $0x186A0;
	v27 =	vsel vm6, $0x1, v1;
	v37 =	vld [tilespmem:s30+$0x3440];
	v42 =	vmul.f32 v29, v33;
	[tilespmem:s30+$0x33E0] =	vst v32  }
0x1e9: {  	vm12 =	vne.s32 v6, $0x186A0;
	v41 =	vld [tilespmem:s30+$0x3450];
	v45 =	vbroadcast v2, $0x9;
	v48 =	vmul.f32 v34, v33;
	[tilespmem:s30+$0x3400] =	vst v40  }
0x1ea: {  	vm13 =	vne.s32 v5, $0x186A0;
	v18 =	vadd.s32 v20, v18;
	v49 =	vld [tilespmem:s30+$0x3480];
	v44 =	vmul.f32 v31, v33;
	[tilespmem:s30+$0x3410] =	vst v42  }
0x1eb: {  	v35 =	vsel vm7, $0x1, v1;
	v18 =	vadd.s32 v53, v18;
	v53 =	vld [tilespmem:s30+$0x3490];
	v56 =	vmul.f32 v43, v45;
	[tilespmem:s30+$0x3430] =	vst v48  }
0x1ec: {  	v18 =	vadd.s32 v22, v18;
	v62 =	vld [tilespmem:s30+$0x33F0];
	v63 =	vsel vm5, $0x1, v1;
	v32 =	vmul.f32 v19, v21;
	[tilespmem:s30+$0x3420] =	vst v44  }
0x1ed: {  	v46 =	vld [tilespmem:s30+$0x3470];
	v57 =	vbroadcast v2, $0xA;
	v18 =	vadd.s32 v63, v18;
	v52 =	vmul.f32 v37, v45;
	[tilespmem:s30+$0x3460] =	vst v56  }
0x1ee: {  	v23 =	vsel vm13, $0x1, v1;
	v55 =	vld [tilespmem:s30+$0x34A0];
	v18 =	vadd.s32 v27, v18;
	v54 =	vmul.f32 v41, v45;
	[tilespmem:s30+$0x34E0] =	vst v32  }
0x1ef: {  	v39 =	vsel vm8, $0x1, v1;
	v58 =	vld [tilespmem:s30+$0x34B0];
	v38 =	vadd.s32 v35, v18;
	v16 =	vmul.f32 v49, v57;
	[tilespmem:s30+$0x3440] =	vst v52  }
0x1f0: {  	v47 =	vsel vm9, $0x1, v1;
	v22 =	vld [tilespmem:s30+$0x34F0];
	v14 =	vadd.s32 v39, v38;
	v18 =	vmul.f32 v53, v57;
	[tilespmem:s30+$0x3450] =	vst v54  }
0x1f1: {  	v51 =	vsel vm10, $0x1, v1;
	v25 =	vld [tilespmem:s30+$0x3500];
	v36 =	vmul.f32 v62, v61;
	v50 =	vadd.s32 v47, v14;
	[tilespmem:s30+$0x3480] =	vst v16  }
0x1f2: {  	v59 =	vsel vm11, $0x1, v1;
	v29 =	vld [tilespmem:s30+$0x3510];
	v60 =	vmul.f32 v46, v45;
	v13 =	vadd.s32 v51, v50;
	[tilespmem:s30+$0x3490] =	vst v18  }
0x1f3: {  	v63 =	vsel vm12, $0x1, v1;
	v30 =	vld [tilespmem:s30+$0x3520];
	v20 =	vmul.f32 v55, v57;
	[tilespmem:s30+$0x33F0] =	vst v36;
	v62 =	vadd.s32 v59, v13  }
0x1f4: {  	v33 =	vbroadcast v2, $0xC;
	v35 =	vld [tilespmem:s30+$0x3540];
	v24 =	vmul.f32 v58, v57;
	[tilespmem:s30+$0x3470] =	vst v60;
	v11 =	vadd.s32 v63, v62  }
0x1f5: {  	v34 =	vld [tilespmem:s30+$0x3530];
	v27 =	vsel vm14, $0x1, v1;
	v3 =	vmul.f32 v22, v21;
	[tilespmem:s30+$0x34A0] =	vst v20;
	v26 =	vadd.s32 v23, v11  }
0x1f6: {  	v31 =	vsel vm15, $0x1, v1;
	v41 =	vld [tilespmem:s30+$0x3580];
	[tilespmem:s30+$0x34B0] =	vst v24;
	v36 =	vmul.f32 v25, v33;
	v9 =	vadd.s32 v27, v26  }
0x1f7: {  	v37 =	vld [tilespmem:s30+$0x3550];
	v39 =	vbroadcast v2, $0xD;
	[tilespmem:s30+$0x34F0] =	vst v3;
	v3 =	vmul.f32 v29, v33;
	v9 =	vadd.s32 v31, v9  }
0x1f8: {  	v48 =	vld [tilespmem:s30+$0x35C0];
	v46 =	vbroadcast v2, $0xE;
	v4 =	vmul.f32 v30, v33;
	[tilespmem:s30+$0x3500] =	vst v36;
	v9 =	vmax.u32 v9, $0x1  }
0x1f9: {  	v40 =	vld [tilespmem:s30+$0x3570];
	v42 =	vmul.f32 v35, v39;
	[tilespmem:s30+$0x3510] =	vst v3;
	v9 =	vcvt.s32.f32 v9  }
0x1fa: {  	v38 =	vld [tilespmem:s30+$0x3560];
	v53 =	vbroadcast v2, $0xF;
	v3 =	vmul.f32 v34, v33;
	[tilespmem:s30+$0x3520] =	vst v4  }
0x1fb: {  	v43 =	vld [tilespmem:s30+$0x3590];
	v49 =	vmul.f32 v41, v46;
	[tilespmem:s30+$0x3540] =	vst v42;
	(erf) = vrcp.f32 v9  }
0x1fc: {  	v44 =	vld [tilespmem:s30+$0x35A0];
	[tilespmem:s30+$0x3530] =	vst v3;
	v3 =	vmul.f32 v37, v39  }
0x1fd: {  	v47 =	vld [tilespmem:s30+$0x35B0];
	v56 =	vmul.f32 v48, v53;
	[tilespmem:s30+$0x3580] =	vst v49  }
0x1fe: {  	v61 =	vld [tilespmem:s30+$0x34C0];
	[tilespmem:s30+$0x3550] =	vst v3;
	v3 =	vmul.f32 v40, v39  }
0x1ff: {  	v50 =	vld [tilespmem:s30+$0x35D0];
	v45 =	vmul.f32 v38, v39;
	[tilespmem:s30+$0x35C0] =	vst v56  }
0x200: {  	v51 =	vld [tilespmem:s30+$0x35E0];
	[tilespmem:s30+$0x3570] =	vst v3;
	v3 =	vmul.f32 v43, v46  }
0x201: {  	v54 =	vld [tilespmem:s30+$0x35F0];
	v52 =	vmul.f32 v44, v46;
	[tilespmem:s30+$0x3560] =	vst v45  }
0x202: {  	v55 =	vld [tilespmem:s30+$0x3600];
	[tilespmem:s30+$0x3590] =	vst v3;
	v3 =	vmul.f32 v47, v46  }
0x203: {  	v57 =	vld [tilespmem:s30+$0x3610];
	v28 =	vmul.f32 v61, v21;
	[tilespmem:s30+$0x35A0] =	vst v52  }
0x204: {  	v58 =	vld [tilespmem:s30+$0x3620];
	[tilespmem:s30+$0x35B0] =	vst v3;
	v3 =	vmul.f32 v50, v53;
	v2 =	vpop (erf)  }
0x205: {  	v62 =	vld [tilespmem:s30+$0x3640];
	v59 =	vmul.f32 v51, v53;
	[tilespmem:s30+$0x34C0] =	vst v28;
	v60 =	vbroadcast v2, $0x0  }
0x206: {  	v61 =	vld [tilespmem:s30+$0x3630];
	[tilespmem:s30+$0x35D0] =	vst v3;
	v3 =	vmul.f32 v54, v53  }
0x207: {  	v13 =	vld [tilespmem:s30+$0x3660];
	[tilespmem:s30+$0x35E0] =	vst v59;
	v63 =	vmul.f32 v55, v60  }
0x208: {  	v12 =	vld [tilespmem:s30+$0x3650];
	[tilespmem:s30+$0x35F0] =	vst v3;
	v15 =	vbroadcast v2, $0x1;
	v3 =	vmul.f32 v57, v60  }
0x209: {  	v17 =	vld [tilespmem:s30+$0x3680];
	v14 =	vmul.f32 v58, v60;
	[tilespmem:s30+$0x3600] =	vst v63  }
0x20a: {  	v16 =	vld [tilespmem:s30+$0x3670];
	v18 =	vmul.f32 v62, v15;
	[tilespmem:s30+$0x3610] =	vst v3  }
0x20b: {  	v20 =	vld [tilespmem:s30+$0x36A0];
	v3 =	vmul.f32 v61, v60;
	[tilespmem:s30+$0x3620] =	vst v14  }
0x20c: {  	v19 =	vld [tilespmem:s30+$0x3690];
	v22 =	vbroadcast v2, $0x2;
	v21 =	vmul.f32 v13, v15;
	[tilespmem:s30+$0x3640] =	vst v18  }
0x20d: {  	v24 =	vld [tilespmem:s30+$0x36C0];
	[tilespmem:s30+$0x3630] =	vst v3;
	v3 =	vmul.f32 v12, v15  }
0x20e: {  	v23 =	vld [tilespmem:s30+$0x36B0];
	v25 =	vmul.f32 v17, v22;
	[tilespmem:s30+$0x3660] =	vst v21  }
0x20f: {  	v27 =	vld [tilespmem:s30+$0x36E0];
	[tilespmem:s30+$0x3650] =	vst v3;
	v3 =	vmul.f32 v16, v15  }
0x210: {  	v26 =	vld [tilespmem:s30+$0x36D0];
	v29 =	vbroadcast v2, $0x3;
	v28 =	vmul.f32 v20, v22;
	[tilespmem:s30+$0x3680] =	vst v25  }
0x211: {  	v31 =	vld [tilespmem:s30+$0x3700];
	[tilespmem:s30+$0x3670] =	vst v3;
	v3 =	vmul.f32 v19, v22  }
0x212: {  	v30 =	vld [tilespmem:s30+$0x36F0];
	v32 =	vmul.f32 v24, v29;
	[tilespmem:s30+$0x36A0] =	vst v28  }
0x213: {  	v34 =	vld [tilespmem:s30+$0x3720];
	[tilespmem:s30+$0x3690] =	vst v3;
	v3 =	vmul.f32 v23, v22  }
0x214: {  	v33 =	vld [tilespmem:s30+$0x3710];
	v36 =	vbroadcast v2, $0x4;
	v35 =	vmul.f32 v27, v29;
	[tilespmem:s30+$0x36C0] =	vst v32  }
0x215: {  	v38 =	vld [tilespmem:s30+$0x3740];
	[tilespmem:s30+$0x36B0] =	vst v3;
	v3 =	vmul.f32 v26, v29  }
0x216: {  	v37 =	vld [tilespmem:s30+$0x3730];
	v39 =	vmul.f32 v31, v36;
	[tilespmem:s30+$0x36E0] =	vst v35  }
0x217: {  	v41 =	vld [tilespmem:s30+$0x3760];
	[tilespmem:s30+$0x36D0] =	vst v3;
	v3 =	vmul.f32 v30, v29  }
0x218: {  	v40 =	vld [tilespmem:s30+$0x3750];
	v43 =	vbroadcast v2, $0x5;
	v42 =	vmul.f32 v34, v36;
	[tilespmem:s30+$0x3700] =	vst v39  }
0x219: {  	v45 =	vld [tilespmem:s30+$0x3780];
	[tilespmem:s30+$0x36F0] =	vst v3;
	v3 =	vmul.f32 v33, v36  }
0x21a: {  	v44 =	vld [tilespmem:s30+$0x3770];
	v46 =	vmul.f32 v38, v43;
	[tilespmem:s30+$0x3720] =	vst v42  }
0x21b: {  	v48 =	vld [tilespmem:s30+$0x37A0];
	[tilespmem:s30+$0x3710] =	vst v3;
	v3 =	vmul.f32 v37, v36  }
0x21c: {  	v47 =	vld [tilespmem:s30+$0x3790];
	v50 =	vbroadcast v2, $0x6;
	v49 =	vmul.f32 v41, v43;
	[tilespmem:s30+$0x3740] =	vst v46  }
0x21d: {  	v52 =	vld [tilespmem:s30+$0x37C0];
	[tilespmem:s30+$0x3730] =	vst v3;
	v3 =	vmul.f32 v40, v43  }
0x21e: {  	v51 =	vld [tilespmem:s30+$0x37B0];
	v53 =	vmul.f32 v45, v50;
	[tilespmem:s30+$0x3760] =	vst v49  }
0x21f: {  	v55 =	vld [tilespmem:s30+$0x37E0];
	[tilespmem:s30+$0x3750] =	vst v3;
	v3 =	vmul.f32 v44, v43  }
0x220: {  	v54 =	vld [tilespmem:s30+$0x37D0];
	v56 =	vmul.f32 v48, v50;
	v57 =	vbroadcast v2, $0x7;
	[tilespmem:s30+$0x3780] =	vst v53  }
0x221: {  	v59 =	vld [tilespmem:s30+$0x3800];
	[tilespmem:s30+$0x3770] =	vst v3;
	v3 =	vmul.f32 v47, v50  }
0x222: {  	v58 =	vld [tilespmem:s30+$0x37F0];
	[tilespmem:s30+$0x37A0] =	vst v56;
	v60 =	vmul.f32 v52, v57  }
0x223: {  	v62 =	vld [tilespmem:s30+$0x3820];
	[tilespmem:s30+$0x3790] =	vst v3;
	v3 =	vmul.f32 v51, v50  }
0x224: {  	v61 =	vld [tilespmem:s30+$0x3810];
	[tilespmem:s30+$0x37C0] =	vst v60;
	v12 =	vbroadcast v2, $0x8;
	v63 =	vmul.f32 v55, v57  }
0x225: {  	v14 =	vld [tilespmem:s30+$0x3840];
	[tilespmem:s30+$0x37B0] =	vst v3;
	v3 =	vmul.f32 v54, v57  }
0x226: {  	v13 =	vld [tilespmem:s30+$0x3830];
	v15 =	vmul.f32 v59, v12;
	[tilespmem:s30+$0x37E0] =	vst v63  }
0x227: {  	v17 =	vld [tilespmem:s30+$0x3860];
	[tilespmem:s30+$0x37D0] =	vst v3;
	v3 =	vmul.f32 v58, v57  }
0x228: {  	v16 =	vld [tilespmem:s30+$0x3850];
	v18 =	vmul.f32 v62, v12;
	[tilespmem:s30+$0x3800] =	vst v15;
	v19 =	vbroadcast v2, $0x9  }
0x229: {  	v21 =	vld [tilespmem:s30+$0x3880];
	[tilespmem:s30+$0x37F0] =	vst v3;
	v3 =	vmul.f32 v61, v12  }
0x22a: {  	v20 =	vld [tilespmem:s30+$0x3870];
	[tilespmem:s30+$0x3820] =	vst v18;
	v22 =	vmul.f32 v14, v19  }
0x22b: {  	v24 =	vld [tilespmem:s30+$0x38A0];
	[tilespmem:s30+$0x3810] =	vst v3;
	v3 =	vmul.f32 v13, v12  }
0x22c: {  	v23 =	vld [tilespmem:s30+$0x3890];
	v25 =	vmul.f32 v17, v19;
	[tilespmem:s30+$0x3840] =	vst v22;
	v26 =	vbroadcast v2, $0xA  }
0x22d: {  	v28 =	vld [tilespmem:s30+$0x38C0];
	[tilespmem:s30+$0x3830] =	vst v3;
	v3 =	vmul.f32 v16, v19  }
0x22e: {  	v27 =	vld [tilespmem:s30+$0x38B0];
	[tilespmem:s30+$0x3860] =	vst v25;
	v29 =	vmul.f32 v21, v26  }
0x22f: {  	v31 =	vld [tilespmem:s30+$0x38E0];
	[tilespmem:s30+$0x3850] =	vst v3;
	v3 =	vmul.f32 v20, v19  }
0x230: {  	v30 =	vld [tilespmem:s30+$0x38D0];
	v32 =	vmul.f32 v24, v26;
	[tilespmem:s30+$0x3880] =	vst v29;
	v33 =	vbroadcast v2, $0xB  }
0x231: {  	v35 =	vld [tilespmem:s30+$0x3900];
	[tilespmem:s30+$0x3870] =	vst v3;
	v3 =	vmul.f32 v23, v26  }
0x232: {  	v34 =	vld [tilespmem:s30+$0x38F0];
	[tilespmem:s30+$0x38A0] =	vst v32;
	v36 =	vmul.f32 v28, v33  }
0x233: {  	v38 =	vld [tilespmem:s30+$0x3920];
	[tilespmem:s30+$0x3890] =	vst v3;
	v3 =	vmul.f32 v27, v26  }
0x234: {  	v37 =	vld [tilespmem:s30+$0x3910];
	v39 =	vmul.f32 v31, v33;
	[tilespmem:s30+$0x38C0] =	vst v36;
	v40 =	vbroadcast v2, $0xC  }
0x235: {  	v42 =	vld [tilespmem:s30+$0x3940];
	[tilespmem:s30+$0x38B0] =	vst v3;
	v3 =	vmul.f32 v30, v33  }
0x236: {  	v41 =	vld [tilespmem:s30+$0x3930];
	[tilespmem:s30+$0x38E0] =	vst v39;
	v43 =	vmul.f32 v35, v40  }
0x237: {  	v45 =	vld [tilespmem:s30+$0x3960];
	[tilespmem:s30+$0x38D0] =	vst v3;
	v3 =	vmul.f32 v34, v33  }
0x238: {  	v44 =	vld [tilespmem:s30+$0x3950];
	v46 =	vmul.f32 v38, v40;
	[tilespmem:s30+$0x3900] =	vst v43;
	v47 =	vbroadcast v2, $0xD  }
0x239: {  	v49 =	vld [tilespmem:s30+$0x3980];
	[tilespmem:s30+$0x38F0] =	vst v3;
	v3 =	vmul.f32 v37, v40  }
0x23a: {  	v48 =	vld [tilespmem:s30+$0x3970];
	[tilespmem:s30+$0x3920] =	vst v46;
	v50 =	vmul.f32 v42, v47  }
0x23b: {  	v52 =	vld [tilespmem:s30+$0x39A0];
	[tilespmem:s30+$0x3910] =	vst v3;
	v3 =	vmul.f32 v41, v40  }
0x23c: {  	v51 =	vld [tilespmem:s30+$0x3990];
	v53 =	vmul.f32 v45, v47;
	[tilespmem:s30+$0x3940] =	vst v50;
	v54 =	vbroadcast v2, $0xE  }
0x23d: {  	v56 =	vld [tilespmem:s30+$0x39C0];
	[tilespmem:s30+$0x3930] =	vst v3;
	v3 =	vmul.f32 v44, v47  }
0x23e: {  	v55 =	vld [tilespmem:s30+$0x39B0];
	[tilespmem:s30+$0x3960] =	vst v53;
	v57 =	vmul.f32 v49, v54  }
0x23f: {  	v59 =	vld [tilespmem:s30+$0x39E0];
	[tilespmem:s30+$0x3950] =	vst v3;
	v3 =	vmul.f32 v48, v47  }
0x240: {  	v2 =	vbroadcast v2, $0xF;
	v58 =	vld [tilespmem:s30+$0x39D0];
	v60 =	vmul.f32 v52, v54;
	[tilespmem:s30+$0x3980] =	vst v57  }
0x241: {  	v61 =	vld [tilespmem:s30+$0x39F0];
	[tilespmem:s30+$0x3970] =	vst v3;
	v3 =	vmul.f32 v51, v54  }
0x242: {  	v62 =	vmul.f32 v56, v2;
	[tilespmem:s30+$0x39A0] =	vst v60  }
0x243: {  	[tilespmem:s30+$0x3990] =	vst v3;
	v3 =	vmul.f32 v55, v54  }
0x244: {  	p0 =	sne.s32 s15, $0x13;
	v63 =	vmul.f32 v59, v2;
	[tilespmem:s30+$0x39C0] =	vst v62  }
.Ltmp1:
0x245: {  	s31 =	sshll.u32 s15, $0x6;
	[tilespmem:s30+$0x39B0] =	vst v3;
	v3 =	vmul.f32 v58, v2;
	(pc) =	sbr.rel @p0 .LBB2_4-.Ltmp1, $4  }
0x246: {  	s18 =	sadd.s32 s6, s31;
	[tilespmem:s30+$0x39E0] =	vst v63;
	v2 =	vmul.f32 v61, v2  }
0x247: {  	s18 =	sshrl.u32 s18, $0x3;
	[tilespmem:s30+$0x39D0] =	vst v3  }
0x248: {  	s15 =	smov.u32 s16;
	s18 =	sadd.s32 s2, s18;
	s17 =	sadd.s32 $0x3200, s30;
	[tilespmem:s30+$0x39F0] =	vst v2  }
0x249: {  	[hbm4b:s18+s11] =	stream.strided.scatter [tilespmem:s17], [sflag:$0x15], $0x800, s12, s11, $0x38;
	[tilespmem:$0xD200] =	vst v63  }
0x24a: {  	_ =	swait.ge [sflag:s13], $0x800  }
0x24b: {  	[sflag:s13] =	ssyncset.done $0x0  }
0x24c: {  	[sflag:s13] =	ssyncadd.s32 $0xFFFFF800  }
0x24d: {  	_ =	swait.ge [sflag:s13], $0x800  }
0x24e: {  	[sflag:s13] =	ssyncset.done $0x0  }
0x24f: {  	[sflag:s13] =	ssyncadd.s32 $0xFFFFF800  }
0x250: {  	_ =	swait.ge [sflag:s13], $0x800  }
0x251: {  	[sflag:s13] =	ssyncset.done $0x0  }
0x252: {  	[sflag:s13] =	ssyncadd.s32 $0xFFFFF800  }
0x253: {  	_ =	swait.ge [sflag:s13], $0x800  }
0x254: {  	[sflag:s13] =	ssyncset.done $0x0  }
0x255: {  	[sflag:s13] =	ssyncadd.s32 $0xFFFFF800  }
0x256: {  	_ =	swait.ge [sflag:s13], $0x800  }
0x257: {  	[sflag:s13] =	ssyncset.done $0x0  }
0x258: {  	[sflag:s13] =	ssyncadd.s32 $0xFFFFF800  }
0x259: {  	_ =	swait.ge [sflag:s13], $0x800  }
0x25a: {  	[sflag:s13] =	ssyncset.done $0x0  }
0x25b: {  	[sflag:s13] =	ssyncadd.s32 $0xFFFFF800  }
0x25c: {  	_ =	swait.ge [sflag:s13], $0x800  }
0x25d: {  	[sflag:s13] =	ssyncset.done $0x0  }
0x25e: {  	[sflag:s13] =	ssyncadd.s32 $0xFFFFF800  }
0x25f: {  	_ =	swait.ge [sflag:s13], $0x800  }
0x260: {  	[sflag:s13] =	ssyncset.done $0x0  }
0x261: {  	[sflag:s13] =	ssyncadd.s32 $0xFFFFF800  }
0x262: {  	_ =	swait.ge [sflag:s13], $0x800  }
0x263: {  	[sflag:s13] =	ssyncset.done $0x0  }
0x264: {  	[sflag:s13] =	ssyncadd.s32 $0xFFFFF800  }
0x265: {  	_ =	swait.ge [sflag:s13], $0x800  }
0x266: {  	[sflag:s13] =	ssyncset.done $0x0  }
0x267: {  	[sflag:s13] =	ssyncadd.s32 $0xFFFFF800  }
0x268: {  	_ =	swait.ge [sflag:s13], $0x800  }
0x269: {  	[sflag:s13] =	ssyncset.done $0x0  }
0x26a: {  	[sflag:s13] =	ssyncadd.s32 $0xFFFFF800  }
0x26b: {  	_ =	swait.ge [sflag:s13], $0x800  }
0x26c: {  	[sflag:s13] =	ssyncset.done $0x0  }
0x26d: {  	[sflag:s13] =	ssyncadd.s32 $0xFFFFF800  }
0x26e: {  	_ =	swait.ge [sflag:s13], $0x800  }
0x26f: {  	[sflag:s13] =	ssyncset.done $0x0  }
0x270: {  	[sflag:s13] =	ssyncadd.s32 $0xFFFFF800  }
0x271: {  	_ =	swait.ge [sflag:s13], $0x800  }
0x272: {  	[sflag:s13] =	ssyncset.done $0x0  }
0x273: {  	[sflag:s13] =	ssyncadd.s32 $0xFFFFF800  }
0x274: {  	_ =	swait.ge [sflag:s13], $0x800  }
0x275: {  	[sflag:s13] =	ssyncset.done $0x0  }
0x276: {  	[sflag:s13] =	ssyncadd.s32 $0xFFFFF800  }
0x277: {  	_ =	swait.ge [sflag:s13], $0x800  }
0x278: {  	[sflag:s13] =	ssyncset.done $0x0  }
0x279: {  	[sflag:s13] =	ssyncadd.s32 $0xFFFFF800  }
0x27a: {  	_ =	swait.ge [sflag:s13], $0x800  }
0x27b: {  	[sflag:s13] =	ssyncset.done $0x0  }
0x27c: {  	[sflag:s13] =	ssyncadd.s32 $0xFFFFF800  }
0x27d: {  	_ =	swait.ge [sflag:s13], $0x800  }
0x27e: {  	[sflag:s13] =	ssyncset.done $0x0  }
0x27f: {  	s14 =	sadd.s32 $0x1, s14;
	[sflag:s13] =	ssyncadd.s32 $0xFFFFF800  }
0x280: {  	p0 =	sne.s32 s14, s7;
	_ =	swait.ge [sflag:s13], $0x800  }
.Ltmp2:
0x281: {  	[sflag:s13] =	ssyncset.done $0x0;
	(pc) =	sbr.rel @p0 .LBB2_1-.Ltmp2, $4  }
0x282: {  	[sflag:s13] =	ssyncadd.s32 $0xFFFFF800  }
0x283: {  	_ =	swait.ge [sflag:s13], $0x800  }
0x284: {  	[sflag:s13] =	ssyncset.done $0x0  }
0x285: {  	[sflag:s13] =	ssyncadd.s32 $0xFFFFF800  }
0x286: {  	_ =	sfence.sel $0x180000  }
0x287: {  	[bflag:$0x0] =	sbarrier.arrive $0xFFFF  }
0x288: {  	p0 =	sne.s32 s0, $0x0;
	_ =	strace $0x90000047  }
0x289: {  	s0 =	sadd.s32 @!p0 $0x100000, s1;
	[bflag:$0x2] =	sbarrier.arrive $0xFFFF  }
0x28a: {  	[sflag:s0] =	ssyncadd.tile.s32 @!p0 $0x1;
	_ =	shalt  }
.Lfunc_end2:
_tile_overlayer_lowered:
.L_overlay_start_2:
0x28b: {  	(tag) =	ssettag $0x2  }
0x28c: {  	s0 =	rddreg [dreg:$0x0];
	s2 =	stileid.u32  }
0x28d: {  	s1 =	rddreg [dreg:$0x1];
	p0 =	sne.s32 s2, $0x0  }
0x28e: {  	s3 =	rddreg [dreg:$0x2];
	[bflag:$0x3] =	sbarrier.arrive $0xFFFF;
	s2 =	simm.s32 @!p0 $0x1C16  }
0x28f: {  	[timem:s3], [sflag:s2] =	dma.local @!p0 [hbm:s0], s1  }
0x290: {  	s0 =	simm.s32 @!p0 $0x16  }
0x291: {  	_ =	swait.ge @!p0 [sflag:s0], s1  }
0x292: {  	s1 =	ssub.s32 @!p0 $0x0, s1;
	[sflag:s0] =	ssyncset.done @!p0 $0x0  }
0x293: {  	[sflag:s0] =	ssyncadd.s32 @!p0 s1  }
0x294: {  	[bflag:$0x3] =	sbarrier.arrive $0xFFFF  }
0x295: {  	_ =	shalt  }

</sc_bundles>
